<compile_context>
chip_gen: v7x
topology: tpu7x:2x2x1
jax: 0.10.2.dev20260603
libtpu: 0.0.44.dev20260713+nightly
codegen_flags: <defaults>
</compile_context>

<pallas_src>
import jax
import jax.numpy as jnp
from jax import lax
from jax.experimental import pallas as pl
from jax.experimental.pallas import tpu as pltpu
from jax.experimental.pallas import tpu_sc as plsc

BATCH = 2
SEQ = 2048
D_MODEL = 1024
N_HEAD = 16
D_K = 64
WIN = 8
M_SLOTS = 2 * WIN + 1
EPS = 1e-6

PADL = 64
SP = SEQ + 2 * PADL
T2 = SEQ // 4
CH = 256
KW = CH + 2 * WIN
NCH = SEQ // CH


def _proj_kernel(x_ref, wqt_ref, wkt_ref, wvt_ref, qt_ref, kt_ref, vt_ref):
    x = x_ref[...]
    nt = (((1,), (1,)), ((), ()))
    q = lax.dot_general(wqt_ref[...], x, nt, preferred_element_type=jnp.float32)
    qt_ref[...] = q * jnp.float32(1.0 / 8.0)
    kt_ref[...] = lax.dot_general(wkt_ref[...], x, nt,
                                  preferred_element_type=jnp.float32)
    vt_ref[...] = lax.dot_general(wvt_ref[...], x, nt,
                                  preferred_element_type=jnp.float32)


def _sc_attention(qt_hbm, kt_hbm, vt_hbm, att_hbm, q_v, k_v, v_v, o_v):
    wid = lax.axis_index("s") * 2 + lax.axis_index("c")
    half = wid % 2
    h = wid // 2
    row0 = h * D_K

    def chunk_body(c, _):
        chunk = half * (NCH // 2) + c
        c0 = PADL + chunk * CH
        pltpu.sync_copy(qt_hbm.at[pl.ds(row0, D_K), pl.ds(c0, CH)], q_v)
        pltpu.sync_copy(kt_hbm.at[pl.ds(row0, D_K), pl.ds(c0 - WIN, KW)], k_v)
        pltpu.sync_copy(vt_hbm.at[pl.ds(row0, D_K), pl.ds(c0 - WIN, KW)], v_v)

        def group_body(g, _):
            base = g * 16
            kbase = g * 16

            def score_d(i, accs):
                for u in range(4):
                    d = i * 4 + u
                    qv = q_v[d, pl.ds(base, 16)]
                    accs = tuple(
                        accs[m] + qv * k_v[d, pl.ds(kbase + m, 16)]
                        for m in range(M_SLOTS))
                return accs

            zeros = tuple(jnp.zeros((16,), jnp.float32) for _ in range(M_SLOTS))
            s = lax.fori_loop(0, D_K // 4, score_d, zeros)

            def _tree(vals, op):
                vals = list(vals)
                while len(vals) > 1:
                    nxt = [op(vals[i], vals[i + 1])
                           for i in range(0, len(vals) - 1, 2)]
                    if len(vals) % 2:
                        nxt.append(vals[-1])
                    vals = nxt
                return vals[0]

            mx = _tree(s, jnp.maximum)
            e = tuple(jnp.exp(s[m] - mx) for m in range(M_SLOTS))
            den = _tree(e, lambda a, b: a + b)
            r = jnp.float32(1.0) / den
            p = tuple(e[m] * r for m in range(M_SLOTS))

            def av_d(i, _):
                for u in range(4):
                    d = i * 4 + u
                    terms = [p[m] * v_v[d, pl.ds(kbase + m, 16)]
                             for m in range(M_SLOTS)]
                    o_v[d, pl.ds(base, 16)] = _tree(terms, lambda a, b: a + b)
                return 0

            lax.fori_loop(0, D_K // 4, av_d, 0)
            return 0

        lax.fori_loop(0, CH // 16, group_body, 0)
        pltpu.sync_copy(o_v, att_hbm.at[pl.ds(row0, D_K), pl.ds(chunk * CH, CH)])
        return 0

    lax.fori_loop(0, NCH // 2, chunk_body, 0)


def _out_kernel(att_ref, x_ref, wf_ref, bf_ref, g_ref, b_ref, out_ref):
    att_t = att_ref[...]
    x = x_ref[...]
    tn = (((0,), (0,)), ((), ()))
    ctx = lax.dot_general(att_t, wf_ref[...], tn,
                          preferred_element_type=jnp.float32)
    ctx = ctx + bf_ref[...] + x
    mu = jnp.mean(ctx, axis=1, keepdims=True)
    d = ctx - mu
    var = jnp.mean(d * d, axis=1, keepdims=True)
    out_ref[...] = d * lax.rsqrt(var + jnp.float32(EPS)) * g_ref[...] + b_ref[...]


@jax.jit
def kernel(hidden_states, w_qs, w_ks, w_vs, w_fc, b_fc, gamma, beta,
           q_k_mask):
    del q_k_mask
    xp = jnp.pad(hidden_states, ((0, 0), (PADL, PADL), (0, 0)))
    bf = b_fc.reshape(1, D_MODEL)
    g = gamma.reshape(1, D_MODEL)
    b = beta.reshape(1, D_MODEL)
    wqt, wkt, wvt = w_qs.T, w_ks.T, w_vs.T

    R1 = D_MODEL // 4
    sc_call = pl.kernel(
        _sc_attention,
        out_type=jax.ShapeDtypeStruct((D_MODEL, SEQ), jnp.float32),
        mesh=plsc.VectorSubcoreMesh(core_axis_name="c", subcore_axis_name="s"),
        compiler_params=pltpu.CompilerParams(use_tc_tiling_on_sc=False),
        scratch_types=[
            pltpu.VMEM((D_K, CH), jnp.float32),
            pltpu.VMEM((D_K, KW), jnp.float32),
            pltpu.VMEM((D_K, KW), jnp.float32),
            pltpu.VMEM((D_K, CH), jnp.float32),
        ],
    )

    outs = []
    for bi in range(BATCH):
        qt, kt, vt = pl.pallas_call(
            _proj_kernel,
            grid=(D_MODEL // R1,),
            in_specs=[
                pl.BlockSpec((SP, D_MODEL), lambda t: (0, 0)),
                pl.BlockSpec((R1, D_MODEL), lambda t: (t, 0)),
                pl.BlockSpec((R1, D_MODEL), lambda t: (t, 0)),
                pl.BlockSpec((R1, D_MODEL), lambda t: (t, 0)),
            ],
            out_specs=[
                pl.BlockSpec((R1, SP), lambda t: (t, 0)),
                pl.BlockSpec((R1, SP), lambda t: (t, 0)),
                pl.BlockSpec((R1, SP), lambda t: (t, 0)),
            ],
            out_shape=[jax.ShapeDtypeStruct((D_MODEL, SP), jnp.float32)] * 3,
        )(xp[bi], wqt, wkt, wvt)

        att_t = sc_call(qt, kt, vt)

        out_b = pl.pallas_call(
            _out_kernel,
            grid=(SEQ // T2,),
            in_specs=[
                pl.BlockSpec((D_MODEL, T2), lambda t: (0, t)),
                pl.BlockSpec((T2, D_MODEL), lambda t: (t, 0)),
                pl.BlockSpec((D_MODEL, D_MODEL), lambda t: (0, 0)),
                pl.BlockSpec((1, D_MODEL), lambda t: (0, 0)),
                pl.BlockSpec((1, D_MODEL), lambda t: (0, 0)),
                pl.BlockSpec((1, D_MODEL), lambda t: (0, 0)),
            ],
            out_specs=pl.BlockSpec((T2, D_MODEL), lambda t: (t, 0)),
            out_shape=jax.ShapeDtypeStruct((SEQ, D_MODEL), jnp.float32),
        )(att_t, hidden_states[bi], w_fc, bf, g, b)
        outs.append(out_b)
    return jnp.stack(outs, axis=0)

# --- scband reference (transcript-rebuilt; emitter-appended) ---
"""Pipeline reference for scband-pyramidal-attention-1726576856574 (READ-ONLY COPY).

The authoritative reference and input builder live on the scoring server;
editing this copy changes nothing except your own understanding.
"""

import jax, jax.numpy as jnp
import numpy as np

BATCH = 2
SEQ = 2048
D_MODEL = 1024
N_HEAD = 16
D_K = 64
WIN = 8
M = 2 * WIN + 1
EPS = 1e-6


def make_q_k_mask(S, W):
    # Pyraformer-style neighbor index table: for each query position s, the key
    # positions it attends to (local window of radius W). -1 marks padding slots.
    offs = np.arange(-W, W + 1)
    idx = np.arange(S)[:, None] + offs[None, :]
    return np.where((idx >= 0) & (idx < S), idx, -1).astype(np.int32)


def setup_inputs(seed: int = 0):
    key = jax.random.key(seed)
    ks = jax.random.split(key, 8)
    scale = 0.02
    hidden_states = jax.random.normal(ks[0], (BATCH, SEQ, D_MODEL), dtype=jnp.float32)
    w_qs = jax.random.normal(ks[1], (D_MODEL, N_HEAD * D_K), dtype=jnp.float32) * scale
    w_ks = jax.random.normal(ks[2], (D_MODEL, N_HEAD * D_K), dtype=jnp.float32) * scale
    w_vs = jax.random.normal(ks[3], (D_MODEL, N_HEAD * D_K), dtype=jnp.float32) * scale
    w_fc = jax.random.normal(ks[4], (N_HEAD * D_K, D_MODEL), dtype=jnp.float32) * scale
    b_fc = jnp.zeros((D_MODEL,), dtype=jnp.float32)
    gamma = jnp.ones((D_MODEL,), dtype=jnp.float32)
    beta = jnp.zeros((D_MODEL,), dtype=jnp.float32)
    q_k_mask = jnp.asarray(make_q_k_mask(SEQ, WIN))
    return {"hidden_states": hidden_states, "w_qs": w_qs, "w_ks": w_ks,
            "w_vs": w_vs, "w_fc": w_fc, "b_fc": b_fc, "gamma": gamma,
            "beta": beta, "q_k_mask": q_k_mask}


def graph_mm(t1, t2, q_k_mask, is_t1_diagonaled, padding):
    # Faithful jnp translation of graph_mm_tvm semantics.
    valid = q_k_mask >= 0                      # [S, M]
    safe = jnp.where(valid, q_k_mask, 0)       # [S, M]
    if is_t1_diagonaled:
        # t1: [B,S,H,M] attention weights, t2: [B,S,H,D] values
        vg = t2[:, safe]                       # gather -> [B,S,M,H,D]
        aw = jnp.where(valid[None, :, None, :], t1, 0.0)
        return jnp.einsum('bshm,bsmhd->bshd', aw, vg)
    else:
        # t1: [B,S,H,D] queries, t2: [B,S,H,D] keys
        kg = t2[:, safe]                       # gather -> [B,S,M,H,D]
        attn = jnp.einsum('bshd,bsmhd->bshm', t1, kg)
        return jnp.where(valid[None, :, None, :], attn, jnp.float32(padding))


def reference(hidden_states, w_qs, w_ks, w_vs, w_fc, b_fc, gamma, beta, q_k_mask):
    residual = hidden_states
    bsz, seq_len, _ = hidden_states.shape
    # normalize_before = False, dropout = 0.0
    q = hidden_states @ w_qs
    k = hidden_states @ w_ks
    v = hidden_states @ w_vs
    q = q / np.sqrt(D_K).astype(np.float32)
    q = q.reshape(bsz, seq_len, N_HEAD, D_K)
    k = k.reshape(bsz, seq_len, N_HEAD, D_K)
    attn_weights = graph_mm(q, k, q_k_mask, False, 0)
    attn_weights = jax.nn.softmax(attn_weights, axis=-1)
    v = v.reshape(bsz, seq_len, N_HEAD, D_K)
    attn = graph_mm(attn_weights, v, q_k_mask, True, 0)
    attn = attn.reshape(bsz, seq_len, N_HEAD * D_K)
    context = attn @ w_fc + b_fc
    context = context + residual
    mean = jnp.mean(context, axis=-1, keepdims=True)
    var = jnp.var(context, axis=-1, keepdims=True)
    context = (context - mean) / jnp.sqrt(var + EPS) * gamma + beta
    return context

if __name__ == "__main__":
    import jax
    _d = setup_inputs()
    print(jax.jit(kernel)(*tuple(_d.values())))

</pallas_src>

<mosaic_0001>
#map = affine_map<(d0, d1) -> (0, 0)>
module attributes {stable_mosaic.version = 14 : i64} {
  func.func @_sc_attention(%arg0: i32, %arg1: i32, %arg2: memref<1024x2176xf32, #tpu.memory_space<hbm>>, %arg3: memref<1024x2176xf32, #tpu.memory_space<hbm>>, %arg4: memref<1024x2176xf32, #tpu.memory_space<hbm>>, %arg5: memref<1024x2048xf32, #tpu.memory_space<hbm>>, %arg6: memref<64x256xf32, #tpu.memory_space<vmem>>, %arg7: memref<64x272xf32, #tpu.memory_space<vmem>>, %arg8: memref<64x272xf32, #tpu.memory_space<vmem>>, %arg9: memref<64x256xf32, #tpu.memory_space<vmem>>) attributes {dimension_semantics = [#tpu.dimension_semantics<core_parallel>, #tpu.dimension_semantics<subcore_parallel>], iteration_bounds = array<i64: 2, 16>, scalar_prefetch = 0 : i64, scratch_operands = 4 : i64, tpu.core_type = #tpu.core_type<sc_vector_subcore>, window_params = [{transform_indices = #map}, {transform_indices = #map}, {transform_indices = #map}, {transform_indices = #map}]} {
    %mul3A = arith.constant 2 : i32
    %mul3A_0 = arith.muli %arg1, %mul3A : i32
    %add3A = arith.addi %mul3A_0, %arg0 : i32
    %jit3A = arith.constant 2 : i32
    %eq3A = arith.constant 0 : i32
    %eq3A_1 = arith.cmpi eq, %jit3A, %eq3A : i32
    %jit3A_2 = arith.constant 1 : i32
    %select_n3A = arith.select %eq3A_1, %jit3A_2, %jit3A : i32
    %rem3A = arith.remsi %add3A, %select_n3A : i32
    %ne3A = arith.constant 0 : i32
    %ne3A_3 = arith.cmpi ne, %rem3A, %ne3A : i32
    %lt3A = arith.constant 0 : i32
    %lt3A_4 = arith.cmpi slt, %rem3A, %lt3A : i32
    %lt3A_5 = arith.constant 0 : i32
    %lt3A_6 = arith.cmpi slt, %select_n3A, %lt3A_5 : i32
    %ne3A_7 = arith.xori %lt3A_4, %lt3A_6 : i1
    %and3A = arith.andi %ne3A_7, %ne3A_3 : i1
    %add3A_8 = arith.addi %rem3A, %select_n3A : i32
    %select_n3A_9 = arith.select %and3A, %add3A_8, %rem3A : i32
    %jit3A_10 = arith.constant 2 : i32
    %div3A = arith.divsi %add3A, %jit3A_10 : i32
    %sign3A = arith.constant 0 : i32
    %sign3A_11 = arith.cmpi sgt, %add3A, %sign3A : i32
    %sign3A_12 = arith.extui %sign3A_11 : i1 to i32
    %sign3A_13 = arith.constant 0 : i32
    %sign3A_14 = arith.cmpi slt, %add3A, %sign3A_13 : i32
    %sign3A_15 = arith.extui %sign3A_14 : i1 to i32
    %sign3A_16 = arith.subi %sign3A_12, %sign3A_15 : i32
    %sign3A_17 = arith.constant 0 : i32
    %sign3A_18 = arith.cmpi sgt, %jit3A_10, %sign3A_17 : i32
    %sign3A_19 = arith.extui %sign3A_18 : i1 to i32
    %sign3A_20 = arith.constant 0 : i32
    %sign3A_21 = arith.cmpi slt, %jit3A_10, %sign3A_20 : i32
    %sign3A_22 = arith.extui %sign3A_21 : i1 to i32
    %sign3A_23 = arith.subi %sign3A_19, %sign3A_22 : i32
    %ne3A_24 = arith.cmpi ne, %sign3A_16, %sign3A_23 : i32
    %rem3A_25 = arith.remsi %add3A, %jit3A_10 : i32
    %ne3A_26 = arith.constant 0 : i32
    %ne3A_27 = arith.cmpi ne, %rem3A_25, %ne3A_26 : i32
    %and3A_28 = arith.andi %ne3A_24, %ne3A_27 : i1
    %sub3A = arith.constant 1 : i32
    %sub3A_29 = arith.subi %div3A, %sub3A : i32
    %select_n3A_30 = arith.select %and3A_28, %sub3A_29, %div3A : i32
    %mul3A_31 = arith.constant 64 : i32
    %mul3A_32 = arith.muli %select_n3A_30, %mul3A_31 : i32
    %scan3A = arith.constant 0 : i32
    %scan3A_33 = arith.constant 0 : i32
    %scan3A_34 = arith.constant 4 : i32
    %scan3A_35 = arith.addi %scan3A_33, %scan3A_34 : i32
    %scan3A_36 = arith.constant 1 : i32
    %scan3A_37 = scf.for %scan3A_39 = %scan3A_33 to %scan3A_35 step %scan3A_36 iter_args(%scan3A_40 = %scan3A) -> (i32)  : i32 {
      %mul3A_41 = arith.constant 4 : i32
      %mul3A_42 = arith.muli %select_n3A_9, %mul3A_41 : i32
      %add3A_43 = arith.addi %mul3A_42, %scan3A_39 : i32
      %mul3A_44 = arith.constant 256 : i32
      %mul3A_45 = arith.muli %add3A_43, %mul3A_44 : i32
      %add3A_46 = arith.constant 64 : i32
      %add3A_47 = arith.addi %add3A_46, %mul3A_45 : i32
      "tpu.region"() ({
        %run_scoped3A = tpu.sem_alloc : memref<!tpu.dma_semaphore, #tpu.memory_space<semaphore_mem>>
        %dma_start3A = tpu.memref_slice %arg2[%mul3A_32, %add3A_47] : memref<1024x2176xf32, #tpu.memory_space<hbm>> -> memref<64x256xf32, #tpu.memory_space<hbm>>
        %dma_start3A_62 = tpu.memref_slice %arg2[%mul3A_32, %add3A_47] : memref<1024x2176xf32, #tpu.memory_space<hbm>> -> memref<64x256xf32, #tpu.memory_space<hbm>>
        tpu.enqueue_dma source(%dma_start3A_62 : memref<64x256xf32, #tpu.memory_space<hbm>>) target(%arg6 : memref<64x256xf32, #tpu.memory_space<vmem>>) target_semaphore(%run_scoped3A : memref<!tpu.dma_semaphore, #tpu.memory_space<semaphore_mem>>)
        %dma_wait3A = tpu.memref_slice %arg2[%mul3A_32, %add3A_47] : memref<1024x2176xf32, #tpu.memory_space<hbm>> -> memref<64x256xf32, #tpu.memory_space<hbm>>
        %dma_wait3A_63 = tpu.memref_slice %arg2[%mul3A_32, %add3A_47] : memref<1024x2176xf32, #tpu.memory_space<hbm>> -> memref<64x256xf32, #tpu.memory_space<hbm>>
        tpu.wait_dma2 semaphore(%run_scoped3A : memref<!tpu.dma_semaphore, #tpu.memory_space<semaphore_mem>>) src(%dma_wait3A_63 : memref<64x256xf32, #tpu.memory_space<hbm>>) dst(%arg6 : memref<64x256xf32, #tpu.memory_space<vmem>>)
        tpu.yield
      }) : () -> ()
      %sub3A_48 = arith.constant 8 : i32
      %sub3A_49 = arith.subi %add3A_47, %sub3A_48 : i32
      "tpu.region"() ({
        %run_scoped3A = tpu.sem_alloc : memref<!tpu.dma_semaphore, #tpu.memory_space<semaphore_mem>>
        %dma_start3A = tpu.memref_slice %arg3[%mul3A_32, %sub3A_49] : memref<1024x2176xf32, #tpu.memory_space<hbm>> -> memref<64x272xf32, #tpu.memory_space<hbm>>
        %dma_start3A_62 = tpu.memref_slice %arg3[%mul3A_32, %sub3A_49] : memref<1024x2176xf32, #tpu.memory_space<hbm>> -> memref<64x272xf32, #tpu.memory_space<hbm>>
        tpu.enqueue_dma source(%dma_start3A_62 : memref<64x272xf32, #tpu.memory_space<hbm>>) target(%arg7 : memref<64x272xf32, #tpu.memory_space<vmem>>) target_semaphore(%run_scoped3A : memref<!tpu.dma_semaphore, #tpu.memory_space<semaphore_mem>>)
        %dma_wait3A = tpu.memref_slice %arg3[%mul3A_32, %sub3A_49] : memref<1024x2176xf32, #tpu.memory_space<hbm>> -> memref<64x272xf32, #tpu.memory_space<hbm>>
        %dma_wait3A_63 = tpu.memref_slice %arg3[%mul3A_32, %sub3A_49] : memref<1024x2176xf32, #tpu.memory_space<hbm>> -> memref<64x272xf32, #tpu.memory_space<hbm>>
        tpu.wait_dma2 semaphore(%run_scoped3A : memref<!tpu.dma_semaphore, #tpu.memory_space<semaphore_mem>>) src(%dma_wait3A_63 : memref<64x272xf32, #tpu.memory_space<hbm>>) dst(%arg7 : memref<64x272xf32, #tpu.memory_space<vmem>>)
        tpu.yield
      }) : () -> ()
      %sub3A_50 = arith.constant 8 : i32
      %sub3A_51 = arith.subi %add3A_47, %sub3A_50 : i32
      "tpu.region"() ({
        %run_scoped3A = tpu.sem_alloc : memref<!tpu.dma_semaphore, #tpu.memory_space<semaphore_mem>>
        %dma_start3A = tpu.memref_slice %arg4[%mul3A_32, %sub3A_51] : memref<1024x2176xf32, #tpu.memory_space<hbm>> -> memref<64x272xf32, #tpu.memory_space<hbm>>
        %dma_start3A_62 = tpu.memref_slice %arg4[%mul3A_32, %sub3A_51] : memref<1024x2176xf32, #tpu.memory_space<hbm>> -> memref<64x272xf32, #tpu.memory_space<hbm>>
        tpu.enqueue_dma source(%dma_start3A_62 : memref<64x272xf32, #tpu.memory_space<hbm>>) target(%arg8 : memref<64x272xf32, #tpu.memory_space<vmem>>) target_semaphore(%run_scoped3A : memref<!tpu.dma_semaphore, #tpu.memory_space<semaphore_mem>>)
        %dma_wait3A = tpu.memref_slice %arg4[%mul3A_32, %sub3A_51] : memref<1024x2176xf32, #tpu.memory_space<hbm>> -> memref<64x272xf32, #tpu.memory_space<hbm>>
        %dma_wait3A_63 = tpu.memref_slice %arg4[%mul3A_32, %sub3A_51] : memref<1024x2176xf32, #tpu.memory_space<hbm>> -> memref<64x272xf32, #tpu.memory_space<hbm>>
        tpu.wait_dma2 semaphore(%run_scoped3A : memref<!tpu.dma_semaphore, #tpu.memory_space<semaphore_mem>>) src(%dma_wait3A_63 : memref<64x272xf32, #tpu.memory_space<hbm>>) dst(%arg8 : memref<64x272xf32, #tpu.memory_space<vmem>>)
        tpu.yield
      }) : () -> ()
      %scan3A_52 = arith.constant 0 : i32
      %scan3A_53 = arith.constant 0 : i32
      %scan3A_54 = arith.constant 16 : i32
      %scan3A_55 = arith.addi %scan3A_53, %scan3A_54 : i32
      %scan3A_56 = arith.constant 1 : i32
      %scan3A_57 = scf.for %scan3A_62 = %scan3A_53 to %scan3A_55 step %scan3A_56 iter_args(%scan3A_63 = %scan3A_52) -> (i32)  : i32 {
        %mul3A_64 = arith.constant 16 : i32
        %mul3A_65 = arith.muli %scan3A_62, %mul3A_64 : i32
        %mul3A_66 = arith.constant 16 : i32
        %mul3A_67 = arith.muli %scan3A_62, %mul3A_66 : i32
        %broadcast_in_dim3A = arith.constant 0.000000e+00 : f32
        %broadcast_in_dim3A_68 = vector.broadcast %broadcast_in_dim3A : f32 to vector<16xf32>
        %broadcast_in_dim3A_69 = arith.constant 0.000000e+00 : f32
        %broadcast_in_dim3A_70 = vector.broadcast %broadcast_in_dim3A_69 : f32 to vector<16xf32>
        %broadcast_in_dim3A_71 = arith.constant 0.000000e+00 : f32
        %broadcast_in_dim3A_72 = vector.broadcast %broadcast_in_dim3A_71 : f32 to vector<16xf32>
        %broadcast_in_dim3A_73 = arith.constant 0.000000e+00 : f32
        %broadcast_in_dim3A_74 = vector.broadcast %broadcast_in_dim3A_73 : f32 to vector<16xf32>
        %broadcast_in_dim3A_75 = arith.constant 0.000000e+00 : f32
        %broadcast_in_dim3A_76 = vector.broadcast %broadcast_in_dim3A_75 : f32 to vector<16xf32>
        %broadcast_in_dim3A_77 = arith.constant 0.000000e+00 : f32
        %broadcast_in_dim3A_78 = vector.broadcast %broadcast_in_dim3A_77 : f32 to vector<16xf32>
        %broadcast_in_dim3A_79 = arith.constant 0.000000e+00 : f32
        %broadcast_in_dim3A_80 = vector.broadcast %broadcast_in_dim3A_79 : f32 to vector<16xf32>
        %broadcast_in_dim3A_81 = arith.constant 0.000000e+00 : f32
        %broadcast_in_dim3A_82 = vector.broadcast %broadcast_in_dim3A_81 : f32 to vector<16xf32>
        %broadcast_in_dim3A_83 = arith.constant 0.000000e+00 : f32
        %broadcast_in_dim3A_84 = vector.broadcast %broadcast_in_dim3A_83 : f32 to vector<16xf32>
        %broadcast_in_dim3A_85 = arith.constant 0.000000e+00 : f32
        %broadcast_in_dim3A_86 = vector.broadcast %broadcast_in_dim3A_85 : f32 to vector<16xf32>
        %broadcast_in_dim3A_87 = arith.constant 0.000000e+00 : f32
        %broadcast_in_dim3A_88 = vector.broadcast %broadcast_in_dim3A_87 : f32 to vector<16xf32>
        %broadcast_in_dim3A_89 = arith.constant 0.000000e+00 : f32
        %broadcast_in_dim3A_90 = vector.broadcast %broadcast_in_dim3A_89 : f32 to vector<16xf32>
        %broadcast_in_dim3A_91 = arith.constant 0.000000e+00 : f32
        %broadcast_in_dim3A_92 = vector.broadcast %broadcast_in_dim3A_91 : f32 to vector<16xf32>
        %broadcast_in_dim3A_93 = arith.constant 0.000000e+00 : f32
        %broadcast_in_dim3A_94 = vector.broadcast %broadcast_in_dim3A_93 : f32 to vector<16xf32>
        %broadcast_in_dim3A_95 = arith.constant 0.000000e+00 : f32
        %broadcast_in_dim3A_96 = vector.broadcast %broadcast_in_dim3A_95 : f32 to vector<16xf32>
        %broadcast_in_dim3A_97 = arith.constant 0.000000e+00 : f32
        %broadcast_in_dim3A_98 = vector.broadcast %broadcast_in_dim3A_97 : f32 to vector<16xf32>
        %broadcast_in_dim3A_99 = arith.constant 0.000000e+00 : f32
        %broadcast_in_dim3A_100 = vector.broadcast %broadcast_in_dim3A_99 : f32 to vector<16xf32>
        %scan3A_101 = arith.constant 0 : i32
        %scan3A_102 = arith.constant 16 : i32
        %scan3A_103 = arith.addi %scan3A_101, %scan3A_102 : i32
        %scan3A_104 = arith.constant 1 : i32
        %scan3A_105:17 = scf.for %scan3A_199 = %scan3A_101 to %scan3A_103 step %scan3A_104 iter_args(%scan3A_200 = %broadcast_in_dim3A_68, %scan3A_201 = %broadcast_in_dim3A_70, %scan3A_202 = %broadcast_in_dim3A_72, %scan3A_203 = %broadcast_in_dim3A_74, %scan3A_204 = %broadcast_in_dim3A_76, %scan3A_205 = %broadcast_in_dim3A_78, %scan3A_206 = %broadcast_in_dim3A_80, %scan3A_207 = %broadcast_in_dim3A_82, %scan3A_208 = %broadcast_in_dim3A_84, %scan3A_209 = %broadcast_in_dim3A_86, %scan3A_210 = %broadcast_in_dim3A_88, %scan3A_211 = %broadcast_in_dim3A_90, %scan3A_212 = %broadcast_in_dim3A_92, %scan3A_213 = %broadcast_in_dim3A_94, %scan3A_214 = %broadcast_in_dim3A_96, %scan3A_215 = %broadcast_in_dim3A_98, %scan3A_216 = %broadcast_in_dim3A_100) -> (vector<16xf32>, vector<16xf32>, vector<16xf32>, vector<16xf32>, vector<16xf32>, vector<16xf32>, vector<16xf32>, vector<16xf32>, vector<16xf32>, vector<16xf32>, vector<16xf32>, vector<16xf32>, vector<16xf32>, vector<16xf32>, vector<16xf32>, vector<16xf32>, vector<16xf32>)  : i32 {
          %mul3A_217 = arith.constant 4 : i32
          %mul3A_218 = arith.muli %scan3A_199, %mul3A_217 : i32
          %add3A_219 = arith.constant 0 : i32
          %add3A_220 = arith.addi %mul3A_218, %add3A_219 : i32
          %get3A = arith.index_cast %add3A_220 : i32 to index
          %get3A_221 = arith.index_cast %mul3A_65 : i32 to index
          %get3A_222 = tpu.vector_load %arg6[%get3A, %get3A_221] {strides = array<i32>} : memref<64x256xf32, #tpu.memory_space<vmem>>, vector<1x16xf32>,
          %get3A_223 = vector.shape_cast %get3A_222 : vector<1x16xf32> to vector<16xf32>
          %add3A_224 = arith.constant 0 : i32
          %add3A_225 = arith.addi %mul3A_67, %add3A_224 : i32
          %get3A_226 = arith.index_cast %add3A_220 : i32 to index
          %get3A_227 = arith.index_cast %add3A_225 : i32 to index
          %get3A_228 = tpu.vector_load %arg7[%get3A_226, %get3A_227] {strides = array<i32>} : memref<64x272xf32, #tpu.memory_space<vmem>>, vector<1x16xf32>,
          %get3A_229 = vector.shape_cast %get3A_228 : vector<1x16xf32> to vector<16xf32>
          %mul3A_230 = arith.mulf %get3A_223, %get3A_229 : vector<16xf32>
          %add3A_231 = arith.addf %scan3A_200, %mul3A_230 : vector<16xf32>
          %add3A_232 = arith.constant 1 : i32
          %add3A_233 = arith.addi %mul3A_67, %add3A_232 : i32
          %get3A_234 = arith.index_cast %add3A_220 : i32 to index
          %get3A_235 = arith.index_cast %add3A_233 : i32 to index
          %get3A_236 = tpu.vector_load %arg7[%get3A_234, %get3A_235] {strides = array<i32>} : memref<64x272xf32, #tpu.memory_space<vmem>>, vector<1x16xf32>,
          %get3A_237 = vector.shape_cast %get3A_236 : vector<1x16xf32> to vector<16xf32>
          %mul3A_238 = arith.mulf %get3A_223, %get3A_237 : vector<16xf32>
          %add3A_239 = arith.addf %scan3A_201, %mul3A_238 : vector<16xf32>
          %add3A_240 = arith.constant 2 : i32
          %add3A_241 = arith.addi %mul3A_67, %add3A_240 : i32
          %get3A_242 = arith.index_cast %add3A_220 : i32 to index
          %get3A_243 = arith.index_cast %add3A_241 : i32 to index
          %get3A_244 = tpu.vector_load %arg7[%get3A_242, %get3A_243] {strides = array<i32>} : memref<64x272xf32, #tpu.memory_space<vmem>>, vector<1x16xf32>,
          %get3A_245 = vector.shape_cast %get3A_244 : vector<1x16xf32> to vector<16xf32>
          %mul3A_246 = arith.mulf %get3A_223, %get3A_245 : vector<16xf32>
          %add3A_247 = arith.addf %scan3A_202, %mul3A_246 : vector<16xf32>
          %add3A_248 = arith.constant 3 : i32
          %add3A_249 = arith.addi %mul3A_67, %add3A_248 : i32
          %get3A_250 = arith.index_cast %add3A_220 : i32 to index
          %get3A_251 = arith.index_cast %add3A_249 : i32 to index
          %get3A_252 = tpu.vector_load %arg7[%get3A_250, %get3A_251] {strides = array<i32>} : memref<64x272xf32, #tpu.memory_space<vmem>>, vector<1x16xf32>,
          %get3A_253 = vector.shape_cast %get3A_252 : vector<1x16xf32> to vector<16xf32>
          %mul3A_254 = arith.mulf %get3A_223, %get3A_253 : vector<16xf32>
          %add3A_255 = arith.addf %scan3A_203, %mul3A_254 : vector<16xf32>
          %add3A_256 = arith.constant 4 : i32
          %add3A_257 = arith.addi %mul3A_67, %add3A_256 : i32
          %get3A_258 = arith.index_cast %add3A_220 : i32 to index
          %get3A_259 = arith.index_cast %add3A_257 : i32 to index
          %get3A_260 = tpu.vector_load %arg7[%get3A_258, %get3A_259] {strides = array<i32>} : memref<64x272xf32, #tpu.memory_space<vmem>>, vector<1x16xf32>,
          %get3A_261 = vector.shape_cast %get3A_260 : vector<1x16xf32> to vector<16xf32>
          %mul3A_262 = arith.mulf %get3A_223, %get3A_261 : vector<16xf32>
          %add3A_263 = arith.addf %scan3A_204, %mul3A_262 : vector<16xf32>
          %add3A_264 = arith.constant 5 : i32
          %add3A_265 = arith.addi %mul3A_67, %add3A_264 : i32
          %get3A_266 = arith.index_cast %add3A_220 : i32 to index
          %get3A_267 = arith.index_cast %add3A_265 : i32 to index
          %get3A_268 = tpu.vector_load %arg7[%get3A_266, %get3A_267] {strides = array<i32>} : memref<64x272xf32, #tpu.memory_space<vmem>>, vector<1x16xf32>,
          %get3A_269 = vector.shape_cast %get3A_268 : vector<1x16xf32> to vector<16xf32>
          %mul3A_270 = arith.mulf %get3A_223, %get3A_269 : vector<16xf32>
          %add3A_271 = arith.addf %scan3A_205, %mul3A_270 : vector<16xf32>
          %add3A_272 = arith.constant 6 : i32
          %add3A_273 = arith.addi %mul3A_67, %add3A_272 : i32
          %get3A_274 = arith.index_cast %add3A_220 : i32 to index
          %get3A_275 = arith.index_cast %add3A_273 : i32 to index
          %get3A_276 = tpu.vector_load %arg7[%get3A_274, %get3A_275] {strides = array<i32>} : memref<64x272xf32, #tpu.memory_space<vmem>>, vector<1x16xf32>,
          %get3A_277 = vector.shape_cast %get3A_276 : vector<1x16xf32> to vector<16xf32>
          %mul3A_278 = arith.mulf %get3A_223, %get3A_277 : vector<16xf32>
          %add3A_279 = arith.addf %scan3A_206, %mul3A_278 : vector<16xf32>
          %add3A_280 = arith.constant 7 : i32
          %add3A_281 = arith.addi %mul3A_67, %add3A_280 : i32
          %get3A_282 = arith.index_cast %add3A_220 : i32 to index
          %get3A_283 = arith.index_cast %add3A_281 : i32 to index
          %get3A_284 = tpu.vector_load %arg7[%get3A_282, %get3A_283] {strides = array<i32>} : memref<64x272xf32, #tpu.memory_space<vmem>>, vector<1x16xf32>,
          %get3A_285 = vector.shape_cast %get3A_284 : vector<1x16xf32> to vector<16xf32>
          %mul3A_286 = arith.mulf %get3A_223, %get3A_285 : vector<16xf32>
          %add3A_287 = arith.addf %scan3A_207, %mul3A_286 : vector<16xf32>
          %add3A_288 = arith.constant 8 : i32
          %add3A_289 = arith.addi %mul3A_67, %add3A_288 : i32
          %get3A_290 = arith.index_cast %add3A_220 : i32 to index
          %get3A_291 = arith.index_cast %add3A_289 : i32 to index
          %get3A_292 = tpu.vector_load %arg7[%get3A_290, %get3A_291] {strides = array<i32>} : memref<64x272xf32, #tpu.memory_space<vmem>>, vector<1x16xf32>,
          %get3A_293 = vector.shape_cast %get3A_292 : vector<1x16xf32> to vector<16xf32>
          %mul3A_294 = arith.mulf %get3A_223, %get3A_293 : vector<16xf32>
          %add3A_295 = arith.addf %scan3A_208, %mul3A_294 : vector<16xf32>
          %add3A_296 = arith.constant 9 : i32
          %add3A_297 = arith.addi %mul3A_67, %add3A_296 : i32
          %get3A_298 = arith.index_cast %add3A_220 : i32 to index
          %get3A_299 = arith.index_cast %add3A_297 : i32 to index
          %get3A_300 = tpu.vector_load %arg7[%get3A_298, %get3A_299] {strides = array<i32>} : memref<64x272xf32, #tpu.memory_space<vmem>>, vector<1x16xf32>,
          %get3A_301 = vector.shape_cast %get3A_300 : vector<1x16xf32> to vector<16xf32>
          %mul3A_302 = arith.mulf %get3A_223, %get3A_301 : vector<16xf32>
          %add3A_303 = arith.addf %scan3A_209, %mul3A_302 : vector<16xf32>
          %add3A_304 = arith.constant 10 : i32
          %add3A_305 = arith.addi %mul3A_67, %add3A_304 : i32
          %get3A_306 = arith.index_cast %add3A_220 : i32 to index
          %get3A_307 = arith.index_cast %add3A_305 : i32 to index
          %get3A_308 = tpu.vector_load %arg7[%get3A_306, %get3A_307] {strides = array<i32>} : memref<64x272xf32, #tpu.memory_space<vmem>>, vector<1x16xf32>,
          %get3A_309 = vector.shape_cast %get3A_308 : vector<1x16xf32> to vector<16xf32>
          %mul3A_310 = arith.mulf %get3A_223, %get3A_309 : vector<16xf32>
          %add3A_311 = arith.addf %scan3A_210, %mul3A_310 : vector<16xf32>
          %add3A_312 = arith.constant 11 : i32
          %add3A_313 = arith.addi %mul3A_67, %add3A_312 : i32
          %get3A_314 = arith.index_cast %add3A_220 : i32 to index
          %get3A_315 = arith.index_cast %add3A_313 : i32 to index
          %get3A_316 = tpu.vector_load %arg7[%get3A_314, %get3A_315] {strides = array<i32>} : memref<64x272xf32, #tpu.memory_space<vmem>>, vector<1x16xf32>,
          %get3A_317 = vector.shape_cast %get3A_316 : vector<1x16xf32> to vector<16xf32>
          %mul3A_318 = arith.mulf %get3A_223, %get3A_317 : vector<16xf32>
          %add3A_319 = arith.addf %scan3A_211, %mul3A_318 : vector<16xf32>
          %add3A_320 = arith.constant 12 : i32
          %add3A_321 = arith.addi %mul3A_67, %add3A_320 : i32
          %get3A_322 = arith.index_cast %add3A_220 : i32 to index
          %get3A_323 = arith.index_cast %add3A_321 : i32 to index
          %get3A_324 = tpu.vector_load %arg7[%get3A_322, %get3A_323] {strides = array<i32>} : memref<64x272xf32, #tpu.memory_space<vmem>>, vector<1x16xf32>,
          %get3A_325 = vector.shape_cast %get3A_324 : vector<1x16xf32> to vector<16xf32>
          %mul3A_326 = arith.mulf %get3A_223, %get3A_325 : vector<16xf32>
          %add3A_327 = arith.addf %scan3A_212, %mul3A_326 : vector<16xf32>
          %add3A_328 = arith.constant 13 : i32
          %add3A_329 = arith.addi %mul3A_67, %add3A_328 : i32
          %get3A_330 = arith.index_cast %add3A_220 : i32 to index
          %get3A_331 = arith.index_cast %add3A_329 : i32 to index
          %get3A_332 = tpu.vector_load %arg7[%get3A_330, %get3A_331] {strides = array<i32>} : memref<64x272xf32, #tpu.memory_space<vmem>>, vector<1x16xf32>,
          %get3A_333 = vector.shape_cast %get3A_332 : vector<1x16xf32> to vector<16xf32>
          %mul3A_334 = arith.mulf %get3A_223, %get3A_333 : vector<16xf32>
          %add3A_335 = arith.addf %scan3A_213, %mul3A_334 : vector<16xf32>
          %add3A_336 = arith.constant 14 : i32
          %add3A_337 = arith.addi %mul3A_67, %add3A_336 : i32
          %get3A_338 = arith.index_cast %add3A_220 : i32 to index
          %get3A_339 = arith.index_cast %add3A_337 : i32 to index
          %get3A_340 = tpu.vector_load %arg7[%get3A_338, %get3A_339] {strides = array<i32>} : memref<64x272xf32, #tpu.memory_space<vmem>>, vector<1x16xf32>,
          %get3A_341 = vector.shape_cast %get3A_340 : vector<1x16xf32> to vector<16xf32>
          %mul3A_342 = arith.mulf %get3A_223, %get3A_341 : vector<16xf32>
          %add3A_343 = arith.addf %scan3A_214, %mul3A_342 : vector<16xf32>
          %add3A_344 = arith.constant 15 : i32
          %add3A_345 = arith.addi %mul3A_67, %add3A_344 : i32
          %get3A_346 = arith.index_cast %add3A_220 : i32 to index
          %get3A_347 = arith.index_cast %add3A_345 : i32 to index
          %get3A_348 = tpu.vector_load %arg7[%get3A_346, %get3A_347] {strides = array<i32>} : memref<64x272xf32, #tpu.memory_space<vmem>>, vector<1x16xf32>,
          %get3A_349 = vector.shape_cast %get3A_348 : vector<1x16xf32> to vector<16xf32>
          %mul3A_350 = arith.mulf %get3A_223, %get3A_349 : vector<16xf32>
          %add3A_351 = arith.addf %scan3A_215, %mul3A_350 : vector<16xf32>
          %add3A_352 = arith.constant 16 : i32
          %add3A_353 = arith.addi %mul3A_67, %add3A_352 : i32
          %get3A_354 = arith.index_cast %add3A_220 : i32 to index
          %get3A_355 = arith.index_cast %add3A_353 : i32 to index
          %get3A_356 = tpu.vector_load %arg7[%get3A_354, %get3A_355] {strides = array<i32>} : memref<64x272xf32, #tpu.memory_space<vmem>>, vector<1x16xf32>,
          %get3A_357 = vector.shape_cast %get3A_356 : vector<1x16xf32> to vector<16xf32>
          %mul3A_358 = arith.mulf %get3A_223, %get3A_357 : vector<16xf32>
          %add3A_359 = arith.addf %scan3A_216, %mul3A_358 : vector<16xf32>
          %mul3A_360 = arith.constant 4 : i32
          %mul3A_361 = arith.muli %scan3A_199, %mul3A_360 : i32
          %add3A_362 = arith.constant 1 : i32
          %add3A_363 = arith.addi %mul3A_361, %add3A_362 : i32
          %get3A_364 = arith.index_cast %add3A_363 : i32 to index
          %get3A_365 = arith.index_cast %mul3A_65 : i32 to index
          %get3A_366 = tpu.vector_load %arg6[%get3A_364, %get3A_365] {strides = array<i32>} : memref<64x256xf32, #tpu.memory_space<vmem>>, vector<1x16xf32>,
          %get3A_367 = vector.shape_cast %get3A_366 : vector<1x16xf32> to vector<16xf32>
          %add3A_368 = arith.constant 0 : i32
          %add3A_369 = arith.addi %mul3A_67, %add3A_368 : i32
          %get3A_370 = arith.index_cast %add3A_363 : i32 to index
          %get3A_371 = arith.index_cast %add3A_369 : i32 to index
          %get3A_372 = tpu.vector_load %arg7[%get3A_370, %get3A_371] {strides = array<i32>} : memref<64x272xf32, #tpu.memory_space<vmem>>, vector<1x16xf32>,
          %get3A_373 = vector.shape_cast %get3A_372 : vector<1x16xf32> to vector<16xf32>
          %mul3A_374 = arith.mulf %get3A_367, %get3A_373 : vector<16xf32>
          %add3A_375 = arith.addf %add3A_231, %mul3A_374 : vector<16xf32>
          %add3A_376 = arith.constant 1 : i32
          %add3A_377 = arith.addi %mul3A_67, %add3A_376 : i32
          %get3A_378 = arith.index_cast %add3A_363 : i32 to index
          %get3A_379 = arith.index_cast %add3A_377 : i32 to index
          %get3A_380 = tpu.vector_load %arg7[%get3A_378, %get3A_379] {strides = array<i32>} : memref<64x272xf32, #tpu.memory_space<vmem>>, vector<1x16xf32>,
          %get3A_381 = vector.shape_cast %get3A_380 : vector<1x16xf32> to vector<16xf32>
          %mul3A_382 = arith.mulf %get3A_367, %get3A_381 : vector<16xf32>
          %add3A_383 = arith.addf %add3A_239, %mul3A_382 : vector<16xf32>
          %add3A_384 = arith.constant 2 : i32
          %add3A_385 = arith.addi %mul3A_67, %add3A_384 : i32
          %get3A_386 = arith.index_cast %add3A_363 : i32 to index
          %get3A_387 = arith.index_cast %add3A_385 : i32 to index
          %get3A_388 = tpu.vector_load %arg7[%get3A_386, %get3A_387] {strides = array<i32>} : memref<64x272xf32, #tpu.memory_space<vmem>>, vector<1x16xf32>,
          %get3A_389 = vector.shape_cast %get3A_388 : vector<1x16xf32> to vector<16xf32>
          %mul3A_390 = arith.mulf %get3A_367, %get3A_389 : vector<16xf32>
          %add3A_391 = arith.addf %add3A_247, %mul3A_390 : vector<16xf32>
          %add3A_392 = arith.constant 3 : i32
          %add3A_393 = arith.addi %mul3A_67, %add3A_392 : i32
          %get3A_394 = arith.index_cast %add3A_363 : i32 to index
          %get3A_395 = arith.index_cast %add3A_393 : i32 to index
          %get3A_396 = tpu.vector_load %arg7[%get3A_394, %get3A_395] {strides = array<i32>} : memref<64x272xf32, #tpu.memory_space<vmem>>, vector<1x16xf32>,
          %get3A_397 = vector.shape_cast %get3A_396 : vector<1x16xf32> to vector<16xf32>
          %mul3A_398 = arith.mulf %get3A_367, %get3A_397 : vector<16xf32>
          %add3A_399 = arith.addf %add3A_255, %mul3A_398 : vector<16xf32>
          %add3A_400 = arith.constant 4 : i32
          %add3A_401 = arith.addi %mul3A_67, %add3A_400 : i32
          %get3A_402 = arith.index_cast %add3A_363 : i32 to index
          %get3A_403 = arith.index_cast %add3A_401 : i32 to index
          %get3A_404 = tpu.vector_load %arg7[%get3A_402, %get3A_403] {strides = array<i32>} : memref<64x272xf32, #tpu.memory_space<vmem>>, vector<1x16xf32>,
          %get3A_405 = vector.shape_cast %get3A_404 : vector<1x16xf32> to vector<16xf32>
          %mul3A_406 = arith.mulf %get3A_367, %get3A_405 : vector<16xf32>
          %add3A_407 = arith.addf %add3A_263, %mul3A_406 : vector<16xf32>
          %add3A_408 = arith.constant 5 : i32
          %add3A_409 = arith.addi %mul3A_67, %add3A_408 : i32
          %get3A_410 = arith.index_cast %add3A_363 : i32 to index
          %get3A_411 = arith.index_cast %add3A_409 : i32 to index
          %get3A_412 = tpu.vector_load %arg7[%get3A_410, %get3A_411] {strides = array<i32>} : memref<64x272xf32, #tpu.memory_space<vmem>>, vector<1x16xf32>,
          %get3A_413 = vector.shape_cast %get3A_412 : vector<1x16xf32> to vector<16xf32>
          %mul3A_414 = arith.mulf %get3A_367, %get3A_413 : vector<16xf32>
          %add3A_415 = arith.addf %add3A_271, %mul3A_414 : vector<16xf32>
          %add3A_416 = arith.constant 6 : i32
          %add3A_417 = arith.addi %mul3A_67, %add3A_416 : i32
          %get3A_418 = arith.index_cast %add3A_363 : i32 to index
          %get3A_419 = arith.index_cast %add3A_417 : i32 to index
          %get3A_420 = tpu.vector_load %arg7[%get3A_418, %get3A_419] {strides = array<i32>} : memref<64x272xf32, #tpu.memory_space<vmem>>, vector<1x16xf32>,
          %get3A_421 = vector.shape_cast %get3A_420 : vector<1x16xf32> to vector<16xf32>
          %mul3A_422 = arith.mulf %get3A_367, %get3A_421 : vector<16xf32>
          %add3A_423 = arith.addf %add3A_279, %mul3A_422 : vector<16xf32>
          %add3A_424 = arith.constant 7 : i32
          %add3A_425 = arith.addi %mul3A_67, %add3A_424 : i32
          %get3A_426 = arith.index_cast %add3A_363 : i32 to index
          %get3A_427 = arith.index_cast %add3A_425 : i32 to index
          %get3A_428 = tpu.vector_load %arg7[%get3A_426, %get3A_427] {strides = array<i32>} : memref<64x272xf32, #tpu.memory_space<vmem>>, vector<1x16xf32>,
          %get3A_429 = vector.shape_cast %get3A_428 : vector<1x16xf32> to vector<16xf32>
          %mul3A_430 = arith.mulf %get3A_367, %get3A_429 : vector<16xf32>
          %add3A_431 = arith.addf %add3A_287, %mul3A_430 : vector<16xf32>
          %add3A_432 = arith.constant 8 : i32
          %add3A_433 = arith.addi %mul3A_67, %add3A_432 : i32
          %get3A_434 = arith.index_cast %add3A_363 : i32 to index
          %get3A_435 = arith.index_cast %add3A_433 : i32 to index
          %get3A_436 = tpu.vector_load %arg7[%get3A_434, %get3A_435] {strides = array<i32>} : memref<64x272xf32, #tpu.memory_space<vmem>>, vector<1x16xf32>,
          %get3A_437 = vector.shape_cast %get3A_436 : vector<1x16xf32> to vector<16xf32>
          %mul3A_438 = arith.mulf %get3A_367, %get3A_437 : vector<16xf32>
          %add3A_439 = arith.addf %add3A_295, %mul3A_438 : vector<16xf32>
          %add3A_440 = arith.constant 9 : i32
          %add3A_441 = arith.addi %mul3A_67, %add3A_440 : i32
          %get3A_442 = arith.index_cast %add3A_363 : i32 to index
          %get3A_443 = arith.index_cast %add3A_441 : i32 to index
          %get3A_444 = tpu.vector_load %arg7[%get3A_442, %get3A_443] {strides = array<i32>} : memref<64x272xf32, #tpu.memory_space<vmem>>, vector<1x16xf32>,
          %get3A_445 = vector.shape_cast %get3A_444 : vector<1x16xf32> to vector<16xf32>
          %mul3A_446 = arith.mulf %get3A_367, %get3A_445 : vector<16xf32>
          %add3A_447 = arith.addf %add3A_303, %mul3A_446 : vector<16xf32>
          %add3A_448 = arith.constant 10 : i32
          %add3A_449 = arith.addi %mul3A_67, %add3A_448 : i32
          %get3A_450 = arith.index_cast %add3A_363 : i32 to index
          %get3A_451 = arith.index_cast %add3A_449 : i32 to index
          %get3A_452 = tpu.vector_load %arg7[%get3A_450, %get3A_451] {strides = array<i32>} : memref<64x272xf32, #tpu.memory_space<vmem>>, vector<1x16xf32>,
          %get3A_453 = vector.shape_cast %get3A_452 : vector<1x16xf32> to vector<16xf32>
          %mul3A_454 = arith.mulf %get3A_367, %get3A_453 : vector<16xf32>
          %add3A_455 = arith.addf %add3A_311, %mul3A_454 : vector<16xf32>
          %add3A_456 = arith.constant 11 : i32
          %add3A_457 = arith.addi %mul3A_67, %add3A_456 : i32
          %get3A_458 = arith.index_cast %add3A_363 : i32 to index
          %get3A_459 = arith.index_cast %add3A_457 : i32 to index
          %get3A_460 = tpu.vector_load %arg7[%get3A_458, %get3A_459] {strides = array<i32>} : memref<64x272xf32, #tpu.memory_space<vmem>>, vector<1x16xf32>,
          %get3A_461 = vector.shape_cast %get3A_460 : vector<1x16xf32> to vector<16xf32>
          %mul3A_462 = arith.mulf %get3A_367, %get3A_461 : vector<16xf32>
          %add3A_463 = arith.addf %add3A_319, %mul3A_462 : vector<16xf32>
          %add3A_464 = arith.constant 12 : i32
          %add3A_465 = arith.addi %mul3A_67, %add3A_464 : i32
          %get3A_466 = arith.index_cast %add3A_363 : i32 to index
          %get3A_467 = arith.index_cast %add3A_465 : i32 to index
          %get3A_468 = tpu.vector_load %arg7[%get3A_466, %get3A_467] {strides = array<i32>} : memref<64x272xf32, #tpu.memory_space<vmem>>, vector<1x16xf32>,
          %get3A_469 = vector.shape_cast %get3A_468 : vector<1x16xf32> to vector<16xf32>
          %mul3A_470 = arith.mulf %get3A_367, %get3A_469 : vector<16xf32>
          %add3A_471 = arith.addf %add3A_327, %mul3A_470 : vector<16xf32>
          %add3A_472 = arith.constant 13 : i32
          %add3A_473 = arith.addi %mul3A_67, %add3A_472 : i32
          %get3A_474 = arith.index_cast %add3A_363 : i32 to index
          %get3A_475 = arith.index_cast %add3A_473 : i32 to index
          %get3A_476 = tpu.vector_load %arg7[%get3A_474, %get3A_475] {strides = array<i32>} : memref<64x272xf32, #tpu.memory_space<vmem>>, vector<1x16xf32>,
          %get3A_477 = vector.shape_cast %get3A_476 : vector<1x16xf32> to vector<16xf32>
          %mul3A_478 = arith.mulf %get3A_367, %get3A_477 : vector<16xf32>
          %add3A_479 = arith.addf %add3A_335, %mul3A_478 : vector<16xf32>
          %add3A_480 = arith.constant 14 : i32
          %add3A_481 = arith.addi %mul3A_67, %add3A_480 : i32
          %get3A_482 = arith.index_cast %add3A_363 : i32 to index
          %get3A_483 = arith.index_cast %add3A_481 : i32 to index
          %get3A_484 = tpu.vector_load %arg7[%get3A_482, %get3A_483] {strides = array<i32>} : memref<64x272xf32, #tpu.memory_space<vmem>>, vector<1x16xf32>,
          %get3A_485 = vector.shape_cast %get3A_484 : vector<1x16xf32> to vector<16xf32>
          %mul3A_486 = arith.mulf %get3A_367, %get3A_485 : vector<16xf32>
          %add3A_487 = arith.addf %add3A_343, %mul3A_486 : vector<16xf32>
          %add3A_488 = arith.constant 15 : i32
          %add3A_489 = arith.addi %mul3A_67, %add3A_488 : i32
          %get3A_490 = arith.index_cast %add3A_363 : i32 to index
          %get3A_491 = arith.index_cast %add3A_489 : i32 to index
          %get3A_492 = tpu.vector_load %arg7[%get3A_490, %get3A_491] {strides = array<i32>} : memref<64x272xf32, #tpu.memory_space<vmem>>, vector<1x16xf32>,
          %get3A_493 = vector.shape_cast %get3A_492 : vector<1x16xf32> to vector<16xf32>
          %mul3A_494 = arith.mulf %get3A_367, %get3A_493 : vector<16xf32>
          %add3A_495 = arith.addf %add3A_351, %mul3A_494 : vector<16xf32>
          %add3A_496 = arith.constant 16 : i32
          %add3A_497 = arith.addi %mul3A_67, %add3A_496 : i32
          %get3A_498 = arith.index_cast %add3A_363 : i32 to index
          %get3A_499 = arith.index_cast %add3A_497 : i32 to index
          %get3A_500 = tpu.vector_load %arg7[%get3A_498, %get3A_499] {strides = array<i32>} : memref<64x272xf32, #tpu.memory_space<vmem>>, vector<1x16xf32>,
          %get3A_501 = vector.shape_cast %get3A_500 : vector<1x16xf32> to vector<16xf32>
          %mul3A_502 = arith.mulf %get3A_367, %get3A_501 : vector<16xf32>
          %add3A_503 = arith.addf %add3A_359, %mul3A_502 : vector<16xf32>
          %mul3A_504 = arith.constant 4 : i32
          %mul3A_505 = arith.muli %scan3A_199, %mul3A_504 : i32
          %add3A_506 = arith.constant 2 : i32
          %add3A_507 = arith.addi %mul3A_505, %add3A_506 : i32
          %get3A_508 = arith.index_cast %add3A_507 : i32 to index
          %get3A_509 = arith.index_cast %mul3A_65 : i32 to index
          %get3A_510 = tpu.vector_load %arg6[%get3A_508, %get3A_509] {strides = array<i32>} : memref<64x256xf32, #tpu.memory_space<vmem>>, vector<1x16xf32>,
          %get3A_511 = vector.shape_cast %get3A_510 : vector<1x16xf32> to vector<16xf32>
          %add3A_512 = arith.constant 0 : i32
          %add3A_513 = arith.addi %mul3A_67, %add3A_512 : i32
          %get3A_514 = arith.index_cast %add3A_507 : i32 to index
          %get3A_515 = arith.index_cast %add3A_513 : i32 to index
          %get3A_516 = tpu.vector_load %arg7[%get3A_514, %get3A_515] {strides = array<i32>} : memref<64x272xf32, #tpu.memory_space<vmem>>, vector<1x16xf32>,
          %get3A_517 = vector.shape_cast %get3A_516 : vector<1x16xf32> to vector<16xf32>
          %mul3A_518 = arith.mulf %get3A_511, %get3A_517 : vector<16xf32>
          %add3A_519 = arith.addf %add3A_375, %mul3A_518 : vector<16xf32>
          %add3A_520 = arith.constant 1 : i32
          %add3A_521 = arith.addi %mul3A_67, %add3A_520 : i32
          %get3A_522 = arith.index_cast %add3A_507 : i32 to index
          %get3A_523 = arith.index_cast %add3A_521 : i32 to index
          %get3A_524 = tpu.vector_load %arg7[%get3A_522, %get3A_523] {strides = array<i32>} : memref<64x272xf32, #tpu.memory_space<vmem>>, vector<1x16xf32>,
          %get3A_525 = vector.shape_cast %get3A_524 : vector<1x16xf32> to vector<16xf32>
          %mul3A_526 = arith.mulf %get3A_511, %get3A_525 : vector<16xf32>
          %add3A_527 = arith.addf %add3A_383, %mul3A_526 : vector<16xf32>
          %add3A_528 = arith.constant 2 : i32
          %add3A_529 = arith.addi %mul3A_67, %add3A_528 : i32
          %get3A_530 = arith.index_cast %add3A_507 : i32 to index
          %get3A_531 = arith.index_cast %add3A_529 : i32 to index
          %get3A_532 = tpu.vector_load %arg7[%get3A_530, %get3A_531] {strides = array<i32>} : memref<64x272xf32, #tpu.memory_space<vmem>>, vector<1x16xf32>,
          %get3A_533 = vector.shape_cast %get3A_532 : vector<1x16xf32> to vector<16xf32>
          %mul3A_534 = arith.mulf %get3A_511, %get3A_533 : vector<16xf32>
          %add3A_535 = arith.addf %add3A_391, %mul3A_534 : vector<16xf32>
          %add3A_536 = arith.constant 3 : i32
          %add3A_537 = arith.addi %mul3A_67, %add3A_536 : i32
          %get3A_538 = arith.index_cast %add3A_507 : i32 to index
          %get3A_539 = arith.index_cast %add3A_537 : i32 to index
          %get3A_540 = tpu.vector_load %arg7[%get3A_538, %get3A_539] {strides = array<i32>} : memref<64x272xf32, #tpu.memory_space<vmem>>, vector<1x16xf32>,
          %get3A_541 = vector.shape_cast %get3A_540 : vector<1x16xf32> to vector<16xf32>
          %mul3A_542 = arith.mulf %get3A_511, %get3A_541 : vector<16xf32>
          %add3A_543 = arith.addf %add3A_399, %mul3A_542 : vector<16xf32>
          %add3A_544 = arith.constant 4 : i32
          %add3A_545 = arith.addi %mul3A_67, %add3A_544 : i32
          %get3A_546 = arith.index_cast %add3A_507 : i32 to index
          %get3A_547 = arith.index_cast %add3A_545 : i32 to index
          %get3A_548 = tpu.vector_load %arg7[%get3A_546, %get3A_547] {strides = array<i32>} : memref<64x272xf32, #tpu.memory_space<vmem>>, vector<1x16xf32>,
          %get3A_549 = vector.shape_cast %get3A_548 : vector<1x16xf32> to vector<16xf32>
          %mul3A_550 = arith.mulf %get3A_511, %get3A_549 : vector<16xf32>
          %add3A_551 = arith.addf %add3A_407, %mul3A_550 : vector<16xf32>
          %add3A_552 = arith.constant 5 : i32
          %add3A_553 = arith.addi %mul3A_67, %add3A_552 : i32
          %get3A_554 = arith.index_cast %add3A_507 : i32 to index
          %get3A_555 = arith.index_cast %add3A_553 : i32 to index
          %get3A_556 = tpu.vector_load %arg7[%get3A_554, %get3A_555] {strides = array<i32>} : memref<64x272xf32, #tpu.memory_space<vmem>>, vector<1x16xf32>,
          %get3A_557 = vector.shape_cast %get3A_556 : vector<1x16xf32> to vector<16xf32>
          %mul3A_558 = arith.mulf %get3A_511, %get3A_557 : vector<16xf32>
          %add3A_559 = arith.addf %add3A_415, %mul3A_558 : vector<16xf32>
          %add3A_560 = arith.constant 6 : i32
          %add3A_561 = arith.addi %mul3A_67, %add3A_560 : i32
          %get3A_562 = arith.index_cast %add3A_507 : i32 to index
          %get3A_563 = arith.index_cast %add3A_561 : i32 to index
          %get3A_564 = tpu.vector_load %arg7[%get3A_562, %get3A_563] {strides = array<i32>} : memref<64x272xf32, #tpu.memory_space<vmem>>, vector<1x16xf32>,
          %get3A_565 = vector.shape_cast %get3A_564 : vector<1x16xf32> to vector<16xf32>
          %mul3A_566 = arith.mulf %get3A_511, %get3A_565 : vector<16xf32>
          %add3A_567 = arith.addf %add3A_423, %mul3A_566 : vector<16xf32>
          %add3A_568 = arith.constant 7 : i32
          %add3A_569 = arith.addi %mul3A_67, %add3A_568 : i32
          %get3A_570 = arith.index_cast %add3A_507 : i32 to index
          %get3A_571 = arith.index_cast %add3A_569 : i32 to index
          %get3A_572 = tpu.vector_load %arg7[%get3A_570, %get3A_571] {strides = array<i32>} : memref<64x272xf32, #tpu.memory_space<vmem>>, vector<1x16xf32>,
          %get3A_573 = vector.shape_cast %get3A_572 : vector<1x16xf32> to vector<16xf32>
          %mul3A_574 = arith.mulf %get3A_511, %get3A_573 : vector<16xf32>
          %add3A_575 = arith.addf %add3A_431, %mul3A_574 : vector<16xf32>
          %add3A_576 = arith.constant 8 : i32
          %add3A_577 = arith.addi %mul3A_67, %add3A_576 : i32
          %get3A_578 = arith.index_cast %add3A_507 : i32 to index
          %get3A_579 = arith.index_cast %add3A_577 : i32 to index
          %get3A_580 = tpu.vector_load %arg7[%get3A_578, %get3A_579] {strides = array<i32>} : memref<64x272xf32, #tpu.memory_space<vmem>>, vector<1x16xf32>,
          %get3A_581 = vector.shape_cast %get3A_580 : vector<1x16xf32> to vector<16xf32>
          %mul3A_582 = arith.mulf %get3A_511, %get3A_581 : vector<16xf32>
          %add3A_583 = arith.addf %add3A_439, %mul3A_582 : vector<16xf32>
          %add3A_584 = arith.constant 9 : i32
          %add3A_585 = arith.addi %mul3A_67, %add3A_584 : i32
          %get3A_586 = arith.index_cast %add3A_507 : i32 to index
          %get3A_587 = arith.index_cast %add3A_585 : i32 to index
          %get3A_588 = tpu.vector_load %arg7[%get3A_586, %get3A_587] {strides = array<i32>} : memref<64x272xf32, #tpu.memory_space<vmem>>, vector<1x16xf32>,
          %get3A_589 = vector.shape_cast %get3A_588 : vector<1x16xf32> to vector<16xf32>
          %mul3A_590 = arith.mulf %get3A_511, %get3A_589 : vector<16xf32>
          %add3A_591 = arith.addf %add3A_447, %mul3A_590 : vector<16xf32>
          %add3A_592 = arith.constant 10 : i32
          %add3A_593 = arith.addi %mul3A_67, %add3A_592 : i32
          %get3A_594 = arith.index_cast %add3A_507 : i32 to index
          %get3A_595 = arith.index_cast %add3A_593 : i32 to index
          %get3A_596 = tpu.vector_load %arg7[%get3A_594, %get3A_595] {strides = array<i32>} : memref<64x272xf32, #tpu.memory_space<vmem>>, vector<1x16xf32>,
          %get3A_597 = vector.shape_cast %get3A_596 : vector<1x16xf32> to vector<16xf32>
          %mul3A_598 = arith.mulf %get3A_511, %get3A_597 : vector<16xf32>
          %add3A_599 = arith.addf %add3A_455, %mul3A_598 : vector<16xf32>
          %add3A_600 = arith.constant 11 : i32
          %add3A_601 = arith.addi %mul3A_67, %add3A_600 : i32
          %get3A_602 = arith.index_cast %add3A_507 : i32 to index
          %get3A_603 = arith.index_cast %add3A_601 : i32 to index
          %get3A_604 = tpu.vector_load %arg7[%get3A_602, %get3A_603] {strides = array<i32>} : memref<64x272xf32, #tpu.memory_space<vmem>>, vector<1x16xf32>,
          %get3A_605 = vector.shape_cast %get3A_604 : vector<1x16xf32> to vector<16xf32>
          %mul3A_606 = arith.mulf %get3A_511, %get3A_605 : vector<16xf32>
          %add3A_607 = arith.addf %add3A_463, %mul3A_606 : vector<16xf32>
          %add3A_608 = arith.constant 12 : i32
          %add3A_609 = arith.addi %mul3A_67, %add3A_608 : i32
          %get3A_610 = arith.index_cast %add3A_507 : i32 to index
          %get3A_611 = arith.index_cast %add3A_609 : i32 to index
          %get3A_612 = tpu.vector_load %arg7[%get3A_610, %get3A_611] {strides = array<i32>} : memref<64x272xf32, #tpu.memory_space<vmem>>, vector<1x16xf32>,
          %get3A_613 = vector.shape_cast %get3A_612 : vector<1x16xf32> to vector<16xf32>
          %mul3A_614 = arith.mulf %get3A_511, %get3A_613 : vector<16xf32>
          %add3A_615 = arith.addf %add3A_471, %mul3A_614 : vector<16xf32>
          %add3A_616 = arith.constant 13 : i32
          %add3A_617 = arith.addi %mul3A_67, %add3A_616 : i32
          %get3A_618 = arith.index_cast %add3A_507 : i32 to index
          %get3A_619 = arith.index_cast %add3A_617 : i32 to index
          %get3A_620 = tpu.vector_load %arg7[%get3A_618, %get3A_619] {strides = array<i32>} : memref<64x272xf32, #tpu.memory_space<vmem>>, vector<1x16xf32>,
          %get3A_621 = vector.shape_cast %get3A_620 : vector<1x16xf32> to vector<16xf32>
          %mul3A_622 = arith.mulf %get3A_511, %get3A_621 : vector<16xf32>
          %add3A_623 = arith.addf %add3A_479, %mul3A_622 : vector<16xf32>
          %add3A_624 = arith.constant 14 : i32
          %add3A_625 = arith.addi %mul3A_67, %add3A_624 : i32
          %get3A_626 = arith.index_cast %add3A_507 : i32 to index
          %get3A_627 = arith.index_cast %add3A_625 : i32 to index
          %get3A_628 = tpu.vector_load %arg7[%get3A_626, %get3A_627] {strides = array<i32>} : memref<64x272xf32, #tpu.memory_space<vmem>>, vector<1x16xf32>,
          %get3A_629 = vector.shape_cast %get3A_628 : vector<1x16xf32> to vector<16xf32>
          %mul3A_630 = arith.mulf %get3A_511, %get3A_629 : vector<16xf32>
          %add3A_631 = arith.addf %add3A_487, %mul3A_630 : vector<16xf32>
          %add3A_632 = arith.constant 15 : i32
          %add3A_633 = arith.addi %mul3A_67, %add3A_632 : i32
          %get3A_634 = arith.index_cast %add3A_507 : i32 to index
          %get3A_635 = arith.index_cast %add3A_633 : i32 to index
          %get3A_636 = tpu.vector_load %arg7[%get3A_634, %get3A_635] {strides = array<i32>} : memref<64x272xf32, #tpu.memory_space<vmem>>, vector<1x16xf32>,
          %get3A_637 = vector.shape_cast %get3A_636 : vector<1x16xf32> to vector<16xf32>
          %mul3A_638 = arith.mulf %get3A_511, %get3A_637 : vector<16xf32>
          %add3A_639 = arith.addf %add3A_495, %mul3A_638 : vector<16xf32>
          %add3A_640 = arith.constant 16 : i32
          %add3A_641 = arith.addi %mul3A_67, %add3A_640 : i32
          %get3A_642 = arith.index_cast %add3A_507 : i32 to index
          %get3A_643 = arith.index_cast %add3A_641 : i32 to index
          %get3A_644 = tpu.vector_load %arg7[%get3A_642, %get3A_643] {strides = array<i32>} : memref<64x272xf32, #tpu.memory_space<vmem>>, vector<1x16xf32>,
          %get3A_645 = vector.shape_cast %get3A_644 : vector<1x16xf32> to vector<16xf32>
          %mul3A_646 = arith.mulf %get3A_511, %get3A_645 : vector<16xf32>
          %add3A_647 = arith.addf %add3A_503, %mul3A_646 : vector<16xf32>
          %mul3A_648 = arith.constant 4 : i32
          %mul3A_649 = arith.muli %scan3A_199, %mul3A_648 : i32
          %add3A_650 = arith.constant 3 : i32
          %add3A_651 = arith.addi %mul3A_649, %add3A_650 : i32
          %get3A_652 = arith.index_cast %add3A_651 : i32 to index
          %get3A_653 = arith.index_cast %mul3A_65 : i32 to index
          %get3A_654 = tpu.vector_load %arg6[%get3A_652, %get3A_653] {strides = array<i32>} : memref<64x256xf32, #tpu.memory_space<vmem>>, vector<1x16xf32>,
          %get3A_655 = vector.shape_cast %get3A_654 : vector<1x16xf32> to vector<16xf32>
          %add3A_656 = arith.constant 0 : i32
          %add3A_657 = arith.addi %mul3A_67, %add3A_656 : i32
          %get3A_658 = arith.index_cast %add3A_651 : i32 to index
          %get3A_659 = arith.index_cast %add3A_657 : i32 to index
          %get3A_660 = tpu.vector_load %arg7[%get3A_658, %get3A_659] {strides = array<i32>} : memref<64x272xf32, #tpu.memory_space<vmem>>, vector<1x16xf32>,
          %get3A_661 = vector.shape_cast %get3A_660 : vector<1x16xf32> to vector<16xf32>
          %mul3A_662 = arith.mulf %get3A_655, %get3A_661 : vector<16xf32>
          %add3A_663 = arith.addf %add3A_519, %mul3A_662 : vector<16xf32>
          %add3A_664 = arith.constant 1 : i32
          %add3A_665 = arith.addi %mul3A_67, %add3A_664 : i32
          %get3A_666 = arith.index_cast %add3A_651 : i32 to index
          %get3A_667 = arith.index_cast %add3A_665 : i32 to index
          %get3A_668 = tpu.vector_load %arg7[%get3A_666, %get3A_667] {strides = array<i32>} : memref<64x272xf32, #tpu.memory_space<vmem>>, vector<1x16xf32>,
          %get3A_669 = vector.shape_cast %get3A_668 : vector<1x16xf32> to vector<16xf32>
          %mul3A_670 = arith.mulf %get3A_655, %get3A_669 : vector<16xf32>
          %add3A_671 = arith.addf %add3A_527, %mul3A_670 : vector<16xf32>
          %add3A_672 = arith.constant 2 : i32
          %add3A_673 = arith.addi %mul3A_67, %add3A_672 : i32
          %get3A_674 = arith.index_cast %add3A_651 : i32 to index
          %get3A_675 = arith.index_cast %add3A_673 : i32 to index
          %get3A_676 = tpu.vector_load %arg7[%get3A_674, %get3A_675] {strides = array<i32>} : memref<64x272xf32, #tpu.memory_space<vmem>>, vector<1x16xf32>,
          %get3A_677 = vector.shape_cast %get3A_676 : vector<1x16xf32> to vector<16xf32>
          %mul3A_678 = arith.mulf %get3A_655, %get3A_677 : vector<16xf32>
          %add3A_679 = arith.addf %add3A_535, %mul3A_678 : vector<16xf32>
          %add3A_680 = arith.constant 3 : i32
          %add3A_681 = arith.addi %mul3A_67, %add3A_680 : i32
          %get3A_682 = arith.index_cast %add3A_651 : i32 to index
          %get3A_683 = arith.index_cast %add3A_681 : i32 to index
          %get3A_684 = tpu.vector_load %arg7[%get3A_682, %get3A_683] {strides = array<i32>} : memref<64x272xf32, #tpu.memory_space<vmem>>, vector<1x16xf32>,
          %get3A_685 = vector.shape_cast %get3A_684 : vector<1x16xf32> to vector<16xf32>
          %mul3A_686 = arith.mulf %get3A_655, %get3A_685 : vector<16xf32>
          %add3A_687 = arith.addf %add3A_543, %mul3A_686 : vector<16xf32>
          %add3A_688 = arith.constant 4 : i32
          %add3A_689 = arith.addi %mul3A_67, %add3A_688 : i32
          %get3A_690 = arith.index_cast %add3A_651 : i32 to index
          %get3A_691 = arith.index_cast %add3A_689 : i32 to index
          %get3A_692 = tpu.vector_load %arg7[%get3A_690, %get3A_691] {strides = array<i32>} : memref<64x272xf32, #tpu.memory_space<vmem>>, vector<1x16xf32>,
          %get3A_693 = vector.shape_cast %get3A_692 : vector<1x16xf32> to vector<16xf32>
          %mul3A_694 = arith.mulf %get3A_655, %get3A_693 : vector<16xf32>
          %add3A_695 = arith.addf %add3A_551, %mul3A_694 : vector<16xf32>
          %add3A_696 = arith.constant 5 : i32
          %add3A_697 = arith.addi %mul3A_67, %add3A_696 : i32
          %get3A_698 = arith.index_cast %add3A_651 : i32 to index
          %get3A_699 = arith.index_cast %add3A_697 : i32 to index
          %get3A_700 = tpu.vector_load %arg7[%get3A_698, %get3A_699] {strides = array<i32>} : memref<64x272xf32, #tpu.memory_space<vmem>>, vector<1x16xf32>,
          %get3A_701 = vector.shape_cast %get3A_700 : vector<1x16xf32> to vector<16xf32>
          %mul3A_702 = arith.mulf %get3A_655, %get3A_701 : vector<16xf32>
          %add3A_703 = arith.addf %add3A_559, %mul3A_702 : vector<16xf32>
          %add3A_704 = arith.constant 6 : i32
          %add3A_705 = arith.addi %mul3A_67, %add3A_704 : i32
          %get3A_706 = arith.index_cast %add3A_651 : i32 to index
          %get3A_707 = arith.index_cast %add3A_705 : i32 to index
          %get3A_708 = tpu.vector_load %arg7[%get3A_706, %get3A_707] {strides = array<i32>} : memref<64x272xf32, #tpu.memory_space<vmem>>, vector<1x16xf32>,
          %get3A_709 = vector.shape_cast %get3A_708 : vector<1x16xf32> to vector<16xf32>
          %mul3A_710 = arith.mulf %get3A_655, %get3A_709 : vector<16xf32>
          %add3A_711 = arith.addf %add3A_567, %mul3A_710 : vector<16xf32>
          %add3A_712 = arith.constant 7 : i32
          %add3A_713 = arith.addi %mul3A_67, %add3A_712 : i32
          %get3A_714 = arith.index_cast %add3A_651 : i32 to index
          %get3A_715 = arith.index_cast %add3A_713 : i32 to index
          %get3A_716 = tpu.vector_load %arg7[%get3A_714, %get3A_715] {strides = array<i32>} : memref<64x272xf32, #tpu.memory_space<vmem>>, vector<1x16xf32>,
          %get3A_717 = vector.shape_cast %get3A_716 : vector<1x16xf32> to vector<16xf32>
          %mul3A_718 = arith.mulf %get3A_655, %get3A_717 : vector<16xf32>
          %add3A_719 = arith.addf %add3A_575, %mul3A_718 : vector<16xf32>
          %add3A_720 = arith.constant 8 : i32
          %add3A_721 = arith.addi %mul3A_67, %add3A_720 : i32
          %get3A_722 = arith.index_cast %add3A_651 : i32 to index
          %get3A_723 = arith.index_cast %add3A_721 : i32 to index
          %get3A_724 = tpu.vector_load %arg7[%get3A_722, %get3A_723] {strides = array<i32>} : memref<64x272xf32, #tpu.memory_space<vmem>>, vector<1x16xf32>,
          %get3A_725 = vector.shape_cast %get3A_724 : vector<1x16xf32> to vector<16xf32>
          %mul3A_726 = arith.mulf %get3A_655, %get3A_725 : vector<16xf32>
          %add3A_727 = arith.addf %add3A_583, %mul3A_726 : vector<16xf32>
          %add3A_728 = arith.constant 9 : i32
          %add3A_729 = arith.addi %mul3A_67, %add3A_728 : i32
          %get3A_730 = arith.index_cast %add3A_651 : i32 to index
          %get3A_731 = arith.index_cast %add3A_729 : i32 to index
          %get3A_732 = tpu.vector_load %arg7[%get3A_730, %get3A_731] {strides = array<i32>} : memref<64x272xf32, #tpu.memory_space<vmem>>, vector<1x16xf32>,
          %get3A_733 = vector.shape_cast %get3A_732 : vector<1x16xf32> to vector<16xf32>
          %mul3A_734 = arith.mulf %get3A_655, %get3A_733 : vector<16xf32>
          %add3A_735 = arith.addf %add3A_591, %mul3A_734 : vector<16xf32>
          %add3A_736 = arith.constant 10 : i32
          %add3A_737 = arith.addi %mul3A_67, %add3A_736 : i32
          %get3A_738 = arith.index_cast %add3A_651 : i32 to index
          %get3A_739 = arith.index_cast %add3A_737 : i32 to index
          %get3A_740 = tpu.vector_load %arg7[%get3A_738, %get3A_739] {strides = array<i32>} : memref<64x272xf32, #tpu.memory_space<vmem>>, vector<1x16xf32>,
          %get3A_741 = vector.shape_cast %get3A_740 : vector<1x16xf32> to vector<16xf32>
          %mul3A_742 = arith.mulf %get3A_655, %get3A_741 : vector<16xf32>
          %add3A_743 = arith.addf %add3A_599, %mul3A_742 : vector<16xf32>
          %add3A_744 = arith.constant 11 : i32
          %add3A_745 = arith.addi %mul3A_67, %add3A_744 : i32
          %get3A_746 = arith.index_cast %add3A_651 : i32 to index
          %get3A_747 = arith.index_cast %add3A_745 : i32 to index
          %get3A_748 = tpu.vector_load %arg7[%get3A_746, %get3A_747] {strides = array<i32>} : memref<64x272xf32, #tpu.memory_space<vmem>>, vector<1x16xf32>,
          %get3A_749 = vector.shape_cast %get3A_748 : vector<1x16xf32> to vector<16xf32>
          %mul3A_750 = arith.mulf %get3A_655, %get3A_749 : vector<16xf32>
          %add3A_751 = arith.addf %add3A_607, %mul3A_750 : vector<16xf32>
          %add3A_752 = arith.constant 12 : i32
          %add3A_753 = arith.addi %mul3A_67, %add3A_752 : i32
          %get3A_754 = arith.index_cast %add3A_651 : i32 to index
          %get3A_755 = arith.index_cast %add3A_753 : i32 to index
          %get3A_756 = tpu.vector_load %arg7[%get3A_754, %get3A_755] {strides = array<i32>} : memref<64x272xf32, #tpu.memory_space<vmem>>, vector<1x16xf32>,
          %get3A_757 = vector.shape_cast %get3A_756 : vector<1x16xf32> to vector<16xf32>
          %mul3A_758 = arith.mulf %get3A_655, %get3A_757 : vector<16xf32>
          %add3A_759 = arith.addf %add3A_615, %mul3A_758 : vector<16xf32>
          %add3A_760 = arith.constant 13 : i32
          %add3A_761 = arith.addi %mul3A_67, %add3A_760 : i32
          %get3A_762 = arith.index_cast %add3A_651 : i32 to index
          %get3A_763 = arith.index_cast %add3A_761 : i32 to index
          %get3A_764 = tpu.vector_load %arg7[%get3A_762, %get3A_763] {strides = array<i32>} : memref<64x272xf32, #tpu.memory_space<vmem>>, vector<1x16xf32>,
          %get3A_765 = vector.shape_cast %get3A_764 : vector<1x16xf32> to vector<16xf32>
          %mul3A_766 = arith.mulf %get3A_655, %get3A_765 : vector<16xf32>
          %add3A_767 = arith.addf %add3A_623, %mul3A_766 : vector<16xf32>
          %add3A_768 = arith.constant 14 : i32
          %add3A_769 = arith.addi %mul3A_67, %add3A_768 : i32
          %get3A_770 = arith.index_cast %add3A_651 : i32 to index
          %get3A_771 = arith.index_cast %add3A_769 : i32 to index
          %get3A_772 = tpu.vector_load %arg7[%get3A_770, %get3A_771] {strides = array<i32>} : memref<64x272xf32, #tpu.memory_space<vmem>>, vector<1x16xf32>,
          %get3A_773 = vector.shape_cast %get3A_772 : vector<1x16xf32> to vector<16xf32>
          %mul3A_774 = arith.mulf %get3A_655, %get3A_773 : vector<16xf32>
          %add3A_775 = arith.addf %add3A_631, %mul3A_774 : vector<16xf32>
          %add3A_776 = arith.constant 15 : i32
          %add3A_777 = arith.addi %mul3A_67, %add3A_776 : i32
          %get3A_778 = arith.index_cast %add3A_651 : i32 to index
          %get3A_779 = arith.index_cast %add3A_777 : i32 to index
          %get3A_780 = tpu.vector_load %arg7[%get3A_778, %get3A_779] {strides = array<i32>} : memref<64x272xf32, #tpu.memory_space<vmem>>, vector<1x16xf32>,
          %get3A_781 = vector.shape_cast %get3A_780 : vector<1x16xf32> to vector<16xf32>
          %mul3A_782 = arith.mulf %get3A_655, %get3A_781 : vector<16xf32>
          %add3A_783 = arith.addf %add3A_639, %mul3A_782 : vector<16xf32>
          %add3A_784 = arith.constant 16 : i32
          %add3A_785 = arith.addi %mul3A_67, %add3A_784 : i32
          %get3A_786 = arith.index_cast %add3A_651 : i32 to index
          %get3A_787 = arith.index_cast %add3A_785 : i32 to index
          %get3A_788 = tpu.vector_load %arg7[%get3A_786, %get3A_787] {strides = array<i32>} : memref<64x272xf32, #tpu.memory_space<vmem>>, vector<1x16xf32>,
          %get3A_789 = vector.shape_cast %get3A_788 : vector<1x16xf32> to vector<16xf32>
          %mul3A_790 = arith.mulf %get3A_655, %get3A_789 : vector<16xf32>
          %add3A_791 = arith.addf %add3A_647, %mul3A_790 : vector<16xf32>
          scf.yield %add3A_663, %add3A_671, %add3A_679, %add3A_687, %add3A_695, %add3A_703, %add3A_711, %add3A_719, %add3A_727, %add3A_735, %add3A_743, %add3A_751, %add3A_759, %add3A_767, %add3A_775, %add3A_783, %add3A_791 : vector<16xf32>, vector<16xf32>, vector<16xf32>, vector<16xf32>, vector<16xf32>, vector<16xf32>, vector<16xf32>, vector<16xf32>, vector<16xf32>, vector<16xf32>, vector<16xf32>, vector<16xf32>, vector<16xf32>, vector<16xf32>, vector<16xf32>, vector<16xf32>, vector<16xf32>
        }
        %scan3A_106 = arith.constant 16 : i32
        %max3A = arith.maximumf %scan3A_105#0, %scan3A_105#1 : vector<16xf32>
        %max3A_107 = arith.maximumf %scan3A_105#2, %scan3A_105#3 : vector<16xf32>
        %max3A_108 = arith.maximumf %scan3A_105#4, %scan3A_105#5 : vector<16xf32>
        %max3A_109 = arith.maximumf %scan3A_105#6, %scan3A_105#7 : vector<16xf32>
        %max3A_110 = arith.maximumf %scan3A_105#8, %scan3A_105#9 : vector<16xf32>
        %max3A_111 = arith.maximumf %scan3A_105#10, %scan3A_105#11 : vector<16xf32>
        %max3A_112 = arith.maximumf %scan3A_105#12, %scan3A_105#13 : vector<16xf32>
        %max3A_113 = arith.maximumf %scan3A_105#14, %scan3A_105#15 : vector<16xf32>
        %max3A_114 = arith.maximumf %max3A, %max3A_107 : vector<16xf32>
        %max3A_115 = arith.maximumf %max3A_108, %max3A_109 : vector<16xf32>
        %max3A_116 = arith.maximumf %max3A_110, %max3A_111 : vector<16xf32>
        %max3A_117 = arith.maximumf %max3A_112, %max3A_113 : vector<16xf32>
        %max3A_118 = arith.maximumf %max3A_114, %max3A_115 : vector<16xf32>
        %max3A_119 = arith.maximumf %max3A_116, %max3A_117 : vector<16xf32>
        %max3A_120 = arith.maximumf %max3A_118, %max3A_119 : vector<16xf32>
        %max3A_121 = arith.maximumf %max3A_120, %scan3A_105#16 : vector<16xf32>
        %sub3A_122 = arith.subf %scan3A_105#0, %max3A_121 : vector<16xf32>
        %exp3A = math.exp %sub3A_122 : vector<16xf32>
        %sub3A_123 = arith.subf %scan3A_105#1, %max3A_121 : vector<16xf32>
        %exp3A_124 = math.exp %sub3A_123 : vector<16xf32>
        %sub3A_125 = arith.subf %scan3A_105#2, %max3A_121 : vector<16xf32>
        %exp3A_126 = math.exp %sub3A_125 : vector<16xf32>
        %sub3A_127 = arith.subf %scan3A_105#3, %max3A_121 : vector<16xf32>
        %exp3A_128 = math.exp %sub3A_127 : vector<16xf32>
        %sub3A_129 = arith.subf %scan3A_105#4, %max3A_121 : vector<16xf32>
        %exp3A_130 = math.exp %sub3A_129 : vector<16xf32>
        %sub3A_131 = arith.subf %scan3A_105#5, %max3A_121 : vector<16xf32>
        %exp3A_132 = math.exp %sub3A_131 : vector<16xf32>
        %sub3A_133 = arith.subf %scan3A_105#6, %max3A_121 : vector<16xf32>
        %exp3A_134 = math.exp %sub3A_133 : vector<16xf32>
        %sub3A_135 = arith.subf %scan3A_105#7, %max3A_121 : vector<16xf32>
        %exp3A_136 = math.exp %sub3A_135 : vector<16xf32>
        %sub3A_137 = arith.subf %scan3A_105#8, %max3A_121 : vector<16xf32>
        %exp3A_138 = math.exp %sub3A_137 : vector<16xf32>
        %sub3A_139 = arith.subf %scan3A_105#9, %max3A_121 : vector<16xf32>
        %exp3A_140 = math.exp %sub3A_139 : vector<16xf32>
        %sub3A_141 = arith.subf %scan3A_105#10, %max3A_121 : vector<16xf32>
        %exp3A_142 = math.exp %sub3A_141 : vector<16xf32>
        %sub3A_143 = arith.subf %scan3A_105#11, %max3A_121 : vector<16xf32>
        %exp3A_144 = math.exp %sub3A_143 : vector<16xf32>
        %sub3A_145 = arith.subf %scan3A_105#12, %max3A_121 : vector<16xf32>
        %exp3A_146 = math.exp %sub3A_145 : vector<16xf32>
        %sub3A_147 = arith.subf %scan3A_105#13, %max3A_121 : vector<16xf32>
        %exp3A_148 = math.exp %sub3A_147 : vector<16xf32>
        %sub3A_149 = arith.subf %scan3A_105#14, %max3A_121 : vector<16xf32>
        %exp3A_150 = math.exp %sub3A_149 : vector<16xf32>
        %sub3A_151 = arith.subf %scan3A_105#15, %max3A_121 : vector<16xf32>
        %exp3A_152 = math.exp %sub3A_151 : vector<16xf32>
        %sub3A_153 = arith.subf %scan3A_105#16, %max3A_121 : vector<16xf32>
        %exp3A_154 = math.exp %sub3A_153 : vector<16xf32>
        %add3A_155 = arith.addf %exp3A, %exp3A_124 : vector<16xf32>
        %add3A_156 = arith.addf %exp3A_126, %exp3A_128 : vector<16xf32>
        %add3A_157 = arith.addf %exp3A_130, %exp3A_132 : vector<16xf32>
        %add3A_158 = arith.addf %exp3A_134, %exp3A_136 : vector<16xf32>
        %add3A_159 = arith.addf %exp3A_138, %exp3A_140 : vector<16xf32>
        %add3A_160 = arith.addf %exp3A_142, %exp3A_144 : vector<16xf32>
        %add3A_161 = arith.addf %exp3A_146, %exp3A_148 : vector<16xf32>
        %add3A_162 = arith.addf %exp3A_150, %exp3A_152 : vector<16xf32>
        %add3A_163 = arith.addf %add3A_155, %add3A_156 : vector<16xf32>
        %add3A_164 = arith.addf %add3A_157, %add3A_158 : vector<16xf32>
        %add3A_165 = arith.addf %add3A_159, %add3A_160 : vector<16xf32>
        %add3A_166 = arith.addf %add3A_161, %add3A_162 : vector<16xf32>
        %add3A_167 = arith.addf %add3A_163, %add3A_164 : vector<16xf32>
        %add3A_168 = arith.addf %add3A_165, %add3A_166 : vector<16xf32>
        %add3A_169 = arith.addf %add3A_167, %add3A_168 : vector<16xf32>
        %add3A_170 = arith.addf %add3A_169, %exp3A_154 : vector<16xf32>
        %div3A_171 = arith.constant 1.000000e+00 : f32
        %div3A_172 = vector.broadcast %div3A_171 : f32 to vector<16xf32>
        %div3A_173 = arith.divf %div3A_172, %add3A_170 : vector<16xf32>
        %mul3A_174 = arith.mulf %exp3A, %div3A_173 : vector<16xf32>
        %mul3A_175 = arith.mulf %exp3A_124, %div3A_173 : vector<16xf32>
        %mul3A_176 = arith.mulf %exp3A_126, %div3A_173 : vector<16xf32>
        %mul3A_177 = arith.mulf %exp3A_128, %div3A_173 : vector<16xf32>
        %mul3A_178 = arith.mulf %exp3A_130, %div3A_173 : vector<16xf32>
        %mul3A_179 = arith.mulf %exp3A_132, %div3A_173 : vector<16xf32>
        %mul3A_180 = arith.mulf %exp3A_134, %div3A_173 : vector<16xf32>
        %mul3A_181 = arith.mulf %exp3A_136, %div3A_173 : vector<16xf32>
        %mul3A_182 = arith.mulf %exp3A_138, %div3A_173 : vector<16xf32>
        %mul3A_183 = arith.mulf %exp3A_140, %div3A_173 : vector<16xf32>
        %mul3A_184 = arith.mulf %exp3A_142, %div3A_173 : vector<16xf32>
        %mul3A_185 = arith.mulf %exp3A_144, %div3A_173 : vector<16xf32>
        %mul3A_186 = arith.mulf %exp3A_146, %div3A_173 : vector<16xf32>
        %mul3A_187 = arith.mulf %exp3A_148, %div3A_173 : vector<16xf32>
        %mul3A_188 = arith.mulf %exp3A_150, %div3A_173 : vector<16xf32>
        %mul3A_189 = arith.mulf %exp3A_152, %div3A_173 : vector<16xf32>
        %mul3A_190 = arith.mulf %exp3A_154, %div3A_173 : vector<16xf32>
        %scan3A_191 = arith.constant 0 : i32
        %scan3A_192 = arith.constant 0 : i32
        %scan3A_193 = arith.constant 16 : i32
        %scan3A_194 = arith.addi %scan3A_192, %scan3A_193 : i32
        %scan3A_195 = arith.constant 1 : i32
        %scan3A_196 = scf.for %scan3A_199 = %scan3A_192 to %scan3A_194 step %scan3A_195 iter_args(%scan3A_200 = %scan3A_191) -> (i32)  : i32 {
          %mul3A_201 = arith.constant 4 : i32
          %mul3A_202 = arith.muli %scan3A_199, %mul3A_201 : i32
          %add3A_203 = arith.constant 0 : i32
          %add3A_204 = arith.addi %mul3A_202, %add3A_203 : i32
          %add3A_205 = arith.constant 0 : i32
          %add3A_206 = arith.addi %mul3A_67, %add3A_205 : i32
          %get3A = arith.index_cast %add3A_204 : i32 to index
          %get3A_207 = arith.index_cast %add3A_206 : i32 to index
          %get3A_208 = tpu.vector_load %arg8[%get3A, %get3A_207] {strides = array<i32>} : memref<64x272xf32, #tpu.memory_space<vmem>>, vector<1x16xf32>,
          %get3A_209 = vector.shape_cast %get3A_208 : vector<1x16xf32> to vector<16xf32>
          %mul3A_210 = arith.mulf %mul3A_174, %get3A_209 : vector<16xf32>
          %add3A_211 = arith.constant 1 : i32
          %add3A_212 = arith.addi %mul3A_67, %add3A_211 : i32
          %get3A_213 = arith.index_cast %add3A_204 : i32 to index
          %get3A_214 = arith.index_cast %add3A_212 : i32 to index
          %get3A_215 = tpu.vector_load %arg8[%get3A_213, %get3A_214] {strides = array<i32>} : memref<64x272xf32, #tpu.memory_space<vmem>>, vector<1x16xf32>,
          %get3A_216 = vector.shape_cast %get3A_215 : vector<1x16xf32> to vector<16xf32>
          %mul3A_217 = arith.mulf %mul3A_175, %get3A_216 : vector<16xf32>
          %add3A_218 = arith.constant 2 : i32
          %add3A_219 = arith.addi %mul3A_67, %add3A_218 : i32
          %get3A_220 = arith.index_cast %add3A_204 : i32 to index
          %get3A_221 = arith.index_cast %add3A_219 : i32 to index
          %get3A_222 = tpu.vector_load %arg8[%get3A_220, %get3A_221] {strides = array<i32>} : memref<64x272xf32, #tpu.memory_space<vmem>>, vector<1x16xf32>,
          %get3A_223 = vector.shape_cast %get3A_222 : vector<1x16xf32> to vector<16xf32>
          %mul3A_224 = arith.mulf %mul3A_176, %get3A_223 : vector<16xf32>
          %add3A_225 = arith.constant 3 : i32
          %add3A_226 = arith.addi %mul3A_67, %add3A_225 : i32
          %get3A_227 = arith.index_cast %add3A_204 : i32 to index
          %get3A_228 = arith.index_cast %add3A_226 : i32 to index
          %get3A_229 = tpu.vector_load %arg8[%get3A_227, %get3A_228] {strides = array<i32>} : memref<64x272xf32, #tpu.memory_space<vmem>>, vector<1x16xf32>,
          %get3A_230 = vector.shape_cast %get3A_229 : vector<1x16xf32> to vector<16xf32>
          %mul3A_231 = arith.mulf %mul3A_177, %get3A_230 : vector<16xf32>
          %add3A_232 = arith.constant 4 : i32
          %add3A_233 = arith.addi %mul3A_67, %add3A_232 : i32
          %get3A_234 = arith.index_cast %add3A_204 : i32 to index
          %get3A_235 = arith.index_cast %add3A_233 : i32 to index
          %get3A_236 = tpu.vector_load %arg8[%get3A_234, %get3A_235] {strides = array<i32>} : memref<64x272xf32, #tpu.memory_space<vmem>>, vector<1x16xf32>,
          %get3A_237 = vector.shape_cast %get3A_236 : vector<1x16xf32> to vector<16xf32>
          %mul3A_238 = arith.mulf %mul3A_178, %get3A_237 : vector<16xf32>
          %add3A_239 = arith.constant 5 : i32
          %add3A_240 = arith.addi %mul3A_67, %add3A_239 : i32
          %get3A_241 = arith.index_cast %add3A_204 : i32 to index
          %get3A_242 = arith.index_cast %add3A_240 : i32 to index
          %get3A_243 = tpu.vector_load %arg8[%get3A_241, %get3A_242] {strides = array<i32>} : memref<64x272xf32, #tpu.memory_space<vmem>>, vector<1x16xf32>,
          %get3A_244 = vector.shape_cast %get3A_243 : vector<1x16xf32> to vector<16xf32>
          %mul3A_245 = arith.mulf %mul3A_179, %get3A_244 : vector<16xf32>
          %add3A_246 = arith.constant 6 : i32
          %add3A_247 = arith.addi %mul3A_67, %add3A_246 : i32
          %get3A_248 = arith.index_cast %add3A_204 : i32 to index
          %get3A_249 = arith.index_cast %add3A_247 : i32 to index
          %get3A_250 = tpu.vector_load %arg8[%get3A_248, %get3A_249] {strides = array<i32>} : memref<64x272xf32, #tpu.memory_space<vmem>>, vector<1x16xf32>,
          %get3A_251 = vector.shape_cast %get3A_250 : vector<1x16xf32> to vector<16xf32>
          %mul3A_252 = arith.mulf %mul3A_180, %get3A_251 : vector<16xf32>
          %add3A_253 = arith.constant 7 : i32
          %add3A_254 = arith.addi %mul3A_67, %add3A_253 : i32
          %get3A_255 = arith.index_cast %add3A_204 : i32 to index
          %get3A_256 = arith.index_cast %add3A_254 : i32 to index
          %get3A_257 = tpu.vector_load %arg8[%get3A_255, %get3A_256] {strides = array<i32>} : memref<64x272xf32, #tpu.memory_space<vmem>>, vector<1x16xf32>,
          %get3A_258 = vector.shape_cast %get3A_257 : vector<1x16xf32> to vector<16xf32>
          %mul3A_259 = arith.mulf %mul3A_181, %get3A_258 : vector<16xf32>
          %add3A_260 = arith.constant 8 : i32
          %add3A_261 = arith.addi %mul3A_67, %add3A_260 : i32
          %get3A_262 = arith.index_cast %add3A_204 : i32 to index
          %get3A_263 = arith.index_cast %add3A_261 : i32 to index
          %get3A_264 = tpu.vector_load %arg8[%get3A_262, %get3A_263] {strides = array<i32>} : memref<64x272xf32, #tpu.memory_space<vmem>>, vector<1x16xf32>,
          %get3A_265 = vector.shape_cast %get3A_264 : vector<1x16xf32> to vector<16xf32>
          %mul3A_266 = arith.mulf %mul3A_182, %get3A_265 : vector<16xf32>
          %add3A_267 = arith.constant 9 : i32
          %add3A_268 = arith.addi %mul3A_67, %add3A_267 : i32
          %get3A_269 = arith.index_cast %add3A_204 : i32 to index
          %get3A_270 = arith.index_cast %add3A_268 : i32 to index
          %get3A_271 = tpu.vector_load %arg8[%get3A_269, %get3A_270] {strides = array<i32>} : memref<64x272xf32, #tpu.memory_space<vmem>>, vector<1x16xf32>,
          %get3A_272 = vector.shape_cast %get3A_271 : vector<1x16xf32> to vector<16xf32>
          %mul3A_273 = arith.mulf %mul3A_183, %get3A_272 : vector<16xf32>
          %add3A_274 = arith.constant 10 : i32
          %add3A_275 = arith.addi %mul3A_67, %add3A_274 : i32
          %get3A_276 = arith.index_cast %add3A_204 : i32 to index
          %get3A_277 = arith.index_cast %add3A_275 : i32 to index
          %get3A_278 = tpu.vector_load %arg8[%get3A_276, %get3A_277] {strides = array<i32>} : memref<64x272xf32, #tpu.memory_space<vmem>>, vector<1x16xf32>,
          %get3A_279 = vector.shape_cast %get3A_278 : vector<1x16xf32> to vector<16xf32>
          %mul3A_280 = arith.mulf %mul3A_184, %get3A_279 : vector<16xf32>
          %add3A_281 = arith.constant 11 : i32
          %add3A_282 = arith.addi %mul3A_67, %add3A_281 : i32
          %get3A_283 = arith.index_cast %add3A_204 : i32 to index
          %get3A_284 = arith.index_cast %add3A_282 : i32 to index
          %get3A_285 = tpu.vector_load %arg8[%get3A_283, %get3A_284] {strides = array<i32>} : memref<64x272xf32, #tpu.memory_space<vmem>>, vector<1x16xf32>,
          %get3A_286 = vector.shape_cast %get3A_285 : vector<1x16xf32> to vector<16xf32>
          %mul3A_287 = arith.mulf %mul3A_185, %get3A_286 : vector<16xf32>
          %add3A_288 = arith.constant 12 : i32
          %add3A_289 = arith.addi %mul3A_67, %add3A_288 : i32
          %get3A_290 = arith.index_cast %add3A_204 : i32 to index
          %get3A_291 = arith.index_cast %add3A_289 : i32 to index
          %get3A_292 = tpu.vector_load %arg8[%get3A_290, %get3A_291] {strides = array<i32>} : memref<64x272xf32, #tpu.memory_space<vmem>>, vector<1x16xf32>,
          %get3A_293 = vector.shape_cast %get3A_292 : vector<1x16xf32> to vector<16xf32>
          %mul3A_294 = arith.mulf %mul3A_186, %get3A_293 : vector<16xf32>
          %add3A_295 = arith.constant 13 : i32
          %add3A_296 = arith.addi %mul3A_67, %add3A_295 : i32
          %get3A_297 = arith.index_cast %add3A_204 : i32 to index
          %get3A_298 = arith.index_cast %add3A_296 : i32 to index
          %get3A_299 = tpu.vector_load %arg8[%get3A_297, %get3A_298] {strides = array<i32>} : memref<64x272xf32, #tpu.memory_space<vmem>>, vector<1x16xf32>,
          %get3A_300 = vector.shape_cast %get3A_299 : vector<1x16xf32> to vector<16xf32>
          %mul3A_301 = arith.mulf %mul3A_187, %get3A_300 : vector<16xf32>
          %add3A_302 = arith.constant 14 : i32
          %add3A_303 = arith.addi %mul3A_67, %add3A_302 : i32
          %get3A_304 = arith.index_cast %add3A_204 : i32 to index
          %get3A_305 = arith.index_cast %add3A_303 : i32 to index
          %get3A_306 = tpu.vector_load %arg8[%get3A_304, %get3A_305] {strides = array<i32>} : memref<64x272xf32, #tpu.memory_space<vmem>>, vector<1x16xf32>,
          %get3A_307 = vector.shape_cast %get3A_306 : vector<1x16xf32> to vector<16xf32>
          %mul3A_308 = arith.mulf %mul3A_188, %get3A_307 : vector<16xf32>
          %add3A_309 = arith.constant 15 : i32
          %add3A_310 = arith.addi %mul3A_67, %add3A_309 : i32
          %get3A_311 = arith.index_cast %add3A_204 : i32 to index
          %get3A_312 = arith.index_cast %add3A_310 : i32 to index
          %get3A_313 = tpu.vector_load %arg8[%get3A_311, %get3A_312] {strides = array<i32>} : memref<64x272xf32, #tpu.memory_space<vmem>>, vector<1x16xf32>,
          %get3A_314 = vector.shape_cast %get3A_313 : vector<1x16xf32> to vector<16xf32>
          %mul3A_315 = arith.mulf %mul3A_189, %get3A_314 : vector<16xf32>
          %add3A_316 = arith.constant 16 : i32
          %add3A_317 = arith.addi %mul3A_67, %add3A_316 : i32
          %get3A_318 = arith.index_cast %add3A_204 : i32 to index
          %get3A_319 = arith.index_cast %add3A_317 : i32 to index
          %get3A_320 = tpu.vector_load %arg8[%get3A_318, %get3A_319] {strides = array<i32>} : memref<64x272xf32, #tpu.memory_space<vmem>>, vector<1x16xf32>,
          %get3A_321 = vector.shape_cast %get3A_320 : vector<1x16xf32> to vector<16xf32>
          %mul3A_322 = arith.mulf %mul3A_190, %get3A_321 : vector<16xf32>
          %add3A_323 = arith.addf %mul3A_210, %mul3A_217 : vector<16xf32>
          %add3A_324 = arith.addf %mul3A_224, %mul3A_231 : vector<16xf32>
          %add3A_325 = arith.addf %mul3A_238, %mul3A_245 : vector<16xf32>
          %add3A_326 = arith.addf %mul3A_252, %mul3A_259 : vector<16xf32>
          %add3A_327 = arith.addf %mul3A_266, %mul3A_273 : vector<16xf32>
          %add3A_328 = arith.addf %mul3A_280, %mul3A_287 : vector<16xf32>
          %add3A_329 = arith.addf %mul3A_294, %mul3A_301 : vector<16xf32>
          %add3A_330 = arith.addf %mul3A_308, %mul3A_315 : vector<16xf32>
          %add3A_331 = arith.addf %add3A_323, %add3A_324 : vector<16xf32>
          %add3A_332 = arith.addf %add3A_325, %add3A_326 : vector<16xf32>
          %add3A_333 = arith.addf %add3A_327, %add3A_328 : vector<16xf32>
          %add3A_334 = arith.addf %add3A_329, %add3A_330 : vector<16xf32>
          %add3A_335 = arith.addf %add3A_331, %add3A_332 : vector<16xf32>
          %add3A_336 = arith.addf %add3A_333, %add3A_334 : vector<16xf32>
          %add3A_337 = arith.addf %add3A_335, %add3A_336 : vector<16xf32>
          %add3A_338 = arith.addf %add3A_337, %mul3A_322 : vector<16xf32>
          %swap3A = arith.index_cast %add3A_204 : i32 to index
          %swap3A_339 = arith.index_cast %mul3A_65 : i32 to index
          %swap3A_340 = tpu.vector_load %arg9[%swap3A, %swap3A_339] {strides = array<i32>} : memref<64x256xf32, #tpu.memory_space<vmem>>, vector<1x16xf32>,
          %swap3A_341 = vector.shape_cast %swap3A_340 : vector<1x16xf32> to vector<16xf32>
          %swap3A_342 = vector.shape_cast %add3A_338 : vector<16xf32> to vector<1x16xf32>
          tpu.vector_store %arg9[%swap3A, %swap3A_339], %swap3A_342 {strides = array<i32>} : memref<64x256xf32, #tpu.memory_space<vmem>>, vector<1x16xf32>,
          %mul3A_343 = arith.constant 4 : i32
          %mul3A_344 = arith.muli %scan3A_199, %mul3A_343 : i32
          %add3A_345 = arith.constant 1 : i32
          %add3A_346 = arith.addi %mul3A_344, %add3A_345 : i32
          %add3A_347 = arith.constant 0 : i32
          %add3A_348 = arith.addi %mul3A_67, %add3A_347 : i32
          %get3A_349 = arith.index_cast %add3A_346 : i32 to index
          %get3A_350 = arith.index_cast %add3A_348 : i32 to index
          %get3A_351 = tpu.vector_load %arg8[%get3A_349, %get3A_350] {strides = array<i32>} : memref<64x272xf32, #tpu.memory_space<vmem>>, vector<1x16xf32>,
          %get3A_352 = vector.shape_cast %get3A_351 : vector<1x16xf32> to vector<16xf32>
          %mul3A_353 = arith.mulf %mul3A_174, %get3A_352 : vector<16xf32>
          %add3A_354 = arith.constant 1 : i32
          %add3A_355 = arith.addi %mul3A_67, %add3A_354 : i32
          %get3A_356 = arith.index_cast %add3A_346 : i32 to index
          %get3A_357 = arith.index_cast %add3A_355 : i32 to index
          %get3A_358 = tpu.vector_load %arg8[%get3A_356, %get3A_357] {strides = array<i32>} : memref<64x272xf32, #tpu.memory_space<vmem>>, vector<1x16xf32>,
          %get3A_359 = vector.shape_cast %get3A_358 : vector<1x16xf32> to vector<16xf32>
          %mul3A_360 = arith.mulf %mul3A_175, %get3A_359 : vector<16xf32>
          %add3A_361 = arith.constant 2 : i32
          %add3A_362 = arith.addi %mul3A_67, %add3A_361 : i32
          %get3A_363 = arith.index_cast %add3A_346 : i32 to index
          %get3A_364 = arith.index_cast %add3A_362 : i32 to index
          %get3A_365 = tpu.vector_load %arg8[%get3A_363, %get3A_364] {strides = array<i32>} : memref<64x272xf32, #tpu.memory_space<vmem>>, vector<1x16xf32>,
          %get3A_366 = vector.shape_cast %get3A_365 : vector<1x16xf32> to vector<16xf32>
          %mul3A_367 = arith.mulf %mul3A_176, %get3A_366 : vector<16xf32>
          %add3A_368 = arith.constant 3 : i32
          %add3A_369 = arith.addi %mul3A_67, %add3A_368 : i32
          %get3A_370 = arith.index_cast %add3A_346 : i32 to index
          %get3A_371 = arith.index_cast %add3A_369 : i32 to index
          %get3A_372 = tpu.vector_load %arg8[%get3A_370, %get3A_371] {strides = array<i32>} : memref<64x272xf32, #tpu.memory_space<vmem>>, vector<1x16xf32>,
          %get3A_373 = vector.shape_cast %get3A_372 : vector<1x16xf32> to vector<16xf32>
          %mul3A_374 = arith.mulf %mul3A_177, %get3A_373 : vector<16xf32>
          %add3A_375 = arith.constant 4 : i32
          %add3A_376 = arith.addi %mul3A_67, %add3A_375 : i32
          %get3A_377 = arith.index_cast %add3A_346 : i32 to index
          %get3A_378 = arith.index_cast %add3A_376 : i32 to index
          %get3A_379 = tpu.vector_load %arg8[%get3A_377, %get3A_378] {strides = array<i32>} : memref<64x272xf32, #tpu.memory_space<vmem>>, vector<1x16xf32>,
          %get3A_380 = vector.shape_cast %get3A_379 : vector<1x16xf32> to vector<16xf32>
          %mul3A_381 = arith.mulf %mul3A_178, %get3A_380 : vector<16xf32>
          %add3A_382 = arith.constant 5 : i32
          %add3A_383 = arith.addi %mul3A_67, %add3A_382 : i32
          %get3A_384 = arith.index_cast %add3A_346 : i32 to index
          %get3A_385 = arith.index_cast %add3A_383 : i32 to index
          %get3A_386 = tpu.vector_load %arg8[%get3A_384, %get3A_385] {strides = array<i32>} : memref<64x272xf32, #tpu.memory_space<vmem>>, vector<1x16xf32>,
          %get3A_387 = vector.shape_cast %get3A_386 : vector<1x16xf32> to vector<16xf32>
          %mul3A_388 = arith.mulf %mul3A_179, %get3A_387 : vector<16xf32>
          %add3A_389 = arith.constant 6 : i32
          %add3A_390 = arith.addi %mul3A_67, %add3A_389 : i32
          %get3A_391 = arith.index_cast %add3A_346 : i32 to index
          %get3A_392 = arith.index_cast %add3A_390 : i32 to index
          %get3A_393 = tpu.vector_load %arg8[%get3A_391, %get3A_392] {strides = array<i32>} : memref<64x272xf32, #tpu.memory_space<vmem>>, vector<1x16xf32>,
          %get3A_394 = vector.shape_cast %get3A_393 : vector<1x16xf32> to vector<16xf32>
          %mul3A_395 = arith.mulf %mul3A_180, %get3A_394 : vector<16xf32>
          %add3A_396 = arith.constant 7 : i32
          %add3A_397 = arith.addi %mul3A_67, %add3A_396 : i32
          %get3A_398 = arith.index_cast %add3A_346 : i32 to index
          %get3A_399 = arith.index_cast %add3A_397 : i32 to index
          %get3A_400 = tpu.vector_load %arg8[%get3A_398, %get3A_399] {strides = array<i32>} : memref<64x272xf32, #tpu.memory_space<vmem>>, vector<1x16xf32>,
          %get3A_401 = vector.shape_cast %get3A_400 : vector<1x16xf32> to vector<16xf32>
          %mul3A_402 = arith.mulf %mul3A_181, %get3A_401 : vector<16xf32>
          %add3A_403 = arith.constant 8 : i32
          %add3A_404 = arith.addi %mul3A_67, %add3A_403 : i32
          %get3A_405 = arith.index_cast %add3A_346 : i32 to index
          %get3A_406 = arith.index_cast %add3A_404 : i32 to index
          %get3A_407 = tpu.vector_load %arg8[%get3A_405, %get3A_406] {strides = array<i32>} : memref<64x272xf32, #tpu.memory_space<vmem>>, vector<1x16xf32>,
          %get3A_408 = vector.shape_cast %get3A_407 : vector<1x16xf32> to vector<16xf32>
          %mul3A_409 = arith.mulf %mul3A_182, %get3A_408 : vector<16xf32>
          %add3A_410 = arith.constant 9 : i32
          %add3A_411 = arith.addi %mul3A_67, %add3A_410 : i32
          %get3A_412 = arith.index_cast %add3A_346 : i32 to index
          %get3A_413 = arith.index_cast %add3A_411 : i32 to index
          %get3A_414 = tpu.vector_load %arg8[%get3A_412, %get3A_413] {strides = array<i32>} : memref<64x272xf32, #tpu.memory_space<vmem>>, vector<1x16xf32>,
          %get3A_415 = vector.shape_cast %get3A_414 : vector<1x16xf32> to vector<16xf32>
          %mul3A_416 = arith.mulf %mul3A_183, %get3A_415 : vector<16xf32>
          %add3A_417 = arith.constant 10 : i32
          %add3A_418 = arith.addi %mul3A_67, %add3A_417 : i32
          %get3A_419 = arith.index_cast %add3A_346 : i32 to index
          %get3A_420 = arith.index_cast %add3A_418 : i32 to index
          %get3A_421 = tpu.vector_load %arg8[%get3A_419, %get3A_420] {strides = array<i32>} : memref<64x272xf32, #tpu.memory_space<vmem>>, vector<1x16xf32>,
          %get3A_422 = vector.shape_cast %get3A_421 : vector<1x16xf32> to vector<16xf32>
          %mul3A_423 = arith.mulf %mul3A_184, %get3A_422 : vector<16xf32>
          %add3A_424 = arith.constant 11 : i32
          %add3A_425 = arith.addi %mul3A_67, %add3A_424 : i32
          %get3A_426 = arith.index_cast %add3A_346 : i32 to index
          %get3A_427 = arith.index_cast %add3A_425 : i32 to index
          %get3A_428 = tpu.vector_load %arg8[%get3A_426, %get3A_427] {strides = array<i32>} : memref<64x272xf32, #tpu.memory_space<vmem>>, vector<1x16xf32>,
          %get3A_429 = vector.shape_cast %get3A_428 : vector<1x16xf32> to vector<16xf32>
          %mul3A_430 = arith.mulf %mul3A_185, %get3A_429 : vector<16xf32>
          %add3A_431 = arith.constant 12 : i32
          %add3A_432 = arith.addi %mul3A_67, %add3A_431 : i32
          %get3A_433 = arith.index_cast %add3A_346 : i32 to index
          %get3A_434 = arith.index_cast %add3A_432 : i32 to index
          %get3A_435 = tpu.vector_load %arg8[%get3A_433, %get3A_434] {strides = array<i32>} : memref<64x272xf32, #tpu.memory_space<vmem>>, vector<1x16xf32>,
          %get3A_436 = vector.shape_cast %get3A_435 : vector<1x16xf32> to vector<16xf32>
          %mul3A_437 = arith.mulf %mul3A_186, %get3A_436 : vector<16xf32>
          %add3A_438 = arith.constant 13 : i32
          %add3A_439 = arith.addi %mul3A_67, %add3A_438 : i32
          %get3A_440 = arith.index_cast %add3A_346 : i32 to index
          %get3A_441 = arith.index_cast %add3A_439 : i32 to index
          %get3A_442 = tpu.vector_load %arg8[%get3A_440, %get3A_441] {strides = array<i32>} : memref<64x272xf32, #tpu.memory_space<vmem>>, vector<1x16xf32>,
          %get3A_443 = vector.shape_cast %get3A_442 : vector<1x16xf32> to vector<16xf32>
          %mul3A_444 = arith.mulf %mul3A_187, %get3A_443 : vector<16xf32>
          %add3A_445 = arith.constant 14 : i32
          %add3A_446 = arith.addi %mul3A_67, %add3A_445 : i32
          %get3A_447 = arith.index_cast %add3A_346 : i32 to index
          %get3A_448 = arith.index_cast %add3A_446 : i32 to index
          %get3A_449 = tpu.vector_load %arg8[%get3A_447, %get3A_448] {strides = array<i32>} : memref<64x272xf32, #tpu.memory_space<vmem>>, vector<1x16xf32>,
          %get3A_450 = vector.shape_cast %get3A_449 : vector<1x16xf32> to vector<16xf32>
          %mul3A_451 = arith.mulf %mul3A_188, %get3A_450 : vector<16xf32>
          %add3A_452 = arith.constant 15 : i32
          %add3A_453 = arith.addi %mul3A_67, %add3A_452 : i32
          %get3A_454 = arith.index_cast %add3A_346 : i32 to index
          %get3A_455 = arith.index_cast %add3A_453 : i32 to index
          %get3A_456 = tpu.vector_load %arg8[%get3A_454, %get3A_455] {strides = array<i32>} : memref<64x272xf32, #tpu.memory_space<vmem>>, vector<1x16xf32>,
          %get3A_457 = vector.shape_cast %get3A_456 : vector<1x16xf32> to vector<16xf32>
          %mul3A_458 = arith.mulf %mul3A_189, %get3A_457 : vector<16xf32>
          %add3A_459 = arith.constant 16 : i32
          %add3A_460 = arith.addi %mul3A_67, %add3A_459 : i32
          %get3A_461 = arith.index_cast %add3A_346 : i32 to index
          %get3A_462 = arith.index_cast %add3A_460 : i32 to index
          %get3A_463 = tpu.vector_load %arg8[%get3A_461, %get3A_462] {strides = array<i32>} : memref<64x272xf32, #tpu.memory_space<vmem>>, vector<1x16xf32>,
          %get3A_464 = vector.shape_cast %get3A_463 : vector<1x16xf32> to vector<16xf32>
          %mul3A_465 = arith.mulf %mul3A_190, %get3A_464 : vector<16xf32>
          %add3A_466 = arith.addf %mul3A_353, %mul3A_360 : vector<16xf32>
          %add3A_467 = arith.addf %mul3A_367, %mul3A_374 : vector<16xf32>
          %add3A_468 = arith.addf %mul3A_381, %mul3A_388 : vector<16xf32>
          %add3A_469 = arith.addf %mul3A_395, %mul3A_402 : vector<16xf32>
          %add3A_470 = arith.addf %mul3A_409, %mul3A_416 : vector<16xf32>
          %add3A_471 = arith.addf %mul3A_423, %mul3A_430 : vector<16xf32>
          %add3A_472 = arith.addf %mul3A_437, %mul3A_444 : vector<16xf32>
          %add3A_473 = arith.addf %mul3A_451, %mul3A_458 : vector<16xf32>
          %add3A_474 = arith.addf %add3A_466, %add3A_467 : vector<16xf32>
          %add3A_475 = arith.addf %add3A_468, %add3A_469 : vector<16xf32>
          %add3A_476 = arith.addf %add3A_470, %add3A_471 : vector<16xf32>
          %add3A_477 = arith.addf %add3A_472, %add3A_473 : vector<16xf32>
          %add3A_478 = arith.addf %add3A_474, %add3A_475 : vector<16xf32>
          %add3A_479 = arith.addf %add3A_476, %add3A_477 : vector<16xf32>
          %add3A_480 = arith.addf %add3A_478, %add3A_479 : vector<16xf32>
          %add3A_481 = arith.addf %add3A_480, %mul3A_465 : vector<16xf32>
          %swap3A_482 = arith.index_cast %add3A_346 : i32 to index
          %swap3A_483 = arith.index_cast %mul3A_65 : i32 to index
          %swap3A_484 = tpu.vector_load %arg9[%swap3A_482, %swap3A_483] {strides = array<i32>} : memref<64x256xf32, #tpu.memory_space<vmem>>, vector<1x16xf32>,
          %swap3A_485 = vector.shape_cast %swap3A_484 : vector<1x16xf32> to vector<16xf32>
          %swap3A_486 = vector.shape_cast %add3A_481 : vector<16xf32> to vector<1x16xf32>
          tpu.vector_store %arg9[%swap3A_482, %swap3A_483], %swap3A_486 {strides = array<i32>} : memref<64x256xf32, #tpu.memory_space<vmem>>, vector<1x16xf32>,
          %mul3A_487 = arith.constant 4 : i32
          %mul3A_488 = arith.muli %scan3A_199, %mul3A_487 : i32
          %add3A_489 = arith.constant 2 : i32
          %add3A_490 = arith.addi %mul3A_488, %add3A_489 : i32
          %add3A_491 = arith.constant 0 : i32
          %add3A_492 = arith.addi %mul3A_67, %add3A_491 : i32
          %get3A_493 = arith.index_cast %add3A_490 : i32 to index
          %get3A_494 = arith.index_cast %add3A_492 : i32 to index
          %get3A_495 = tpu.vector_load %arg8[%get3A_493, %get3A_494] {strides = array<i32>} : memref<64x272xf32, #tpu.memory_space<vmem>>, vector<1x16xf32>,
          %get3A_496 = vector.shape_cast %get3A_495 : vector<1x16xf32> to vector<16xf32>
          %mul3A_497 = arith.mulf %mul3A_174, %get3A_496 : vector<16xf32>
          %add3A_498 = arith.constant 1 : i32
          %add3A_499 = arith.addi %mul3A_67, %add3A_498 : i32
          %get3A_500 = arith.index_cast %add3A_490 : i32 to index
          %get3A_501 = arith.index_cast %add3A_499 : i32 to index
          %get3A_502 = tpu.vector_load %arg8[%get3A_500, %get3A_501] {strides = array<i32>} : memref<64x272xf32, #tpu.memory_space<vmem>>, vector<1x16xf32>,
          %get3A_503 = vector.shape_cast %get3A_502 : vector<1x16xf32> to vector<16xf32>
          %mul3A_504 = arith.mulf %mul3A_175, %get3A_503 : vector<16xf32>
          %add3A_505 = arith.constant 2 : i32
          %add3A_506 = arith.addi %mul3A_67, %add3A_505 : i32
          %get3A_507 = arith.index_cast %add3A_490 : i32 to index
          %get3A_508 = arith.index_cast %add3A_506 : i32 to index
          %get3A_509 = tpu.vector_load %arg8[%get3A_507, %get3A_508] {strides = array<i32>} : memref<64x272xf32, #tpu.memory_space<vmem>>, vector<1x16xf32>,
          %get3A_510 = vector.shape_cast %get3A_509 : vector<1x16xf32> to vector<16xf32>
          %mul3A_511 = arith.mulf %mul3A_176, %get3A_510 : vector<16xf32>
          %add3A_512 = arith.constant 3 : i32
          %add3A_513 = arith.addi %mul3A_67, %add3A_512 : i32
          %get3A_514 = arith.index_cast %add3A_490 : i32 to index
          %get3A_515 = arith.index_cast %add3A_513 : i32 to index
          %get3A_516 = tpu.vector_load %arg8[%get3A_514, %get3A_515] {strides = array<i32>} : memref<64x272xf32, #tpu.memory_space<vmem>>, vector<1x16xf32>,
          %get3A_517 = vector.shape_cast %get3A_516 : vector<1x16xf32> to vector<16xf32>
          %mul3A_518 = arith.mulf %mul3A_177, %get3A_517 : vector<16xf32>
          %add3A_519 = arith.constant 4 : i32
          %add3A_520 = arith.addi %mul3A_67, %add3A_519 : i32
          %get3A_521 = arith.index_cast %add3A_490 : i32 to index
          %get3A_522 = arith.index_cast %add3A_520 : i32 to index
          %get3A_523 = tpu.vector_load %arg8[%get3A_521, %get3A_522] {strides = array<i32>} : memref<64x272xf32, #tpu.memory_space<vmem>>, vector<1x16xf32>,
          %get3A_524 = vector.shape_cast %get3A_523 : vector<1x16xf32> to vector<16xf32>
          %mul3A_525 = arith.mulf %mul3A_178, %get3A_524 : vector<16xf32>
          %add3A_526 = arith.constant 5 : i32
          %add3A_527 = arith.addi %mul3A_67, %add3A_526 : i32
          %get3A_528 = arith.index_cast %add3A_490 : i32 to index
          %get3A_529 = arith.index_cast %add3A_527 : i32 to index
          %get3A_530 = tpu.vector_load %arg8[%get3A_528, %get3A_529] {strides = array<i32>} : memref<64x272xf32, #tpu.memory_space<vmem>>, vector<1x16xf32>,
          %get3A_531 = vector.shape_cast %get3A_530 : vector<1x16xf32> to vector<16xf32>
          %mul3A_532 = arith.mulf %mul3A_179, %get3A_531 : vector<16xf32>
          %add3A_533 = arith.constant 6 : i32
          %add3A_534 = arith.addi %mul3A_67, %add3A_533 : i32
          %get3A_535 = arith.index_cast %add3A_490 : i32 to index
          %get3A_536 = arith.index_cast %add3A_534 : i32 to index
          %get3A_537 = tpu.vector_load %arg8[%get3A_535, %get3A_536] {strides = array<i32>} : memref<64x272xf32, #tpu.memory_space<vmem>>, vector<1x16xf32>,
          %get3A_538 = vector.shape_cast %get3A_537 : vector<1x16xf32> to vector<16xf32>
          %mul3A_539 = arith.mulf %mul3A_180, %get3A_538 : vector<16xf32>
          %add3A_540 = arith.constant 7 : i32
          %add3A_541 = arith.addi %mul3A_67, %add3A_540 : i32
          %get3A_542 = arith.index_cast %add3A_490 : i32 to index
          %get3A_543 = arith.index_cast %add3A_541 : i32 to index
          %get3A_544 = tpu.vector_load %arg8[%get3A_542, %get3A_543] {strides = array<i32>} : memref<64x272xf32, #tpu.memory_space<vmem>>, vector<1x16xf32>,
          %get3A_545 = vector.shape_cast %get3A_544 : vector<1x16xf32> to vector<16xf32>
          %mul3A_546 = arith.mulf %mul3A_181, %get3A_545 : vector<16xf32>
          %add3A_547 = arith.constant 8 : i32
          %add3A_548 = arith.addi %mul3A_67, %add3A_547 : i32
          %get3A_549 = arith.index_cast %add3A_490 : i32 to index
          %get3A_550 = arith.index_cast %add3A_548 : i32 to index
          %get3A_551 = tpu.vector_load %arg8[%get3A_549, %get3A_550] {strides = array<i32>} : memref<64x272xf32, #tpu.memory_space<vmem>>, vector<1x16xf32>,
          %get3A_552 = vector.shape_cast %get3A_551 : vector<1x16xf32> to vector<16xf32>
          %mul3A_553 = arith.mulf %mul3A_182, %get3A_552 : vector<16xf32>
          %add3A_554 = arith.constant 9 : i32
          %add3A_555 = arith.addi %mul3A_67, %add3A_554 : i32
          %get3A_556 = arith.index_cast %add3A_490 : i32 to index
          %get3A_557 = arith.index_cast %add3A_555 : i32 to index
          %get3A_558 = tpu.vector_load %arg8[%get3A_556, %get3A_557] {strides = array<i32>} : memref<64x272xf32, #tpu.memory_space<vmem>>, vector<1x16xf32>,
          %get3A_559 = vector.shape_cast %get3A_558 : vector<1x16xf32> to vector<16xf32>
          %mul3A_560 = arith.mulf %mul3A_183, %get3A_559 : vector<16xf32>
          %add3A_561 = arith.constant 10 : i32
          %add3A_562 = arith.addi %mul3A_67, %add3A_561 : i32
          %get3A_563 = arith.index_cast %add3A_490 : i32 to index
          %get3A_564 = arith.index_cast %add3A_562 : i32 to index
          %get3A_565 = tpu.vector_load %arg8[%get3A_563, %get3A_564] {strides = array<i32>} : memref<64x272xf32, #tpu.memory_space<vmem>>, vector<1x16xf32>,
          %get3A_566 = vector.shape_cast %get3A_565 : vector<1x16xf32> to vector<16xf32>
          %mul3A_567 = arith.mulf %mul3A_184, %get3A_566 : vector<16xf32>
          %add3A_568 = arith.constant 11 : i32
          %add3A_569 = arith.addi %mul3A_67, %add3A_568 : i32
          %get3A_570 = arith.index_cast %add3A_490 : i32 to index
          %get3A_571 = arith.index_cast %add3A_569 : i32 to index
          %get3A_572 = tpu.vector_load %arg8[%get3A_570, %get3A_571] {strides = array<i32>} : memref<64x272xf32, #tpu.memory_space<vmem>>, vector<1x16xf32>,
          %get3A_573 = vector.shape_cast %get3A_572 : vector<1x16xf32> to vector<16xf32>
          %mul3A_574 = arith.mulf %mul3A_185, %get3A_573 : vector<16xf32>
          %add3A_575 = arith.constant 12 : i32
          %add3A_576 = arith.addi %mul3A_67, %add3A_575 : i32
          %get3A_577 = arith.index_cast %add3A_490 : i32 to index
          %get3A_578 = arith.index_cast %add3A_576 : i32 to index
          %get3A_579 = tpu.vector_load %arg8[%get3A_577, %get3A_578] {strides = array<i32>} : memref<64x272xf32, #tpu.memory_space<vmem>>, vector<1x16xf32>,
          %get3A_580 = vector.shape_cast %get3A_579 : vector<1x16xf32> to vector<16xf32>
          %mul3A_581 = arith.mulf %mul3A_186, %get3A_580 : vector<16xf32>
          %add3A_582 = arith.constant 13 : i32
          %add3A_583 = arith.addi %mul3A_67, %add3A_582 : i32
          %get3A_584 = arith.index_cast %add3A_490 : i32 to index
          %get3A_585 = arith.index_cast %add3A_583 : i32 to index
          %get3A_586 = tpu.vector_load %arg8[%get3A_584, %get3A_585] {strides = array<i32>} : memref<64x272xf32, #tpu.memory_space<vmem>>, vector<1x16xf32>,
          %get3A_587 = vector.shape_cast %get3A_586 : vector<1x16xf32> to vector<16xf32>
          %mul3A_588 = arith.mulf %mul3A_187, %get3A_587 : vector<16xf32>
          %add3A_589 = arith.constant 14 : i32
          %add3A_590 = arith.addi %mul3A_67, %add3A_589 : i32
          %get3A_591 = arith.index_cast %add3A_490 : i32 to index
          %get3A_592 = arith.index_cast %add3A_590 : i32 to index
          %get3A_593 = tpu.vector_load %arg8[%get3A_591, %get3A_592] {strides = array<i32>} : memref<64x272xf32, #tpu.memory_space<vmem>>, vector<1x16xf32>,
          %get3A_594 = vector.shape_cast %get3A_593 : vector<1x16xf32> to vector<16xf32>
          %mul3A_595 = arith.mulf %mul3A_188, %get3A_594 : vector<16xf32>
          %add3A_596 = arith.constant 15 : i32
          %add3A_597 = arith.addi %mul3A_67, %add3A_596 : i32
          %get3A_598 = arith.index_cast %add3A_490 : i32 to index
          %get3A_599 = arith.index_cast %add3A_597 : i32 to index
          %get3A_600 = tpu.vector_load %arg8[%get3A_598, %get3A_599] {strides = array<i32>} : memref<64x272xf32, #tpu.memory_space<vmem>>, vector<1x16xf32>,
          %get3A_601 = vector.shape_cast %get3A_600 : vector<1x16xf32> to vector<16xf32>
          %mul3A_602 = arith.mulf %mul3A_189, %get3A_601 : vector<16xf32>
          %add3A_603 = arith.constant 16 : i32
          %add3A_604 = arith.addi %mul3A_67, %add3A_603 : i32
          %get3A_605 = arith.index_cast %add3A_490 : i32 to index
          %get3A_606 = arith.index_cast %add3A_604 : i32 to index
          %get3A_607 = tpu.vector_load %arg8[%get3A_605, %get3A_606] {strides = array<i32>} : memref<64x272xf32, #tpu.memory_space<vmem>>, vector<1x16xf32>,
          %get3A_608 = vector.shape_cast %get3A_607 : vector<1x16xf32> to vector<16xf32>
          %mul3A_609 = arith.mulf %mul3A_190, %get3A_608 : vector<16xf32>
          %add3A_610 = arith.addf %mul3A_497, %mul3A_504 : vector<16xf32>
          %add3A_611 = arith.addf %mul3A_511, %mul3A_518 : vector<16xf32>
          %add3A_612 = arith.addf %mul3A_525, %mul3A_532 : vector<16xf32>
          %add3A_613 = arith.addf %mul3A_539, %mul3A_546 : vector<16xf32>
          %add3A_614 = arith.addf %mul3A_553, %mul3A_560 : vector<16xf32>
          %add3A_615 = arith.addf %mul3A_567, %mul3A_574 : vector<16xf32>
          %add3A_616 = arith.addf %mul3A_581, %mul3A_588 : vector<16xf32>
          %add3A_617 = arith.addf %mul3A_595, %mul3A_602 : vector<16xf32>
          %add3A_618 = arith.addf %add3A_610, %add3A_611 : vector<16xf32>
          %add3A_619 = arith.addf %add3A_612, %add3A_613 : vector<16xf32>
          %add3A_620 = arith.addf %add3A_614, %add3A_615 : vector<16xf32>
          %add3A_621 = arith.addf %add3A_616, %add3A_617 : vector<16xf32>
          %add3A_622 = arith.addf %add3A_618, %add3A_619 : vector<16xf32>
          %add3A_623 = arith.addf %add3A_620, %add3A_621 : vector<16xf32>
          %add3A_624 = arith.addf %add3A_622, %add3A_623 : vector<16xf32>
          %add3A_625 = arith.addf %add3A_624, %mul3A_609 : vector<16xf32>
          %swap3A_626 = arith.index_cast %add3A_490 : i32 to index
          %swap3A_627 = arith.index_cast %mul3A_65 : i32 to index
          %swap3A_628 = tpu.vector_load %arg9[%swap3A_626, %swap3A_627] {strides = array<i32>} : memref<64x256xf32, #tpu.memory_space<vmem>>, vector<1x16xf32>,
          %swap3A_629 = vector.shape_cast %swap3A_628 : vector<1x16xf32> to vector<16xf32>
          %swap3A_630 = vector.shape_cast %add3A_625 : vector<16xf32> to vector<1x16xf32>
          tpu.vector_store %arg9[%swap3A_626, %swap3A_627], %swap3A_630 {strides = array<i32>} : memref<64x256xf32, #tpu.memory_space<vmem>>, vector<1x16xf32>,
          %mul3A_631 = arith.constant 4 : i32
          %mul3A_632 = arith.muli %scan3A_199, %mul3A_631 : i32
          %add3A_633 = arith.constant 3 : i32
          %add3A_634 = arith.addi %mul3A_632, %add3A_633 : i32
          %add3A_635 = arith.constant 0 : i32
          %add3A_636 = arith.addi %mul3A_67, %add3A_635 : i32
          %get3A_637 = arith.index_cast %add3A_634 : i32 to index
          %get3A_638 = arith.index_cast %add3A_636 : i32 to index
          %get3A_639 = tpu.vector_load %arg8[%get3A_637, %get3A_638] {strides = array<i32>} : memref<64x272xf32, #tpu.memory_space<vmem>>, vector<1x16xf32>,
          %get3A_640 = vector.shape_cast %get3A_639 : vector<1x16xf32> to vector<16xf32>
          %mul3A_641 = arith.mulf %mul3A_174, %get3A_640 : vector<16xf32>
          %add3A_642 = arith.constant 1 : i32
          %add3A_643 = arith.addi %mul3A_67, %add3A_642 : i32
          %get3A_644 = arith.index_cast %add3A_634 : i32 to index
          %get3A_645 = arith.index_cast %add3A_643 : i32 to index
          %get3A_646 = tpu.vector_load %arg8[%get3A_644, %get3A_645] {strides = array<i32>} : memref<64x272xf32, #tpu.memory_space<vmem>>, vector<1x16xf32>,
          %get3A_647 = vector.shape_cast %get3A_646 : vector<1x16xf32> to vector<16xf32>
          %mul3A_648 = arith.mulf %mul3A_175, %get3A_647 : vector<16xf32>
          %add3A_649 = arith.constant 2 : i32
          %add3A_650 = arith.addi %mul3A_67, %add3A_649 : i32
          %get3A_651 = arith.index_cast %add3A_634 : i32 to index
          %get3A_652 = arith.index_cast %add3A_650 : i32 to index
          %get3A_653 = tpu.vector_load %arg8[%get3A_651, %get3A_652] {strides = array<i32>} : memref<64x272xf32, #tpu.memory_space<vmem>>, vector<1x16xf32>,
          %get3A_654 = vector.shape_cast %get3A_653 : vector<1x16xf32> to vector<16xf32>
          %mul3A_655 = arith.mulf %mul3A_176, %get3A_654 : vector<16xf32>
          %add3A_656 = arith.constant 3 : i32
          %add3A_657 = arith.addi %mul3A_67, %add3A_656 : i32
          %get3A_658 = arith.index_cast %add3A_634 : i32 to index
          %get3A_659 = arith.index_cast %add3A_657 : i32 to index
          %get3A_660 = tpu.vector_load %arg8[%get3A_658, %get3A_659] {strides = array<i32>} : memref<64x272xf32, #tpu.memory_space<vmem>>, vector<1x16xf32>,
          %get3A_661 = vector.shape_cast %get3A_660 : vector<1x16xf32> to vector<16xf32>
          %mul3A_662 = arith.mulf %mul3A_177, %get3A_661 : vector<16xf32>
          %add3A_663 = arith.constant 4 : i32
          %add3A_664 = arith.addi %mul3A_67, %add3A_663 : i32
          %get3A_665 = arith.index_cast %add3A_634 : i32 to index
          %get3A_666 = arith.index_cast %add3A_664 : i32 to index
          %get3A_667 = tpu.vector_load %arg8[%get3A_665, %get3A_666] {strides = array<i32>} : memref<64x272xf32, #tpu.memory_space<vmem>>, vector<1x16xf32>,
          %get3A_668 = vector.shape_cast %get3A_667 : vector<1x16xf32> to vector<16xf32>
          %mul3A_669 = arith.mulf %mul3A_178, %get3A_668 : vector<16xf32>
          %add3A_670 = arith.constant 5 : i32
          %add3A_671 = arith.addi %mul3A_67, %add3A_670 : i32
          %get3A_672 = arith.index_cast %add3A_634 : i32 to index
          %get3A_673 = arith.index_cast %add3A_671 : i32 to index
          %get3A_674 = tpu.vector_load %arg8[%get3A_672, %get3A_673] {strides = array<i32>} : memref<64x272xf32, #tpu.memory_space<vmem>>, vector<1x16xf32>,
          %get3A_675 = vector.shape_cast %get3A_674 : vector<1x16xf32> to vector<16xf32>
          %mul3A_676 = arith.mulf %mul3A_179, %get3A_675 : vector<16xf32>
          %add3A_677 = arith.constant 6 : i32
          %add3A_678 = arith.addi %mul3A_67, %add3A_677 : i32
          %get3A_679 = arith.index_cast %add3A_634 : i32 to index
          %get3A_680 = arith.index_cast %add3A_678 : i32 to index
          %get3A_681 = tpu.vector_load %arg8[%get3A_679, %get3A_680] {strides = array<i32>} : memref<64x272xf32, #tpu.memory_space<vmem>>, vector<1x16xf32>,
          %get3A_682 = vector.shape_cast %get3A_681 : vector<1x16xf32> to vector<16xf32>
          %mul3A_683 = arith.mulf %mul3A_180, %get3A_682 : vector<16xf32>
          %add3A_684 = arith.constant 7 : i32
          %add3A_685 = arith.addi %mul3A_67, %add3A_684 : i32
          %get3A_686 = arith.index_cast %add3A_634 : i32 to index
          %get3A_687 = arith.index_cast %add3A_685 : i32 to index
          %get3A_688 = tpu.vector_load %arg8[%get3A_686, %get3A_687] {strides = array<i32>} : memref<64x272xf32, #tpu.memory_space<vmem>>, vector<1x16xf32>,
          %get3A_689 = vector.shape_cast %get3A_688 : vector<1x16xf32> to vector<16xf32>
          %mul3A_690 = arith.mulf %mul3A_181, %get3A_689 : vector<16xf32>
          %add3A_691 = arith.constant 8 : i32
          %add3A_692 = arith.addi %mul3A_67, %add3A_691 : i32
          %get3A_693 = arith.index_cast %add3A_634 : i32 to index
          %get3A_694 = arith.index_cast %add3A_692 : i32 to index
          %get3A_695 = tpu.vector_load %arg8[%get3A_693, %get3A_694] {strides = array<i32>} : memref<64x272xf32, #tpu.memory_space<vmem>>, vector<1x16xf32>,
          %get3A_696 = vector.shape_cast %get3A_695 : vector<1x16xf32> to vector<16xf32>
          %mul3A_697 = arith.mulf %mul3A_182, %get3A_696 : vector<16xf32>
          %add3A_698 = arith.constant 9 : i32
          %add3A_699 = arith.addi %mul3A_67, %add3A_698 : i32
          %get3A_700 = arith.index_cast %add3A_634 : i32 to index
          %get3A_701 = arith.index_cast %add3A_699 : i32 to index
          %get3A_702 = tpu.vector_load %arg8[%get3A_700, %get3A_701] {strides = array<i32>} : memref<64x272xf32, #tpu.memory_space<vmem>>, vector<1x16xf32>,
          %get3A_703 = vector.shape_cast %get3A_702 : vector<1x16xf32> to vector<16xf32>
          %mul3A_704 = arith.mulf %mul3A_183, %get3A_703 : vector<16xf32>
          %add3A_705 = arith.constant 10 : i32
          %add3A_706 = arith.addi %mul3A_67, %add3A_705 : i32
          %get3A_707 = arith.index_cast %add3A_634 : i32 to index
          %get3A_708 = arith.index_cast %add3A_706 : i32 to index
          %get3A_709 = tpu.vector_load %arg8[%get3A_707, %get3A_708] {strides = array<i32>} : memref<64x272xf32, #tpu.memory_space<vmem>>, vector<1x16xf32>,
          %get3A_710 = vector.shape_cast %get3A_709 : vector<1x16xf32> to vector<16xf32>
          %mul3A_711 = arith.mulf %mul3A_184, %get3A_710 : vector<16xf32>
          %add3A_712 = arith.constant 11 : i32
          %add3A_713 = arith.addi %mul3A_67, %add3A_712 : i32
          %get3A_714 = arith.index_cast %add3A_634 : i32 to index
          %get3A_715 = arith.index_cast %add3A_713 : i32 to index
          %get3A_716 = tpu.vector_load %arg8[%get3A_714, %get3A_715] {strides = array<i32>} : memref<64x272xf32, #tpu.memory_space<vmem>>, vector<1x16xf32>,
          %get3A_717 = vector.shape_cast %get3A_716 : vector<1x16xf32> to vector<16xf32>
          %mul3A_718 = arith.mulf %mul3A_185, %get3A_717 : vector<16xf32>
          %add3A_719 = arith.constant 12 : i32
          %add3A_720 = arith.addi %mul3A_67, %add3A_719 : i32
          %get3A_721 = arith.index_cast %add3A_634 : i32 to index
          %get3A_722 = arith.index_cast %add3A_720 : i32 to index
          %get3A_723 = tpu.vector_load %arg8[%get3A_721, %get3A_722] {strides = array<i32>} : memref<64x272xf32, #tpu.memory_space<vmem>>, vector<1x16xf32>,
          %get3A_724 = vector.shape_cast %get3A_723 : vector<1x16xf32> to vector<16xf32>
          %mul3A_725 = arith.mulf %mul3A_186, %get3A_724 : vector<16xf32>
          %add3A_726 = arith.constant 13 : i32
          %add3A_727 = arith.addi %mul3A_67, %add3A_726 : i32
          %get3A_728 = arith.index_cast %add3A_634 : i32 to index
          %get3A_729 = arith.index_cast %add3A_727 : i32 to index
          %get3A_730 = tpu.vector_load %arg8[%get3A_728, %get3A_729] {strides = array<i32>} : memref<64x272xf32, #tpu.memory_space<vmem>>, vector<1x16xf32>,
          %get3A_731 = vector.shape_cast %get3A_730 : vector<1x16xf32> to vector<16xf32>
          %mul3A_732 = arith.mulf %mul3A_187, %get3A_731 : vector<16xf32>
          %add3A_733 = arith.constant 14 : i32
          %add3A_734 = arith.addi %mul3A_67, %add3A_733 : i32
          %get3A_735 = arith.index_cast %add3A_634 : i32 to index
          %get3A_736 = arith.index_cast %add3A_734 : i32 to index
          %get3A_737 = tpu.vector_load %arg8[%get3A_735, %get3A_736] {strides = array<i32>} : memref<64x272xf32, #tpu.memory_space<vmem>>, vector<1x16xf32>,
          %get3A_738 = vector.shape_cast %get3A_737 : vector<1x16xf32> to vector<16xf32>
          %mul3A_739 = arith.mulf %mul3A_188, %get3A_738 : vector<16xf32>
          %add3A_740 = arith.constant 15 : i32
          %add3A_741 = arith.addi %mul3A_67, %add3A_740 : i32
          %get3A_742 = arith.index_cast %add3A_634 : i32 to index
          %get3A_743 = arith.index_cast %add3A_741 : i32 to index
          %get3A_744 = tpu.vector_load %arg8[%get3A_742, %get3A_743] {strides = array<i32>} : memref<64x272xf32, #tpu.memory_space<vmem>>, vector<1x16xf32>,
          %get3A_745 = vector.shape_cast %get3A_744 : vector<1x16xf32> to vector<16xf32>
          %mul3A_746 = arith.mulf %mul3A_189, %get3A_745 : vector<16xf32>
          %add3A_747 = arith.constant 16 : i32
          %add3A_748 = arith.addi %mul3A_67, %add3A_747 : i32
          %get3A_749 = arith.index_cast %add3A_634 : i32 to index
          %get3A_750 = arith.index_cast %add3A_748 : i32 to index
          %get3A_751 = tpu.vector_load %arg8[%get3A_749, %get3A_750] {strides = array<i32>} : memref<64x272xf32, #tpu.memory_space<vmem>>, vector<1x16xf32>,
          %get3A_752 = vector.shape_cast %get3A_751 : vector<1x16xf32> to vector<16xf32>
          %mul3A_753 = arith.mulf %mul3A_190, %get3A_752 : vector<16xf32>
          %add3A_754 = arith.addf %mul3A_641, %mul3A_648 : vector<16xf32>
          %add3A_755 = arith.addf %mul3A_655, %mul3A_662 : vector<16xf32>
          %add3A_756 = arith.addf %mul3A_669, %mul3A_676 : vector<16xf32>
          %add3A_757 = arith.addf %mul3A_683, %mul3A_690 : vector<16xf32>
          %add3A_758 = arith.addf %mul3A_697, %mul3A_704 : vector<16xf32>
          %add3A_759 = arith.addf %mul3A_711, %mul3A_718 : vector<16xf32>
          %add3A_760 = arith.addf %mul3A_725, %mul3A_732 : vector<16xf32>
          %add3A_761 = arith.addf %mul3A_739, %mul3A_746 : vector<16xf32>
          %add3A_762 = arith.addf %add3A_754, %add3A_755 : vector<16xf32>
          %add3A_763 = arith.addf %add3A_756, %add3A_757 : vector<16xf32>
          %add3A_764 = arith.addf %add3A_758, %add3A_759 : vector<16xf32>
          %add3A_765 = arith.addf %add3A_760, %add3A_761 : vector<16xf32>
          %add3A_766 = arith.addf %add3A_762, %add3A_763 : vector<16xf32>
          %add3A_767 = arith.addf %add3A_764, %add3A_765 : vector<16xf32>
          %add3A_768 = arith.addf %add3A_766, %add3A_767 : vector<16xf32>
          %add3A_769 = arith.addf %add3A_768, %mul3A_753 : vector<16xf32>
          %swap3A_770 = arith.index_cast %add3A_634 : i32 to index
          %swap3A_771 = arith.index_cast %mul3A_65 : i32 to index
          %swap3A_772 = tpu.vector_load %arg9[%swap3A_770, %swap3A_771] {strides = array<i32>} : memref<64x256xf32, #tpu.memory_space<vmem>>, vector<1x16xf32>,
          %swap3A_773 = vector.shape_cast %swap3A_772 : vector<1x16xf32> to vector<16xf32>
          %swap3A_774 = vector.shape_cast %add3A_769 : vector<16xf32> to vector<1x16xf32>
          tpu.vector_store %arg9[%swap3A_770, %swap3A_771], %swap3A_774 {strides = array<i32>} : memref<64x256xf32, #tpu.memory_space<vmem>>, vector<1x16xf32>,
          %scan3A_775 = arith.constant 0 : i32
          scf.yield %scan3A_775 : i32
        }
        %scan3A_197 = arith.constant 16 : i32
        %scan3A_198 = arith.constant 0 : i32
        scf.yield %scan3A_198 : i32
      }
      %scan3A_58 = arith.constant 16 : i32
      %mul3A_59 = arith.constant 256 : i32
      %mul3A_60 = arith.muli %add3A_43, %mul3A_59 : i32
      "tpu.region"() ({
        %run_scoped3A = tpu.sem_alloc : memref<!tpu.dma_semaphore, #tpu.memory_space<semaphore_mem>>
        %dma_start3A = tpu.memref_slice %arg5[%mul3A_32, %mul3A_60] : memref<1024x2048xf32, #tpu.memory_space<hbm>> -> memref<64x256xf32, #tpu.memory_space<hbm>>
        %dma_start3A_62 = tpu.memref_slice %arg5[%mul3A_32, %mul3A_60] : memref<1024x2048xf32, #tpu.memory_space<hbm>> -> memref<64x256xf32, #tpu.memory_space<hbm>>
        tpu.enqueue_dma source(%arg9 : memref<64x256xf32, #tpu.memory_space<vmem>>) target(%dma_start3A_62 : memref<64x256xf32, #tpu.memory_space<hbm>>) target_semaphore(%run_scoped3A : memref<!tpu.dma_semaphore, #tpu.memory_space<semaphore_mem>>)
        %dma_wait3A = tpu.memref_slice %arg5[%mul3A_32, %mul3A_60] : memref<1024x2048xf32, #tpu.memory_space<hbm>> -> memref<64x256xf32, #tpu.memory_space<hbm>>
        %dma_wait3A_63 = tpu.memref_slice %arg5[%mul3A_32, %mul3A_60] : memref<1024x2048xf32, #tpu.memory_space<hbm>> -> memref<64x256xf32, #tpu.memory_space<hbm>>
        tpu.wait_dma2 semaphore(%run_scoped3A : memref<!tpu.dma_semaphore, #tpu.memory_space<semaphore_mem>>) src(%arg9 : memref<64x256xf32, #tpu.memory_space<vmem>>) dst(%dma_wait3A_63 : memref<64x256xf32, #tpu.memory_space<hbm>>)
        tpu.yield
      }) : () -> ()
      %scan3A_61 = arith.constant 0 : i32
      scf.yield %scan3A_61 : i32
    }
    %scan3A_38 = arith.constant 4 : i32
    return
  }
}

#map = affine_map<(d0, d1) -> (0, 0)>
module attributes {stable_mosaic.version = 14 : i64} {
  func.func @_sc_attention(%arg0: i32, %arg1: i32, %arg2: memref<1024x2176xf32, #tpu.memory_space<hbm>>, %arg3: memref<1024x2176xf32, #tpu.memory_space<hbm>>, %arg4: memref<1024x2176xf32, #tpu.memory_space<hbm>>, %arg5: memref<1024x2048xf32, #tpu.memory_space<hbm>>, %arg6: memref<64x256xf32, #tpu.memory_space<vmem>>, %arg7: memref<64x272xf32, #tpu.memory_space<vmem>>, %arg8: memref<64x272xf32, #tpu.memory_space<vmem>>, %arg9: memref<64x256xf32, #tpu.memory_space<vmem>>) attributes {dimension_semantics = [#tpu.dimension_semantics<core_parallel>, #tpu.dimension_semantics<subcore_parallel>], iteration_bounds = array<i64: 2, 16>, scalar_prefetch = 0 : i64, scratch_operands = 4 : i64, tpu.core_type = #tpu.core_type<sc_vector_subcore>, window_params = [{transform_indices = #map}, {transform_indices = #map}, {transform_indices = #map}, {transform_indices = #map}]} {
    %mul3A = arith.constant 2 : i32
    %mul3A_0 = arith.muli %arg1, %mul3A : i32
    %add3A = arith.addi %mul3A_0, %arg0 : i32
    %jit3A = arith.constant 2 : i32
    %eq3A = arith.constant 0 : i32
    %eq3A_1 = arith.cmpi eq, %jit3A, %eq3A : i32
    %jit3A_2 = arith.constant 1 : i32
    %select_n3A = arith.select %eq3A_1, %jit3A_2, %jit3A : i32
    %rem3A = arith.remsi %add3A, %select_n3A : i32
    %ne3A = arith.constant 0 : i32
    %ne3A_3 = arith.cmpi ne, %rem3A, %ne3A : i32
    %lt3A = arith.constant 0 : i32
    %lt3A_4 = arith.cmpi slt, %rem3A, %lt3A : i32
    %lt3A_5 = arith.constant 0 : i32
    %lt3A_6 = arith.cmpi slt, %select_n3A, %lt3A_5 : i32
    %ne3A_7 = arith.xori %lt3A_4, %lt3A_6 : i1
    %and3A = arith.andi %ne3A_7, %ne3A_3 : i1
    %add3A_8 = arith.addi %rem3A, %select_n3A : i32
    %select_n3A_9 = arith.select %and3A, %add3A_8, %rem3A : i32
    %jit3A_10 = arith.constant 2 : i32
    %div3A = arith.divsi %add3A, %jit3A_10 : i32
    %sign3A = arith.constant 0 : i32
    %sign3A_11 = arith.cmpi sgt, %add3A, %sign3A : i32
    %sign3A_12 = arith.extui %sign3A_11 : i1 to i32
    %sign3A_13 = arith.constant 0 : i32
    %sign3A_14 = arith.cmpi slt, %add3A, %sign3A_13 : i32
    %sign3A_15 = arith.extui %sign3A_14 : i1 to i32
    %sign3A_16 = arith.subi %sign3A_12, %sign3A_15 : i32
    %sign3A_17 = arith.constant 0 : i32
    %sign3A_18 = arith.cmpi sgt, %jit3A_10, %sign3A_17 : i32
    %sign3A_19 = arith.extui %sign3A_18 : i1 to i32
    %sign3A_20 = arith.constant 0 : i32
    %sign3A_21 = arith.cmpi slt, %jit3A_10, %sign3A_20 : i32
    %sign3A_22 = arith.extui %sign3A_21 : i1 to i32
    %sign3A_23 = arith.subi %sign3A_19, %sign3A_22 : i32
    %ne3A_24 = arith.cmpi ne, %sign3A_16, %sign3A_23 : i32
    %rem3A_25 = arith.remsi %add3A, %jit3A_10 : i32
    %ne3A_26 = arith.constant 0 : i32
    %ne3A_27 = arith.cmpi ne, %rem3A_25, %ne3A_26 : i32
    %and3A_28 = arith.andi %ne3A_24, %ne3A_27 : i1
    %sub3A = arith.constant 1 : i32
    %sub3A_29 = arith.subi %div3A, %sub3A : i32
    %select_n3A_30 = arith.select %and3A_28, %sub3A_29, %div3A : i32
    %mul3A_31 = arith.constant 64 : i32
    %mul3A_32 = arith.muli %select_n3A_30, %mul3A_31 : i32
    %scan3A = arith.constant 0 : i32
    %scan3A_33 = arith.constant 0 : i32
    %scan3A_34 = arith.constant 4 : i32
    %scan3A_35 = arith.addi %scan3A_33, %scan3A_34 : i32
    %scan3A_36 = arith.constant 1 : i32
    %scan3A_37 = scf.for %scan3A_39 = %scan3A_33 to %scan3A_35 step %scan3A_36 iter_args(%scan3A_40 = %scan3A) -> (i32)  : i32 {
      %mul3A_41 = arith.constant 4 : i32
      %mul3A_42 = arith.muli %select_n3A_9, %mul3A_41 : i32
      %add3A_43 = arith.addi %mul3A_42, %scan3A_39 : i32
      %mul3A_44 = arith.constant 256 : i32
      %mul3A_45 = arith.muli %add3A_43, %mul3A_44 : i32
      %add3A_46 = arith.constant 64 : i32
      %add3A_47 = arith.addi %add3A_46, %mul3A_45 : i32
      "tpu.region"() ({
        %run_scoped3A = tpu.sem_alloc : memref<!tpu.dma_semaphore, #tpu.memory_space<semaphore_mem>>
        %dma_start3A = tpu.memref_slice %arg2[%mul3A_32, %add3A_47] : memref<1024x2176xf32, #tpu.memory_space<hbm>> -> memref<64x256xf32, #tpu.memory_space<hbm>>
        %dma_start3A_62 = tpu.memref_slice %arg2[%mul3A_32, %add3A_47] : memref<1024x2176xf32, #tpu.memory_space<hbm>> -> memref<64x256xf32, #tpu.memory_space<hbm>>
        tpu.enqueue_dma source(%dma_start3A_62 : memref<64x256xf32, #tpu.memory_space<hbm>>) target(%arg6 : memref<64x256xf32, #tpu.memory_space<vmem>>) target_semaphore(%run_scoped3A : memref<!tpu.dma_semaphore, #tpu.memory_space<semaphore_mem>>)
        %dma_wait3A = tpu.memref_slice %arg2[%mul3A_32, %add3A_47] : memref<1024x2176xf32, #tpu.memory_space<hbm>> -> memref<64x256xf32, #tpu.memory_space<hbm>>
        %dma_wait3A_63 = tpu.memref_slice %arg2[%mul3A_32, %add3A_47] : memref<1024x2176xf32, #tpu.memory_space<hbm>> -> memref<64x256xf32, #tpu.memory_space<hbm>>
        tpu.wait_dma2 semaphore(%run_scoped3A : memref<!tpu.dma_semaphore, #tpu.memory_space<semaphore_mem>>) src(%dma_wait3A_63 : memref<64x256xf32, #tpu.memory_space<hbm>>) dst(%arg6 : memref<64x256xf32, #tpu.memory_space<vmem>>)
        tpu.yield
      }) : () -> ()
      %sub3A_48 = arith.constant 8 : i32
      %sub3A_49 = arith.subi %add3A_47, %sub3A_48 : i32
      "tpu.region"() ({
        %run_scoped3A = tpu.sem_alloc : memref<!tpu.dma_semaphore, #tpu.memory_space<semaphore_mem>>
        %dma_start3A = tpu.memref_slice %arg3[%mul3A_32, %sub3A_49] : memref<1024x2176xf32, #tpu.memory_space<hbm>> -> memref<64x272xf32, #tpu.memory_space<hbm>>
        %dma_start3A_62 = tpu.memref_slice %arg3[%mul3A_32, %sub3A_49] : memref<1024x2176xf32, #tpu.memory_space<hbm>> -> memref<64x272xf32, #tpu.memory_space<hbm>>
        tpu.enqueue_dma source(%dma_start3A_62 : memref<64x272xf32, #tpu.memory_space<hbm>>) target(%arg7 : memref<64x272xf32, #tpu.memory_space<vmem>>) target_semaphore(%run_scoped3A : memref<!tpu.dma_semaphore, #tpu.memory_space<semaphore_mem>>)
        %dma_wait3A = tpu.memref_slice %arg3[%mul3A_32, %sub3A_49] : memref<1024x2176xf32, #tpu.memory_space<hbm>> -> memref<64x272xf32, #tpu.memory_space<hbm>>
        %dma_wait3A_63 = tpu.memref_slice %arg3[%mul3A_32, %sub3A_49] : memref<1024x2176xf32, #tpu.memory_space<hbm>> -> memref<64x272xf32, #tpu.memory_space<hbm>>
        tpu.wait_dma2 semaphore(%run_scoped3A : memref<!tpu.dma_semaphore, #tpu.memory_space<semaphore_mem>>) src(%dma_wait3A_63 : memref<64x272xf32, #tpu.memory_space<hbm>>) dst(%arg7 : memref<64x272xf32, #tpu.memory_space<vmem>>)
        tpu.yield
      }) : () -> ()
      %sub3A_50 = arith.constant 8 : i32
      %sub3A_51 = arith.subi %add3A_47, %sub3A_50 : i32
      "tpu.region"() ({
        %run_scoped3A = tpu.sem_alloc : memref<!tpu.dma_semaphore, #tpu.memory_space<semaphore_mem>>
        %dma_start3A = tpu.memref_slice %arg4[%mul3A_32, %sub3A_51] : memref<1024x2176xf32, #tpu.memory_space<hbm>> -> memref<64x272xf32, #tpu.memory_space<hbm>>
        %dma_start3A_62 = tpu.memref_slice %arg4[%mul3A_32, %sub3A_51] : memref<1024x2176xf32, #tpu.memory_space<hbm>> -> memref<64x272xf32, #tpu.memory_space<hbm>>
        tpu.enqueue_dma source(%dma_start3A_62 : memref<64x272xf32, #tpu.memory_space<hbm>>) target(%arg8 : memref<64x272xf32, #tpu.memory_space<vmem>>) target_semaphore(%run_scoped3A : memref<!tpu.dma_semaphore, #tpu.memory_space<semaphore_mem>>)
        %dma_wait3A = tpu.memref_slice %arg4[%mul3A_32, %sub3A_51] : memref<1024x2176xf32, #tpu.memory_space<hbm>> -> memref<64x272xf32, #tpu.memory_space<hbm>>
        %dma_wait3A_63 = tpu.memref_slice %arg4[%mul3A_32, %sub3A_51] : memref<1024x2176xf32, #tpu.memory_space<hbm>> -> memref<64x272xf32, #tpu.memory_space<hbm>>
        tpu.wait_dma2 semaphore(%run_scoped3A : memref<!tpu.dma_semaphore, #tpu.memory_space<semaphore_mem>>) src(%dma_wait3A_63 : memref<64x272xf32, #tpu.memory_space<hbm>>) dst(%arg8 : memref<64x272xf32, #tpu.memory_space<vmem>>)
        tpu.yield
      }) : () -> ()
      %scan3A_52 = arith.constant 0 : i32
      %scan3A_53 = arith.constant 0 : i32
      %scan3A_54 = arith.constant 16 : i32
      %scan3A_55 = arith.addi %scan3A_53, %scan3A_54 : i32
      %scan3A_56 = arith.constant 1 : i32
      %scan3A_57 = scf.for %scan3A_62 = %scan3A_53 to %scan3A_55 step %scan3A_56 iter_args(%scan3A_63 = %scan3A_52) -> (i32)  : i32 {
        %mul3A_64 = arith.constant 16 : i32
        %mul3A_65 = arith.muli %scan3A_62, %mul3A_64 : i32
        %mul3A_66 = arith.constant 16 : i32
        %mul3A_67 = arith.muli %scan3A_62, %mul3A_66 : i32
        %broadcast_in_dim3A = arith.constant 0.000000e+00 : f32
        %broadcast_in_dim3A_68 = vector.broadcast %broadcast_in_dim3A : f32 to vector<16xf32>
        %broadcast_in_dim3A_69 = arith.constant 0.000000e+00 : f32
        %broadcast_in_dim3A_70 = vector.broadcast %broadcast_in_dim3A_69 : f32 to vector<16xf32>
        %broadcast_in_dim3A_71 = arith.constant 0.000000e+00 : f32
        %broadcast_in_dim3A_72 = vector.broadcast %broadcast_in_dim3A_71 : f32 to vector<16xf32>
        %broadcast_in_dim3A_73 = arith.constant 0.000000e+00 : f32
        %broadcast_in_dim3A_74 = vector.broadcast %broadcast_in_dim3A_73 : f32 to vector<16xf32>
        %broadcast_in_dim3A_75 = arith.constant 0.000000e+00 : f32
        %broadcast_in_dim3A_76 = vector.broadcast %broadcast_in_dim3A_75 : f32 to vector<16xf32>
        %broadcast_in_dim3A_77 = arith.constant 0.000000e+00 : f32
        %broadcast_in_dim3A_78 = vector.broadcast %broadcast_in_dim3A_77 : f32 to vector<16xf32>
        %broadcast_in_dim3A_79 = arith.constant 0.000000e+00 : f32
        %broadcast_in_dim3A_80 = vector.broadcast %broadcast_in_dim3A_79 : f32 to vector<16xf32>
        %broadcast_in_dim3A_81 = arith.constant 0.000000e+00 : f32
        %broadcast_in_dim3A_82 = vector.broadcast %broadcast_in_dim3A_81 : f32 to vector<16xf32>
        %broadcast_in_dim3A_83 = arith.constant 0.000000e+00 : f32
        %broadcast_in_dim3A_84 = vector.broadcast %broadcast_in_dim3A_83 : f32 to vector<16xf32>
        %broadcast_in_dim3A_85 = arith.constant 0.000000e+00 : f32
        %broadcast_in_dim3A_86 = vector.broadcast %broadcast_in_dim3A_85 : f32 to vector<16xf32>
        %broadcast_in_dim3A_87 = arith.constant 0.000000e+00 : f32
        %broadcast_in_dim3A_88 = vector.broadcast %broadcast_in_dim3A_87 : f32 to vector<16xf32>
        %broadcast_in_dim3A_89 = arith.constant 0.000000e+00 : f32
        %broadcast_in_dim3A_90 = vector.broadcast %broadcast_in_dim3A_89 : f32 to vector<16xf32>
        %broadcast_in_dim3A_91 = arith.constant 0.000000e+00 : f32
        %broadcast_in_dim3A_92 = vector.broadcast %broadcast_in_dim3A_91 : f32 to vector<16xf32>
        %broadcast_in_dim3A_93 = arith.constant 0.000000e+00 : f32
        %broadcast_in_dim3A_94 = vector.broadcast %broadcast_in_dim3A_93 : f32 to vector<16xf32>
        %broadcast_in_dim3A_95 = arith.constant 0.000000e+00 : f32
        %broadcast_in_dim3A_96 = vector.broadcast %broadcast_in_dim3A_95 : f32 to vector<16xf32>
        %broadcast_in_dim3A_97 = arith.constant 0.000000e+00 : f32
        %broadcast_in_dim3A_98 = vector.broadcast %broadcast_in_dim3A_97 : f32 to vector<16xf32>
        %broadcast_in_dim3A_99 = arith.constant 0.000000e+00 : f32
        %broadcast_in_dim3A_100 = vector.broadcast %broadcast_in_dim3A_99 : f32 to vector<16xf32>
        %scan3A_101 = arith.constant 0 : i32
        %scan3A_102 = arith.constant 16 : i32
        %scan3A_103 = arith.addi %scan3A_101, %scan3A_102 : i32
        %scan3A_104 = arith.constant 1 : i32
        %scan3A_105:17 = scf.for %scan3A_199 = %scan3A_101 to %scan3A_103 step %scan3A_104 iter_args(%scan3A_200 = %broadcast_in_dim3A_68, %scan3A_201 = %broadcast_in_dim3A_70, %scan3A_202 = %broadcast_in_dim3A_72, %scan3A_203 = %broadcast_in_dim3A_74, %scan3A_204 = %broadcast_in_dim3A_76, %scan3A_205 = %broadcast_in_dim3A_78, %scan3A_206 = %broadcast_in_dim3A_80, %scan3A_207 = %broadcast_in_dim3A_82, %scan3A_208 = %broadcast_in_dim3A_84, %scan3A_209 = %broadcast_in_dim3A_86, %scan3A_210 = %broadcast_in_dim3A_88, %scan3A_211 = %broadcast_in_dim3A_90, %scan3A_212 = %broadcast_in_dim3A_92, %scan3A_213 = %broadcast_in_dim3A_94, %scan3A_214 = %broadcast_in_dim3A_96, %scan3A_215 = %broadcast_in_dim3A_98, %scan3A_216 = %broadcast_in_dim3A_100) -> (vector<16xf32>, vector<16xf32>, vector<16xf32>, vector<16xf32>, vector<16xf32>, vector<16xf32>, vector<16xf32>, vector<16xf32>, vector<16xf32>, vector<16xf32>, vector<16xf32>, vector<16xf32>, vector<16xf32>, vector<16xf32>, vector<16xf32>, vector<16xf32>, vector<16xf32>)  : i32 {
          %mul3A_217 = arith.constant 4 : i32
          %mul3A_218 = arith.muli %scan3A_199, %mul3A_217 : i32
          %add3A_219 = arith.constant 0 : i32
          %add3A_220 = arith.addi %mul3A_218, %add3A_219 : i32
          %get3A = arith.index_cast %add3A_220 : i32 to index
          %get3A_221 = arith.index_cast %mul3A_65 : i32 to index
          %get3A_222 = tpu.vector_load %arg6[%get3A, %get3A_221] {strides = array<i32>} : memref<64x256xf32, #tpu.memory_space<vmem>>, vector<1x16xf32>,
          %get3A_223 = vector.shape_cast %get3A_222 : vector<1x16xf32> to vector<16xf32>
          %add3A_224 = arith.constant 0 : i32
          %add3A_225 = arith.addi %mul3A_67, %add3A_224 : i32
          %get3A_226 = arith.index_cast %add3A_220 : i32 to index
          %get3A_227 = arith.index_cast %add3A_225 : i32 to index
          %get3A_228 = tpu.vector_load %arg7[%get3A_226, %get3A_227] {strides = array<i32>} : memref<64x272xf32, #tpu.memory_space<vmem>>, vector<1x16xf32>,
          %get3A_229 = vector.shape_cast %get3A_228 : vector<1x16xf32> to vector<16xf32>
          %mul3A_230 = arith.mulf %get3A_223, %get3A_229 : vector<16xf32>
          %add3A_231 = arith.addf %scan3A_200, %mul3A_230 : vector<16xf32>
          %add3A_232 = arith.constant 1 : i32
          %add3A_233 = arith.addi %mul3A_67, %add3A_232 : i32
          %get3A_234 = arith.index_cast %add3A_220 : i32 to index
          %get3A_235 = arith.index_cast %add3A_233 : i32 to index
          %get3A_236 = tpu.vector_load %arg7[%get3A_234, %get3A_235] {strides = array<i32>} : memref<64x272xf32, #tpu.memory_space<vmem>>, vector<1x16xf32>,
          %get3A_237 = vector.shape_cast %get3A_236 : vector<1x16xf32> to vector<16xf32>
          %mul3A_238 = arith.mulf %get3A_223, %get3A_237 : vector<16xf32>
          %add3A_239 = arith.addf %scan3A_201, %mul3A_238 : vector<16xf32>
          %add3A_240 = arith.constant 2 : i32
          %add3A_241 = arith.addi %mul3A_67, %add3A_240 : i32
          %get3A_242 = arith.index_cast %add3A_220 : i32 to index
          %get3A_243 = arith.index_cast %add3A_241 : i32 to index
          %get3A_244 = tpu.vector_load %arg7[%get3A_242, %get3A_243] {strides = array<i32>} : memref<64x272xf32, #tpu.memory_space<vmem>>, vector<1x16xf32>,
          %get3A_245 = vector.shape_cast %get3A_244 : vector<1x16xf32> to vector<16xf32>
          %mul3A_246 = arith.mulf %get3A_223, %get3A_245 : vector<16xf32>
          %add3A_247 = arith.addf %scan3A_202, %mul3A_246 : vector<16xf32>
          %add3A_248 = arith.constant 3 : i32
          %add3A_249 = arith.addi %mul3A_67, %add3A_248 : i32
          %get3A_250 = arith.index_cast %add3A_220 : i32 to index
          %get3A_251 = arith.index_cast %add3A_249 : i32 to index
          %get3A_252 = tpu.vector_load %arg7[%get3A_250, %get3A_251] {strides = array<i32>} : memref<64x272xf32, #tpu.memory_space<vmem>>, vector<1x16xf32>,
          %get3A_253 = vector.shape_cast %get3A_252 : vector<1x16xf32> to vector<16xf32>
          %mul3A_254 = arith.mulf %get3A_223, %get3A_253 : vector<16xf32>
          %add3A_255 = arith.addf %scan3A_203, %mul3A_254 : vector<16xf32>
          %add3A_256 = arith.constant 4 : i32
          %add3A_257 = arith.addi %mul3A_67, %add3A_256 : i32
          %get3A_258 = arith.index_cast %add3A_220 : i32 to index
          %get3A_259 = arith.index_cast %add3A_257 : i32 to index
          %get3A_260 = tpu.vector_load %arg7[%get3A_258, %get3A_259] {strides = array<i32>} : memref<64x272xf32, #tpu.memory_space<vmem>>, vector<1x16xf32>,
          %get3A_261 = vector.shape_cast %get3A_260 : vector<1x16xf32> to vector<16xf32>
          %mul3A_262 = arith.mulf %get3A_223, %get3A_261 : vector<16xf32>
          %add3A_263 = arith.addf %scan3A_204, %mul3A_262 : vector<16xf32>
          %add3A_264 = arith.constant 5 : i32
          %add3A_265 = arith.addi %mul3A_67, %add3A_264 : i32
          %get3A_266 = arith.index_cast %add3A_220 : i32 to index
          %get3A_267 = arith.index_cast %add3A_265 : i32 to index
          %get3A_268 = tpu.vector_load %arg7[%get3A_266, %get3A_267] {strides = array<i32>} : memref<64x272xf32, #tpu.memory_space<vmem>>, vector<1x16xf32>,
          %get3A_269 = vector.shape_cast %get3A_268 : vector<1x16xf32> to vector<16xf32>
          %mul3A_270 = arith.mulf %get3A_223, %get3A_269 : vector<16xf32>
          %add3A_271 = arith.addf %scan3A_205, %mul3A_270 : vector<16xf32>
          %add3A_272 = arith.constant 6 : i32
          %add3A_273 = arith.addi %mul3A_67, %add3A_272 : i32
          %get3A_274 = arith.index_cast %add3A_220 : i32 to index
          %get3A_275 = arith.index_cast %add3A_273 : i32 to index
          %get3A_276 = tpu.vector_load %arg7[%get3A_274, %get3A_275] {strides = array<i32>} : memref<64x272xf32, #tpu.memory_space<vmem>>, vector<1x16xf32>,
          %get3A_277 = vector.shape_cast %get3A_276 : vector<1x16xf32> to vector<16xf32>
          %mul3A_278 = arith.mulf %get3A_223, %get3A_277 : vector<16xf32>
          %add3A_279 = arith.addf %scan3A_206, %mul3A_278 : vector<16xf32>
          %add3A_280 = arith.constant 7 : i32
          %add3A_281 = arith.addi %mul3A_67, %add3A_280 : i32
          %get3A_282 = arith.index_cast %add3A_220 : i32 to index
          %get3A_283 = arith.index_cast %add3A_281 : i32 to index
          %get3A_284 = tpu.vector_load %arg7[%get3A_282, %get3A_283] {strides = array<i32>} : memref<64x272xf32, #tpu.memory_space<vmem>>, vector<1x16xf32>,
          %get3A_285 = vector.shape_cast %get3A_284 : vector<1x16xf32> to vector<16xf32>
          %mul3A_286 = arith.mulf %get3A_223, %get3A_285 : vector<16xf32>
          %add3A_287 = arith.addf %scan3A_207, %mul3A_286 : vector<16xf32>
          %add3A_288 = arith.constant 8 : i32
          %add3A_289 = arith.addi %mul3A_67, %add3A_288 : i32
          %get3A_290 = arith.index_cast %add3A_220 : i32 to index
          %get3A_291 = arith.index_cast %add3A_289 : i32 to index
          %get3A_292 = tpu.vector_load %arg7[%get3A_290, %get3A_291] {strides = array<i32>} : memref<64x272xf32, #tpu.memory_space<vmem>>, vector<1x16xf32>,
          %get3A_293 = vector.shape_cast %get3A_292 : vector<1x16xf32> to vector<16xf32>
          %mul3A_294 = arith.mulf %get3A_223, %get3A_293 : vector<16xf32>
          %add3A_295 = arith.addf %scan3A_208, %mul3A_294 : vector<16xf32>
          %add3A_296 = arith.constant 9 : i32
          %add3A_297 = arith.addi %mul3A_67, %add3A_296 : i32
          %get3A_298 = arith.index_cast %add3A_220 : i32 to index
          %get3A_299 = arith.index_cast %add3A_297 : i32 to index
          %get3A_300 = tpu.vector_load %arg7[%get3A_298, %get3A_299] {strides = array<i32>} : memref<64x272xf32, #tpu.memory_space<vmem>>, vector<1x16xf32>,
          %get3A_301 = vector.shape_cast %get3A_300 : vector<1x16xf32> to vector<16xf32>
          %mul3A_302 = arith.mulf %get3A_223, %get3A_301 : vector<16xf32>
          %add3A_303 = arith.addf %scan3A_209, %mul3A_302 : vector<16xf32>
          %add3A_304 = arith.constant 10 : i32
          %add3A_305 = arith.addi %mul3A_67, %add3A_304 : i32
          %get3A_306 = arith.index_cast %add3A_220 : i32 to index
          %get3A_307 = arith.index_cast %add3A_305 : i32 to index
          %get3A_308 = tpu.vector_load %arg7[%get3A_306, %get3A_307] {strides = array<i32>} : memref<64x272xf32, #tpu.memory_space<vmem>>, vector<1x16xf32>,
          %get3A_309 = vector.shape_cast %get3A_308 : vector<1x16xf32> to vector<16xf32>
          %mul3A_310 = arith.mulf %get3A_223, %get3A_309 : vector<16xf32>
          %add3A_311 = arith.addf %scan3A_210, %mul3A_310 : vector<16xf32>
          %add3A_312 = arith.constant 11 : i32
          %add3A_313 = arith.addi %mul3A_67, %add3A_312 : i32
          %get3A_314 = arith.index_cast %add3A_220 : i32 to index
          %get3A_315 = arith.index_cast %add3A_313 : i32 to index
          %get3A_316 = tpu.vector_load %arg7[%get3A_314, %get3A_315] {strides = array<i32>} : memref<64x272xf32, #tpu.memory_space<vmem>>, vector<1x16xf32>,
          %get3A_317 = vector.shape_cast %get3A_316 : vector<1x16xf32> to vector<16xf32>
          %mul3A_318 = arith.mulf %get3A_223, %get3A_317 : vector<16xf32>
          %add3A_319 = arith.addf %scan3A_211, %mul3A_318 : vector<16xf32>
          %add3A_320 = arith.constant 12 : i32
          %add3A_321 = arith.addi %mul3A_67, %add3A_320 : i32
          %get3A_322 = arith.index_cast %add3A_220 : i32 to index
          %get3A_323 = arith.index_cast %add3A_321 : i32 to index
          %get3A_324 = tpu.vector_load %arg7[%get3A_322, %get3A_323] {strides = array<i32>} : memref<64x272xf32, #tpu.memory_space<vmem>>, vector<1x16xf32>,
          %get3A_325 = vector.shape_cast %get3A_324 : vector<1x16xf32> to vector<16xf32>
          %mul3A_326 = arith.mulf %get3A_223, %get3A_325 : vector<16xf32>
          %add3A_327 = arith.addf %scan3A_212, %mul3A_326 : vector<16xf32>
          %add3A_328 = arith.constant 13 : i32
          %add3A_329 = arith.addi %mul3A_67, %add3A_328 : i32
          %get3A_330 = arith.index_cast %add3A_220 : i32 to index
          %get3A_331 = arith.index_cast %add3A_329 : i32 to index
          %get3A_332 = tpu.vector_load %arg7[%get3A_330, %get3A_331] {strides = array<i32>} : memref<64x272xf32, #tpu.memory_space<vmem>>, vector<1x16xf32>,
          %get3A_333 = vector.shape_cast %get3A_332 : vector<1x16xf32> to vector<16xf32>
          %mul3A_334 = arith.mulf %get3A_223, %get3A_333 : vector<16xf32>
          %add3A_335 = arith.addf %scan3A_213, %mul3A_334 : vector<16xf32>
          %add3A_336 = arith.constant 14 : i32
          %add3A_337 = arith.addi %mul3A_67, %add3A_336 : i32
          %get3A_338 = arith.index_cast %add3A_220 : i32 to index
          %get3A_339 = arith.index_cast %add3A_337 : i32 to index
          %get3A_340 = tpu.vector_load %arg7[%get3A_338, %get3A_339] {strides = array<i32>} : memref<64x272xf32, #tpu.memory_space<vmem>>, vector<1x16xf32>,
          %get3A_341 = vector.shape_cast %get3A_340 : vector<1x16xf32> to vector<16xf32>
          %mul3A_342 = arith.mulf %get3A_223, %get3A_341 : vector<16xf32>
          %add3A_343 = arith.addf %scan3A_214, %mul3A_342 : vector<16xf32>
          %add3A_344 = arith.constant 15 : i32
          %add3A_345 = arith.addi %mul3A_67, %add3A_344 : i32
          %get3A_346 = arith.index_cast %add3A_220 : i32 to index
          %get3A_347 = arith.index_cast %add3A_345 : i32 to index
          %get3A_348 = tpu.vector_load %arg7[%get3A_346, %get3A_347] {strides = array<i32>} : memref<64x272xf32, #tpu.memory_space<vmem>>, vector<1x16xf32>,
          %get3A_349 = vector.shape_cast %get3A_348 : vector<1x16xf32> to vector<16xf32>
          %mul3A_350 = arith.mulf %get3A_223, %get3A_349 : vector<16xf32>
          %add3A_351 = arith.addf %scan3A_215, %mul3A_350 : vector<16xf32>
          %add3A_352 = arith.constant 16 : i32
          %add3A_353 = arith.addi %mul3A_67, %add3A_352 : i32
          %get3A_354 = arith.index_cast %add3A_220 : i32 to index
          %get3A_355 = arith.index_cast %add3A_353 : i32 to index
          %get3A_356 = tpu.vector_load %arg7[%get3A_354, %get3A_355] {strides = array<i32>} : memref<64x272xf32, #tpu.memory_space<vmem>>, vector<1x16xf32>,
          %get3A_357 = vector.shape_cast %get3A_356 : vector<1x16xf32> to vector<16xf32>
          %mul3A_358 = arith.mulf %get3A_223, %get3A_357 : vector<16xf32>
          %add3A_359 = arith.addf %scan3A_216, %mul3A_358 : vector<16xf32>
          %mul3A_360 = arith.constant 4 : i32
          %mul3A_361 = arith.muli %scan3A_199, %mul3A_360 : i32
          %add3A_362 = arith.constant 1 : i32
          %add3A_363 = arith.addi %mul3A_361, %add3A_362 : i32
          %get3A_364 = arith.index_cast %add3A_363 : i32 to index
          %get3A_365 = arith.index_cast %mul3A_65 : i32 to index
          %get3A_366 = tpu.vector_load %arg6[%get3A_364, %get3A_365] {strides = array<i32>} : memref<64x256xf32, #tpu.memory_space<vmem>>, vector<1x16xf32>,
          %get3A_367 = vector.shape_cast %get3A_366 : vector<1x16xf32> to vector<16xf32>
          %add3A_368 = arith.constant 0 : i32
          %add3A_369 = arith.addi %mul3A_67, %add3A_368 : i32
          %get3A_370 = arith.index_cast %add3A_363 : i32 to index
          %get3A_371 = arith.index_cast %add3A_369 : i32 to index
          %get3A_372 = tpu.vector_load %arg7[%get3A_370, %get3A_371] {strides = array<i32>} : memref<64x272xf32, #tpu.memory_space<vmem>>, vector<1x16xf32>,
          %get3A_373 = vector.shape_cast %get3A_372 : vector<1x16xf32> to vector<16xf32>
          %mul3A_374 = arith.mulf %get3A_367, %get3A_373 : vector<16xf32>
          %add3A_375 = arith.addf %add3A_231, %mul3A_374 : vector<16xf32>
          %add3A_376 = arith.constant 1 : i32
          %add3A_377 = arith.addi %mul3A_67, %add3A_376 : i32
          %get3A_378 = arith.index_cast %add3A_363 : i32 to index
          %get3A_379 = arith.index_cast %add3A_377 : i32 to index
          %get3A_380 = tpu.vector_load %arg7[%get3A_378, %get3A_379] {strides = array<i32>} : memref<64x272xf32, #tpu.memory_space<vmem>>, vector<1x16xf32>,
          %get3A_381 = vector.shape_cast %get3A_380 : vector<1x16xf32> to vector<16xf32>
          %mul3A_382 = arith.mulf %get3A_367, %get3A_381 : vector<16xf32>
          %add3A_383 = arith.addf %add3A_239, %mul3A_382 : vector<16xf32>
          %add3A_384 = arith.constant 2 : i32
          %add3A_385 = arith.addi %mul3A_67, %add3A_384 : i32
          %get3A_386 = arith.index_cast %add3A_363 : i32 to index
          %get3A_387 = arith.index_cast %add3A_385 : i32 to index
          %get3A_388 = tpu.vector_load %arg7[%get3A_386, %get3A_387] {strides = array<i32>} : memref<64x272xf32, #tpu.memory_space<vmem>>, vector<1x16xf32>,
          %get3A_389 = vector.shape_cast %get3A_388 : vector<1x16xf32> to vector<16xf32>
          %mul3A_390 = arith.mulf %get3A_367, %get3A_389 : vector<16xf32>
          %add3A_391 = arith.addf %add3A_247, %mul3A_390 : vector<16xf32>
          %add3A_392 = arith.constant 3 : i32
          %add3A_393 = arith.addi %mul3A_67, %add3A_392 : i32
          %get3A_394 = arith.index_cast %add3A_363 : i32 to index
          %get3A_395 = arith.index_cast %add3A_393 : i32 to index
          %get3A_396 = tpu.vector_load %arg7[%get3A_394, %get3A_395] {strides = array<i32>} : memref<64x272xf32, #tpu.memory_space<vmem>>, vector<1x16xf32>,
          %get3A_397 = vector.shape_cast %get3A_396 : vector<1x16xf32> to vector<16xf32>
          %mul3A_398 = arith.mulf %get3A_367, %get3A_397 : vector<16xf32>
          %add3A_399 = arith.addf %add3A_255, %mul3A_398 : vector<16xf32>
          %add3A_400 = arith.constant 4 : i32
          %add3A_401 = arith.addi %mul3A_67, %add3A_400 : i32
          %get3A_402 = arith.index_cast %add3A_363 : i32 to index
          %get3A_403 = arith.index_cast %add3A_401 : i32 to index
          %get3A_404 = tpu.vector_load %arg7[%get3A_402, %get3A_403] {strides = array<i32>} : memref<64x272xf32, #tpu.memory_space<vmem>>, vector<1x16xf32>,
          %get3A_405 = vector.shape_cast %get3A_404 : vector<1x16xf32> to vector<16xf32>
          %mul3A_406 = arith.mulf %get3A_367, %get3A_405 : vector<16xf32>
          %add3A_407 = arith.addf %add3A_263, %mul3A_406 : vector<16xf32>
          %add3A_408 = arith.constant 5 : i32
          %add3A_409 = arith.addi %mul3A_67, %add3A_408 : i32
          %get3A_410 = arith.index_cast %add3A_363 : i32 to index
          %get3A_411 = arith.index_cast %add3A_409 : i32 to index
          %get3A_412 = tpu.vector_load %arg7[%get3A_410, %get3A_411] {strides = array<i32>} : memref<64x272xf32, #tpu.memory_space<vmem>>, vector<1x16xf32>,
          %get3A_413 = vector.shape_cast %get3A_412 : vector<1x16xf32> to vector<16xf32>
          %mul3A_414 = arith.mulf %get3A_367, %get3A_413 : vector<16xf32>
          %add3A_415 = arith.addf %add3A_271, %mul3A_414 : vector<16xf32>
          %add3A_416 = arith.constant 6 : i32
          %add3A_417 = arith.addi %mul3A_67, %add3A_416 : i32
          %get3A_418 = arith.index_cast %add3A_363 : i32 to index
          %get3A_419 = arith.index_cast %add3A_417 : i32 to index
          %get3A_420 = tpu.vector_load %arg7[%get3A_418, %get3A_419] {strides = array<i32>} : memref<64x272xf32, #tpu.memory_space<vmem>>, vector<1x16xf32>,
          %get3A_421 = vector.shape_cast %get3A_420 : vector<1x16xf32> to vector<16xf32>
          %mul3A_422 = arith.mulf %get3A_367, %get3A_421 : vector<16xf32>
          %add3A_423 = arith.addf %add3A_279, %mul3A_422 : vector<16xf32>
          %add3A_424 = arith.constant 7 : i32
          %add3A_425 = arith.addi %mul3A_67, %add3A_424 : i32
          %get3A_426 = arith.index_cast %add3A_363 : i32 to index
          %get3A_427 = arith.index_cast %add3A_425 : i32 to index
          %get3A_428 = tpu.vector_load %arg7[%get3A_426, %get3A_427] {strides = array<i32>} : memref<64x272xf32, #tpu.memory_space<vmem>>, vector<1x16xf32>,
          %get3A_429 = vector.shape_cast %get3A_428 : vector<1x16xf32> to vector<16xf32>
          %mul3A_430 = arith.mulf %get3A_367, %get3A_429 : vector<16xf32>
          %add3A_431 = arith.addf %add3A_287, %mul3A_430 : vector<16xf32>
          %add3A_432 = arith.constant 8 : i32
          %add3A_433 = arith.addi %mul3A_67, %add3A_432 : i32
          %get3A_434 = arith.index_cast %add3A_363 : i32 to index
          %get3A_435 = arith.index_cast %add3A_433 : i32 to index
          %get3A_436 = tpu.vector_load %arg7[%get3A_434, %get3A_435] {strides = array<i32>} : memref<64x272xf32, #tpu.memory_space<vmem>>, vector<1x16xf32>,
          %get3A_437 = vector.shape_cast %get3A_436 : vector<1x16xf32> to vector<16xf32>
          %mul3A_438 = arith.mulf %get3A_367, %get3A_437 : vector<16xf32>
          %add3A_439 = arith.addf %add3A_295, %mul3A_438 : vector<16xf32>
          %add3A_440 = arith.constant 9 : i32
          %add3A_441 = arith.addi %mul3A_67, %add3A_440 : i32
          %get3A_442 = arith.index_cast %add3A_363 : i32 to index
          %get3A_443 = arith.index_cast %add3A_441 : i32 to index
          %get3A_444 = tpu.vector_load %arg7[%get3A_442, %get3A_443] {strides = array<i32>} : memref<64x272xf32, #tpu.memory_space<vmem>>, vector<1x16xf32>,
          %get3A_445 = vector.shape_cast %get3A_444 : vector<1x16xf32> to vector<16xf32>
          %mul3A_446 = arith.mulf %get3A_367, %get3A_445 : vector<16xf32>
          %add3A_447 = arith.addf %add3A_303, %mul3A_446 : vector<16xf32>
          %add3A_448 = arith.constant 10 : i32
          %add3A_449 = arith.addi %mul3A_67, %add3A_448 : i32
          %get3A_450 = arith.index_cast %add3A_363 : i32 to index
          %get3A_451 = arith.index_cast %add3A_449 : i32 to index
          %get3A_452 = tpu.vector_load %arg7[%get3A_450, %get3A_451] {strides = array<i32>} : memref<64x272xf32, #tpu.memory_space<vmem>>, vector<1x16xf32>,
          %get3A_453 = vector.shape_cast %get3A_452 : vector<1x16xf32> to vector<16xf32>
          %mul3A_454 = arith.mulf %get3A_367, %get3A_453 : vector<16xf32>
          %add3A_455 = arith.addf %add3A_311, %mul3A_454 : vector<16xf32>
          %add3A_456 = arith.constant 11 : i32
          %add3A_457 = arith.addi %mul3A_67, %add3A_456 : i32
          %get3A_458 = arith.index_cast %add3A_363 : i32 to index
          %get3A_459 = arith.index_cast %add3A_457 : i32 to index
          %get3A_460 = tpu.vector_load %arg7[%get3A_458, %get3A_459] {strides = array<i32>} : memref<64x272xf32, #tpu.memory_space<vmem>>, vector<1x16xf32>,
          %get3A_461 = vector.shape_cast %get3A_460 : vector<1x16xf32> to vector<16xf32>
          %mul3A_462 = arith.mulf %get3A_367, %get3A_461 : vector<16xf32>
          %add3A_463 = arith.addf %add3A_319, %mul3A_462 : vector<16xf32>
          %add3A_464 = arith.constant 12 : i32
          %add3A_465 = arith.addi %mul3A_67, %add3A_464 : i32
          %get3A_466 = arith.index_cast %add3A_363 : i32 to index
          %get3A_467 = arith.index_cast %add3A_465 : i32 to index
          %get3A_468 = tpu.vector_load %arg7[%get3A_466, %get3A_467] {strides = array<i32>} : memref<64x272xf32, #tpu.memory_space<vmem>>, vector<1x16xf32>,
          %get3A_469 = vector.shape_cast %get3A_468 : vector<1x16xf32> to vector<16xf32>
          %mul3A_470 = arith.mulf %get3A_367, %get3A_469 : vector<16xf32>
          %add3A_471 = arith.addf %add3A_327, %mul3A_470 : vector<16xf32>
          %add3A_472 = arith.constant 13 : i32
          %add3A_473 = arith.addi %mul3A_67, %add3A_472 : i32
          %get3A_474 = arith.index_cast %add3A_363 : i32 to index
          %get3A_475 = arith.index_cast %add3A_473 : i32 to index
          %get3A_476 = tpu.vector_load %arg7[%get3A_474, %get3A_475] {strides = array<i32>} : memref<64x272xf32, #tpu.memory_space<vmem>>, vector<1x16xf32>,
          %get3A_477 = vector.shape_cast %get3A_476 : vector<1x16xf32> to vector<16xf32>
          %mul3A_478 = arith.mulf %get3A_367, %get3A_477 : vector<16xf32>
          %add3A_479 = arith.addf %add3A_335, %mul3A_478 : vector<16xf32>
          %add3A_480 = arith.constant 14 : i32
          %add3A_481 = arith.addi %mul3A_67, %add3A_480 : i32
          %get3A_482 = arith.index_cast %add3A_363 : i32 to index
          %get3A_483 = arith.index_cast %add3A_481 : i32 to index
          %get3A_484 = tpu.vector_load %arg7[%get3A_482, %get3A_483] {strides = array<i32>} : memref<64x272xf32, #tpu.memory_space<vmem>>, vector<1x16xf32>,
          %get3A_485 = vector.shape_cast %get3A_484 : vector<1x16xf32> to vector<16xf32>
          %mul3A_486 = arith.mulf %get3A_367, %get3A_485 : vector<16xf32>
          %add3A_487 = arith.addf %add3A_343, %mul3A_486 : vector<16xf32>
          %add3A_488 = arith.constant 15 : i32
          %add3A_489 = arith.addi %mul3A_67, %add3A_488 : i32
          %get3A_490 = arith.index_cast %add3A_363 : i32 to index
          %get3A_491 = arith.index_cast %add3A_489 : i32 to index
          %get3A_492 = tpu.vector_load %arg7[%get3A_490, %get3A_491] {strides = array<i32>} : memref<64x272xf32, #tpu.memory_space<vmem>>, vector<1x16xf32>,
          %get3A_493 = vector.shape_cast %get3A_492 : vector<1x16xf32> to vector<16xf32>
          %mul3A_494 = arith.mulf %get3A_367, %get3A_493 : vector<16xf32>
          %add3A_495 = arith.addf %add3A_351, %mul3A_494 : vector<16xf32>
          %add3A_496 = arith.constant 16 : i32
          %add3A_497 = arith.addi %mul3A_67, %add3A_496 : i32
          %get3A_498 = arith.index_cast %add3A_363 : i32 to index
          %get3A_499 = arith.index_cast %add3A_497 : i32 to index
          %get3A_500 = tpu.vector_load %arg7[%get3A_498, %get3A_499] {strides = array<i32>} : memref<64x272xf32, #tpu.memory_space<vmem>>, vector<1x16xf32>,
          %get3A_501 = vector.shape_cast %get3A_500 : vector<1x16xf32> to vector<16xf32>
          %mul3A_502 = arith.mulf %get3A_367, %get3A_501 : vector<16xf32>
          %add3A_503 = arith.addf %add3A_359, %mul3A_502 : vector<16xf32>
          %mul3A_504 = arith.constant 4 : i32
          %mul3A_505 = arith.muli %scan3A_199, %mul3A_504 : i32
          %add3A_506 = arith.constant 2 : i32
          %add3A_507 = arith.addi %mul3A_505, %add3A_506 : i32
          %get3A_508 = arith.index_cast %add3A_507 : i32 to index
          %get3A_509 = arith.index_cast %mul3A_65 : i32 to index
          %get3A_510 = tpu.vector_load %arg6[%get3A_508, %get3A_509] {strides = array<i32>} : memref<64x256xf32, #tpu.memory_space<vmem>>, vector<1x16xf32>,
          %get3A_511 = vector.shape_cast %get3A_510 : vector<1x16xf32> to vector<16xf32>
          %add3A_512 = arith.constant 0 : i32
          %add3A_513 = arith.addi %mul3A_67, %add3A_512 : i32
          %get3A_514 = arith.index_cast %add3A_507 : i32 to index
          %get3A_515 = arith.index_cast %add3A_513 : i32 to index
          %get3A_516 = tpu.vector_load %arg7[%get3A_514, %get3A_515] {strides = array<i32>} : memref<64x272xf32, #tpu.memory_space<vmem>>, vector<1x16xf32>,
          %get3A_517 = vector.shape_cast %get3A_516 : vector<1x16xf32> to vector<16xf32>
          %mul3A_518 = arith.mulf %get3A_511, %get3A_517 : vector<16xf32>
          %add3A_519 = arith.addf %add3A_375, %mul3A_518 : vector<16xf32>
          %add3A_520 = arith.constant 1 : i32
          %add3A_521 = arith.addi %mul3A_67, %add3A_520 : i32
          %get3A_522 = arith.index_cast %add3A_507 : i32 to index
          %get3A_523 = arith.index_cast %add3A_521 : i32 to index
          %get3A_524 = tpu.vector_load %arg7[%get3A_522, %get3A_523] {strides = array<i32>} : memref<64x272xf32, #tpu.memory_space<vmem>>, vector<1x16xf32>,
          %get3A_525 = vector.shape_cast %get3A_524 : vector<1x16xf32> to vector<16xf32>
          %mul3A_526 = arith.mulf %get3A_511, %get3A_525 : vector<16xf32>
          %add3A_527 = arith.addf %add3A_383, %mul3A_526 : vector<16xf32>
          %add3A_528 = arith.constant 2 : i32
          %add3A_529 = arith.addi %mul3A_67, %add3A_528 : i32
          %get3A_530 = arith.index_cast %add3A_507 : i32 to index
          %get3A_531 = arith.index_cast %add3A_529 : i32 to index
          %get3A_532 = tpu.vector_load %arg7[%get3A_530, %get3A_531] {strides = array<i32>} : memref<64x272xf32, #tpu.memory_space<vmem>>, vector<1x16xf32>,
          %get3A_533 = vector.shape_cast %get3A_532 : vector<1x16xf32> to vector<16xf32>
          %mul3A_534 = arith.mulf %get3A_511, %get3A_533 : vector<16xf32>
          %add3A_535 = arith.addf %add3A_391, %mul3A_534 : vector<16xf32>
          %add3A_536 = arith.constant 3 : i32
          %add3A_537 = arith.addi %mul3A_67, %add3A_536 : i32
          %get3A_538 = arith.index_cast %add3A_507 : i32 to index
          %get3A_539 = arith.index_cast %add3A_537 : i32 to index
          %get3A_540 = tpu.vector_load %arg7[%get3A_538, %get3A_539] {strides = array<i32>} : memref<64x272xf32, #tpu.memory_space<vmem>>, vector<1x16xf32>,
          %get3A_541 = vector.shape_cast %get3A_540 : vector<1x16xf32> to vector<16xf32>
          %mul3A_542 = arith.mulf %get3A_511, %get3A_541 : vector<16xf32>
          %add3A_543 = arith.addf %add3A_399, %mul3A_542 : vector<16xf32>
          %add3A_544 = arith.constant 4 : i32
          %add3A_545 = arith.addi %mul3A_67, %add3A_544 : i32
          %get3A_546 = arith.index_cast %add3A_507 : i32 to index
          %get3A_547 = arith.index_cast %add3A_545 : i32 to index
          %get3A_548 = tpu.vector_load %arg7[%get3A_546, %get3A_547] {strides = array<i32>} : memref<64x272xf32, #tpu.memory_space<vmem>>, vector<1x16xf32>,
          %get3A_549 = vector.shape_cast %get3A_548 : vector<1x16xf32> to vector<16xf32>
          %mul3A_550 = arith.mulf %get3A_511, %get3A_549 : vector<16xf32>
          %add3A_551 = arith.addf %add3A_407, %mul3A_550 : vector<16xf32>
          %add3A_552 = arith.constant 5 : i32
          %add3A_553 = arith.addi %mul3A_67, %add3A_552 : i32
          %get3A_554 = arith.index_cast %add3A_507 : i32 to index
          %get3A_555 = arith.index_cast %add3A_553 : i32 to index
          %get3A_556 = tpu.vector_load %arg7[%get3A_554, %get3A_555] {strides = array<i32>} : memref<64x272xf32, #tpu.memory_space<vmem>>, vector<1x16xf32>,
          %get3A_557 = vector.shape_cast %get3A_556 : vector<1x16xf32> to vector<16xf32>
          %mul3A_558 = arith.mulf %get3A_511, %get3A_557 : vector<16xf32>
          %add3A_559 = arith.addf %add3A_415, %mul3A_558 : vector<16xf32>
          %add3A_560 = arith.constant 6 : i32
          %add3A_561 = arith.addi %mul3A_67, %add3A_560 : i32
          %get3A_562 = arith.index_cast %add3A_507 : i32 to index
          %get3A_563 = arith.index_cast %add3A_561 : i32 to index
          %get3A_564 = tpu.vector_load %arg7[%get3A_562, %get3A_563] {strides = array<i32>} : memref<64x272xf32, #tpu.memory_space<vmem>>, vector<1x16xf32>,
          %get3A_565 = vector.shape_cast %get3A_564 : vector<1x16xf32> to vector<16xf32>
          %mul3A_566 = arith.mulf %get3A_511, %get3A_565 : vector<16xf32>
          %add3A_567 = arith.addf %add3A_423, %mul3A_566 : vector<16xf32>
          %add3A_568 = arith.constant 7 : i32
          %add3A_569 = arith.addi %mul3A_67, %add3A_568 : i32
          %get3A_570 = arith.index_cast %add3A_507 : i32 to index
          %get3A_571 = arith.index_cast %add3A_569 : i32 to index
          %get3A_572 = tpu.vector_load %arg7[%get3A_570, %get3A_571] {strides = array<i32>} : memref<64x272xf32, #tpu.memory_space<vmem>>, vector<1x16xf32>,
          %get3A_573 = vector.shape_cast %get3A_572 : vector<1x16xf32> to vector<16xf32>
          %mul3A_574 = arith.mulf %get3A_511, %get3A_573 : vector<16xf32>
          %add3A_575 = arith.addf %add3A_431, %mul3A_574 : vector<16xf32>
          %add3A_576 = arith.constant 8 : i32
          %add3A_577 = arith.addi %mul3A_67, %add3A_576 : i32
          %get3A_578 = arith.index_cast %add3A_507 : i32 to index
          %get3A_579 = arith.index_cast %add3A_577 : i32 to index
          %get3A_580 = tpu.vector_load %arg7[%get3A_578, %get3A_579] {strides = array<i32>} : memref<64x272xf32, #tpu.memory_space<vmem>>, vector<1x16xf32>,
          %get3A_581 = vector.shape_cast %get3A_580 : vector<1x16xf32> to vector<16xf32>
          %mul3A_582 = arith.mulf %get3A_511, %get3A_581 : vector<16xf32>
          %add3A_583 = arith.addf %add3A_439, %mul3A_582 : vector<16xf32>
          %add3A_584 = arith.constant 9 : i32
          %add3A_585 = arith.addi %mul3A_67, %add3A_584 : i32
          %get3A_586 = arith.index_cast %add3A_507 : i32 to index
          %get3A_587 = arith.index_cast %add3A_585 : i32 to index
          %get3A_588 = tpu.vector_load %arg7[%get3A_586, %get3A_587] {strides = array<i32>} : memref<64x272xf32, #tpu.memory_space<vmem>>, vector<1x16xf32>,
          %get3A_589 = vector.shape_cast %get3A_588 : vector<1x16xf32> to vector<16xf32>
          %mul3A_590 = arith.mulf %get3A_511, %get3A_589 : vector<16xf32>
          %add3A_591 = arith.addf %add3A_447, %mul3A_590 : vector<16xf32>
          %add3A_592 = arith.constant 10 : i32
          %add3A_593 = arith.addi %mul3A_67, %add3A_592 : i32
          %get3A_594 = arith.index_cast %add3A_507 : i32 to index
          %get3A_595 = arith.index_cast %add3A_593 : i32 to index
          %get3A_596 = tpu.vector_load %arg7[%get3A_594, %get3A_595] {strides = array<i32>} : memref<64x272xf32, #tpu.memory_space<vmem>>, vector<1x16xf32>,
          %get3A_597 = vector.shape_cast %get3A_596 : vector<1x16xf32> to vector<16xf32>
          %mul3A_598 = arith.mulf %get3A_511, %get3A_597 : vector<16xf32>
          %add3A_599 = arith.addf %add3A_455, %mul3A_598 : vector<16xf32>
          %add3A_600 = arith.constant 11 : i32
          %add3A_601 = arith.addi %mul3A_67, %add3A_600 : i32
          %get3A_602 = arith.index_cast %add3A_507 : i32 to index
          %get3A_603 = arith.index_cast %add3A_601 : i32 to index
          %get3A_604 = tpu.vector_load %arg7[%get3A_602, %get3A_603] {strides = array<i32>} : memref<64x272xf32, #tpu.memory_space<vmem>>, vector<1x16xf32>,
          %get3A_605 = vector.shape_cast %get3A_604 : vector<1x16xf32> to vector<16xf32>
          %mul3A_606 = arith.mulf %get3A_511, %get3A_605 : vector<16xf32>
          %add3A_607 = arith.addf %add3A_463, %mul3A_606 : vector<16xf32>
          %add3A_608 = arith.constant 12 : i32
          %add3A_609 = arith.addi %mul3A_67, %add3A_608 : i32
          %get3A_610 = arith.index_cast %add3A_507 : i32 to index
          %get3A_611 = arith.index_cast %add3A_609 : i32 to index
          %get3A_612 = tpu.vector_load %arg7[%get3A_610, %get3A_611] {strides = array<i32>} : memref<64x272xf32, #tpu.memory_space<vmem>>, vector<1x16xf32>,
          %get3A_613 = vector.shape_cast %get3A_612 : vector<1x16xf32> to vector<16xf32>
          %mul3A_614 = arith.mulf %get3A_511, %get3A_613 : vector<16xf32>
          %add3A_615 = arith.addf %add3A_471, %mul3A_614 : vector<16xf32>
          %add3A_616 = arith.constant 13 : i32
          %add3A_617 = arith.addi %mul3A_67, %add3A_616 : i32
          %get3A_618 = arith.index_cast %add3A_507 : i32 to index
          %get3A_619 = arith.index_cast %add3A_617 : i32 to index
          %get3A_620 = tpu.vector_load %arg7[%get3A_618, %get3A_619] {strides = array<i32>} : memref<64x272xf32, #tpu.memory_space<vmem>>, vector<1x16xf32>,
          %get3A_621 = vector.shape_cast %get3A_620 : vector<1x16xf32> to vector<16xf32>
          %mul3A_622 = arith.mulf %get3A_511, %get3A_621 : vector<16xf32>
          %add3A_623 = arith.addf %add3A_479, %mul3A_622 : vector<16xf32>
          %add3A_624 = arith.constant 14 : i32
          %add3A_625 = arith.addi %mul3A_67, %add3A_624 : i32
          %get3A_626 = arith.index_cast %add3A_507 : i32 to index
          %get3A_627 = arith.index_cast %add3A_625 : i32 to index
          %get3A_628 = tpu.vector_load %arg7[%get3A_626, %get3A_627] {strides = array<i32>} : memref<64x272xf32, #tpu.memory_space<vmem>>, vector<1x16xf32>,
          %get3A_629 = vector.shape_cast %get3A_628 : vector<1x16xf32> to vector<16xf32>
          %mul3A_630 = arith.mulf %get3A_511, %get3A_629 : vector<16xf32>
          %add3A_631 = arith.addf %add3A_487, %mul3A_630 : vector<16xf32>
          %add3A_632 = arith.constant 15 : i32
          %add3A_633 = arith.addi %mul3A_67, %add3A_632 : i32
          %get3A_634 = arith.index_cast %add3A_507 : i32 to index
          %get3A_635 = arith.index_cast %add3A_633 : i32 to index
          %get3A_636 = tpu.vector_load %arg7[%get3A_634, %get3A_635] {strides = array<i32>} : memref<64x272xf32, #tpu.memory_space<vmem>>, vector<1x16xf32>,
          %get3A_637 = vector.shape_cast %get3A_636 : vector<1x16xf32> to vector<16xf32>
          %mul3A_638 = arith.mulf %get3A_511, %get3A_637 : vector<16xf32>
          %add3A_639 = arith.addf %add3A_495, %mul3A_638 : vector<16xf32>
          %add3A_640 = arith.constant 16 : i32
          %add3A_641 = arith.addi %mul3A_67, %add3A_640 : i32
          %get3A_642 = arith.index_cast %add3A_507 : i32 to index
          %get3A_643 = arith.index_cast %add3A_641 : i32 to index
          %get3A_644 = tpu.vector_load %arg7[%get3A_642, %get3A_643] {strides = array<i32>} : memref<64x272xf32, #tpu.memory_space<vmem>>, vector<1x16xf32>,
          %get3A_645 = vector.shape_cast %get3A_644 : vector<1x16xf32> to vector<16xf32>
          %mul3A_646 = arith.mulf %get3A_511, %get3A_645 : vector<16xf32>
          %add3A_647 = arith.addf %add3A_503, %mul3A_646 : vector<16xf32>
          %mul3A_648 = arith.constant 4 : i32
          %mul3A_649 = arith.muli %scan3A_199, %mul3A_648 : i32
          %add3A_650 = arith.constant 3 : i32
          %add3A_651 = arith.addi %mul3A_649, %add3A_650 : i32
          %get3A_652 = arith.index_cast %add3A_651 : i32 to index
          %get3A_653 = arith.index_cast %mul3A_65 : i32 to index
          %get3A_654 = tpu.vector_load %arg6[%get3A_652, %get3A_653] {strides = array<i32>} : memref<64x256xf32, #tpu.memory_space<vmem>>, vector<1x16xf32>,
          %get3A_655 = vector.shape_cast %get3A_654 : vector<1x16xf32> to vector<16xf32>
          %add3A_656 = arith.constant 0 : i32
          %add3A_657 = arith.addi %mul3A_67, %add3A_656 : i32
          %get3A_658 = arith.index_cast %add3A_651 : i32 to index
          %get3A_659 = arith.index_cast %add3A_657 : i32 to index
          %get3A_660 = tpu.vector_load %arg7[%get3A_658, %get3A_659] {strides = array<i32>} : memref<64x272xf32, #tpu.memory_space<vmem>>, vector<1x16xf32>,
          %get3A_661 = vector.shape_cast %get3A_660 : vector<1x16xf32> to vector<16xf32>
          %mul3A_662 = arith.mulf %get3A_655, %get3A_661 : vector<16xf32>
          %add3A_663 = arith.addf %add3A_519, %mul3A_662 : vector<16xf32>
          %add3A_664 = arith.constant 1 : i32
          %add3A_665 = arith.addi %mul3A_67, %add3A_664 : i32
          %get3A_666 = arith.index_cast %add3A_651 : i32 to index
          %get3A_667 = arith.index_cast %add3A_665 : i32 to index
          %get3A_668 = tpu.vector_load %arg7[%get3A_666, %get3A_667] {strides = array<i32>} : memref<64x272xf32, #tpu.memory_space<vmem>>, vector<1x16xf32>,
          %get3A_669 = vector.shape_cast %get3A_668 : vector<1x16xf32> to vector<16xf32>
          %mul3A_670 = arith.mulf %get3A_655, %get3A_669 : vector<16xf32>
          %add3A_671 = arith.addf %add3A_527, %mul3A_670 : vector<16xf32>
          %add3A_672 = arith.constant 2 : i32
          %add3A_673 = arith.addi %mul3A_67, %add3A_672 : i32
          %get3A_674 = arith.index_cast %add3A_651 : i32 to index
          %get3A_675 = arith.index_cast %add3A_673 : i32 to index
          %get3A_676 = tpu.vector_load %arg7[%get3A_674, %get3A_675] {strides = array<i32>} : memref<64x272xf32, #tpu.memory_space<vmem>>, vector<1x16xf32>,
          %get3A_677 = vector.shape_cast %get3A_676 : vector<1x16xf32> to vector<16xf32>
          %mul3A_678 = arith.mulf %get3A_655, %get3A_677 : vector<16xf32>
          %add3A_679 = arith.addf %add3A_535, %mul3A_678 : vector<16xf32>
          %add3A_680 = arith.constant 3 : i32
          %add3A_681 = arith.addi %mul3A_67, %add3A_680 : i32
          %get3A_682 = arith.index_cast %add3A_651 : i32 to index
          %get3A_683 = arith.index_cast %add3A_681 : i32 to index
          %get3A_684 = tpu.vector_load %arg7[%get3A_682, %get3A_683] {strides = array<i32>} : memref<64x272xf32, #tpu.memory_space<vmem>>, vector<1x16xf32>,
          %get3A_685 = vector.shape_cast %get3A_684 : vector<1x16xf32> to vector<16xf32>
          %mul3A_686 = arith.mulf %get3A_655, %get3A_685 : vector<16xf32>
          %add3A_687 = arith.addf %add3A_543, %mul3A_686 : vector<16xf32>
          %add3A_688 = arith.constant 4 : i32
          %add3A_689 = arith.addi %mul3A_67, %add3A_688 : i32
          %get3A_690 = arith.index_cast %add3A_651 : i32 to index
          %get3A_691 = arith.index_cast %add3A_689 : i32 to index
          %get3A_692 = tpu.vector_load %arg7[%get3A_690, %get3A_691] {strides = array<i32>} : memref<64x272xf32, #tpu.memory_space<vmem>>, vector<1x16xf32>,
          %get3A_693 = vector.shape_cast %get3A_692 : vector<1x16xf32> to vector<16xf32>
          %mul3A_694 = arith.mulf %get3A_655, %get3A_693 : vector<16xf32>
          %add3A_695 = arith.addf %add3A_551, %mul3A_694 : vector<16xf32>
          %add3A_696 = arith.constant 5 : i32
          %add3A_697 = arith.addi %mul3A_67, %add3A_696 : i32
          %get3A_698 = arith.index_cast %add3A_651 : i32 to index
          %get3A_699 = arith.index_cast %add3A_697 : i32 to index
          %get3A_700 = tpu.vector_load %arg7[%get3A_698, %get3A_699] {strides = array<i32>} : memref<64x272xf32, #tpu.memory_space<vmem>>, vector<1x16xf32>,
          %get3A_701 = vector.shape_cast %get3A_700 : vector<1x16xf32> to vector<16xf32>
          %mul3A_702 = arith.mulf %get3A_655, %get3A_701 : vector<16xf32>
          %add3A_703 = arith.addf %add3A_559, %mul3A_702 : vector<16xf32>
          %add3A_704 = arith.constant 6 : i32
          %add3A_705 = arith.addi %mul3A_67, %add3A_704 : i32
          %get3A_706 = arith.index_cast %add3A_651 : i32 to index
          %get3A_707 = arith.index_cast %add3A_705 : i32 to index
          %get3A_708 = tpu.vector_load %arg7[%get3A_706, %get3A_707] {strides = array<i32>} : memref<64x272xf32, #tpu.memory_space<vmem>>, vector<1x16xf32>,
          %get3A_709 = vector.shape_cast %get3A_708 : vector<1x16xf32> to vector<16xf32>
          %mul3A_710 = arith.mulf %get3A_655, %get3A_709 : vector<16xf32>
          %add3A_711 = arith.addf %add3A_567, %mul3A_710 : vector<16xf32>
          %add3A_712 = arith.constant 7 : i32
          %add3A_713 = arith.addi %mul3A_67, %add3A_712 : i32
          %get3A_714 = arith.index_cast %add3A_651 : i32 to index
          %get3A_715 = arith.index_cast %add3A_713 : i32 to index
          %get3A_716 = tpu.vector_load %arg7[%get3A_714, %get3A_715] {strides = array<i32>} : memref<64x272xf32, #tpu.memory_space<vmem>>, vector<1x16xf32>,
          %get3A_717 = vector.shape_cast %get3A_716 : vector<1x16xf32> to vector<16xf32>
          %mul3A_718 = arith.mulf %get3A_655, %get3A_717 : vector<16xf32>
          %add3A_719 = arith.addf %add3A_575, %mul3A_718 : vector<16xf32>
          %add3A_720 = arith.constant 8 : i32
          %add3A_721 = arith.addi %mul3A_67, %add3A_720 : i32
          %get3A_722 = arith.index_cast %add3A_651 : i32 to index
          %get3A_723 = arith.index_cast %add3A_721 : i32 to index
          %get3A_724 = tpu.vector_load %arg7[%get3A_722, %get3A_723] {strides = array<i32>} : memref<64x272xf32, #tpu.memory_space<vmem>>, vector<1x16xf32>,
          %get3A_725 = vector.shape_cast %get3A_724 : vector<1x16xf32> to vector<16xf32>
          %mul3A_726 = arith.mulf %get3A_655, %get3A_725 : vector<16xf32>
          %add3A_727 = arith.addf %add3A_583, %mul3A_726 : vector<16xf32>
          %add3A_728 = arith.constant 9 : i32
          %add3A_729 = arith.addi %mul3A_67, %add3A_728 : i32
          %get3A_730 = arith.index_cast %add3A_651 : i32 to index
          %get3A_731 = arith.index_cast %add3A_729 : i32 to index
          %get3A_732 = tpu.vector_load %arg7[%get3A_730, %get3A_731] {strides = array<i32>} : memref<64x272xf32, #tpu.memory_space<vmem>>, vector<1x16xf32>,
          %get3A_733 = vector.shape_cast %get3A_732 : vector<1x16xf32> to vector<16xf32>
          %mul3A_734 = arith.mulf %get3A_655, %get3A_733 : vector<16xf32>
          %add3A_735 = arith.addf %add3A_591, %mul3A_734 : vector<16xf32>
          %add3A_736 = arith.constant 10 : i32
          %add3A_737 = arith.addi %mul3A_67, %add3A_736 : i32
          %get3A_738 = arith.index_cast %add3A_651 : i32 to index
          %get3A_739 = arith.index_cast %add3A_737 : i32 to index
          %get3A_740 = tpu.vector_load %arg7[%get3A_738, %get3A_739] {strides = array<i32>} : memref<64x272xf32, #tpu.memory_space<vmem>>, vector<1x16xf32>,
          %get3A_741 = vector.shape_cast %get3A_740 : vector<1x16xf32> to vector<16xf32>
          %mul3A_742 = arith.mulf %get3A_655, %get3A_741 : vector<16xf32>
          %add3A_743 = arith.addf %add3A_599, %mul3A_742 : vector<16xf32>
          %add3A_744 = arith.constant 11 : i32
          %add3A_745 = arith.addi %mul3A_67, %add3A_744 : i32
          %get3A_746 = arith.index_cast %add3A_651 : i32 to index
          %get3A_747 = arith.index_cast %add3A_745 : i32 to index
          %get3A_748 = tpu.vector_load %arg7[%get3A_746, %get3A_747] {strides = array<i32>} : memref<64x272xf32, #tpu.memory_space<vmem>>, vector<1x16xf32>,
          %get3A_749 = vector.shape_cast %get3A_748 : vector<1x16xf32> to vector<16xf32>
          %mul3A_750 = arith.mulf %get3A_655, %get3A_749 : vector<16xf32>
          %add3A_751 = arith.addf %add3A_607, %mul3A_750 : vector<16xf32>
          %add3A_752 = arith.constant 12 : i32
          %add3A_753 = arith.addi %mul3A_67, %add3A_752 : i32
          %get3A_754 = arith.index_cast %add3A_651 : i32 to index
          %get3A_755 = arith.index_cast %add3A_753 : i32 to index
          %get3A_756 = tpu.vector_load %arg7[%get3A_754, %get3A_755] {strides = array<i32>} : memref<64x272xf32, #tpu.memory_space<vmem>>, vector<1x16xf32>,
          %get3A_757 = vector.shape_cast %get3A_756 : vector<1x16xf32> to vector<16xf32>
          %mul3A_758 = arith.mulf %get3A_655, %get3A_757 : vector<16xf32>
          %add3A_759 = arith.addf %add3A_615, %mul3A_758 : vector<16xf32>
          %add3A_760 = arith.constant 13 : i32
          %add3A_761 = arith.addi %mul3A_67, %add3A_760 : i32
          %get3A_762 = arith.index_cast %add3A_651 : i32 to index
          %get3A_763 = arith.index_cast %add3A_761 : i32 to index
          %get3A_764 = tpu.vector_load %arg7[%get3A_762, %get3A_763] {strides = array<i32>} : memref<64x272xf32, #tpu.memory_space<vmem>>, vector<1x16xf32>,
          %get3A_765 = vector.shape_cast %get3A_764 : vector<1x16xf32> to vector<16xf32>
          %mul3A_766 = arith.mulf %get3A_655, %get3A_765 : vector<16xf32>
          %add3A_767 = arith.addf %add3A_623, %mul3A_766 : vector<16xf32>
          %add3A_768 = arith.constant 14 : i32
          %add3A_769 = arith.addi %mul3A_67, %add3A_768 : i32
          %get3A_770 = arith.index_cast %add3A_651 : i32 to index
          %get3A_771 = arith.index_cast %add3A_769 : i32 to index
          %get3A_772 = tpu.vector_load %arg7[%get3A_770, %get3A_771] {strides = array<i32>} : memref<64x272xf32, #tpu.memory_space<vmem>>, vector<1x16xf32>,
          %get3A_773 = vector.shape_cast %get3A_772 : vector<1x16xf32> to vector<16xf32>
          %mul3A_774 = arith.mulf %get3A_655, %get3A_773 : vector<16xf32>
          %add3A_775 = arith.addf %add3A_631, %mul3A_774 : vector<16xf32>
          %add3A_776 = arith.constant 15 : i32
          %add3A_777 = arith.addi %mul3A_67, %add3A_776 : i32
          %get3A_778 = arith.index_cast %add3A_651 : i32 to index
          %get3A_779 = arith.index_cast %add3A_777 : i32 to index
          %get3A_780 = tpu.vector_load %arg7[%get3A_778, %get3A_779] {strides = array<i32>} : memref<64x272xf32, #tpu.memory_space<vmem>>, vector<1x16xf32>,
          %get3A_781 = vector.shape_cast %get3A_780 : vector<1x16xf32> to vector<16xf32>
          %mul3A_782 = arith.mulf %get3A_655, %get3A_781 : vector<16xf32>
          %add3A_783 = arith.addf %add3A_639, %mul3A_782 : vector<16xf32>
          %add3A_784 = arith.constant 16 : i32
          %add3A_785 = arith.addi %mul3A_67, %add3A_784 : i32
          %get3A_786 = arith.index_cast %add3A_651 : i32 to index
          %get3A_787 = arith.index_cast %add3A_785 : i32 to index
          %get3A_788 = tpu.vector_load %arg7[%get3A_786, %get3A_787] {strides = array<i32>} : memref<64x272xf32, #tpu.memory_space<vmem>>, vector<1x16xf32>,
          %get3A_789 = vector.shape_cast %get3A_788 : vector<1x16xf32> to vector<16xf32>
          %mul3A_790 = arith.mulf %get3A_655, %get3A_789 : vector<16xf32>
          %add3A_791 = arith.addf %add3A_647, %mul3A_790 : vector<16xf32>
          scf.yield %add3A_663, %add3A_671, %add3A_679, %add3A_687, %add3A_695, %add3A_703, %add3A_711, %add3A_719, %add3A_727, %add3A_735, %add3A_743, %add3A_751, %add3A_759, %add3A_767, %add3A_775, %add3A_783, %add3A_791 : vector<16xf32>, vector<16xf32>, vector<16xf32>, vector<16xf32>, vector<16xf32>, vector<16xf32>, vector<16xf32>, vector<16xf32>, vector<16xf32>, vector<16xf32>, vector<16xf32>, vector<16xf32>, vector<16xf32>, vector<16xf32>, vector<16xf32>, vector<16xf32>, vector<16xf32>
        }
        %scan3A_106 = arith.constant 16 : i32
        %max3A = arith.maximumf %scan3A_105#0, %scan3A_105#1 : vector<16xf32>
        %max3A_107 = arith.maximumf %scan3A_105#2, %scan3A_105#3 : vector<16xf32>
        %max3A_108 = arith.maximumf %scan3A_105#4, %scan3A_105#5 : vector<16xf32>
        %max3A_109 = arith.maximumf %scan3A_105#6, %scan3A_105#7 : vector<16xf32>
        %max3A_110 = arith.maximumf %scan3A_105#8, %scan3A_105#9 : vector<16xf32>
        %max3A_111 = arith.maximumf %scan3A_105#10, %scan3A_105#11 : vector<16xf32>
        %max3A_112 = arith.maximumf %scan3A_105#12, %scan3A_105#13 : vector<16xf32>
        %max3A_113 = arith.maximumf %scan3A_105#14, %scan3A_105#15 : vector<16xf32>
        %max3A_114 = arith.maximumf %max3A, %max3A_107 : vector<16xf32>
        %max3A_115 = arith.maximumf %max3A_108, %max3A_109 : vector<16xf32>
        %max3A_116 = arith.maximumf %max3A_110, %max3A_111 : vector<16xf32>
        %max3A_117 = arith.maximumf %max3A_112, %max3A_113 : vector<16xf32>
        %max3A_118 = arith.maximumf %max3A_114, %max3A_115 : vector<16xf32>
        %max3A_119 = arith.maximumf %max3A_116, %max3A_117 : vector<16xf32>
        %max3A_120 = arith.maximumf %max3A_118, %max3A_119 : vector<16xf32>
        %max3A_121 = arith.maximumf %max3A_120, %scan3A_105#16 : vector<16xf32>
        %sub3A_122 = arith.subf %scan3A_105#0, %max3A_121 : vector<16xf32>
        %exp3A = math.exp %sub3A_122 : vector<16xf32>
        %sub3A_123 = arith.subf %scan3A_105#1, %max3A_121 : vector<16xf32>
        %exp3A_124 = math.exp %sub3A_123 : vector<16xf32>
        %sub3A_125 = arith.subf %scan3A_105#2, %max3A_121 : vector<16xf32>
        %exp3A_126 = math.exp %sub3A_125 : vector<16xf32>
        %sub3A_127 = arith.subf %scan3A_105#3, %max3A_121 : vector<16xf32>
        %exp3A_128 = math.exp %sub3A_127 : vector<16xf32>
        %sub3A_129 = arith.subf %scan3A_105#4, %max3A_121 : vector<16xf32>
        %exp3A_130 = math.exp %sub3A_129 : vector<16xf32>
        %sub3A_131 = arith.subf %scan3A_105#5, %max3A_121 : vector<16xf32>
        %exp3A_132 = math.exp %sub3A_131 : vector<16xf32>
        %sub3A_133 = arith.subf %scan3A_105#6, %max3A_121 : vector<16xf32>
        %exp3A_134 = math.exp %sub3A_133 : vector<16xf32>
        %sub3A_135 = arith.subf %scan3A_105#7, %max3A_121 : vector<16xf32>
        %exp3A_136 = math.exp %sub3A_135 : vector<16xf32>
        %sub3A_137 = arith.subf %scan3A_105#8, %max3A_121 : vector<16xf32>
        %exp3A_138 = math.exp %sub3A_137 : vector<16xf32>
        %sub3A_139 = arith.subf %scan3A_105#9, %max3A_121 : vector<16xf32>
        %exp3A_140 = math.exp %sub3A_139 : vector<16xf32>
        %sub3A_141 = arith.subf %scan3A_105#10, %max3A_121 : vector<16xf32>
        %exp3A_142 = math.exp %sub3A_141 : vector<16xf32>
        %sub3A_143 = arith.subf %scan3A_105#11, %max3A_121 : vector<16xf32>
        %exp3A_144 = math.exp %sub3A_143 : vector<16xf32>
        %sub3A_145 = arith.subf %scan3A_105#12, %max3A_121 : vector<16xf32>
        %exp3A_146 = math.exp %sub3A_145 : vector<16xf32>
        %sub3A_147 = arith.subf %scan3A_105#13, %max3A_121 : vector<16xf32>
        %exp3A_148 = math.exp %sub3A_147 : vector<16xf32>
        %sub3A_149 = arith.subf %scan3A_105#14, %max3A_121 : vector<16xf32>
        %exp3A_150 = math.exp %sub3A_149 : vector<16xf32>
        %sub3A_151 = arith.subf %scan3A_105#15, %max3A_121 : vector<16xf32>
        %exp3A_152 = math.exp %sub3A_151 : vector<16xf32>
        %sub3A_153 = arith.subf %scan3A_105#16, %max3A_121 : vector<16xf32>
        %exp3A_154 = math.exp %sub3A_153 : vector<16xf32>
        %add3A_155 = arith.addf %exp3A, %exp3A_124 : vector<16xf32>
        %add3A_156 = arith.addf %exp3A_126, %exp3A_128 : vector<16xf32>
        %add3A_157 = arith.addf %exp3A_130, %exp3A_132 : vector<16xf32>
        %add3A_158 = arith.addf %exp3A_134, %exp3A_136 : vector<16xf32>
        %add3A_159 = arith.addf %exp3A_138, %exp3A_140 : vector<16xf32>
        %add3A_160 = arith.addf %exp3A_142, %exp3A_144 : vector<16xf32>
        %add3A_161 = arith.addf %exp3A_146, %exp3A_148 : vector<16xf32>
        %add3A_162 = arith.addf %exp3A_150, %exp3A_152 : vector<16xf32>
        %add3A_163 = arith.addf %add3A_155, %add3A_156 : vector<16xf32>
        %add3A_164 = arith.addf %add3A_157, %add3A_158 : vector<16xf32>
        %add3A_165 = arith.addf %add3A_159, %add3A_160 : vector<16xf32>
        %add3A_166 = arith.addf %add3A_161, %add3A_162 : vector<16xf32>
        %add3A_167 = arith.addf %add3A_163, %add3A_164 : vector<16xf32>
        %add3A_168 = arith.addf %add3A_165, %add3A_166 : vector<16xf32>
        %add3A_169 = arith.addf %add3A_167, %add3A_168 : vector<16xf32>
        %add3A_170 = arith.addf %add3A_169, %exp3A_154 : vector<16xf32>
        %div3A_171 = arith.constant 1.000000e+00 : f32
        %div3A_172 = vector.broadcast %div3A_171 : f32 to vector<16xf32>
        %div3A_173 = arith.divf %div3A_172, %add3A_170 : vector<16xf32>
        %mul3A_174 = arith.mulf %exp3A, %div3A_173 : vector<16xf32>
        %mul3A_175 = arith.mulf %exp3A_124, %div3A_173 : vector<16xf32>
        %mul3A_176 = arith.mulf %exp3A_126, %div3A_173 : vector<16xf32>
        %mul3A_177 = arith.mulf %exp3A_128, %div3A_173 : vector<16xf32>
        %mul3A_178 = arith.mulf %exp3A_130, %div3A_173 : vector<16xf32>
        %mul3A_179 = arith.mulf %exp3A_132, %div3A_173 : vector<16xf32>
        %mul3A_180 = arith.mulf %exp3A_134, %div3A_173 : vector<16xf32>
        %mul3A_181 = arith.mulf %exp3A_136, %div3A_173 : vector<16xf32>
        %mul3A_182 = arith.mulf %exp3A_138, %div3A_173 : vector<16xf32>
        %mul3A_183 = arith.mulf %exp3A_140, %div3A_173 : vector<16xf32>
        %mul3A_184 = arith.mulf %exp3A_142, %div3A_173 : vector<16xf32>
        %mul3A_185 = arith.mulf %exp3A_144, %div3A_173 : vector<16xf32>
        %mul3A_186 = arith.mulf %exp3A_146, %div3A_173 : vector<16xf32>
        %mul3A_187 = arith.mulf %exp3A_148, %div3A_173 : vector<16xf32>
        %mul3A_188 = arith.mulf %exp3A_150, %div3A_173 : vector<16xf32>
        %mul3A_189 = arith.mulf %exp3A_152, %div3A_173 : vector<16xf32>
        %mul3A_190 = arith.mulf %exp3A_154, %div3A_173 : vector<16xf32>
        %scan3A_191 = arith.constant 0 : i32
        %scan3A_192 = arith.constant 0 : i32
        %scan3A_193 = arith.constant 16 : i32
        %scan3A_194 = arith.addi %scan3A_192, %scan3A_193 : i32
        %scan3A_195 = arith.constant 1 : i32
        %scan3A_196 = scf.for %scan3A_199 = %scan3A_192 to %scan3A_194 step %scan3A_195 iter_args(%scan3A_200 = %scan3A_191) -> (i32)  : i32 {
          %mul3A_201 = arith.constant 4 : i32
          %mul3A_202 = arith.muli %scan3A_199, %mul3A_201 : i32
          %add3A_203 = arith.constant 0 : i32
          %add3A_204 = arith.addi %mul3A_202, %add3A_203 : i32
          %add3A_205 = arith.constant 0 : i32
          %add3A_206 = arith.addi %mul3A_67, %add3A_205 : i32
          %get3A = arith.index_cast %add3A_204 : i32 to index
          %get3A_207 = arith.index_cast %add3A_206 : i32 to index
          %get3A_208 = tpu.vector_load %arg8[%get3A, %get3A_207] {strides = array<i32>} : memref<64x272xf32, #tpu.memory_space<vmem>>, vector<1x16xf32>,
          %get3A_209 = vector.shape_cast %get3A_208 : vector<1x16xf32> to vector<16xf32>
          %mul3A_210 = arith.mulf %mul3A_174, %get3A_209 : vector<16xf32>
          %add3A_211 = arith.constant 1 : i32
          %add3A_212 = arith.addi %mul3A_67, %add3A_211 : i32
          %get3A_213 = arith.index_cast %add3A_204 : i32 to index
          %get3A_214 = arith.index_cast %add3A_212 : i32 to index
          %get3A_215 = tpu.vector_load %arg8[%get3A_213, %get3A_214] {strides = array<i32>} : memref<64x272xf32, #tpu.memory_space<vmem>>, vector<1x16xf32>,
          %get3A_216 = vector.shape_cast %get3A_215 : vector<1x16xf32> to vector<16xf32>
          %mul3A_217 = arith.mulf %mul3A_175, %get3A_216 : vector<16xf32>
          %add3A_218 = arith.constant 2 : i32
          %add3A_219 = arith.addi %mul3A_67, %add3A_218 : i32
          %get3A_220 = arith.index_cast %add3A_204 : i32 to index
          %get3A_221 = arith.index_cast %add3A_219 : i32 to index
          %get3A_222 = tpu.vector_load %arg8[%get3A_220, %get3A_221] {strides = array<i32>} : memref<64x272xf32, #tpu.memory_space<vmem>>, vector<1x16xf32>,
          %get3A_223 = vector.shape_cast %get3A_222 : vector<1x16xf32> to vector<16xf32>
          %mul3A_224 = arith.mulf %mul3A_176, %get3A_223 : vector<16xf32>
          %add3A_225 = arith.constant 3 : i32
          %add3A_226 = arith.addi %mul3A_67, %add3A_225 : i32
          %get3A_227 = arith.index_cast %add3A_204 : i32 to index
          %get3A_228 = arith.index_cast %add3A_226 : i32 to index
          %get3A_229 = tpu.vector_load %arg8[%get3A_227, %get3A_228] {strides = array<i32>} : memref<64x272xf32, #tpu.memory_space<vmem>>, vector<1x16xf32>,
          %get3A_230 = vector.shape_cast %get3A_229 : vector<1x16xf32> to vector<16xf32>
          %mul3A_231 = arith.mulf %mul3A_177, %get3A_230 : vector<16xf32>
          %add3A_232 = arith.constant 4 : i32
          %add3A_233 = arith.addi %mul3A_67, %add3A_232 : i32
          %get3A_234 = arith.index_cast %add3A_204 : i32 to index
          %get3A_235 = arith.index_cast %add3A_233 : i32 to index
          %get3A_236 = tpu.vector_load %arg8[%get3A_234, %get3A_235] {strides = array<i32>} : memref<64x272xf32, #tpu.memory_space<vmem>>, vector<1x16xf32>,
          %get3A_237 = vector.shape_cast %get3A_236 : vector<1x16xf32> to vector<16xf32>
          %mul3A_238 = arith.mulf %mul3A_178, %get3A_237 : vector<16xf32>
          %add3A_239 = arith.constant 5 : i32
          %add3A_240 = arith.addi %mul3A_67, %add3A_239 : i32
          %get3A_241 = arith.index_cast %add3A_204 : i32 to index
          %get3A_242 = arith.index_cast %add3A_240 : i32 to index
          %get3A_243 = tpu.vector_load %arg8[%get3A_241, %get3A_242] {strides = array<i32>} : memref<64x272xf32, #tpu.memory_space<vmem>>, vector<1x16xf32>,
          %get3A_244 = vector.shape_cast %get3A_243 : vector<1x16xf32> to vector<16xf32>
          %mul3A_245 = arith.mulf %mul3A_179, %get3A_244 : vector<16xf32>
          %add3A_246 = arith.constant 6 : i32
          %add3A_247 = arith.addi %mul3A_67, %add3A_246 : i32
          %get3A_248 = arith.index_cast %add3A_204 : i32 to index
          %get3A_249 = arith.index_cast %add3A_247 : i32 to index
          %get3A_250 = tpu.vector_load %arg8[%get3A_248, %get3A_249] {strides = array<i32>} : memref<64x272xf32, #tpu.memory_space<vmem>>, vector<1x16xf32>,
          %get3A_251 = vector.shape_cast %get3A_250 : vector<1x16xf32> to vector<16xf32>
          %mul3A_252 = arith.mulf %mul3A_180, %get3A_251 : vector<16xf32>
          %add3A_253 = arith.constant 7 : i32
          %add3A_254 = arith.addi %mul3A_67, %add3A_253 : i32
          %get3A_255 = arith.index_cast %add3A_204 : i32 to index
          %get3A_256 = arith.index_cast %add3A_254 : i32 to index
          %get3A_257 = tpu.vector_load %arg8[%get3A_255, %get3A_256] {strides = array<i32>} : memref<64x272xf32, #tpu.memory_space<vmem>>, vector<1x16xf32>,
          %get3A_258 = vector.shape_cast %get3A_257 : vector<1x16xf32> to vector<16xf32>
          %mul3A_259 = arith.mulf %mul3A_181, %get3A_258 : vector<16xf32>
          %add3A_260 = arith.constant 8 : i32
          %add3A_261 = arith.addi %mul3A_67, %add3A_260 : i32
          %get3A_262 = arith.index_cast %add3A_204 : i32 to index
          %get3A_263 = arith.index_cast %add3A_261 : i32 to index
          %get3A_264 = tpu.vector_load %arg8[%get3A_262, %get3A_263] {strides = array<i32>} : memref<64x272xf32, #tpu.memory_space<vmem>>, vector<1x16xf32>,
          %get3A_265 = vector.shape_cast %get3A_264 : vector<1x16xf32> to vector<16xf32>
          %mul3A_266 = arith.mulf %mul3A_182, %get3A_265 : vector<16xf32>
          %add3A_267 = arith.constant 9 : i32
          %add3A_268 = arith.addi %mul3A_67, %add3A_267 : i32
          %get3A_269 = arith.index_cast %add3A_204 : i32 to index
          %get3A_270 = arith.index_cast %add3A_268 : i32 to index
          %get3A_271 = tpu.vector_load %arg8[%get3A_269, %get3A_270] {strides = array<i32>} : memref<64x272xf32, #tpu.memory_space<vmem>>, vector<1x16xf32>,
          %get3A_272 = vector.shape_cast %get3A_271 : vector<1x16xf32> to vector<16xf32>
          %mul3A_273 = arith.mulf %mul3A_183, %get3A_272 : vector<16xf32>
          %add3A_274 = arith.constant 10 : i32
          %add3A_275 = arith.addi %mul3A_67, %add3A_274 : i32
          %get3A_276 = arith.index_cast %add3A_204 : i32 to index
          %get3A_277 = arith.index_cast %add3A_275 : i32 to index
          %get3A_278 = tpu.vector_load %arg8[%get3A_276, %get3A_277] {strides = array<i32>} : memref<64x272xf32, #tpu.memory_space<vmem>>, vector<1x16xf32>,
          %get3A_279 = vector.shape_cast %get3A_278 : vector<1x16xf32> to vector<16xf32>
          %mul3A_280 = arith.mulf %mul3A_184, %get3A_279 : vector<16xf32>
          %add3A_281 = arith.constant 11 : i32
          %add3A_282 = arith.addi %mul3A_67, %add3A_281 : i32
          %get3A_283 = arith.index_cast %add3A_204 : i32 to index
          %get3A_284 = arith.index_cast %add3A_282 : i32 to index
          %get3A_285 = tpu.vector_load %arg8[%get3A_283, %get3A_284] {strides = array<i32>} : memref<64x272xf32, #tpu.memory_space<vmem>>, vector<1x16xf32>,
          %get3A_286 = vector.shape_cast %get3A_285 : vector<1x16xf32> to vector<16xf32>
          %mul3A_287 = arith.mulf %mul3A_185, %get3A_286 : vector<16xf32>
          %add3A_288 = arith.constant 12 : i32
          %add3A_289 = arith.addi %mul3A_67, %add3A_288 : i32
          %get3A_290 = arith.index_cast %add3A_204 : i32 to index
          %get3A_291 = arith.index_cast %add3A_289 : i32 to index
          %get3A_292 = tpu.vector_load %arg8[%get3A_290, %get3A_291] {strides = array<i32>} : memref<64x272xf32, #tpu.memory_space<vmem>>, vector<1x16xf32>,
          %get3A_293 = vector.shape_cast %get3A_292 : vector<1x16xf32> to vector<16xf32>
          %mul3A_294 = arith.mulf %mul3A_186, %get3A_293 : vector<16xf32>
          %add3A_295 = arith.constant 13 : i32
          %add3A_296 = arith.addi %mul3A_67, %add3A_295 : i32
          %get3A_297 = arith.index_cast %add3A_204 : i32 to index
          %get3A_298 = arith.index_cast %add3A_296 : i32 to index
          %get3A_299 = tpu.vector_load %arg8[%get3A_297, %get3A_298] {strides = array<i32>} : memref<64x272xf32, #tpu.memory_space<vmem>>, vector<1x16xf32>,
          %get3A_300 = vector.shape_cast %get3A_299 : vector<1x16xf32> to vector<16xf32>
          %mul3A_301 = arith.mulf %mul3A_187, %get3A_300 : vector<16xf32>
          %add3A_302 = arith.constant 14 : i32
          %add3A_303 = arith.addi %mul3A_67, %add3A_302 : i32
          %get3A_304 = arith.index_cast %add3A_204 : i32 to index
          %get3A_305 = arith.index_cast %add3A_303 : i32 to index
          %get3A_306 = tpu.vector_load %arg8[%get3A_304, %get3A_305] {strides = array<i32>} : memref<64x272xf32, #tpu.memory_space<vmem>>, vector<1x16xf32>,
          %get3A_307 = vector.shape_cast %get3A_306 : vector<1x16xf32> to vector<16xf32>
          %mul3A_308 = arith.mulf %mul3A_188, %get3A_307 : vector<16xf32>
          %add3A_309 = arith.constant 15 : i32
          %add3A_310 = arith.addi %mul3A_67, %add3A_309 : i32
          %get3A_311 = arith.index_cast %add3A_204 : i32 to index
          %get3A_312 = arith.index_cast %add3A_310 : i32 to index
          %get3A_313 = tpu.vector_load %arg8[%get3A_311, %get3A_312] {strides = array<i32>} : memref<64x272xf32, #tpu.memory_space<vmem>>, vector<1x16xf32>,
          %get3A_314 = vector.shape_cast %get3A_313 : vector<1x16xf32> to vector<16xf32>
          %mul3A_315 = arith.mulf %mul3A_189, %get3A_314 : vector<16xf32>
          %add3A_316 = arith.constant 16 : i32
          %add3A_317 = arith.addi %mul3A_67, %add3A_316 : i32
          %get3A_318 = arith.index_cast %add3A_204 : i32 to index
          %get3A_319 = arith.index_cast %add3A_317 : i32 to index
          %get3A_320 = tpu.vector_load %arg8[%get3A_318, %get3A_319] {strides = array<i32>} : memref<64x272xf32, #tpu.memory_space<vmem>>, vector<1x16xf32>,
          %get3A_321 = vector.shape_cast %get3A_320 : vector<1x16xf32> to vector<16xf32>
          %mul3A_322 = arith.mulf %mul3A_190, %get3A_321 : vector<16xf32>
          %add3A_323 = arith.addf %mul3A_210, %mul3A_217 : vector<16xf32>
          %add3A_324 = arith.addf %mul3A_224, %mul3A_231 : vector<16xf32>
          %add3A_325 = arith.addf %mul3A_238, %mul3A_245 : vector<16xf32>
          %add3A_326 = arith.addf %mul3A_252, %mul3A_259 : vector<16xf32>
          %add3A_327 = arith.addf %mul3A_266, %mul3A_273 : vector<16xf32>
          %add3A_328 = arith.addf %mul3A_280, %mul3A_287 : vector<16xf32>
          %add3A_329 = arith.addf %mul3A_294, %mul3A_301 : vector<16xf32>
          %add3A_330 = arith.addf %mul3A_308, %mul3A_315 : vector<16xf32>
          %add3A_331 = arith.addf %add3A_323, %add3A_324 : vector<16xf32>
          %add3A_332 = arith.addf %add3A_325, %add3A_326 : vector<16xf32>
          %add3A_333 = arith.addf %add3A_327, %add3A_328 : vector<16xf32>
          %add3A_334 = arith.addf %add3A_329, %add3A_330 : vector<16xf32>
          %add3A_335 = arith.addf %add3A_331, %add3A_332 : vector<16xf32>
          %add3A_336 = arith.addf %add3A_333, %add3A_334 : vector<16xf32>
          %add3A_337 = arith.addf %add3A_335, %add3A_336 : vector<16xf32>
          %add3A_338 = arith.addf %add3A_337, %mul3A_322 : vector<16xf32>
          %swap3A = arith.index_cast %add3A_204 : i32 to index
          %swap3A_339 = arith.index_cast %mul3A_65 : i32 to index
          %swap3A_340 = tpu.vector_load %arg9[%swap3A, %swap3A_339] {strides = array<i32>} : memref<64x256xf32, #tpu.memory_space<vmem>>, vector<1x16xf32>,
          %swap3A_341 = vector.shape_cast %swap3A_340 : vector<1x16xf32> to vector<16xf32>
          %swap3A_342 = vector.shape_cast %add3A_338 : vector<16xf32> to vector<1x16xf32>
          tpu.vector_store %arg9[%swap3A, %swap3A_339], %swap3A_342 {strides = array<i32>} : memref<64x256xf32, #tpu.memory_space<vmem>>, vector<1x16xf32>,
          %mul3A_343 = arith.constant 4 : i32
          %mul3A_344 = arith.muli %scan3A_199, %mul3A_343 : i32
          %add3A_345 = arith.constant 1 : i32
          %add3A_346 = arith.addi %mul3A_344, %add3A_345 : i32
          %add3A_347 = arith.constant 0 : i32
          %add3A_348 = arith.addi %mul3A_67, %add3A_347 : i32
          %get3A_349 = arith.index_cast %add3A_346 : i32 to index
          %get3A_350 = arith.index_cast %add3A_348 : i32 to index
          %get3A_351 = tpu.vector_load %arg8[%get3A_349, %get3A_350] {strides = array<i32>} : memref<64x272xf32, #tpu.memory_space<vmem>>, vector<1x16xf32>,
          %get3A_352 = vector.shape_cast %get3A_351 : vector<1x16xf32> to vector<16xf32>
          %mul3A_353 = arith.mulf %mul3A_174, %get3A_352 : vector<16xf32>
          %add3A_354 = arith.constant 1 : i32
          %add3A_355 = arith.addi %mul3A_67, %add3A_354 : i32
          %get3A_356 = arith.index_cast %add3A_346 : i32 to index
          %get3A_357 = arith.index_cast %add3A_355 : i32 to index
          %get3A_358 = tpu.vector_load %arg8[%get3A_356, %get3A_357] {strides = array<i32>} : memref<64x272xf32, #tpu.memory_space<vmem>>, vector<1x16xf32>,
          %get3A_359 = vector.shape_cast %get3A_358 : vector<1x16xf32> to vector<16xf32>
          %mul3A_360 = arith.mulf %mul3A_175, %get3A_359 : vector<16xf32>
          %add3A_361 = arith.constant 2 : i32
          %add3A_362 = arith.addi %mul3A_67, %add3A_361 : i32
          %get3A_363 = arith.index_cast %add3A_346 : i32 to index
          %get3A_364 = arith.index_cast %add3A_362 : i32 to index
          %get3A_365 = tpu.vector_load %arg8[%get3A_363, %get3A_364] {strides = array<i32>} : memref<64x272xf32, #tpu.memory_space<vmem>>, vector<1x16xf32>,
          %get3A_366 = vector.shape_cast %get3A_365 : vector<1x16xf32> to vector<16xf32>
          %mul3A_367 = arith.mulf %mul3A_176, %get3A_366 : vector<16xf32>
          %add3A_368 = arith.constant 3 : i32
          %add3A_369 = arith.addi %mul3A_67, %add3A_368 : i32
          %get3A_370 = arith.index_cast %add3A_346 : i32 to index
          %get3A_371 = arith.index_cast %add3A_369 : i32 to index
          %get3A_372 = tpu.vector_load %arg8[%get3A_370, %get3A_371] {strides = array<i32>} : memref<64x272xf32, #tpu.memory_space<vmem>>, vector<1x16xf32>,
          %get3A_373 = vector.shape_cast %get3A_372 : vector<1x16xf32> to vector<16xf32>
          %mul3A_374 = arith.mulf %mul3A_177, %get3A_373 : vector<16xf32>
          %add3A_375 = arith.constant 4 : i32
          %add3A_376 = arith.addi %mul3A_67, %add3A_375 : i32
          %get3A_377 = arith.index_cast %add3A_346 : i32 to index
          %get3A_378 = arith.index_cast %add3A_376 : i32 to index
          %get3A_379 = tpu.vector_load %arg8[%get3A_377, %get3A_378] {strides = array<i32>} : memref<64x272xf32, #tpu.memory_space<vmem>>, vector<1x16xf32>,
          %get3A_380 = vector.shape_cast %get3A_379 : vector<1x16xf32> to vector<16xf32>
          %mul3A_381 = arith.mulf %mul3A_178, %get3A_380 : vector<16xf32>
          %add3A_382 = arith.constant 5 : i32
          %add3A_383 = arith.addi %mul3A_67, %add3A_382 : i32
          %get3A_384 = arith.index_cast %add3A_346 : i32 to index
          %get3A_385 = arith.index_cast %add3A_383 : i32 to index
          %get3A_386 = tpu.vector_load %arg8[%get3A_384, %get3A_385] {strides = array<i32>} : memref<64x272xf32, #tpu.memory_space<vmem>>, vector<1x16xf32>,
          %get3A_387 = vector.shape_cast %get3A_386 : vector<1x16xf32> to vector<16xf32>
          %mul3A_388 = arith.mulf %mul3A_179, %get3A_387 : vector<16xf32>
          %add3A_389 = arith.constant 6 : i32
          %add3A_390 = arith.addi %mul3A_67, %add3A_389 : i32
          %get3A_391 = arith.index_cast %add3A_346 : i32 to index
          %get3A_392 = arith.index_cast %add3A_390 : i32 to index
          %get3A_393 = tpu.vector_load %arg8[%get3A_391, %get3A_392] {strides = array<i32>} : memref<64x272xf32, #tpu.memory_space<vmem>>, vector<1x16xf32>,
          %get3A_394 = vector.shape_cast %get3A_393 : vector<1x16xf32> to vector<16xf32>
          %mul3A_395 = arith.mulf %mul3A_180, %get3A_394 : vector<16xf32>
          %add3A_396 = arith.constant 7 : i32
          %add3A_397 = arith.addi %mul3A_67, %add3A_396 : i32
          %get3A_398 = arith.index_cast %add3A_346 : i32 to index
          %get3A_399 = arith.index_cast %add3A_397 : i32 to index
          %get3A_400 = tpu.vector_load %arg8[%get3A_398, %get3A_399] {strides = array<i32>} : memref<64x272xf32, #tpu.memory_space<vmem>>, vector<1x16xf32>,
          %get3A_401 = vector.shape_cast %get3A_400 : vector<1x16xf32> to vector<16xf32>
          %mul3A_402 = arith.mulf %mul3A_181, %get3A_401 : vector<16xf32>
          %add3A_403 = arith.constant 8 : i32
          %add3A_404 = arith.addi %mul3A_67, %add3A_403 : i32
          %get3A_405 = arith.index_cast %add3A_346 : i32 to index
          %get3A_406 = arith.index_cast %add3A_404 : i32 to index
          %get3A_407 = tpu.vector_load %arg8[%get3A_405, %get3A_406] {strides = array<i32>} : memref<64x272xf32, #tpu.memory_space<vmem>>, vector<1x16xf32>,
          %get3A_408 = vector.shape_cast %get3A_407 : vector<1x16xf32> to vector<16xf32>
          %mul3A_409 = arith.mulf %mul3A_182, %get3A_408 : vector<16xf32>
          %add3A_410 = arith.constant 9 : i32
          %add3A_411 = arith.addi %mul3A_67, %add3A_410 : i32
          %get3A_412 = arith.index_cast %add3A_346 : i32 to index
          %get3A_413 = arith.index_cast %add3A_411 : i32 to index
          %get3A_414 = tpu.vector_load %arg8[%get3A_412, %get3A_413] {strides = array<i32>} : memref<64x272xf32, #tpu.memory_space<vmem>>, vector<1x16xf32>,
          %get3A_415 = vector.shape_cast %get3A_414 : vector<1x16xf32> to vector<16xf32>
          %mul3A_416 = arith.mulf %mul3A_183, %get3A_415 : vector<16xf32>
          %add3A_417 = arith.constant 10 : i32
          %add3A_418 = arith.addi %mul3A_67, %add3A_417 : i32
          %get3A_419 = arith.index_cast %add3A_346 : i32 to index
          %get3A_420 = arith.index_cast %add3A_418 : i32 to index
          %get3A_421 = tpu.vector_load %arg8[%get3A_419, %get3A_420] {strides = array<i32>} : memref<64x272xf32, #tpu.memory_space<vmem>>, vector<1x16xf32>,
          %get3A_422 = vector.shape_cast %get3A_421 : vector<1x16xf32> to vector<16xf32>
          %mul3A_423 = arith.mulf %mul3A_184, %get3A_422 : vector<16xf32>
          %add3A_424 = arith.constant 11 : i32
          %add3A_425 = arith.addi %mul3A_67, %add3A_424 : i32
          %get3A_426 = arith.index_cast %add3A_346 : i32 to index
          %get3A_427 = arith.index_cast %add3A_425 : i32 to index
          %get3A_428 = tpu.vector_load %arg8[%get3A_426, %get3A_427] {strides = array<i32>} : memref<64x272xf32, #tpu.memory_space<vmem>>, vector<1x16xf32>,
          %get3A_429 = vector.shape_cast %get3A_428 : vector<1x16xf32> to vector<16xf32>
          %mul3A_430 = arith.mulf %mul3A_185, %get3A_429 : vector<16xf32>
          %add3A_431 = arith.constant 12 : i32
          %add3A_432 = arith.addi %mul3A_67, %add3A_431 : i32
          %get3A_433 = arith.index_cast %add3A_346 : i32 to index
          %get3A_434 = arith.index_cast %add3A_432 : i32 to index
          %get3A_435 = tpu.vector_load %arg8[%get3A_433, %get3A_434] {strides = array<i32>} : memref<64x272xf32, #tpu.memory_space<vmem>>, vector<1x16xf32>,
          %get3A_436 = vector.shape_cast %get3A_435 : vector<1x16xf32> to vector<16xf32>
          %mul3A_437 = arith.mulf %mul3A_186, %get3A_436 : vector<16xf32>
          %add3A_438 = arith.constant 13 : i32
          %add3A_439 = arith.addi %mul3A_67, %add3A_438 : i32
          %get3A_440 = arith.index_cast %add3A_346 : i32 to index
          %get3A_441 = arith.index_cast %add3A_439 : i32 to index
          %get3A_442 = tpu.vector_load %arg8[%get3A_440, %get3A_441] {strides = array<i32>} : memref<64x272xf32, #tpu.memory_space<vmem>>, vector<1x16xf32>,
          %get3A_443 = vector.shape_cast %get3A_442 : vector<1x16xf32> to vector<16xf32>
          %mul3A_444 = arith.mulf %mul3A_187, %get3A_443 : vector<16xf32>
          %add3A_445 = arith.constant 14 : i32
          %add3A_446 = arith.addi %mul3A_67, %add3A_445 : i32
          %get3A_447 = arith.index_cast %add3A_346 : i32 to index
          %get3A_448 = arith.index_cast %add3A_446 : i32 to index
          %get3A_449 = tpu.vector_load %arg8[%get3A_447, %get3A_448] {strides = array<i32>} : memref<64x272xf32, #tpu.memory_space<vmem>>, vector<1x16xf32>,
          %get3A_450 = vector.shape_cast %get3A_449 : vector<1x16xf32> to vector<16xf32>
          %mul3A_451 = arith.mulf %mul3A_188, %get3A_450 : vector<16xf32>
          %add3A_452 = arith.constant 15 : i32
          %add3A_453 = arith.addi %mul3A_67, %add3A_452 : i32
          %get3A_454 = arith.index_cast %add3A_346 : i32 to index
          %get3A_455 = arith.index_cast %add3A_453 : i32 to index
          %get3A_456 = tpu.vector_load %arg8[%get3A_454, %get3A_455] {strides = array<i32>} : memref<64x272xf32, #tpu.memory_space<vmem>>, vector<1x16xf32>,
          %get3A_457 = vector.shape_cast %get3A_456 : vector<1x16xf32> to vector<16xf32>
          %mul3A_458 = arith.mulf %mul3A_189, %get3A_457 : vector<16xf32>
          %add3A_459 = arith.constant 16 : i32
          %add3A_460 = arith.addi %mul3A_67, %add3A_459 : i32
          %get3A_461 = arith.index_cast %add3A_346 : i32 to index
          %get3A_462 = arith.index_cast %add3A_460 : i32 to index
          %get3A_463 = tpu.vector_load %arg8[%get3A_461, %get3A_462] {strides = array<i32>} : memref<64x272xf32, #tpu.memory_space<vmem>>, vector<1x16xf32>,
          %get3A_464 = vector.shape_cast %get3A_463 : vector<1x16xf32> to vector<16xf32>
          %mul3A_465 = arith.mulf %mul3A_190, %get3A_464 : vector<16xf32>
          %add3A_466 = arith.addf %mul3A_353, %mul3A_360 : vector<16xf32>
          %add3A_467 = arith.addf %mul3A_367, %mul3A_374 : vector<16xf32>
          %add3A_468 = arith.addf %mul3A_381, %mul3A_388 : vector<16xf32>
          %add3A_469 = arith.addf %mul3A_395, %mul3A_402 : vector<16xf32>
          %add3A_470 = arith.addf %mul3A_409, %mul3A_416 : vector<16xf32>
          %add3A_471 = arith.addf %mul3A_423, %mul3A_430 : vector<16xf32>
          %add3A_472 = arith.addf %mul3A_437, %mul3A_444 : vector<16xf32>
          %add3A_473 = arith.addf %mul3A_451, %mul3A_458 : vector<16xf32>
          %add3A_474 = arith.addf %add3A_466, %add3A_467 : vector<16xf32>
          %add3A_475 = arith.addf %add3A_468, %add3A_469 : vector<16xf32>
          %add3A_476 = arith.addf %add3A_470, %add3A_471 : vector<16xf32>
          %add3A_477 = arith.addf %add3A_472, %add3A_473 : vector<16xf32>
          %add3A_478 = arith.addf %add3A_474, %add3A_475 : vector<16xf32>
          %add3A_479 = arith.addf %add3A_476, %add3A_477 : vector<16xf32>
          %add3A_480 = arith.addf %add3A_478, %add3A_479 : vector<16xf32>
          %add3A_481 = arith.addf %add3A_480, %mul3A_465 : vector<16xf32>
          %swap3A_482 = arith.index_cast %add3A_346 : i32 to index
          %swap3A_483 = arith.index_cast %mul3A_65 : i32 to index
          %swap3A_484 = tpu.vector_load %arg9[%swap3A_482, %swap3A_483] {strides = array<i32>} : memref<64x256xf32, #tpu.memory_space<vmem>>, vector<1x16xf32>,
          %swap3A_485 = vector.shape_cast %swap3A_484 : vector<1x16xf32> to vector<16xf32>
          %swap3A_486 = vector.shape_cast %add3A_481 : vector<16xf32> to vector<1x16xf32>
          tpu.vector_store %arg9[%swap3A_482, %swap3A_483], %swap3A_486 {strides = array<i32>} : memref<64x256xf32, #tpu.memory_space<vmem>>, vector<1x16xf32>,
          %mul3A_487 = arith.constant 4 : i32
          %mul3A_488 = arith.muli %scan3A_199, %mul3A_487 : i32
          %add3A_489 = arith.constant 2 : i32
          %add3A_490 = arith.addi %mul3A_488, %add3A_489 : i32
          %add3A_491 = arith.constant 0 : i32
          %add3A_492 = arith.addi %mul3A_67, %add3A_491 : i32
          %get3A_493 = arith.index_cast %add3A_490 : i32 to index
          %get3A_494 = arith.index_cast %add3A_492 : i32 to index
          %get3A_495 = tpu.vector_load %arg8[%get3A_493, %get3A_494] {strides = array<i32>} : memref<64x272xf32, #tpu.memory_space<vmem>>, vector<1x16xf32>,
          %get3A_496 = vector.shape_cast %get3A_495 : vector<1x16xf32> to vector<16xf32>
          %mul3A_497 = arith.mulf %mul3A_174, %get3A_496 : vector<16xf32>
          %add3A_498 = arith.constant 1 : i32
          %add3A_499 = arith.addi %mul3A_67, %add3A_498 : i32
          %get3A_500 = arith.index_cast %add3A_490 : i32 to index
          %get3A_501 = arith.index_cast %add3A_499 : i32 to index
          %get3A_502 = tpu.vector_load %arg8[%get3A_500, %get3A_501] {strides = array<i32>} : memref<64x272xf32, #tpu.memory_space<vmem>>, vector<1x16xf32>,
          %get3A_503 = vector.shape_cast %get3A_502 : vector<1x16xf32> to vector<16xf32>
          %mul3A_504 = arith.mulf %mul3A_175, %get3A_503 : vector<16xf32>
          %add3A_505 = arith.constant 2 : i32
          %add3A_506 = arith.addi %mul3A_67, %add3A_505 : i32
          %get3A_507 = arith.index_cast %add3A_490 : i32 to index
          %get3A_508 = arith.index_cast %add3A_506 : i32 to index
          %get3A_509 = tpu.vector_load %arg8[%get3A_507, %get3A_508] {strides = array<i32>} : memref<64x272xf32, #tpu.memory_space<vmem>>, vector<1x16xf32>,
          %get3A_510 = vector.shape_cast %get3A_509 : vector<1x16xf32> to vector<16xf32>
          %mul3A_511 = arith.mulf %mul3A_176, %get3A_510 : vector<16xf32>
          %add3A_512 = arith.constant 3 : i32
          %add3A_513 = arith.addi %mul3A_67, %add3A_512 : i32
          %get3A_514 = arith.index_cast %add3A_490 : i32 to index
          %get3A_515 = arith.index_cast %add3A_513 : i32 to index
          %get3A_516 = tpu.vector_load %arg8[%get3A_514, %get3A_515] {strides = array<i32>} : memref<64x272xf32, #tpu.memory_space<vmem>>, vector<1x16xf32>,
          %get3A_517 = vector.shape_cast %get3A_516 : vector<1x16xf32> to vector<16xf32>
          %mul3A_518 = arith.mulf %mul3A_177, %get3A_517 : vector<16xf32>
          %add3A_519 = arith.constant 4 : i32
          %add3A_520 = arith.addi %mul3A_67, %add3A_519 : i32
          %get3A_521 = arith.index_cast %add3A_490 : i32 to index
          %get3A_522 = arith.index_cast %add3A_520 : i32 to index
          %get3A_523 = tpu.vector_load %arg8[%get3A_521, %get3A_522] {strides = array<i32>} : memref<64x272xf32, #tpu.memory_space<vmem>>, vector<1x16xf32>,
          %get3A_524 = vector.shape_cast %get3A_523 : vector<1x16xf32> to vector<16xf32>
          %mul3A_525 = arith.mulf %mul3A_178, %get3A_524 : vector<16xf32>
          %add3A_526 = arith.constant 5 : i32
          %add3A_527 = arith.addi %mul3A_67, %add3A_526 : i32
          %get3A_528 = arith.index_cast %add3A_490 : i32 to index
          %get3A_529 = arith.index_cast %add3A_527 : i32 to index
          %get3A_530 = tpu.vector_load %arg8[%get3A_528, %get3A_529] {strides = array<i32>} : memref<64x272xf32, #tpu.memory_space<vmem>>, vector<1x16xf32>,
          %get3A_531 = vector.shape_cast %get3A_530 : vector<1x16xf32> to vector<16xf32>
          %mul3A_532 = arith.mulf %mul3A_179, %get3A_531 : vector<16xf32>
          %add3A_533 = arith.constant 6 : i32
          %add3A_534 = arith.addi %mul3A_67, %add3A_533 : i32
          %get3A_535 = arith.index_cast %add3A_490 : i32 to index
          %get3A_536 = arith.index_cast %add3A_534 : i32 to index
          %get3A_537 = tpu.vector_load %arg8[%get3A_535, %get3A_536] {strides = array<i32>} : memref<64x272xf32, #tpu.memory_space<vmem>>, vector<1x16xf32>,
          %get3A_538 = vector.shape_cast %get3A_537 : vector<1x16xf32> to vector<16xf32>
          %mul3A_539 = arith.mulf %mul3A_180, %get3A_538 : vector<16xf32>
          %add3A_540 = arith.constant 7 : i32
          %add3A_541 = arith.addi %mul3A_67, %add3A_540 : i32
          %get3A_542 = arith.index_cast %add3A_490 : i32 to index
          %get3A_543 = arith.index_cast %add3A_541 : i32 to index
          %get3A_544 = tpu.vector_load %arg8[%get3A_542, %get3A_543] {strides = array<i32>} : memref<64x272xf32, #tpu.memory_space<vmem>>, vector<1x16xf32>,
          %get3A_545 = vector.shape_cast %get3A_544 : vector<1x16xf32> to vector<16xf32>
          %mul3A_546 = arith.mulf %mul3A_181, %get3A_545 : vector<16xf32>
          %add3A_547 = arith.constant 8 : i32
          %add3A_548 = arith.addi %mul3A_67, %add3A_547 : i32
          %get3A_549 = arith.index_cast %add3A_490 : i32 to index
          %get3A_550 = arith.index_cast %add3A_548 : i32 to index
          %get3A_551 = tpu.vector_load %arg8[%get3A_549, %get3A_550] {strides = array<i32>} : memref<64x272xf32, #tpu.memory_space<vmem>>, vector<1x16xf32>,
          %get3A_552 = vector.shape_cast %get3A_551 : vector<1x16xf32> to vector<16xf32>
          %mul3A_553 = arith.mulf %mul3A_182, %get3A_552 : vector<16xf32>
          %add3A_554 = arith.constant 9 : i32
          %add3A_555 = arith.addi %mul3A_67, %add3A_554 : i32
          %get3A_556 = arith.index_cast %add3A_490 : i32 to index
          %get3A_557 = arith.index_cast %add3A_555 : i32 to index
          %get3A_558 = tpu.vector_load %arg8[%get3A_556, %get3A_557] {strides = array<i32>} : memref<64x272xf32, #tpu.memory_space<vmem>>, vector<1x16xf32>,
          %get3A_559 = vector.shape_cast %get3A_558 : vector<1x16xf32> to vector<16xf32>
          %mul3A_560 = arith.mulf %mul3A_183, %get3A_559 : vector<16xf32>
          %add3A_561 = arith.constant 10 : i32
          %add3A_562 = arith.addi %mul3A_67, %add3A_561 : i32
          %get3A_563 = arith.index_cast %add3A_490 : i32 to index
          %get3A_564 = arith.index_cast %add3A_562 : i32 to index
          %get3A_565 = tpu.vector_load %arg8[%get3A_563, %get3A_564] {strides = array<i32>} : memref<64x272xf32, #tpu.memory_space<vmem>>, vector<1x16xf32>,
          %get3A_566 = vector.shape_cast %get3A_565 : vector<1x16xf32> to vector<16xf32>
          %mul3A_567 = arith.mulf %mul3A_184, %get3A_566 : vector<16xf32>
          %add3A_568 = arith.constant 11 : i32
          %add3A_569 = arith.addi %mul3A_67, %add3A_568 : i32
          %get3A_570 = arith.index_cast %add3A_490 : i32 to index
          %get3A_571 = arith.index_cast %add3A_569 : i32 to index
          %get3A_572 = tpu.vector_load %arg8[%get3A_570, %get3A_571] {strides = array<i32>} : memref<64x272xf32, #tpu.memory_space<vmem>>, vector<1x16xf32>,
          %get3A_573 = vector.shape_cast %get3A_572 : vector<1x16xf32> to vector<16xf32>
          %mul3A_574 = arith.mulf %mul3A_185, %get3A_573 : vector<16xf32>
          %add3A_575 = arith.constant 12 : i32
          %add3A_576 = arith.addi %mul3A_67, %add3A_575 : i32
          %get3A_577 = arith.index_cast %add3A_490 : i32 to index
          %get3A_578 = arith.index_cast %add3A_576 : i32 to index
          %get3A_579 = tpu.vector_load %arg8[%get3A_577, %get3A_578] {strides = array<i32>} : memref<64x272xf32, #tpu.memory_space<vmem>>, vector<1x16xf32>,
          %get3A_580 = vector.shape_cast %get3A_579 : vector<1x16xf32> to vector<16xf32>
          %mul3A_581 = arith.mulf %mul3A_186, %get3A_580 : vector<16xf32>
          %add3A_582 = arith.constant 13 : i32
          %add3A_583 = arith.addi %mul3A_67, %add3A_582 : i32
          %get3A_584 = arith.index_cast %add3A_490 : i32 to index
          %get3A_585 = arith.index_cast %add3A_583 : i32 to index
          %get3A_586 = tpu.vector_load %arg8[%get3A_584, %get3A_585] {strides = array<i32>} : memref<64x272xf32, #tpu.memory_space<vmem>>, vector<1x16xf32>,
          %get3A_587 = vector.shape_cast %get3A_586 : vector<1x16xf32> to vector<16xf32>
          %mul3A_588 = arith.mulf %mul3A_187, %get3A_587 : vector<16xf32>
          %add3A_589 = arith.constant 14 : i32
          %add3A_590 = arith.addi %mul3A_67, %add3A_589 : i32
          %get3A_591 = arith.index_cast %add3A_490 : i32 to index
          %get3A_592 = arith.index_cast %add3A_590 : i32 to index
          %get3A_593 = tpu.vector_load %arg8[%get3A_591, %get3A_592] {strides = array<i32>} : memref<64x272xf32, #tpu.memory_space<vmem>>, vector<1x16xf32>,
          %get3A_594 = vector.shape_cast %get3A_593 : vector<1x16xf32> to vector<16xf32>
          %mul3A_595 = arith.mulf %mul3A_188, %get3A_594 : vector<16xf32>
          %add3A_596 = arith.constant 15 : i32
          %add3A_597 = arith.addi %mul3A_67, %add3A_596 : i32
          %get3A_598 = arith.index_cast %add3A_490 : i32 to index
          %get3A_599 = arith.index_cast %add3A_597 : i32 to index
          %get3A_600 = tpu.vector_load %arg8[%get3A_598, %get3A_599] {strides = array<i32>} : memref<64x272xf32, #tpu.memory_space<vmem>>, vector<1x16xf32>,
          %get3A_601 = vector.shape_cast %get3A_600 : vector<1x16xf32> to vector<16xf32>
          %mul3A_602 = arith.mulf %mul3A_189, %get3A_601 : vector<16xf32>
          %add3A_603 = arith.constant 16 : i32
          %add3A_604 = arith.addi %mul3A_67, %add3A_603 : i32
          %get3A_605 = arith.index_cast %add3A_490 : i32 to index
          %get3A_606 = arith.index_cast %add3A_604 : i32 to index
          %get3A_607 = tpu.vector_load %arg8[%get3A_605, %get3A_606] {strides = array<i32>} : memref<64x272xf32, #tpu.memory_space<vmem>>, vector<1x16xf32>,
          %get3A_608 = vector.shape_cast %get3A_607 : vector<1x16xf32> to vector<16xf32>
          %mul3A_609 = arith.mulf %mul3A_190, %get3A_608 : vector<16xf32>
          %add3A_610 = arith.addf %mul3A_497, %mul3A_504 : vector<16xf32>
          %add3A_611 = arith.addf %mul3A_511, %mul3A_518 : vector<16xf32>
          %add3A_612 = arith.addf %mul3A_525, %mul3A_532 : vector<16xf32>
          %add3A_613 = arith.addf %mul3A_539, %mul3A_546 : vector<16xf32>
          %add3A_614 = arith.addf %mul3A_553, %mul3A_560 : vector<16xf32>
          %add3A_615 = arith.addf %mul3A_567, %mul3A_574 : vector<16xf32>
          %add3A_616 = arith.addf %mul3A_581, %mul3A_588 : vector<16xf32>
          %add3A_617 = arith.addf %mul3A_595, %mul3A_602 : vector<16xf32>
          %add3A_618 = arith.addf %add3A_610, %add3A_611 : vector<16xf32>
          %add3A_619 = arith.addf %add3A_612, %add3A_613 : vector<16xf32>
          %add3A_620 = arith.addf %add3A_614, %add3A_615 : vector<16xf32>
          %add3A_621 = arith.addf %add3A_616, %add3A_617 : vector<16xf32>
          %add3A_622 = arith.addf %add3A_618, %add3A_619 : vector<16xf32>
          %add3A_623 = arith.addf %add3A_620, %add3A_621 : vector<16xf32>
          %add3A_624 = arith.addf %add3A_622, %add3A_623 : vector<16xf32>
          %add3A_625 = arith.addf %add3A_624, %mul3A_609 : vector<16xf32>
          %swap3A_626 = arith.index_cast %add3A_490 : i32 to index
          %swap3A_627 = arith.index_cast %mul3A_65 : i32 to index
          %swap3A_628 = tpu.vector_load %arg9[%swap3A_626, %swap3A_627] {strides = array<i32>} : memref<64x256xf32, #tpu.memory_space<vmem>>, vector<1x16xf32>,
          %swap3A_629 = vector.shape_cast %swap3A_628 : vector<1x16xf32> to vector<16xf32>
          %swap3A_630 = vector.shape_cast %add3A_625 : vector<16xf32> to vector<1x16xf32>
          tpu.vector_store %arg9[%swap3A_626, %swap3A_627], %swap3A_630 {strides = array<i32>} : memref<64x256xf32, #tpu.memory_space<vmem>>, vector<1x16xf32>,
          %mul3A_631 = arith.constant 4 : i32
          %mul3A_632 = arith.muli %scan3A_199, %mul3A_631 : i32
          %add3A_633 = arith.constant 3 : i32
          %add3A_634 = arith.addi %mul3A_632, %add3A_633 : i32
          %add3A_635 = arith.constant 0 : i32
          %add3A_636 = arith.addi %mul3A_67, %add3A_635 : i32
          %get3A_637 = arith.index_cast %add3A_634 : i32 to index
          %get3A_638 = arith.index_cast %add3A_636 : i32 to index
          %get3A_639 = tpu.vector_load %arg8[%get3A_637, %get3A_638] {strides = array<i32>} : memref<64x272xf32, #tpu.memory_space<vmem>>, vector<1x16xf32>,
          %get3A_640 = vector.shape_cast %get3A_639 : vector<1x16xf32> to vector<16xf32>
          %mul3A_641 = arith.mulf %mul3A_174, %get3A_640 : vector<16xf32>
          %add3A_642 = arith.constant 1 : i32
          %add3A_643 = arith.addi %mul3A_67, %add3A_642 : i32
          %get3A_644 = arith.index_cast %add3A_634 : i32 to index
          %get3A_645 = arith.index_cast %add3A_643 : i32 to index
          %get3A_646 = tpu.vector_load %arg8[%get3A_644, %get3A_645] {strides = array<i32>} : memref<64x272xf32, #tpu.memory_space<vmem>>, vector<1x16xf32>,
          %get3A_647 = vector.shape_cast %get3A_646 : vector<1x16xf32> to vector<16xf32>
          %mul3A_648 = arith.mulf %mul3A_175, %get3A_647 : vector<16xf32>
          %add3A_649 = arith.constant 2 : i32
          %add3A_650 = arith.addi %mul3A_67, %add3A_649 : i32
          %get3A_651 = arith.index_cast %add3A_634 : i32 to index
          %get3A_652 = arith.index_cast %add3A_650 : i32 to index
          %get3A_653 = tpu.vector_load %arg8[%get3A_651, %get3A_652] {strides = array<i32>} : memref<64x272xf32, #tpu.memory_space<vmem>>, vector<1x16xf32>,
          %get3A_654 = vector.shape_cast %get3A_653 : vector<1x16xf32> to vector<16xf32>
          %mul3A_655 = arith.mulf %mul3A_176, %get3A_654 : vector<16xf32>
          %add3A_656 = arith.constant 3 : i32
          %add3A_657 = arith.addi %mul3A_67, %add3A_656 : i32
          %get3A_658 = arith.index_cast %add3A_634 : i32 to index
          %get3A_659 = arith.index_cast %add3A_657 : i32 to index
          %get3A_660 = tpu.vector_load %arg8[%get3A_658, %get3A_659] {strides = array<i32>} : memref<64x272xf32, #tpu.memory_space<vmem>>, vector<1x16xf32>,
          %get3A_661 = vector.shape_cast %get3A_660 : vector<1x16xf32> to vector<16xf32>
          %mul3A_662 = arith.mulf %mul3A_177, %get3A_661 : vector<16xf32>
          %add3A_663 = arith.constant 4 : i32
          %add3A_664 = arith.addi %mul3A_67, %add3A_663 : i32
          %get3A_665 = arith.index_cast %add3A_634 : i32 to index
          %get3A_666 = arith.index_cast %add3A_664 : i32 to index
          %get3A_667 = tpu.vector_load %arg8[%get3A_665, %get3A_666] {strides = array<i32>} : memref<64x272xf32, #tpu.memory_space<vmem>>, vector<1x16xf32>,
          %get3A_668 = vector.shape_cast %get3A_667 : vector<1x16xf32> to vector<16xf32>
          %mul3A_669 = arith.mulf %mul3A_178, %get3A_668 : vector<16xf32>
          %add3A_670 = arith.constant 5 : i32
          %add3A_671 = arith.addi %mul3A_67, %add3A_670 : i32
          %get3A_672 = arith.index_cast %add3A_634 : i32 to index
          %get3A_673 = arith.index_cast %add3A_671 : i32 to index
          %get3A_674 = tpu.vector_load %arg8[%get3A_672, %get3A_673] {strides = array<i32>} : memref<64x272xf32, #tpu.memory_space<vmem>>, vector<1x16xf32>,
          %get3A_675 = vector.shape_cast %get3A_674 : vector<1x16xf32> to vector<16xf32>
          %mul3A_676 = arith.mulf %mul3A_179, %get3A_675 : vector<16xf32>
          %add3A_677 = arith.constant 6 : i32
          %add3A_678 = arith.addi %mul3A_67, %add3A_677 : i32
          %get3A_679 = arith.index_cast %add3A_634 : i32 to index
          %get3A_680 = arith.index_cast %add3A_678 : i32 to index
          %get3A_681 = tpu.vector_load %arg8[%get3A_679, %get3A_680] {strides = array<i32>} : memref<64x272xf32, #tpu.memory_space<vmem>>, vector<1x16xf32>,
          %get3A_682 = vector.shape_cast %get3A_681 : vector<1x16xf32> to vector<16xf32>
          %mul3A_683 = arith.mulf %mul3A_180, %get3A_682 : vector<16xf32>
          %add3A_684 = arith.constant 7 : i32
          %add3A_685 = arith.addi %mul3A_67, %add3A_684 : i32
          %get3A_686 = arith.index_cast %add3A_634 : i32 to index
          %get3A_687 = arith.index_cast %add3A_685 : i32 to index
          %get3A_688 = tpu.vector_load %arg8[%get3A_686, %get3A_687] {strides = array<i32>} : memref<64x272xf32, #tpu.memory_space<vmem>>, vector<1x16xf32>,
          %get3A_689 = vector.shape_cast %get3A_688 : vector<1x16xf32> to vector<16xf32>
          %mul3A_690 = arith.mulf %mul3A_181, %get3A_689 : vector<16xf32>
          %add3A_691 = arith.constant 8 : i32
          %add3A_692 = arith.addi %mul3A_67, %add3A_691 : i32
          %get3A_693 = arith.index_cast %add3A_634 : i32 to index
          %get3A_694 = arith.index_cast %add3A_692 : i32 to index
          %get3A_695 = tpu.vector_load %arg8[%get3A_693, %get3A_694] {strides = array<i32>} : memref<64x272xf32, #tpu.memory_space<vmem>>, vector<1x16xf32>,
          %get3A_696 = vector.shape_cast %get3A_695 : vector<1x16xf32> to vector<16xf32>
          %mul3A_697 = arith.mulf %mul3A_182, %get3A_696 : vector<16xf32>
          %add3A_698 = arith.constant 9 : i32
          %add3A_699 = arith.addi %mul3A_67, %add3A_698 : i32
          %get3A_700 = arith.index_cast %add3A_634 : i32 to index
          %get3A_701 = arith.index_cast %add3A_699 : i32 to index
          %get3A_702 = tpu.vector_load %arg8[%get3A_700, %get3A_701] {strides = array<i32>} : memref<64x272xf32, #tpu.memory_space<vmem>>, vector<1x16xf32>,
          %get3A_703 = vector.shape_cast %get3A_702 : vector<1x16xf32> to vector<16xf32>
          %mul3A_704 = arith.mulf %mul3A_183, %get3A_703 : vector<16xf32>
          %add3A_705 = arith.constant 10 : i32
          %add3A_706 = arith.addi %mul3A_67, %add3A_705 : i32
          %get3A_707 = arith.index_cast %add3A_634 : i32 to index
          %get3A_708 = arith.index_cast %add3A_706 : i32 to index
          %get3A_709 = tpu.vector_load %arg8[%get3A_707, %get3A_708] {strides = array<i32>} : memref<64x272xf32, #tpu.memory_space<vmem>>, vector<1x16xf32>,
          %get3A_710 = vector.shape_cast %get3A_709 : vector<1x16xf32> to vector<16xf32>
          %mul3A_711 = arith.mulf %mul3A_184, %get3A_710 : vector<16xf32>
          %add3A_712 = arith.constant 11 : i32
          %add3A_713 = arith.addi %mul3A_67, %add3A_712 : i32
          %get3A_714 = arith.index_cast %add3A_634 : i32 to index
          %get3A_715 = arith.index_cast %add3A_713 : i32 to index
          %get3A_716 = tpu.vector_load %arg8[%get3A_714, %get3A_715] {strides = array<i32>} : memref<64x272xf32, #tpu.memory_space<vmem>>, vector<1x16xf32>,
          %get3A_717 = vector.shape_cast %get3A_716 : vector<1x16xf32> to vector<16xf32>
          %mul3A_718 = arith.mulf %mul3A_185, %get3A_717 : vector<16xf32>
          %add3A_719 = arith.constant 12 : i32
          %add3A_720 = arith.addi %mul3A_67, %add3A_719 : i32
          %get3A_721 = arith.index_cast %add3A_634 : i32 to index
          %get3A_722 = arith.index_cast %add3A_720 : i32 to index
          %get3A_723 = tpu.vector_load %arg8[%get3A_721, %get3A_722] {strides = array<i32>} : memref<64x272xf32, #tpu.memory_space<vmem>>, vector<1x16xf32>,
          %get3A_724 = vector.shape_cast %get3A_723 : vector<1x16xf32> to vector<16xf32>
          %mul3A_725 = arith.mulf %mul3A_186, %get3A_724 : vector<16xf32>
          %add3A_726 = arith.constant 13 : i32
          %add3A_727 = arith.addi %mul3A_67, %add3A_726 : i32
          %get3A_728 = arith.index_cast %add3A_634 : i32 to index
          %get3A_729 = arith.index_cast %add3A_727 : i32 to index
          %get3A_730 = tpu.vector_load %arg8[%get3A_728, %get3A_729] {strides = array<i32>} : memref<64x272xf32, #tpu.memory_space<vmem>>, vector<1x16xf32>,
          %get3A_731 = vector.shape_cast %get3A_730 : vector<1x16xf32> to vector<16xf32>
          %mul3A_732 = arith.mulf %mul3A_187, %get3A_731 : vector<16xf32>
          %add3A_733 = arith.constant 14 : i32
          %add3A_734 = arith.addi %mul3A_67, %add3A_733 : i32
          %get3A_735 = arith.index_cast %add3A_634 : i32 to index
          %get3A_736 = arith.index_cast %add3A_734 : i32 to index
          %get3A_737 = tpu.vector_load %arg8[%get3A_735, %get3A_736] {strides = array<i32>} : memref<64x272xf32, #tpu.memory_space<vmem>>, vector<1x16xf32>,
          %get3A_738 = vector.shape_cast %get3A_737 : vector<1x16xf32> to vector<16xf32>
          %mul3A_739 = arith.mulf %mul3A_188, %get3A_738 : vector<16xf32>
          %add3A_740 = arith.constant 15 : i32
          %add3A_741 = arith.addi %mul3A_67, %add3A_740 : i32
          %get3A_742 = arith.index_cast %add3A_634 : i32 to index
          %get3A_743 = arith.index_cast %add3A_741 : i32 to index
          %get3A_744 = tpu.vector_load %arg8[%get3A_742, %get3A_743] {strides = array<i32>} : memref<64x272xf32, #tpu.memory_space<vmem>>, vector<1x16xf32>,
          %get3A_745 = vector.shape_cast %get3A_744 : vector<1x16xf32> to vector<16xf32>
          %mul3A_746 = arith.mulf %mul3A_189, %get3A_745 : vector<16xf32>
          %add3A_747 = arith.constant 16 : i32
          %add3A_748 = arith.addi %mul3A_67, %add3A_747 : i32
          %get3A_749 = arith.index_cast %add3A_634 : i32 to index
          %get3A_750 = arith.index_cast %add3A_748 : i32 to index
          %get3A_751 = tpu.vector_load %arg8[%get3A_749, %get3A_750] {strides = array<i32>} : memref<64x272xf32, #tpu.memory_space<vmem>>, vector<1x16xf32>,
          %get3A_752 = vector.shape_cast %get3A_751 : vector<1x16xf32> to vector<16xf32>
          %mul3A_753 = arith.mulf %mul3A_190, %get3A_752 : vector<16xf32>
          %add3A_754 = arith.addf %mul3A_641, %mul3A_648 : vector<16xf32>
          %add3A_755 = arith.addf %mul3A_655, %mul3A_662 : vector<16xf32>
          %add3A_756 = arith.addf %mul3A_669, %mul3A_676 : vector<16xf32>
          %add3A_757 = arith.addf %mul3A_683, %mul3A_690 : vector<16xf32>
          %add3A_758 = arith.addf %mul3A_697, %mul3A_704 : vector<16xf32>
          %add3A_759 = arith.addf %mul3A_711, %mul3A_718 : vector<16xf32>
          %add3A_760 = arith.addf %mul3A_725, %mul3A_732 : vector<16xf32>
          %add3A_761 = arith.addf %mul3A_739, %mul3A_746 : vector<16xf32>
          %add3A_762 = arith.addf %add3A_754, %add3A_755 : vector<16xf32>
          %add3A_763 = arith.addf %add3A_756, %add3A_757 : vector<16xf32>
          %add3A_764 = arith.addf %add3A_758, %add3A_759 : vector<16xf32>
          %add3A_765 = arith.addf %add3A_760, %add3A_761 : vector<16xf32>
          %add3A_766 = arith.addf %add3A_762, %add3A_763 : vector<16xf32>
          %add3A_767 = arith.addf %add3A_764, %add3A_765 : vector<16xf32>
          %add3A_768 = arith.addf %add3A_766, %add3A_767 : vector<16xf32>
          %add3A_769 = arith.addf %add3A_768, %mul3A_753 : vector<16xf32>
          %swap3A_770 = arith.index_cast %add3A_634 : i32 to index
          %swap3A_771 = arith.index_cast %mul3A_65 : i32 to index
          %swap3A_772 = tpu.vector_load %arg9[%swap3A_770, %swap3A_771] {strides = array<i32>} : memref<64x256xf32, #tpu.memory_space<vmem>>, vector<1x16xf32>,
          %swap3A_773 = vector.shape_cast %swap3A_772 : vector<1x16xf32> to vector<16xf32>
          %swap3A_774 = vector.shape_cast %add3A_769 : vector<16xf32> to vector<1x16xf32>
          tpu.vector_store %arg9[%swap3A_770, %swap3A_771], %swap3A_774 {strides = array<i32>} : memref<64x256xf32, #tpu.memory_space<vmem>>, vector<1x16xf32>,
          %scan3A_775 = arith.constant 0 : i32
          scf.yield %scan3A_775 : i32
        }
        %scan3A_197 = arith.constant 16 : i32
        %scan3A_198 = arith.constant 0 : i32
        scf.yield %scan3A_198 : i32
      }
      %scan3A_58 = arith.constant 16 : i32
      %mul3A_59 = arith.constant 256 : i32
      %mul3A_60 = arith.muli %add3A_43, %mul3A_59 : i32
      "tpu.region"() ({
        %run_scoped3A = tpu.sem_alloc : memref<!tpu.dma_semaphore, #tpu.memory_space<semaphore_mem>>
        %dma_start3A = tpu.memref_slice %arg5[%mul3A_32, %mul3A_60] : memref<1024x2048xf32, #tpu.memory_space<hbm>> -> memref<64x256xf32, #tpu.memory_space<hbm>>
        %dma_start3A_62 = tpu.memref_slice %arg5[%mul3A_32, %mul3A_60] : memref<1024x2048xf32, #tpu.memory_space<hbm>> -> memref<64x256xf32, #tpu.memory_space<hbm>>
        tpu.enqueue_dma source(%arg9 : memref<64x256xf32, #tpu.memory_space<vmem>>) target(%dma_start3A_62 : memref<64x256xf32, #tpu.memory_space<hbm>>) target_semaphore(%run_scoped3A : memref<!tpu.dma_semaphore, #tpu.memory_space<semaphore_mem>>)
        %dma_wait3A = tpu.memref_slice %arg5[%mul3A_32, %mul3A_60] : memref<1024x2048xf32, #tpu.memory_space<hbm>> -> memref<64x256xf32, #tpu.memory_space<hbm>>
        %dma_wait3A_63 = tpu.memref_slice %arg5[%mul3A_32, %mul3A_60] : memref<1024x2048xf32, #tpu.memory_space<hbm>> -> memref<64x256xf32, #tpu.memory_space<hbm>>
        tpu.wait_dma2 semaphore(%run_scoped3A : memref<!tpu.dma_semaphore, #tpu.memory_space<semaphore_mem>>) src(%arg9 : memref<64x256xf32, #tpu.memory_space<vmem>>) dst(%dma_wait3A_63 : memref<64x256xf32, #tpu.memory_space<hbm>>)
        tpu.yield
      }) : () -> ()
      %scan3A_61 = arith.constant 0 : i32
      scf.yield %scan3A_61 : i32
    }
    %scan3A_38 = arith.constant 4 : i32
    return
  }
}

module attributes {stable_mosaic.version = 14 : i64} {
  func.func @_proj_kernel(%arg0: i32, %arg1: memref<2176x1024xf32, #tpu.memory_space<vmem>>, %arg2: memref<256x1024xf32, #tpu.memory_space<vmem>>, %arg3: memref<256x1024xf32, #tpu.memory_space<vmem>>, %arg4: memref<256x1024xf32, #tpu.memory_space<vmem>>, %arg5: memref<256x2176xf32, #tpu.memory_space<vmem>>, %arg6: memref<256x2176xf32, #tpu.memory_space<vmem>>, %arg7: memref<256x2176xf32, #tpu.memory_space<vmem>>) attributes {dimension_semantics = [#tpu.dimension_semantics<arbitrary>], iteration_bounds = array<i64: 4>, scalar_prefetch = 0 : i64, scratch_operands = 0 : i64, tpu.core_type = #tpu.core_type<tc>, window_params = [{pipeline_mode = #tpu.pipeline_mode<synchronous>, transform_indices = @transform_0, window_bounds = array<i64: 2176, 1024>}, {transform_indices = @transform_1, window_bounds = array<i64: 256, 1024>}, {transform_indices = @transform_2, window_bounds = array<i64: 256, 1024>}, {transform_indices = @transform_3, window_bounds = array<i64: 256, 1024>}, {transform_indices = @transform_4, window_bounds = array<i64: 256, 2176>}, {transform_indices = @transform_5, window_bounds = array<i64: 256, 2176>}, {transform_indices = @transform_6, window_bounds = array<i64: 256, 2176>}]} {
    %get3A = arith.constant 0 : index
    %get3A_0 = arith.constant 0 : index
    %get3A_1 = vector.load %arg1[%get3A, %get3A_0] : memref<2176x1024xf32, #tpu.memory_space<vmem>>, vector<2176x1024xf32>
    %get3A_2 = arith.constant 0 : index
    %get3A_3 = arith.constant 0 : index
    %get3A_4 = vector.load %arg2[%get3A_2, %get3A_3] : memref<256x1024xf32, #tpu.memory_space<vmem>>, vector<256x1024xf32>
    %dot_general3A = arith.constant dense<0.000000e+00> : vector<256x2176xf32>
    %dot_general3A_5 = tpu.matmul %get3A_4, %get3A_1, %dot_general3A {dimension_numbers = #tpu.dot_dimension_numbers<[1], [1], [0], [0], [0, 0, 1, 0], [], []>, transpose_lhs_hint = false} : vector<256x1024xf32>, vector<2176x1024xf32>, vector<256x2176xf32> -> vector<256x2176xf32>
    %mul3A = arith.constant 1.250000e-01 : f32
    %mul3A_6 = vector.broadcast %mul3A : f32 to vector<256x2176xf32>
    %mul3A_7 = arith.mulf %dot_general3A_5, %mul3A_6 : vector<256x2176xf32>
    %swap3A = arith.constant 0 : index
    %swap3A_8 = arith.constant 0 : index
    %swap3A_9 = vector.load %arg5[%swap3A, %swap3A_8] : memref<256x2176xf32, #tpu.memory_space<vmem>>, vector<256x2176xf32>
    tpu.vector_store %arg5[%swap3A, %swap3A_8], %mul3A_7 {strides = array<i32>} : memref<256x2176xf32, #tpu.memory_space<vmem>>, vector<256x2176xf32>,
    %get3A_10 = arith.constant 0 : index
    %get3A_11 = arith.constant 0 : index
    %get3A_12 = vector.load %arg3[%get3A_10, %get3A_11] : memref<256x1024xf32, #tpu.memory_space<vmem>>, vector<256x1024xf32>
    %dot_general3A_13 = arith.constant dense<0.000000e+00> : vector<256x2176xf32>
    %dot_general3A_14 = tpu.matmul %get3A_12, %get3A_1, %dot_general3A_13 {dimension_numbers = #tpu.dot_dimension_numbers<[1], [1], [0], [0], [0, 0, 1, 0], [], []>, transpose_lhs_hint = false} : vector<256x1024xf32>, vector<2176x1024xf32>, vector<256x2176xf32> -> vector<256x2176xf32>
    %swap3A_15 = arith.constant 0 : index
    %swap3A_16 = arith.constant 0 : index
    %swap3A_17 = vector.load %arg6[%swap3A_15, %swap3A_16] : memref<256x2176xf32, #tpu.memory_space<vmem>>, vector<256x2176xf32>
    tpu.vector_store %arg6[%swap3A_15, %swap3A_16], %dot_general3A_14 {strides = array<i32>} : memref<256x2176xf32, #tpu.memory_space<vmem>>, vector<256x2176xf32>,
    %get3A_18 = arith.constant 0 : index
    %get3A_19 = arith.constant 0 : index
    %get3A_20 = vector.load %arg4[%get3A_18, %get3A_19] : memref<256x1024xf32, #tpu.memory_space<vmem>>, vector<256x1024xf32>
    %dot_general3A_21 = arith.constant dense<0.000000e+00> : vector<256x2176xf32>
    %dot_general3A_22 = tpu.matmul %get3A_20, %get3A_1, %dot_general3A_21 {dimension_numbers = #tpu.dot_dimension_numbers<[1], [1], [0], [0], [0, 0, 1, 0], [], []>, transpose_lhs_hint = false} : vector<256x1024xf32>, vector<2176x1024xf32>, vector<256x2176xf32> -> vector<256x2176xf32>
    %swap3A_23 = arith.constant 0 : index
    %swap3A_24 = arith.constant 0 : index
    %swap3A_25 = vector.load %arg7[%swap3A_23, %swap3A_24] : memref<256x2176xf32, #tpu.memory_space<vmem>>, vector<256x2176xf32>
    tpu.vector_store %arg7[%swap3A_23, %swap3A_24], %dot_general3A_22 {strides = array<i32>} : memref<256x2176xf32, #tpu.memory_space<vmem>>, vector<256x2176xf32>,
    return
  }
  func.func @transform_0(%arg0: i32) -> (i32, i32) {
    %c0_i32 = arith.constant 0 : i32
    %c0_i32_0 = arith.constant 0 : i32
    %c0_i32_1 = arith.constant 0 : i32
    return %c0_i32, %c0_i32_0 : i32, i32
  }
  func.func @transform_1(%arg0: i32) -> (i32, i32) {
    %c0_i32 = arith.constant 0 : i32
    %c0_i32_0 = arith.constant 0 : i32
    return %arg0, %c0_i32 : i32, i32
  }
  func.func @transform_2(%arg0: i32) -> (i32, i32) {
    %c0_i32 = arith.constant 0 : i32
    %c0_i32_0 = arith.constant 0 : i32
    return %arg0, %c0_i32 : i32, i32
  }
  func.func @transform_3(%arg0: i32) -> (i32, i32) {
    %c0_i32 = arith.constant 0 : i32
    %c0_i32_0 = arith.constant 0 : i32
    return %arg0, %c0_i32 : i32, i32
  }
  func.func @transform_4(%arg0: i32) -> (i32, i32) {
    %c0_i32 = arith.constant 0 : i32
    %c0_i32_0 = arith.constant 0 : i32
    return %arg0, %c0_i32 : i32, i32
  }
  func.func @transform_5(%arg0: i32) -> (i32, i32) {
    %c0_i32 = arith.constant 0 : i32
    %c0_i32_0 = arith.constant 0 : i32
    return %arg0, %c0_i32 : i32, i32
  }
  func.func @transform_6(%arg0: i32) -> (i32, i32) {
    %c0_i32 = arith.constant 0 : i32
    %c0_i32_0 = arith.constant 0 : i32
    return %arg0, %c0_i32 : i32, i32
  }
}

module attributes {stable_mosaic.version = 14 : i64} {
  func.func @_out_kernel(%arg0: i32, %arg1: memref<1024x512xf32, #tpu.memory_space<vmem>>, %arg2: memref<512x1024xf32, #tpu.memory_space<vmem>>, %arg3: memref<1024x1024xf32, #tpu.memory_space<vmem>>, %arg4: memref<1x1024xf32, #tpu.memory_space<vmem>>, %arg5: memref<1x1024xf32, #tpu.memory_space<vmem>>, %arg6: memref<1x1024xf32, #tpu.memory_space<vmem>>, %arg7: memref<512x1024xf32, #tpu.memory_space<vmem>>) attributes {dimension_semantics = [#tpu.dimension_semantics<arbitrary>], iteration_bounds = array<i64: 4>, scalar_prefetch = 0 : i64, scratch_operands = 0 : i64, tpu.core_type = #tpu.core_type<tc>, window_params = [{transform_indices = @transform_0, window_bounds = array<i64: 1024, 512>}, {transform_indices = @transform_1, window_bounds = array<i64: 512, 1024>}, {pipeline_mode = #tpu.pipeline_mode<synchronous>, transform_indices = @transform_2, window_bounds = array<i64: 1024, 1024>}, {pipeline_mode = #tpu.pipeline_mode<synchronous>, transform_indices = @transform_3, window_bounds = array<i64: 1, 1024>}, {pipeline_mode = #tpu.pipeline_mode<synchronous>, transform_indices = @transform_4, window_bounds = array<i64: 1, 1024>}, {pipeline_mode = #tpu.pipeline_mode<synchronous>, transform_indices = @transform_5, window_bounds = array<i64: 1, 1024>}, {transform_indices = @transform_6, window_bounds = array<i64: 512, 1024>}]} {
    %get3A = arith.constant 0 : index
    %get3A_0 = arith.constant 0 : index
    %get3A_1 = vector.load %arg1[%get3A, %get3A_0] : memref<1024x512xf32, #tpu.memory_space<vmem>>, vector<1024x512xf32>
    %get3A_2 = arith.constant 0 : index
    %get3A_3 = arith.constant 0 : index
    %get3A_4 = vector.load %arg2[%get3A_2, %get3A_3] : memref<512x1024xf32, #tpu.memory_space<vmem>>, vector<512x1024xf32>
    %get3A_5 = arith.constant 0 : index
    %get3A_6 = arith.constant 0 : index
    %get3A_7 = vector.load %arg3[%get3A_5, %get3A_6] : memref<1024x1024xf32, #tpu.memory_space<vmem>>, vector<1024x1024xf32>
    %dot_general3A = arith.constant dense<0.000000e+00> : vector<512x1024xf32>
    %dot_general3A_8 = tpu.matmul %get3A_1, %get3A_7, %dot_general3A {dimension_numbers = #tpu.dot_dimension_numbers<[0], [0], [1], [1], [0, 1, 1, 1], [], []>, transpose_lhs_hint = false} : vector<1024x512xf32>, vector<1024x1024xf32>, vector<512x1024xf32> -> vector<512x1024xf32>
    %get3A_9 = arith.constant 0 : index
    %get3A_10 = arith.constant 0 : index
    %get3A_11 = vector.load %arg4[%get3A_9, %get3A_10] : memref<1x1024xf32, #tpu.memory_space<vmem>>, vector<1x1024xf32>
    %add3A = vector.broadcast %get3A_11 : vector<1x1024xf32> to vector<512x1024xf32>
    %add3A_12 = arith.addf %dot_general3A_8, %add3A : vector<512x1024xf32>
    %add3A_13 = arith.addf %add3A_12, %get3A_4 : vector<512x1024xf32>
    %reduce_sum3A = arith.constant dense<0.000000e+00> : vector<512xf32>
    %reduce_sum3A_14 = vector.multi_reduction <add>, %add3A_13, %reduce_sum3A [1] : vector<512x1024xf32> to vector<512xf32>
    %broadcast_in_dim3A = vector.shape_cast %reduce_sum3A_14 : vector<512xf32> to vector<512x1xf32>
    %div3A = arith.constant 1.024000e+03 : f32
    %div3A_15 = vector.broadcast %div3A : f32 to vector<512x1xf32>
    %div3A_16 = arith.divf %broadcast_in_dim3A, %div3A_15 : vector<512x1xf32>
    %sub3A = vector.broadcast %div3A_16 : vector<512x1xf32> to vector<512x1024xf32>
    %sub3A_17 = arith.subf %add3A_13, %sub3A : vector<512x1024xf32>
    %mul3A = arith.mulf %sub3A_17, %sub3A_17 : vector<512x1024xf32>
    %reduce_sum3A_18 = arith.constant dense<0.000000e+00> : vector<512xf32>
    %reduce_sum3A_19 = vector.multi_reduction <add>, %mul3A, %reduce_sum3A_18 [1] : vector<512x1024xf32> to vector<512xf32>
    %broadcast_in_dim3A_20 = vector.shape_cast %reduce_sum3A_19 : vector<512xf32> to vector<512x1xf32>
    %div3A_21 = arith.constant 1.024000e+03 : f32
    %div3A_22 = vector.broadcast %div3A_21 : f32 to vector<512x1xf32>
    %div3A_23 = arith.divf %broadcast_in_dim3A_20, %div3A_22 : vector<512x1xf32>
    %add3A_24 = arith.constant 9.99999997E-7 : f32
    %add3A_25 = vector.broadcast %add3A_24 : f32 to vector<512x1xf32>
    %add3A_26 = arith.addf %div3A_23, %add3A_25 : vector<512x1xf32>
    %rsqrt3A = math.rsqrt %add3A_26 : vector<512x1xf32>
    %mul3A_27 = vector.broadcast %rsqrt3A : vector<512x1xf32> to vector<512x1024xf32>
    %mul3A_28 = arith.mulf %sub3A_17, %mul3A_27 : vector<512x1024xf32>
    %get3A_29 = arith.constant 0 : index
    %get3A_30 = arith.constant 0 : index
    %get3A_31 = vector.load %arg5[%get3A_29, %get3A_30] : memref<1x1024xf32, #tpu.memory_space<vmem>>, vector<1x1024xf32>
    %mul3A_32 = vector.broadcast %get3A_31 : vector<1x1024xf32> to vector<512x1024xf32>
    %mul3A_33 = arith.mulf %mul3A_28, %mul3A_32 : vector<512x1024xf32>
    %get3A_34 = arith.constant 0 : index
    %get3A_35 = arith.constant 0 : index
    %get3A_36 = vector.load %arg6[%get3A_34, %get3A_35] : memref<1x1024xf32, #tpu.memory_space<vmem>>, vector<1x1024xf32>
    %add3A_37 = vector.broadcast %get3A_36 : vector<1x1024xf32> to vector<512x1024xf32>
    %add3A_38 = arith.addf %mul3A_33, %add3A_37 : vector<512x1024xf32>
    %swap3A = arith.constant 0 : index
    %swap3A_39 = arith.constant 0 : index
    %swap3A_40 = vector.load %arg7[%swap3A, %swap3A_39] : memref<512x1024xf32, #tpu.memory_space<vmem>>, vector<512x1024xf32>
    tpu.vector_store %arg7[%swap3A, %swap3A_39], %add3A_38 {strides = array<i32>} : memref<512x1024xf32, #tpu.memory_space<vmem>>, vector<512x1024xf32>,
    return
  }
  func.func @transform_0(%arg0: i32) -> (i32, i32) {
    %c0_i32 = arith.constant 0 : i32
    %c0_i32_0 = arith.constant 0 : i32
    return %c0_i32, %arg0 : i32, i32
  }
  func.func @transform_1(%arg0: i32) -> (i32, i32) {
    %c0_i32 = arith.constant 0 : i32
    %c0_i32_0 = arith.constant 0 : i32
    return %arg0, %c0_i32 : i32, i32
  }
  func.func @transform_2(%arg0: i32) -> (i32, i32) {
    %c0_i32 = arith.constant 0 : i32
    %c0_i32_0 = arith.constant 0 : i32
    %c0_i32_1 = arith.constant 0 : i32
    return %c0_i32, %c0_i32_0 : i32, i32
  }
  func.func @transform_3(%arg0: i32) -> (i32, i32) {
    %c0_i32 = arith.constant 0 : i32
    %c0_i32_0 = arith.constant 0 : i32
    %c0_i32_1 = arith.constant 0 : i32
    return %c0_i32, %c0_i32_0 : i32, i32
  }
  func.func @transform_4(%arg0: i32) -> (i32, i32) {
    %c0_i32 = arith.constant 0 : i32
    %c0_i32_0 = arith.constant 0 : i32
    %c0_i32_1 = arith.constant 0 : i32
    return %c0_i32, %c0_i32_0 : i32, i32
  }
  func.func @transform_5(%arg0: i32) -> (i32, i32) {
    %c0_i32 = arith.constant 0 : i32
    %c0_i32_0 = arith.constant 0 : i32
    %c0_i32_1 = arith.constant 0 : i32
    return %c0_i32, %c0_i32_0 : i32, i32
  }
  func.func @transform_6(%arg0: i32) -> (i32, i32) {
    %c0_i32 = arith.constant 0 : i32
    %c0_i32_0 = arith.constant 0 : i32
    return %arg0, %c0_i32 : i32, i32
  }
}

</mosaic_0001>

<sc_bundles>
// kernel: kernel.11.cloned.1.call-start
scs
__scs_entry_jumppad:
0x0: {  	(pc) =	sbr.rel $0x88, $3  }
0x1: {  	(tag) =	ssettag $0x0;
	lr =	simm.s32 $0x1  }
0x2: {  	[smem:$0x3F99] =	sst lr;
	_ =	strace $0xD0000000  }
0x3: {  	_ = 	snop  }
0x4: {  	_ = 	snop  }
0x5: {  	_ = 	snop  }
0x6: {  	_ = 	snop  }
0x7: {  	_ = 	snop  }
__scs_overlays_trampoline_lowered:
0x8: {  	[smem:$0x3FA8] =	sst s0  }
0x9: {  	[smem:$0x3FA9] =	sst s1  }
0xa: {  	[smem:$0x3FAA] =	sst s2  }
0xb: {  	[smem:$0x3FAB] =	sst s3  }
0xc: {  	[smem:$0x3FAC] =	sst s4  }
0xd: {  	[smem:$0x3FAD] =	sst s5  }
0xe: {  	[smem:$0x3FAE] =	sst s6  }
0xf: {  	[smem:$0x3FAF] =	sst s7  }
0x10: {  	[smem:$0x3FB0] =	sst s8  }
0x11: {  	[smem:$0x3FB1] =	sst s9;
	s0 =	simm.s32 @!p0 $0x0  }
0x12: {  	s1 =	sld [smem:$0x3F97];
	s0 =	simm.s32 @p0 $0x1  }
0x13: {  	[smem:$0x3FB2] =	sst s0;
	s0 =	simm.s32 @!p1 $0x0  }
0x14: {  	s2 =	sld [smem:$0x3F96];
	s0 =	simm.s32 @p1 $0x1  }
0x15: {  	[smem:$0x3FB3] =	sst s0;
	s0 =	simm.s32 @!p2 $0x0  }
0x16: {  	s3 =	sld [smem:$0x3FDB];
	s0 =	simm.s32 @p2 $0x1  }
0x17: {  	s4 =	simm.s32 $0x1BF5;
	[smem:$0x3FB5] =	sst s0  }
0x18: {  	s0 =	sld [smem:$0x3F98];
	_ =	swait.ge [sflag:s4], $0x0  }
0x19: {  	s7 =	sld [smem:$0x3F99]  }
0x1a: {  	s8 =	sadd.s32 $0xFFFFE003, lr  }
0x1b: {  	s9 =	sadd.s32 $0xFFFFFEF7, lr;
	s5 =	simm.s32 $0xFFFFFFFF;
	p2 =	slt.u32 s8, $0xFFFFF086  }
0x1c: {  	p1 =	slt.u32 s9, $0xF7A;
	s5 =	simm.s32 @!p2 $0x0  }
0x1d: {  	s5 =	simm.s32 @p1 $0x1;
	p0 =	seq.s32 s7, s2  }
0x1e: {  	s7 =	smul.u32 @!p0 $0xF7A, s2;
	p2 =	seq.s32 @!p0 s5, $0x0  }
0x1f: {  	s9 =	smul.u32 $0xF7A, s1;
	s8 =	simm.s32 @!p0 $0x1BF5;
	p2 =	por !p2, p0  }
0x20: {  	[sflag:s8] =	ssyncset.s32 @!p0 $0xFFFFF086;
	s6 =	sadd.s32 @!p0 s3, s7;
	s7 =	simm.s32 @!p0 $0x108  }
0x21: {  	s3 =	sadd.s32 s3, s9;
	s6 =	sadd.s32 @!p0 $0x88, s6;
	s7 =	simm.s32 @p2 $0x1082  }
0x22: {  	[simem:s7], [sflag:s8] =	dma.local @!p0 [hbm:s6], $0xF7A  }
0x23: {  	s9 =	sor.u32 $0xD0000000, s2;
	s6 =	simm.s32 $0x108;
	_ =	swait.ge @!p0 [sflag:s8], $0x0  }
0x24: {  	s3 =	sadd.s32 $0x88, s3;
	s6 =	simm.s32 @!p1 $0x1082;
	[sflag:s4] =	ssyncset.s32 $0xFFFFF086  }
0x25: {  	[simem:s6], [sflag:s4] =	dma.local [hbm:s3], $0xF7A  }
0x26: {  	[smem:$0x3F99] =	sst s1;
	(tag) =	ssettag s2;
	_ =	strace s9  }
0x27: {  	s1 =	sld [smem:$0x3FA9]  }
0x28: {  	s2 =	sld [smem:$0x3FAA]  }
0x29: {  	s4 =	sld [smem:$0x3FAC]  }
0x2a: {  	p0 =	seq.s32 s5, $0x0;
	s5 =	sld [smem:$0x3FAD]  }
0x2b: {  	s6 =	sld [smem:$0x3FAE]  }
0x2c: {  	s7 =	sld [smem:$0x3FAF]  }
0x2d: {  	s3 =	simm.s32 $0x108;
	s8 =	sld [smem:$0x3FB0]  }
0x2e: {  	s3 =	simm.s32 @!p0 $0x1082;
	s9 =	sld [smem:$0x3FB1]  }
0x2f: {  	lr =	sadd.s32 s0, s3;
	s0 =	sld [smem:$0x3FA8]  }
0x30: {  	s3 =	sld [smem:$0x3FAB]  }
0x31: {  	[smem:$0x3FB4] =	sst s10  }
0x32: {  	s10 =	sld [smem:$0x3FB2];
	_ =	sdelay $0x3  }
0x33: {  	p0 =	seq.s32 s10, $0x1;
	s10 =	sld [smem:$0x3FB4];
	_ =	sdelay $0x3  }
0x34: {  	[smem:$0x3FB4] =	sst s10  }
0x35: {  	s10 =	sld [smem:$0x3FB3];
	_ =	sdelay $0x3  }
0x36: {  	p1 =	seq.s32 s10, $0x1;
	s10 =	sld [smem:$0x3FB4];
	_ =	sdelay $0x3  }
0x37: {  	[smem:$0x3FB4] =	sst s10  }
0x38: {  	s10 =	sld [smem:$0x3FB5]  }
0x39: {  	_ = 	snop;
	(pc) =	sbr.ind lr, $3  }
0x3a: {  	_ = 	snop  }
0x3b: {  	_ = 	snop  }
0x3c: {  	p2 =	seq.s32 s10, $0x1;
	s10 =	sld [smem:$0x3FB4]  }
0x3d: {  	_ =	shalt  }
0x3e: {  	_ =	shalt  }
0x3f: {  	_ =	shalt  }
0x40: {  	_ =	shalt  }
0x41: {  	_ =	shalt  }
0x42: {  	_ =	shalt  }
0x43: {  	_ =	shalt  }
0x44: {  	_ =	shalt  }
0x45: {  	_ =	shalt  }
0x46: {  	_ =	shalt  }
0x47: {  	_ =	shalt  }
0x48: {  	_ =	shalt  }
0x49: {  	_ =	shalt  }
0x4a: {  	_ =	shalt  }
0x4b: {  	_ =	shalt  }
0x4c: {  	_ =	shalt  }
0x4d: {  	_ =	shalt  }
0x4e: {  	_ =	shalt  }
0x4f: {  	_ =	shalt  }
0x50: {  	_ =	shalt  }
0x51: {  	_ =	shalt  }
0x52: {  	_ =	shalt  }
0x53: {  	_ =	shalt  }
0x54: {  	_ =	shalt  }
0x55: {  	_ =	shalt  }
0x56: {  	_ =	shalt  }
0x57: {  	_ =	shalt  }
0x58: {  	_ =	shalt  }
0x59: {  	_ =	shalt  }
0x5a: {  	_ =	shalt  }
0x5b: {  	_ =	shalt  }
0x5c: {  	_ =	shalt  }
0x5d: {  	_ =	shalt  }
0x5e: {  	_ =	shalt  }
0x5f: {  	_ =	shalt  }
0x60: {  	_ =	shalt  }
0x61: {  	_ =	shalt  }
0x62: {  	_ =	shalt  }
0x63: {  	_ =	shalt  }
0x64: {  	_ =	shalt  }
0x65: {  	_ =	shalt  }
0x66: {  	_ =	shalt  }
0x67: {  	_ =	shalt  }
0x68: {  	_ =	shalt  }
0x69: {  	_ =	shalt  }
0x6a: {  	_ =	shalt  }
0x6b: {  	_ =	shalt  }
0x6c: {  	_ =	shalt  }
0x6d: {  	_ =	shalt  }
0x6e: {  	_ =	shalt  }
0x6f: {  	_ =	shalt  }
0x70: {  	_ =	shalt  }
0x71: {  	_ =	shalt  }
0x72: {  	_ =	shalt  }
0x73: {  	_ =	shalt  }
0x74: {  	_ =	shalt  }
0x75: {  	_ =	shalt  }
0x76: {  	_ =	shalt  }
0x77: {  	_ =	shalt  }
0x78: {  	_ =	shalt  }
0x79: {  	_ =	shalt  }
0x7a: {  	_ =	shalt  }
0x7b: {  	_ =	shalt  }
0x7c: {  	_ =	shalt  }
0x7d: {  	_ =	shalt  }
0x7e: {  	_ =	shalt  }
0x7f: {  	_ =	shalt  }
0x80: {  	_ =	shalt  }
0x81: {  	_ =	shalt  }
0x82: {  	_ =	shalt  }
0x83: {  	_ =	shalt  }
0x84: {  	_ =	shalt  }
0x85: {  	_ =	shalt  }
0x86: {  	_ =	shalt  }
0x87: {  	_ =	shalt  }
.Lfunc_end0:
.L_simem_size_0:
called_computation.1_lowered:
.L_overlay_start_0:
0x88: {  	s2 =	sld [smem:$0x3FD9]  }
0x89: {  	s3 =	sld [smem:$0x3FFE];
	_ =	sdelay $0x1  }
0x8a: {  	s1 =	srdreg.scid  }
0x8b: {  	s0 =	sand.u32 $0x1, s1  }
0x8c: {  	s17 =	sshll.u32 s0, $0xA;
	s2 =	sadd.s32 s3, s2  }
0x8d: {  	s2 =	sadd.s32 s2, s17  }
0x8e: {  	[smem:$0x3FC0] =	sst s2  }
0x8f: {  	_ = 	snop  }
0x90: {  	s18 =	sld [smem:$0x3FD0];
	(tm) =	ssettm $0x1  }
0x91: {  	s19 =	sld [smem:$0x3FFB];
	_ =	sdelay $0x3  }
0x92: {  	_ =	strace s19  }
0x93: {  	s2 =	sld [smem:$0x3FFC];
	_ =	sdelay $0x3  }
0x94: {  	_ =	strace s2  }
0x95: {  	s2 =	sld [smem:$0x3FFD];
	_ =	sdelay $0x3  }
0x96: {  	_ =	strace s2  }
0x97: {  	_ =	strace $0x8FFFFFFF  }
0x98: {  	s20 =	sld [smem:$0x3FDB];
	_ =	sdelay $0x1  }
0x99: {  	s4 =	simm.s32 $_scs_section_size  }
0x9a: {  	s5 =	simm.s32 $_size__tile_overlayer_lowered;
	s6 =	simm.s32 $_tile_overlayer_lowered  }
0x9b: {  	s7 =	simm.s32 $0x1BFF;
	s21 =	sshll.u32 s6, $0x1;
	s4 =	sadd.s32 s4, s20  }
0x9c: {  	s22 =	simm.s32 $0x0;
	s5 =	sshll.u32 s5, $0x1;
	s6 =	sadd.s32 s21, s4  }
0x9d: {  	[timem:s22], [sflag:s7] =	dma.local [hbm:s6], s5  }
0x9e: {  	_ =	swait.ge [sflag:s7], s5  }
0x9f: {  	s5 =	ssub.s32 $0x0, s5;
	[sflag:s7] =	ssyncset.done $0x0  }
0xa0: {  	[sflag:s7] =	ssyncadd.s32 s5;
	_ =	sdelay $0x1  }
0xa1: {  	s23 =	simm.s32 $0x1B8B  }
0xa2: {  	_ =	swait.ge [sflag:s23], $0x1  }
0xa3: {  	[sflag:s23] =	ssyncset.done $0x0  }
0xa4: {  	[sflag:s23] =	ssyncadd.s32 $0xFFFFFFFF  }
0xa5: {  	s5 =	sld [smem:$0x0]  }
0xa6: {  	s6 =	sand.u32 $0xFFFFFFFE, s1  }
0xa7: {  	p0 =	sne.s32 s1, s6  }
0xa8: {  	s6 =	sshll.u32 @p0 s6, $0xE  }
0xa9: {  	s6 =	sadd.s32 @p0 $0x11B8D, s6;
	s7 =	sshll.u32 @p0 s5, $0x11  }
0xaa: {  	s6 =	sor.u32 @p0 s7, s6  }
0xab: {  	[sflag:s6] =	ssyncadd.remote.s32 @p0 $0x1;
	_ =	sdelay $0x1  }
0xac: {  	s6 =	simm.s32 @p0 $0x1B8D  }
0xad: {  	_ =	swait.eq @p0 [sflag:s6], $0x1  }
0xae: {  	[sflag:s6] =	ssyncadd.s32 @p0 $0xFFFFFFFF  }
0xaf: {  	s7 =	sshll.u32 @!p0 s1, $0xE  }
0xb0: {  	s7 =	sor.u32 @!p0 $0x4000, s7;
	s6 =	simm.s32 @!p0 $0x1B8D  }
0xb1: {  	s5 =	sshll.u32 @!p0 s5, $0x11;
	s7 =	sadd.s32 @!p0 $0x11B8D, s7;
	_ =	swait.eq @!p0 [sflag:s6], $0x1  }
0xb2: {  	s5 =	sor.u32 @!p0 s5, s7;
	[sflag:s6] =	ssyncadd.s32 @!p0 $0xFFFFFFFF  }
0xb3: {  	s25 =	simm.s32 $0x1B8E;
	s24 =	sld [smem:$0x3FFE];
	[sflag:s5] =	ssyncadd.remote.s32 @!p0 $0x1  }
0xb4: {  	s26 =	simm.s32 $execute0_lowered;
	[smem:$0x3FD2] =	sst s25  }
0xb5: {  	s6 =	sshll.u32 s26, $0x1;
	_ =	strace $0x80000049;
	[dreg:$0x1] =	wrdreg $0xFFFFFFFF  }
0xb6: {  	s28 =	simm.s32 $_size_execute0_lowered;
	s4 =	sadd.s32 s4, s6;
	[dreg:$0x0] =	wrdreg $0x0  }
0xb7: {  	s6 =	sshll.u32 s28, $0x1;
	[dreg:$0x2] =	wrdreg s4  }
0xb8: {  	[dreg:$0x3] =	wrdreg s6  }
0xb9: {  	[dreg:$0x4] =	wrdreg $0xC0  }
0xba: {  	_ =	task [dreg:s22], $0x5FFFF  }
0xbb: {  	[dreg:$0x1] =	wrdreg $0xFFFFFFFF  }
0xbc: {  	[dreg:$0x0] =	wrdreg $0x60  }
0xbd: {  	[dreg:$0x2] =	wrdreg s18  }
0xbe: {  	[dreg:$0x3] =	wrdreg s24  }
0xbf: {  	[dreg:$0x4] =	wrdreg $0xA  }
0xc0: {  	_ =	task.clear_ibuf [dreg:s22], $0x5FFFF;
	_ =	strace $0x90000049  }
0xc1: {  	s29 =	simm.s32 $0xA;
	_ =	strace $0x8000004B  }
0xc2: {  	_ =	swait.ge [sflag:s29], $0x1  }
0xc3: {  	[sflag:s29] =	ssyncadd.s32 $0xFFFFFFFF  }
0xc4: {  	_ =	strace $0x9000004B  }
0xc5: {  	_ =	sfence  }
0xc6: {  	s30 =	sld [smem:$0x0];
	_ =	sdelay $0x2  }
0xc7: {  	s31 =	sshll.u32 s1, $0xD;
	s1 =	sshrl.u32 s1, $0x2  }
0xc8: {  	s4 =	sand.u32 $0x4000, s31;
	s1 =	sadd.s32 s1, s30  }
0xc9: {  	s0 =	sor.u32 s4, s0;
	s1 =	sshll.u32 s1, $0x11  }
0xca: {  	s0 =	sor.u32 s1, s0  }
0xcb: {  	s0 =	sadd.s32 $0x8F2B, s0  }
0xcc: {  	[sflag:s0] =	ssyncadd.remote.s32 $0x1  }
0xcd: {  	_ =	sfence.sel $0xFFFF  }
0xce: {  	[dreg:$0x0] =	wrdreg $0xFFFFFFFF;
	(pc) =	sbr.abs _section_cstart, $3  }
0xcf: {  	[dreg:$0x1] =	wrdreg $0xFFFFFFFF  }
0xd0: {  	_ =	task.clear_ibuf [dreg:s22], $0x2FFFF;
	_ =	strace $0x9FFFFFFF  }
0xd1: {  	(tm) =	ssettm $0x7FFFFFFF  }
tec
execute0_lowered:
.L_overlay_start_1:
0x0: {  	(tag) =	ssettag $0x1  }
0x1: {  	s2 =	rddreg [dreg:$0x0];
	s0 =	srdreg.scid  }
0x2: {  	s6 =	rddreg [dreg:$0x1];
	s1 =	stileid.u32;
	s3 =	simm.s32 $0x0  }
0x3: {  	s9 =	simm.s32 $0x1;
	s12 =	simm.s32 $0x100;
	s13 =	simm.s32 $0x880  }
0x4: {  	s14 =	simm.s32 $0x110;
	s15 =	simm.s32 $0x4000;
	s16 =	simm.s32 $0x8400  }
0x5: {  	s17 =	simm.s32 $0x800;
	s8 =	sand.u32 $0x1, s0;
	s0 =	rddreg [dreg:$0x2]  }
0x6: {  	s18 =	simm.s32 $0xC800;
	[smem:$0x7FF] =	sst s3;
	s4 =	sor.u32 s8, s1  }
0x7: {  	s5 =	sadd.s32 $0x3600, s6;
	p0 =	seq.s32 s8, $0x1;
	p1 =	seq.s32 s4, $0x0  }
0x8: {  	_ =	strace $0x8000004A;
	s7 =	ssub.s32 $0x2, s8;
	p0 =	por !p1, !p0  }
0x9: {  	s8 =	sshll.u32 s8, $0xA;
	s4 =	sadd.s32 $0x153600, s6;
	p0 =	por !p0, !p0  }
0xa: {  	s10 =	sshrl.u32 s7, $0x1;
	s6 =	sadd.s32 $0x197600, s6;
	s9 =	simm.s32 @!p0 $0x0  }
0xb: {  	s11 =	ssub.s32 s7, s10;
	s7 =	simm.s32 $0x1;
	s31 =	ssub.s32 s1, s9  }
0xc: {  	s11 =	smax.u32 s11, $0x1;
	s9 =	smul.u32 $0x22000, s31;
	s10 =	sshll.u32 s31, $0x11  }
.LBB2_1:
0xd: {  	s19 =	simm.s32 $0x0  }
.LBB2_2:
0xe: {  	s20 =	sshll.u32 s19, $0x8  }
0xf: {  	s20 =	sadd.s32 s8, s20  }
0x10: {  	s21 =	sor.u32 s20, s9  }
0x11: {  	s22 =	sshrl.u32 s21, $0x3  }
0x12: {  	s21 =	sadd.s32 s22, s2  }
0x13: {  	s23 =	sadd.s32 $0x8, s21;
	s21 =	simm.s32 $0x0  }
0x14: {  	[tilespmem:s21], [sflag:$0x1] =	stream.strided.gather [hbm4b:s23+s12], $0x4000, s13, s12, $0x38;
	[tilespmem:$0x10800] =	vst v63  }
0x15: {  	_ =	swait.ge [sflag:s7], $0x4000  }
0x16: {  	s22 =	sor.u32 $0x7, s22;
	[sflag:s7] =	ssyncset.done $0x0  }
0x17: {  	s31 =	sadd.s32 s4, s22;
	[sflag:s7] =	ssyncadd.s32 $0xFFFFC000  }
0x18: {  	[tilespmem:s15], [sflag:$0x1] =	stream.strided.gather [hbm4b:s31+s14], $0x4400, s13, s14, $0x38;
	[tilespmem:$0x10800] =	vst v63  }
0x19: {  	_ =	swait.ge [sflag:s7], $0x4400  }
0x1a: {  	[sflag:s7] =	ssyncset.done $0x0  }
0x1b: {  	s22 =	sadd.s32 s5, s22;
	[sflag:s7] =	ssyncadd.s32 $0xFFFFBC00  }
0x1c: {  	[tilespmem:s16], [sflag:$0x1] =	stream.strided.gather [hbm4b:s22+s14], $0x4400, s13, s14, $0x38;
	[tilespmem:$0x10800] =	vst v63  }
0x1d: {  	_ =	swait.ge [sflag:s7], $0x4400  }
0x1e: {  	s24 =	simm.s32 $0xCB00;
	s25 =	simm.s32 $0x8620;
	[sflag:s7] =	ssyncset.done $0x0  }
0x1f: {  	s23 =	simm.s32 $0x4220;
	s22 =	simm.s32 $0x300;
	[sflag:s7] =	ssyncadd.s32 $0xFFFFBC00  }
.LBB2_3:
0x20: {  	v2 =	vld [tilespmem:s23+$0x110]  }
0x21: {  	v3 =	vld [tilespmem:s23+$0x111]  }
0x22: {  	v4 =	vld [tilespmem:s23+$0x112]  }
0x23: {  	v5 =	vld [tilespmem:s23+$0x113]  }
0x24: {  	v6 =	vld [tilespmem:s23+$0x114]  }
0x25: {  	v7 =	vld [tilespmem:s23+$0x115]  }
0x26: {  	v8 =	vld [tilespmem:s23+$0x116]  }
0x27: {  	v9 =	vld [tilespmem:s23+$0x117]  }
0x28: {  	v10 =	vld [tilespmem:s23+$0x118]  }
0x29: {  	v11 =	vld [tilespmem:s23+$0x119]  }
0x2a: {  	v12 =	vld [tilespmem:s23+$0x11A]  }
0x2b: {  	v13 =	vld [tilespmem:s23+$0x11B]  }
0x2c: {  	v14 =	vld [tilespmem:s23+$0x11C]  }
0x2d: {  	v21 =	vld [tilespmem:s23+$0x11D]  }
0x2e: {  	v22 =	vld [tilespmem:s23+$0x11E]  }
0x2f: {  	v23 =	vld [tilespmem:s23+$0x0]  }
0x30: {  	v24 =	vld [tilespmem:s23+$0x1]  }
0x31: {  	v25 =	vld [tilespmem:s23+$0x2]  }
0x32: {  	v1 =	vmov s22;
	v26 =	vld [tilespmem:s23+$0x3]  }
0x33: {  	v27 =	vld [tilespmem:s23+$0x4]  }
0x34: {  	v28 =	vld [tilespmem:s23+$0x5]  }
0x35: {  	v29 =	vld [tilespmem:s23+$0x6]  }
0x36: {  	s26 =	simm.s32 $0x0;
	v30 =	vld [tilespmem:s23+$0x7]  }
0x37: {  	v0 =	vld.idx.msk [tilespmem:v1+s26+$0x0 ss:$0x1], $0xffff  }
0x38: {  	v31 =	vld [tilespmem:s23+$0x8]  }
0x39: {  	v32 =	vld [tilespmem:s23+$0x9]  }
0x3a: {  	v33 =	vld [tilespmem:s23+$0xA]  }
0x3b: {  	v34 =	vld [tilespmem:s23+$0xB]  }
0x3c: {  	v39 =	vld [tilespmem:s23+$0xFFFFFDE4];
	v2 =	vmul.f32 v2, v0;
	v36 =	vmul.f32 v3, v0  }
0x3d: {  	v47 =	vld [tilespmem:s23+$0xFFFFFDE8];
	v37 =	vmul.f32 v5, v0;
	v38 =	vmul.f32 v6, v0  }
0x3e: {  	v16 =	vld.idx.msk [tilespmem:v1+s26+$0xFFFFFD00 ss:$0x1], $0xffff;
	v41 =	vmul.f32 v7, v0;
	v42 =	vmul.f32 v8, v0  }
0x3f: {  	v3 =	vld.idx.msk [tilespmem:v1+s26+$0xFFFFFF00 ss:$0x1], $0xffff;
	v44 =	vmul.f32 v9, v0;
	v45 =	vmul.f32 v10, v0  }
0x40: {  	v35 =	vld [tilespmem:s23+$0xC];
	v18 =	vmul.f32 v11, v0;
	v19 =	vmul.f32 v12, v0  }
0x41: {  	v7 =	vld [tilespmem:s23+$0xFFFFFDE0];
	v17 =	vmul.f32 v13, v0;
	v20 =	vmul.f32 v14, v0  }
0x42: {  	v15 =	vld.idx.msk [tilespmem:v1+s26+$0xFFFFFE00 ss:$0x1], $0xffff;
	v5 =	vmul.f32 v21, v0;
	v9 =	vmul.f32 v22, v0  }
0x43: {  	v8 =	vld [tilespmem:s23+$0xFFFFFEF0];
	v57 =	vmul.f32 v39, v16;
	v60 =	vmul.f32 v47, v16  }
0x44: {  	v6 =	vld [tilespmem:s23+$0xD];
	v11 =	vmul.f32 v23, v3;
	v13 =	vmul.f32 v24, v3  }
0x45: {  	v12 =	vld [tilespmem:s23+$0xFFFFFEF1];
	v14 =	vmul.f32 v25, v3;
	v23 =	vmul.f32 v26, v3  }
0x46: {  	v22 =	vld [tilespmem:s23+$0xFFFFFEF2];
	v24 =	vmul.f32 v27, v3;
	v7 =	vmul.f32 v7, v16  }
0x47: {  	v10 =	vimm.f32 $0.0e+00;
	v25 =	vld [tilespmem:s23+$0xFFFFFDE1];
	v26 =	vmul.f32 v28, v3;
	v28 =	vmul.f32 v29, v3  }
0x48: {  	v27 =	vld [tilespmem:s23+$0xFFFFFDE2];
	v40 =	vmul.f32 v30, v3;
	v8 =	vmul.f32 v8, v15;
	v7 =	vadd.f32 v7, v10  }
0x49: {  	v30 =	vld [tilespmem:s23+$0xFFFFFDE3];
	v43 =	vmul.f32 v31, v3;
	v31 =	vmul.f32 v32, v3  }
0x4a: {  	v56 =	vld [tilespmem:s23+$0xFFFFFEF4];
	v29 =	vmul.f32 v33, v3;
	v33 =	vmul.f32 v34, v3;
	v7 =	vadd.f32 v8, v7  }
0x4b: {  	v21 =	vmul.f32 v6, v3;
	v6 =	vmul.f32 v12, v15;
	v8 =	vld [tilespmem:s23+$0xFFFFFEF3]  }
0x4c: {  	v12 =	vmul.f32 v22, v15;
	v22 =	vld [tilespmem:s23+$0xFFFFFEF5];
	v7 =	vadd.f32 v11, v7;
	v11 =	vmul.f32 v25, v16  }
0x4d: {  	v32 =	vmul.f32 v35, v3;
	v25 =	vmul.f32 v27, v16;
	v27 =	vld [tilespmem:s23+$0xFFFFFEF6]  }
0x4e: {  	v58 =	vld [tilespmem:s23+$0xFFFFFDE5];
	v30 =	vmul.f32 v30, v16;
	v2 =	vadd.f32 v2, v7;
	v7 =	vadd.f32 v11, v10  }
0x4f: {  	v46 =	vld [tilespmem:s23+$0xFFFFFDE7];
	v35 =	vadd.f32 v57, v10;
	v34 =	vmul.f32 v56, v15;
	v11 =	vadd.f32 v25, v10  }
0x50: {  	v30 =	vadd.f32 v30, v10;
	v25 =	vld [tilespmem:s23+$0xFFFFFDE6];
	v8 =	vmul.f32 v8, v15;
	v6 =	vadd.f32 v6, v7  }
0x51: {  	v59 =	vld [tilespmem:s23+$0xFFFFFEF8];
	v7 =	vadd.f32 v12, v11;
	v11 =	vmul.f32 v22, v15;
	v12 =	vadd.f32 v34, v35  }
0x52: {  	v62 =	vld [tilespmem:s23+$0xFFFFFDEA];
	v35 =	vadd.f32 v60, v10;
	v8 =	vadd.f32 v8, v30;
	v22 =	vmul.f32 v27, v15  }
0x53: {  	v27 =	vld [tilespmem:s23+$0xFFFFFEF7];
	v30 =	vmul.f32 v58, v16;
	v6 =	vadd.f32 v13, v6;
	v13 =	vadd.f32 v14, v7  }
0x54: {  	v4 =	vmul.f32 v4, v0;
	v14 =	vld [tilespmem:s23+$0xE];
	v12 =	vadd.f32 v24, v12;
	v8 =	vadd.f32 v23, v8  }
0x55: {  	v25 =	vmul.f32 v25, v16;
	v23 =	vld [tilespmem:s23+$0xFFFFFEF9];
	v61 =	vadd.f32 v30, v10;
	v7 =	vadd.f32 v36, v6  }
0x56: {  	v24 =	vmul.f32 v46, v16;
	v6 =	vadd.f32 v4, v13;
	v13 =	vld [tilespmem:s23+$0xFFFFFEFA];
	v4 =	vadd.f32 v38, v12  }
0x57: {  	v34 =	vmul.f32 v59, v15;
	v12 =	vld [tilespmem:s23+$0xFFFFFDE9];
	v25 =	vadd.f32 v25, v10;
	v11 =	vadd.f32 v11, v61  }
0x58: {  	v24 =	vadd.f32 v24, v10;
	v8 =	vadd.f32 v37, v8;
	v27 =	vmul.f32 v27, v15  }
0x59: {  	v63 =	vld [tilespmem:s23+$0xFFFFFDEB];
	v30 =	vmul.f32 v14, v3;
	v14 =	vadd.f32 v22, v25;
	v11 =	vadd.f32 v26, v11  }
0x5a: {  	v22 =	vld [tilespmem:s23+$0xFFFFFDEC];
	v38 =	vmul.f32 v23, v15;
	v23 =	vadd.f32 v27, v24;
	v24 =	vadd.f32 v34, v35  }
0x5b: {  	v25 =	vld [tilespmem:s23+$0xFFFFFEFB];
	v27 =	vmul.f32 v62, v16;
	v39 =	vmul.f32 v13, v15;
	v13 =	vadd.f32 v28, v14  }
0x5c: {  	v26 =	vmul.f32 v12, v16;
	v14 =	vadd.f32 v41, v11;
	v23 =	vadd.f32 v40, v23  }
0x5d: {  	v24 =	vadd.f32 v43, v24;
	v40 =	vld [tilespmem:s23+$0xFFFFFEFC];
	v34 =	vadd.f32 v27, v10  }
0x5e: {  	v41 =	vld [tilespmem:s23+$0xFFFFFEFD];
	v43 =	vmul.f32 v63, v16;
	v12 =	vadd.f32 v42, v13;
	v36 =	vadd.f32 v26, v10  }
0x5f: {  	v42 =	vld [tilespmem:s23+$0xFFFFFEFE];
	v26 =	vimm.f32 $0.0e+00;
	v13 =	vadd.f32 v44, v23;
	v11 =	vadd.f32 v45, v24  }
0x60: {  	v35 =	vld [tilespmem:s23+$0xFFFFFDED];
	v37 =	vmul.f32 v22, v16;
	v28 =	vmul.f32 v25, v15;
	v24 =	vimm.f32 $0.0e+00  }
0x61: {  	s28 =	simm.s32 $0x1000;
	s26 =	smov.u32 s23;
	v27 =	vld [tilespmem:s23+$0xFFFFFDEE];
	v25 =	vimm.f32 $0.0e+00;
	v23 =	vimm.f32 $0.0e+00;
	v22 =	vimm.f32 $0.0e+00  }
.LBB2_4:
0x62: {  	p0 =	sne.s32 s28, $0xF000;
	v10 =	vadd.f32 v43, v10;
	v26 =	vadd.f32 v37, v26;
	v37 =	vld [tilespmem:s26+$0xFFFFFDEF];
	v40 =	vmul.f32 v40, v15  }
0x63: {  	v43 =	vld [tilespmem:s26+$0xFFFFFDF0];
	v36 =	vadd.f32 v38, v36;
	v34 =	vadd.f32 v39, v34;
	v38 =	vmul.f32 v41, v15  }
0x64: {  	v10 =	vadd.f32 v28, v10;
	v26 =	vadd.f32 v40, v26;
	v39 =	vmul.f32 v42, v15;
	v40 =	vld [tilespmem:s26+$0xFFFFFEFF]  }
0x65: {  	v35 =	vmul.f32 v35, v16;
	v41 =	vld [tilespmem:s26+$0xFFFFFF00];
	v28 =	vadd.f32 v31, v36;
	v29 =	vadd.f32 v29, v34  }
0x66: {  	v31 =	vmul.f32 v27, v16;
	v10 =	vadd.f32 v33, v10;
	v26 =	vadd.f32 v32, v26;
	v32 =	vld [tilespmem:s26+$0xF]  }
0x67: {  	v33 =	vmul.f32 v37, v16;
	v34 =	vld [tilespmem:s26+$0x10];
	v27 =	vadd.f32 v18, v28;
	v28 =	vadd.f32 v19, v29  }
0x68: {  	v16 =	vmul.f32 v43, v16;
	v10 =	vadd.f32 v17, v10;
	v26 =	vadd.f32 v20, v26;
	v17 =	vld [tilespmem:s26+$0x11F]  }
0x69: {  	v18 =	vadd.f32 v35, v24;
	v19 =	vadd.f32 v31, v25;
	v20 =	vmul.f32 v40, v15;
	v24 =	vld [tilespmem:s26+$0x120];
	s26 =	sadd.s32 $0x440, s26  }
0x6a: {  	v23 =	vadd.f32 v33, v23;
	v29 =	vld [tilespmem:s26+$0x110];
	v16 =	vadd.f32 v16, v22;
	v15 =	vmul.f32 v41, v15  }
0x6b: {  	v18 =	vadd.f32 v38, v18;
	v19 =	vadd.f32 v39, v19;
	v31 =	vld [tilespmem:s26+$0x111];
	v22 =	vmul.f32 v32, v3  }
0x6c: {  	v20 =	vadd.f32 v20, v23;
	v32 =	vld [tilespmem:s26+$0x112];
	v15 =	vadd.f32 v15, v16;
	v3 =	vmul.f32 v34, v3  }
0x6d: {  	v18 =	vadd.f32 v21, v18;
	v19 =	vadd.f32 v30, v19;
	v16 =	vld [tilespmem:s26+$0x113];
	v17 =	vmul.f32 v17, v0  }
0x6e: {  	v20 =	vadd.f32 v22, v20;
	v21 =	vld [tilespmem:s26+$0x114];
	v3 =	vadd.f32 v3, v15;
	v0 =	vmul.f32 v24, v0  }
0x6f: {  	v24 =	vadd.f32 v5, v18;
	v25 =	vadd.f32 v9, v19;
	v15 =	vld [tilespmem:s26+$0x115]  }
0x70: {  	v23 =	vadd.f32 v17, v20;
	v5 =	vld [tilespmem:s26+$0x116];
	v22 =	vadd.f32 v0, v3  }
0x71: {  	v9 =	vld [tilespmem:s26+$0x117]  }
0x72: {  	v17 =	vld [tilespmem:s26+$0x118]  }
0x73: {  	v18 =	vld [tilespmem:s26+$0x119]  }
0x74: {  	v19 =	vld [tilespmem:s26+$0x11A]  }
0x75: {  	v20 =	vld [tilespmem:s26+$0x11B]  }
0x76: {  	v30 =	vld [tilespmem:s26+$0x11C]  }
0x77: {  	v33 =	vld [tilespmem:s26+$0x11D]  }
0x78: {  	v38 =	vld [tilespmem:s26+$0x11E]  }
0x79: {  	v39 =	vld [tilespmem:s26+$0x0]  }
0x7a: {  	v40 =	vld [tilespmem:s26+$0x1]  }
0x7b: {  	v41 =	vld [tilespmem:s26+$0x2]  }
0x7c: {  	v42 =	vld [tilespmem:s26+$0x3]  }
0x7d: {  	v43 =	vld [tilespmem:s26+$0x4]  }
0x7e: {  	v44 =	vld [tilespmem:s26+$0x5]  }
0x7f: {  	s29 =	sshra.s32 s28, $0x2;
	v45 =	vld [tilespmem:s26+$0x6]  }
0x80: {  	v0 =	vld.idx.msk [tilespmem:v1+s29+$0x0 ss:$0x1], $0xffff  }
0x81: {  	v46 =	vld [tilespmem:s26+$0x7]  }
0x82: {  	v47 =	vld [tilespmem:s26+$0x8]  }
0x83: {  	v48 =	vld [tilespmem:s26+$0x9]  }
0x84: {  	v49 =	vld [tilespmem:s26+$0xA]  }
0x85: {  	v50 =	vld [tilespmem:s26+$0xB]  }
0x86: {  	v52 =	vmul.f32 v29, v0;
	v53 =	vmul.f32 v31, v0;
	v51 =	vld [tilespmem:s26+$0xC]  }
0x87: {  	v54 =	vmul.f32 v32, v0;
	v55 =	vmul.f32 v16, v0;
	v3 =	vld.idx.msk [tilespmem:v1+s29+$0xFFFFFF00 ss:$0x1], $0xffff  }
0x88: {  	v57 =	vmul.f32 v21, v0;
	v35 =	vmul.f32 v15, v0;
	v56 =	vld [tilespmem:s26+$0xD]  }
0x89: {  	v37 =	vmul.f32 v5, v0;
	v34 =	vmul.f32 v9, v0;
	v58 =	vld [tilespmem:s26+$0xE]  }
0x8a: {  	v36 =	vmul.f32 v17, v0;
	v18 =	vmul.f32 v18, v0;
	v16 =	vld.idx.msk [tilespmem:v1+s29+$0xFFFFFD00 ss:$0x1], $0xffff  }
0x8b: {  	v19 =	vmul.f32 v19, v0;
	v17 =	vmul.f32 v20, v0;
	v21 =	vld [tilespmem:s26+$0xFFFFFDE0]  }
0x8c: {  	v20 =	vmul.f32 v30, v0;
	v5 =	vmul.f32 v33, v0;
	v15 =	vld.idx.msk [tilespmem:v1+s29+$0xFFFFFE00 ss:$0x1], $0xffff  }
0x8d: {  	v9 =	vmul.f32 v38, v0;
	v39 =	vmul.f32 v39, v3;
	v29 =	vld [tilespmem:s26+$0xFFFFFEF0]  }
0x8e: {  	v40 =	vmul.f32 v40, v3;
	v41 =	vmul.f32 v41, v3;
	v38 =	vld [tilespmem:s26+$0xFFFFFEF1]  }
0x8f: {  	v42 =	vmul.f32 v42, v3;
	v43 =	vmul.f32 v43, v3;
	v59 =	vld [tilespmem:s26+$0xFFFFFEF2]  }
0x90: {  	v44 =	vmul.f32 v44, v3;
	v21 =	vmul.f32 v21, v16;
	v60 =	vld [tilespmem:s26+$0xFFFFFDE1]  }
0x91: {  	v45 =	vmul.f32 v45, v3;
	v46 =	vmul.f32 v46, v3;
	v61 =	vld [tilespmem:s26+$0xFFFFFDE2]  }
0x92: {  	v47 =	vmul.f32 v47, v3;
	v2 =	vadd.f32 v21, v2;
	v62 =	vld [tilespmem:s26+$0xFFFFFDE3];
	v21 =	vmul.f32 v29, v15  }
0x93: {  	v31 =	vmul.f32 v48, v3;
	v29 =	vmul.f32 v49, v3;
	v63 =	vld [tilespmem:s26+$0xFFFFFDE4]  }
0x94: {  	v33 =	vmul.f32 v50, v3;
	v32 =	vmul.f32 v51, v3;
	v2 =	vadd.f32 v21, v2;
	v48 =	vld [tilespmem:s26+$0xFFFFFEF3]  }
0x95: {  	v30 =	vmul.f32 v58, v3;
	v21 =	vmul.f32 v56, v3;
	v49 =	vld [tilespmem:s26+$0xFFFFFEF4]  }
0x96: {  	v38 =	vmul.f32 v38, v15;
	v50 =	vmul.f32 v59, v15;
	v51 =	vld [tilespmem:s26+$0xFFFFFEF5];
	v2 =	vadd.f32 v39, v2  }
0x97: {  	v39 =	vmul.f32 v60, v16;
	v56 =	vmul.f32 v61, v16;
	v58 =	vld [tilespmem:s26+$0xFFFFFEF6]  }
0x98: {  	v59 =	vmul.f32 v62, v16;
	v60 =	vmul.f32 v63, v16;
	v61 =	vld [tilespmem:s26+$0xFFFFFDE5];
	v2 =	vadd.f32 v52, v2  }
0x99: {  	v7 =	vadd.f32 v39, v7;
	v6 =	vadd.f32 v56, v6;
	v39 =	vld [tilespmem:s26+$0xFFFFFDE6];
	v48 =	vmul.f32 v48, v15  }
0x9a: {  	v8 =	vadd.f32 v59, v8;
	v4 =	vadd.f32 v60, v4;
	v52 =	vld [tilespmem:s26+$0xFFFFFDE7];
	v49 =	vmul.f32 v49, v15  }
0x9b: {  	v7 =	vadd.f32 v38, v7;
	v6 =	vadd.f32 v50, v6;
	v56 =	vld [tilespmem:s26+$0xFFFFFDE8];
	v38 =	vmul.f32 v51, v15  }
0x9c: {  	v8 =	vadd.f32 v48, v8;
	v4 =	vadd.f32 v49, v4;
	v48 =	vmul.f32 v58, v15;
	v49 =	vld [tilespmem:s26+$0xFFFFFEF7]  }
0x9d: {  	v7 =	vadd.f32 v40, v7;
	v6 =	vadd.f32 v41, v6;
	v50 =	vmul.f32 v61, v16;
	v51 =	vld [tilespmem:s26+$0xFFFFFEF8]  }
0x9e: {  	v8 =	vadd.f32 v42, v8;
	v39 =	vmul.f32 v39, v16;
	v40 =	vld [tilespmem:s26+$0xFFFFFEF9];
	v4 =	vadd.f32 v43, v4  }
0x9f: {  	v7 =	vadd.f32 v53, v7;
	v6 =	vadd.f32 v54, v6;
	v41 =	vmul.f32 v52, v16;
	v42 =	vld [tilespmem:s26+$0xFFFFFEFA]  }
0xa0: {  	v8 =	vadd.f32 v55, v8;
	v43 =	vmul.f32 v56, v16;
	v52 =	vld [tilespmem:s26+$0xFFFFFDE9];
	v4 =	vadd.f32 v57, v4  }
0xa1: {  	v14 =	vadd.f32 v50, v14;
	v12 =	vadd.f32 v39, v12;
	v50 =	vld [tilespmem:s26+$0xFFFFFDEA];
	v39 =	vmul.f32 v49, v15  }
0xa2: {  	v13 =	vadd.f32 v41, v13;
	v11 =	vadd.f32 v43, v11;
	v43 =	vld [tilespmem:s26+$0xFFFFFDEB];
	v41 =	vmul.f32 v51, v15  }
0xa3: {  	v14 =	vadd.f32 v38, v14;
	v12 =	vadd.f32 v48, v12;
	v49 =	vld [tilespmem:s26+$0xFFFFFDEC];
	v38 =	vmul.f32 v40, v15  }
0xa4: {  	v13 =	vadd.f32 v39, v13;
	v11 =	vadd.f32 v41, v11;
	v39 =	vmul.f32 v42, v15;
	v48 =	vld [tilespmem:s26+$0xFFFFFEFB]  }
.Ltmp0:
0xa5: {  	v14 =	vadd.f32 v44, v14;
	v12 =	vadd.f32 v45, v12;
	v51 =	vmul.f32 v52, v16;
	v40 =	vld [tilespmem:s26+$0xFFFFFEFC];
	(pc) =	sbr.rel @p0 .LBB2_4-.Ltmp0, $4  }
0xa6: {  	v13 =	vadd.f32 v46, v13;
	v44 =	vmul.f32 v50, v16;
	v41 =	vld [tilespmem:s26+$0xFFFFFEFD];
	v11 =	vadd.f32 v47, v11  }
0xa7: {  	v14 =	vadd.f32 v35, v14;
	v12 =	vadd.f32 v37, v12;
	v43 =	vmul.f32 v43, v16;
	v42 =	vld [tilespmem:s26+$0xFFFFFEFE]  }
0xa8: {  	v13 =	vadd.f32 v34, v13;
	v37 =	vmul.f32 v49, v16;
	v35 =	vld [tilespmem:s26+$0xFFFFFDED];
	v11 =	vadd.f32 v36, v11  }
0xa9: {  	s28 =	sadd.s32 $0x1000, s28;
	v36 =	vadd.f32 v51, v27;
	v34 =	vadd.f32 v44, v28;
	v27 =	vld [tilespmem:s26+$0xFFFFFDEE];
	v28 =	vmul.f32 v48, v15  }
0xaa: {  	v1 =	vadd.f32 v43, v10;
	v10 =	vadd.f32 v37, v26;
	v26 =	vld [tilespmem:s26+$0xFFFFFDEF];
	v61 =	vmul.f32 v40, v15  }
0xab: {  	v62 =	vld [tilespmem:s26+$0xFFFFFDF0];
	v36 =	vadd.f32 v38, v36;
	v34 =	vadd.f32 v39, v34;
	v63 =	vmul.f32 v41, v15  }
0xac: {  	v1 =	vadd.f32 v28, v1;
	v10 =	vadd.f32 v61, v10;
	v41 =	vmul.f32 v42, v15;
	v42 =	vld [tilespmem:s26+$0xFFFFFEFF]  }
0xad: {  	v43 =	vld [tilespmem:s26+$0xFFFFFF00];
	v31 =	vadd.f32 v31, v36;
	v35 =	vmul.f32 v35, v16;
	v29 =	vadd.f32 v29, v34  }
0xae: {  	v44 =	vld [tilespmem:s26+$0xF];
	v1 =	vadd.f32 v33, v1;
	v27 =	vmul.f32 v27, v16;
	v10 =	vadd.f32 v32, v10  }
0xaf: {  	v45 =	vld [tilespmem:s26+$0x10];
	v18 =	vadd.f32 v18, v31;
	v26 =	vmul.f32 v26, v16;
	v19 =	vadd.f32 v19, v29  }
0xb0: {  	v16 =	vmul.f32 v62, v16;
	v1 =	vadd.f32 v17, v1;
	v10 =	vadd.f32 v20, v10  }
0xb1: {  	v17 =	vld [tilespmem:s26+$0x11F];
	v20 =	vadd.f32 v35, v24;
	v24 =	vadd.f32 v27, v25;
	v25 =	vmul.f32 v42, v15  }
0xb2: {  	v23 =	vadd.f32 v26, v23;
	v26 =	vld [tilespmem:s26+$0x120];
	v16 =	vadd.f32 v16, v22;
	v15 =	vmul.f32 v43, v15  }
0xb3: {  	v20 =	vadd.f32 v63, v20;
	v22 =	vadd.f32 v41, v24;
	v24 =	vmul.f32 v44, v3  }
0xb4: {  	v3 =	vmul.f32 v45, v3;
	v23 =	vadd.f32 v25, v23;
	v15 =	vadd.f32 v15, v16  }
0xb5: {  	v16 =	vadd.f32 v21, v20;
	v20 =	vadd.f32 v30, v22;
	v22 =	vmax.f32 v11, v18  }
0xb6: {  	v17 =	vmul.f32 v17, v0;
	v21 =	vadd.f32 v24, v23;
	v3 =	vadd.f32 v3, v15  }
0xb7: {  	v23 =	vmax.f32 v19, v1;
	v5 =	vadd.f32 v5, v16;
	v0 =	vmul.f32 v26, v0  }
0xb8: {  	v9 =	vadd.f32 v9, v20;
	v16 =	vmax.f32 v2, v7;
	v15 =	vadd.f32 v17, v21  }
0xb9: {  	v20 =	vmax.f32 v4, v14;
	v17 =	vmax.f32 v6, v8;
	v21 =	vmax.f32 v12, v13  }
0xba: {  	v24 =	vmax.f32 v10, v5;
	v16 =	vmax.f32 v16, v17;
	v25 =	vmax.f32 v9, v15  }
0xbb: {  	v17 =	vmax.f32 v20, v21;
	v20 =	vmax.f32 v22, v23;
	v21 =	vmax.f32 v24, v25  }
0xbc: {  	v0 =	vadd.f32 v0, v3;
	v3 =	vmax.f32 v16, v17;
	v16 =	vmax.f32 v20, v21  }
0xbd: {  	v3 =	vmax.f32 v3, v16  }
0xbe: {  	v3 =	vmax.f32 v3, v0  }
0xbf: {  	v2 =	vsub.f32 v2, v3  }
0xc0: {  	v7 =	vsub.f32 v7, v3  }
0xc1: {  	v6 =	vsub.f32 v6, v3;
	v2 =	vmul.f32 $1.442695020e+00, v2  }
0xc2: {  	v8 =	vsub.f32 v8, v3;
	v7 =	vmul.f32 $1.442695020e+00, v7  }
0xc3: {  	v4 =	vsub.f32 v4, v3;
	(erf) = vpow2.f32 v2;
	v2 =	vmul.f32 $1.442695020e+00, v6  }
0xc4: {  	v6 =	vmul.f32 $1.442695020e+00, v8;
	(erf) = vpow2.f32 v7;
	v7 =	vsub.f32 v14, v3  }
0xc5: {  	(erf) = vpow2.f32 v2;
	v2 =	vmul.f32 $1.442695020e+00, v4;
	v4 =	vsub.f32 v12, v3  }
0xc6: {  	(erf) = vpow2.f32 v6;
	v6 =	vmul.f32 $1.442695020e+00, v7;
	v7 =	vsub.f32 v13, v3  }
0xc7: {  	(erf) = vpow2.f32 v2;
	v2 =	vmul.f32 $1.442695020e+00, v4;
	v4 =	vsub.f32 v11, v3  }
0xc8: {  	(erf) = vpow2.f32 v6;
	v6 =	vmul.f32 $1.442695020e+00, v7;
	v7 =	vsub.f32 v18, v3  }
0xc9: {  	(erf) = vpow2.f32 v2;
	v2 =	vmul.f32 $1.442695020e+00, v4  }
0xca: {  	v4 =	vsub.f32 v19, v3;
	(erf) = vpow2.f32 v6;
	v6 =	vmul.f32 $1.442695020e+00, v7  }
0xcb: {  	v1 =	vsub.f32 v1, v3  }
0xcc: {  	(erf) = vpow2.f32 v2;
	v2 =	vmul.f32 $1.442695020e+00, v4;
	v4 =	vsub.f32 v10, v3  }
0xcd: {  	v5 =	vsub.f32 v5, v3;
	v1 =	vmul.f32 $1.442695020e+00, v1;
	v7 =	vpop (erf);
	(erf) = vpow2.f32 v6  }
0xce: {  	v6 =	vpop (erf);
	(erf) = vpow2.f32 v2;
	v2 =	vmul.f32 $1.442695020e+00, v4;
	v4 =	vsub.f32 v9, v3  }
0xcf: {  	v8 =	vpop (erf);
	(erf) = vpow2.f32 v1;
	v1 =	vmul.f32 $1.442695020e+00, v5;
	v5 =	vsub.f32 v15, v3;
	_ =	sdelay $0x1  }
0xd0: {  	v9 =	vpop (erf);
	(erf) = vpow2.f32 v2;
	v2 =	vmul.f32 $1.442695020e+00, v4  }
0xd1: {  	v4 =	vpop (erf);
	(erf) = vpow2.f32 v1;
	v1 =	vmul.f32 $1.442695020e+00, v5  }
0xd2: {  	v5 =	vpop (erf);
	(erf) = vpow2.f32 v2  }
0xd3: {  	v10 =	vpop (erf);
	(erf) = vpow2.f32 v1  }
0xd4: {  	v11 =	vpop (erf)  }
0xd5: {  	v12 =	vpop (erf)  }
0xd6: {  	v13 =	vpop (erf)  }
0xd7: {  	v0 =	vsub.f32 v0, v3;
	v14 =	vpop (erf)  }
0xd8: {  	v15 =	vpop (erf)  }
0xd9: {  	v0 =	vmul.f32 $1.442695020e+00, v0;
	v16 =	vpop (erf)  }
0xda: {  	v2 =	vadd.f32 v9, v8;
	v1 =	vadd.f32 v6, v7;
	v17 =	vpop (erf)  }
0xdb: {  	v3 =	vadd.f32 v11, v10;
	(erf) = vpow2.f32 v0;
	v0 =	vadd.f32 v5, v4;
	v18 =	vpop (erf)  }
0xdc: {  	v20 =	vadd.f32 v13, v12;
	v21 =	vadd.f32 v15, v14;
	v19 =	vpop (erf)  }
0xdd: {  	v22 =	vadd.f32 v17, v16;
	v23 =	vadd.f32 v19, v18  }
0xde: {  	v1 =	vadd.f32 v2, v1;
	v0 =	vadd.f32 v3, v0  }
0xdf: {  	v2 =	vadd.f32 v21, v20;
	v3 =	vadd.f32 v23, v22;
	_ =	sdelay $0x1  }
0xe0: {  	v0 =	vadd.f32 v0, v1;
	v1 =	vadd.f32 v3, v2;
	_ =	sdelay $0x1  }
0xe1: {  	v0 =	vadd.f32 v1, v0  }
0xe2: {  	v20 =	vpop (erf)  }
0xe3: {  	v0 =	vadd.f32 v0, v20;
	_ =	sdelay $0x1  }
0xe4: {  	(erf) = vrcp.f32 v0;
	_ =	sdelay $0x5  }
0xe5: {  	v46 =	vld [tilespmem:s25+$0xFFFFFDEA]  }
0xe6: {  	v47 =	vld [tilespmem:s25+$0xFFFFFDE9]  }
0xe7: {  	v48 =	vld [tilespmem:s25+$0xFFFFFDE8]  }
0xe8: {  	v49 =	vld [tilespmem:s25+$0xFFFFFDE7];
	v25 =	vpop (erf)  }
0xe9: {  	v50 =	vld [tilespmem:s25+$0xFFFFFDE6];
	v0 =	vmul.f32 v25, v7  }
0xea: {  	v51 =	vld [tilespmem:s25+$0xFFFFFDE1];
	v2 =	vmul.f32 v25, v6;
	v8 =	vmul.f32 v25, v8  }
0xeb: {  	v26 =	vld [tilespmem:s25+$0xFFFFFDEC];
	v1 =	vmul.f32 v25, v9;
	v4 =	vmul.f32 v25, v4  }
0xec: {  	v22 =	vld [tilespmem:s25+$0xFFFFFDEF];
	v9 =	vmul.f32 v25, v5;
	v5 =	vmul.f32 v25, v10  }
0xed: {  	v23 =	vld [tilespmem:s25+$0xFFFFFDEE];
	v11 =	vmul.f32 v25, v11;
	v3 =	vmul.f32 v25, v12  }
0xee: {  	v24 =	vld [tilespmem:s25+$0xFFFFFDED];
	v6 =	vmul.f32 v25, v13;
	v7 =	vmul.f32 v25, v14  }
0xef: {  	v27 =	vld [tilespmem:s25+$0xFFFFFDEB];
	v10 =	vmul.f32 v25, v15;
	v15 =	vmul.f32 v25, v19  }
0xf0: {  	v21 =	vld [tilespmem:s25+$0xFFFFFDE0];
	v13 =	vmul.f32 v25, v18;
	v12 =	vmul.f32 v25, v16  }
0xf1: {  	v18 =	vld [tilespmem:s25+$0xFFFFFDE5];
	v14 =	vmul.f32 v25, v17;
	v17 =	vmul.f32 v22, v15  }
0xf2: {  	v16 =	vld [tilespmem:s25+$0xFFFFFDE4];
	v19 =	vmul.f32 v23, v13;
	v23 =	vmul.f32 v26, v12  }
0xf3: {  	v22 =	vld [tilespmem:s25+$0xFFFFFDE3];
	v24 =	vmul.f32 v24, v14;
	v28 =	vmul.f32 v46, v7  }
0xf4: {  	v26 =	vld [tilespmem:s25+$0xFFFFFDE2];
	v27 =	vmul.f32 v27, v10;
	v29 =	vmul.f32 v47, v6  }
0xf5: {  	v30 =	vmul.f32 v48, v3;
	v21 =	vmul.f32 v21, v0  }
0xf6: {  	v52 =	vmul.f32 v51, v2;
	v53 =	vmul.f32 v50, v5  }
0xf7: {  	v17 =	vadd.f32 v17, v19;
	v19 =	vadd.f32 v24, v23;
	v23 =	vmul.f32 v49, v11  }
0xf8: {  	v24 =	vadd.f32 v27, v28;
	v16 =	vmul.f32 v16, v4;
	v18 =	vmul.f32 v18, v9  }
0xf9: {  	v27 =	vadd.f32 v29, v30;
	v26 =	vmul.f32 v26, v8;
	v22 =	vmul.f32 v22, v1  }
0xfa: {  	v21 =	vadd.f32 v52, v21;
	v16 =	vadd.f32 v18, v16  }
0xfb: {  	v18 =	vadd.f32 v22, v26;
	v22 =	vadd.f32 v23, v53  }
0xfc: {  	v19 =	vadd.f32 v17, v19;
	v23 =	vadd.f32 v24, v27;
	v24 =	vld [tilespmem:s25+$0xFFFFFDF0]  }
0xfd: {  	v18 =	vadd.f32 v18, v21;
	v16 =	vadd.f32 v22, v16;
	_ =	sdelay $0x1  }
0xfe: {  	v17 =	vmul.f32 v25, v20;
	v19 =	vadd.f32 v19, v23;
	v18 =	vadd.f32 v16, v18  }
0xff: {  	v16 =	vmov s24  }
0x100: {  	v20 =	vmul.f32 v24, v17;
	v18 =	vadd.f32 v19, v18;
	_ =	sdelay $0x1  }
0x101: {  	v18 =	vadd.f32 v18, v20  }
0x102: {  	s26 =	simm.s32 $0x0  }
0x103: {  	[tilespmem:v16+s26+$0xFFFFFD00 ss:$0x1] =	vst.idx.msk $0xffff, v18  }
0x104: {  	v18 =	vld [tilespmem:s25+$0xFFFFFEFF]  }
0x105: {  	v19 =	vld [tilespmem:s25+$0xFFFFFEF5]  }
0x106: {  	v20 =	vld [tilespmem:s25+$0xFFFFFEFB]  }
0x107: {  	v21 =	vld [tilespmem:s25+$0xFFFFFEF7]  }
0x108: {  	v22 =	vld [tilespmem:s25+$0xFFFFFEF2]  }
0x109: {  	v23 =	vld [tilespmem:s25+$0xFFFFFEF6]  }
0x10a: {  	v24 =	vld [tilespmem:s25+$0xFFFFFEF4]  }
0x10b: {  	v25 =	vld [tilespmem:s25+$0xFFFFFEFA]  }
0x10c: {  	v26 =	vld [tilespmem:s25+$0xFFFFFEF3]  }
0x10d: {  	v27 =	vld [tilespmem:s25+$0xFFFFFEFC]  }
0x10e: {  	v54 =	vld [tilespmem:s25+$0xFFFFFEF1]  }
0x10f: {  	v55 =	vld [tilespmem:s25+$0xFFFFFEFE]  }
0x110: {  	v56 =	vld [tilespmem:s25+$0xFFFFFEF8];
	v18 =	vmul.f32 v18, v15  }
0x111: {  	v57 =	vld [tilespmem:s25+$0xFFFFFEF9];
	v19 =	vmul.f32 v19, v9;
	v24 =	vmul.f32 v24, v4  }
0x112: {  	v58 =	vld [tilespmem:s25+$0xFFFFFEFD];
	v25 =	vmul.f32 v25, v7;
	v23 =	vmul.f32 v23, v5  }
0x113: {  	v59 =	vld [tilespmem:s25+$0xFFFFFEF0];
	v21 =	vmul.f32 v21, v11;
	v26 =	vmul.f32 v26, v1  }
0x114: {  	v20 =	vmul.f32 v20, v10;
	v22 =	vmul.f32 v22, v8  }
0x115: {  	v27 =	vmul.f32 v27, v12;
	v30 =	vmul.f32 v56, v3  }
0x116: {  	v60 =	vmul.f32 v57, v6;
	v19 =	vadd.f32 v19, v24;
	v24 =	vmul.f32 v55, v13  }
0x117: {  	v61 =	vmul.f32 v58, v14;
	v21 =	vadd.f32 v21, v23;
	v23 =	vmul.f32 v54, v2  }
0x118: {  	v29 =	vadd.f32 v60, v30;
	v18 =	vadd.f32 v18, v24;
	v24 =	vmul.f32 v59, v0  }
0x119: {  	v20 =	vadd.f32 v20, v25;
	v22 =	vadd.f32 v26, v22  }
0x11a: {  	v25 =	vadd.f32 v61, v27;
	v23 =	vadd.f32 v23, v24  }
0x11b: {  	v19 =	vadd.f32 v21, v19;
	v21 =	vld [tilespmem:s25+$0xFFFFFF00];
	v20 =	vadd.f32 v20, v29  }
0x11c: {  	v18 =	vadd.f32 v18, v25;
	v22 =	vadd.f32 v22, v23;
	_ =	sdelay $0x1  }
0x11d: {  	v18 =	vadd.f32 v18, v20;
	v19 =	vadd.f32 v19, v22;
	_ =	sdelay $0x1  }
0x11e: {  	v20 =	vmul.f32 v21, v17;
	v18 =	vadd.f32 v18, v19;
	_ =	sdelay $0x1  }
0x11f: {  	v18 =	vadd.f32 v18, v20;
	_ =	sdelay $0x1  }
0x120: {  	[tilespmem:v16+s26+$0xFFFFFE00 ss:$0x1] =	vst.idx.msk $0xffff, v18  }
0x121: {  	v18 =	vld [tilespmem:s25+$0x7]  }
0x122: {  	v19 =	vld [tilespmem:s25+$0x5]  }
0x123: {  	v20 =	vld [tilespmem:s25+$0x3]  }
0x124: {  	v21 =	vld [tilespmem:s25+$0x1]  }
0x125: {  	v22 =	vld [tilespmem:s25+$0x4]  }
0x126: {  	v23 =	vld [tilespmem:s25+$0x2]  }
0x127: {  	v24 =	vld [tilespmem:s25+$0x6]  }
0x128: {  	v25 =	vld [tilespmem:s25+$0x0];
	_ =	sdelay $0x1  }
0x129: {  	v20 =	vmul.f32 v20, v1;
	v21 =	vmul.f32 v21, v2  }
0x12a: {  	v22 =	vmul.f32 v22, v4;
	v23 =	vmul.f32 v23, v8  }
0x12b: {  	v26 =	vld [tilespmem:s25+$0xE];
	v19 =	vmul.f32 v19, v9;
	v24 =	vmul.f32 v24, v5  }
0x12c: {  	v62 =	vld [tilespmem:s25+$0xD];
	v27 =	vmul.f32 v18, v11;
	v25 =	vmul.f32 v25, v0  }
0x12d: {  	v63 =	vld [tilespmem:s25+$0xC];
	v23 =	vadd.f32 v20, v23;
	v19 =	vadd.f32 v19, v22  }
0x12e: {  	v18 =	vld [tilespmem:s25+$0xF];
	v22 =	vadd.f32 v27, v24;
	v21 =	vadd.f32 v21, v25  }
0x12f: {  	v20 =	vld [tilespmem:s25+$0xB]  }
0x130: {  	v19 =	vadd.f32 v22, v19;
	v22 =	vld [tilespmem:s25+$0xA];
	v27 =	vadd.f32 v23, v21  }
0x131: {  	v25 =	vmul.f32 v62, v14;
	v23 =	vld [tilespmem:s25+$0x9]  }
0x132: {  	s29 =	simm.s32 $0x1000;
	s30 =	smov.u32 s25;
	s28 =	smov.u32 s25;
	v24 =	vld [tilespmem:s25+$0x8];
	v21 =	vmul.f32 v26, v13;
	v26 =	vmul.f32 v63, v12;
	v19 =	vadd.f32 v19, v27  }
.LBB2_6:
0x133: {  	p0 =	sne.s32 s29, $0xF000  }
0x134: {  	s30 =	sadd.s32 $0x440, s30;
	s31 =	smov.u32 s29;
	s29 =	sadd.s32 $0x1000, s29  }
0x135: {  	v22 =	vmul.f32 v22, v7;
	v25 =	vadd.f32 v25, v26  }
0x136: {  	v18 =	vmul.f32 v18, v15;
	v23 =	vmul.f32 v23, v6  }
0x137: {  	v20 =	vmul.f32 v20, v10;
	v24 =	vmul.f32 v24, v3  }
0x138: {  	v18 =	vadd.f32 v18, v21  }
0x139: {  	v20 =	vadd.f32 v20, v22;
	v21 =	vadd.f32 v23, v24  }
0x13a: {  	v22 =	vld [tilespmem:s28+$0x10]  }
0x13b: {  	v18 =	vadd.f32 v18, v25;
	v20 =	vadd.f32 v20, v21;
	_ =	sdelay $0x1  }
0x13c: {  	v18 =	vadd.f32 v18, v20;
	_ =	sdelay $0x1  }
0x13d: {  	v20 =	vmul.f32 v22, v17;
	v18 =	vadd.f32 v18, v19;
	_ =	sdelay $0x1  }
0x13e: {  	v18 =	vadd.f32 v18, v20;
	_ =	sdelay $0x1  }
0x13f: {  	[tilespmem:v16+s26+$0xFFFFFF00 ss:$0x1] =	vst.idx.msk $0xffff, v18  }
0x140: {  	v18 =	vld [tilespmem:s28+$0x11F]  }
0x141: {  	v19 =	vld [tilespmem:s28+$0x112]  }
0x142: {  	v20 =	vld [tilespmem:s28+$0x117]  }
0x143: {  	v21 =	vld [tilespmem:s28+$0x115]  }
0x144: {  	v22 =	vld [tilespmem:s28+$0x11B]  }
0x145: {  	v23 =	vld [tilespmem:s28+$0x11E];
	v18 =	vmul.f32 v18, v15  }
0x146: {  	v19 =	vmul.f32 v19, v8;
	v24 =	vld [tilespmem:s28+$0x11D]  }
0x147: {  	v25 =	vld [tilespmem:s28+$0x111]  }
0x148: {  	v20 =	vmul.f32 v20, v11;
	v26 =	vld [tilespmem:s28+$0x11C]  }
0x149: {  	v21 =	vmul.f32 v21, v9;
	v27 =	vld [tilespmem:s28+$0x114]  }
0x14a: {  	v28 =	vld [tilespmem:s28+$0x116];
	v23 =	vmul.f32 v23, v13  }
0x14b: {  	v29 =	vld [tilespmem:s28+$0x113]  }
0x14c: {  	v24 =	vmul.f32 v24, v14;
	v30 =	vld [tilespmem:s28+$0x119];
	v18 =	vadd.f32 v18, v23  }
0x14d: {  	v23 =	vmul.f32 v25, v2;
	v25 =	vld [tilespmem:s28+$0x11A]  }
0x14e: {  	v22 =	vmul.f32 v22, v10;
	v31 =	vld [tilespmem:s28+$0x118]  }
0x14f: {  	v26 =	vmul.f32 v26, v12;
	v32 =	vld [tilespmem:s28+$0x110]  }
0x150: {  	v27 =	vmul.f32 v27, v4;
	v28 =	vmul.f32 v28, v5;
	v33 =	vld [tilespmem:s28+$0x120];
	s28 =	smov.u32 s30  }
0x151: {  	v24 =	vadd.f32 v24, v26;
	v29 =	vmul.f32 v29, v1  }
0x152: {  	v21 =	vadd.f32 v21, v27;
	v26 =	vmul.f32 v30, v6;
	v25 =	vmul.f32 v25, v7  }
0x153: {  	v27 =	vmul.f32 v31, v3  }
0x154: {  	v20 =	vadd.f32 v20, v28;
	v30 =	vmul.f32 v32, v0;
	v22 =	vadd.f32 v22, v25  }
0x155: {  	v19 =	vadd.f32 v29, v19;
	v25 =	vadd.f32 v26, v27  }
0x156: {  	v18 =	vadd.f32 v18, v24;
	v23 =	vadd.f32 v23, v30  }
0x157: {  	v20 =	vadd.f32 v20, v21;
	v21 =	vadd.f32 v22, v25  }
0x158: {  	v19 =	vadd.f32 v19, v23  }
0x159: {  	v18 =	vadd.f32 v18, v21  }
0x15a: {  	v19 =	vadd.f32 v20, v19;
	_ =	sdelay $0x1  }
0x15b: {  	v20 =	vmul.f32 v33, v17;
	v18 =	vadd.f32 v18, v19;
	_ =	sdelay $0x1  }
0x15c: {  	v18 =	vadd.f32 v18, v20;
	_ =	sdelay $0x1  }
0x15d: {  	[tilespmem:v16+s26+$0x0 ss:$0x1] =	vst.idx.msk $0xffff, v18  }
0x15e: {  	v18 =	vld [tilespmem:s30+$0xFFFFFDE0]  }
0x15f: {  	v19 =	vld [tilespmem:s30+$0xFFFFFDEF]  }
0x160: {  	v20 =	vld [tilespmem:s30+$0xFFFFFDEE]  }
0x161: {  	v21 =	vld [tilespmem:s30+$0xFFFFFDED]  }
0x162: {  	v22 =	vld [tilespmem:s30+$0xFFFFFDEC]  }
0x163: {  	v23 =	vld [tilespmem:s30+$0xFFFFFDEB]  }
0x164: {  	v24 =	vld [tilespmem:s30+$0xFFFFFDEA];
	v19 =	vmul.f32 v19, v15  }
0x165: {  	v25 =	vld [tilespmem:s30+$0xFFFFFDE9];
	v20 =	vmul.f32 v20, v13  }
0x166: {  	v26 =	vld [tilespmem:s30+$0xFFFFFDE8]  }
0x167: {  	v21 =	vmul.f32 v21, v14;
	v27 =	vld [tilespmem:s30+$0xFFFFFDE7];
	v22 =	vmul.f32 v22, v12;
	v19 =	vadd.f32 v19, v20  }
0x168: {  	v20 =	vld [tilespmem:s30+$0xFFFFFDE6]  }
0x169: {  	v23 =	vmul.f32 v23, v10;
	v28 =	vld [tilespmem:s30+$0xFFFFFDE5];
	v24 =	vmul.f32 v24, v7;
	v21 =	vadd.f32 v21, v22  }
0x16a: {  	v22 =	vld [tilespmem:s30+$0xFFFFFDE4];
	v25 =	vmul.f32 v25, v6  }
0x16b: {  	v29 =	vld [tilespmem:s30+$0xFFFFFDE3];
	v26 =	vmul.f32 v26, v3;
	v23 =	vadd.f32 v23, v24;
	v19 =	vadd.f32 v19, v21  }
0x16c: {  	v21 =	vld [tilespmem:s30+$0xFFFFFDE2]  }
0x16d: {  	v24 =	vld [tilespmem:s30+$0xFFFFFDE1];
	v25 =	vadd.f32 v25, v26;
	_ =	sdelay $0x1  }
0x16e: {  	v26 =	vmul.f32 v28, v9;
	v22 =	vmul.f32 v22, v4;
	v23 =	vadd.f32 v23, v25  }
0x16f: {  	v18 =	vmul.f32 v18, v0;
	v25 =	vmul.f32 v27, v11  }
0x170: {  	v27 =	vmul.f32 v29, v1;
	v21 =	vmul.f32 v21, v8;
	v22 =	vadd.f32 v26, v22  }
0x171: {  	v20 =	vmul.f32 v20, v5;
	v19 =	vadd.f32 v19, v23;
	v24 =	vmul.f32 v24, v2  }
0x172: {  	v21 =	vadd.f32 v27, v21  }
0x173: {  	v20 =	vadd.f32 v25, v20;
	v18 =	vadd.f32 v24, v18  }
0x174: {  	v23 =	vld [tilespmem:s30+$0xFFFFFDF0]  }
0x175: {  	v20 =	vadd.f32 v20, v22;
	v18 =	vadd.f32 v21, v18;
	_ =	sdelay $0x1  }
0x176: {  	v18 =	vadd.f32 v20, v18;
	_ =	sdelay $0x1  }
0x177: {  	v20 =	vmul.f32 v23, v17;
	v18 =	vadd.f32 v19, v18;
	_ =	sdelay $0x1  }
0x178: {  	v18 =	vadd.f32 v18, v20  }
0x179: {  	s26 =	sshra.s32 s31, $0x2  }
0x17a: {  	[tilespmem:v16+s26+$0xFFFFFD00 ss:$0x1] =	vst.idx.msk $0xffff, v18  }
0x17b: {  	v18 =	vld [tilespmem:s30+$0xFFFFFEFF]  }
0x17c: {  	v19 =	vld [tilespmem:s30+$0xFFFFFEF5]  }
0x17d: {  	v20 =	vld [tilespmem:s30+$0xFFFFFEFB]  }
0x17e: {  	v21 =	vld [tilespmem:s30+$0xFFFFFEF7]  }
0x17f: {  	v22 =	vld [tilespmem:s30+$0xFFFFFEF2]  }
0x180: {  	v23 =	vld [tilespmem:s30+$0xFFFFFEF6];
	v18 =	vmul.f32 v18, v15  }
0x181: {  	v24 =	vld [tilespmem:s30+$0xFFFFFEF4]  }
0x182: {  	v19 =	vmul.f32 v19, v9;
	v25 =	vld [tilespmem:s30+$0xFFFFFEFA]  }
0x183: {  	v26 =	vld [tilespmem:s30+$0xFFFFFEF3]  }
0x184: {  	v27 =	vld [tilespmem:s30+$0xFFFFFEFC]  }
0x185: {  	v28 =	vld [tilespmem:s30+$0xFFFFFEF1]  }
0x186: {  	v24 =	vmul.f32 v24, v4;
	v29 =	vld [tilespmem:s30+$0xFFFFFEFE]  }
0x187: {  	v30 =	vld [tilespmem:s30+$0xFFFFFEF8];
	v25 =	vmul.f32 v25, v7  }
0x188: {  	v31 =	vld [tilespmem:s30+$0xFFFFFEF9];
	v19 =	vadd.f32 v19, v24  }
0x189: {  	v21 =	vmul.f32 v21, v11;
	v23 =	vmul.f32 v23, v5;
	v24 =	vld [tilespmem:s30+$0xFFFFFEFD]  }
0x18a: {  	v20 =	vmul.f32 v20, v10;
	v26 =	vmul.f32 v26, v1;
	v32 =	vld [tilespmem:s30+$0xFFFFFEF0]  }
0x18b: {  	v22 =	vmul.f32 v22, v8;
	v21 =	vadd.f32 v21, v23;
	v27 =	vmul.f32 v27, v12  }
0x18c: {  	v29 =	vmul.f32 v29, v13;
	v23 =	vmul.f32 v30, v3  }
0x18d: {  	v28 =	vmul.f32 v28, v2;
	v30 =	vmul.f32 v31, v6  }
0x18e: {  	v18 =	vadd.f32 v18, v29;
	v24 =	vmul.f32 v24, v14  }
0x18f: {  	v20 =	vadd.f32 v20, v25;
	v29 =	vmul.f32 v32, v0;
	v23 =	vadd.f32 v30, v23  }
0x190: {  	v22 =	vadd.f32 v26, v22;
	v24 =	vadd.f32 v24, v27  }
0x191: {  	v19 =	vadd.f32 v21, v19;
	v25 =	vadd.f32 v28, v29  }
0x192: {  	v20 =	vadd.f32 v20, v23;
	v21 =	vld [tilespmem:s30+$0xFFFFFF00];
	v18 =	vadd.f32 v18, v24  }
0x193: {  	v22 =	vadd.f32 v22, v25  }
0x194: {  	v18 =	vadd.f32 v18, v20  }
0x195: {  	v19 =	vadd.f32 v19, v22;
	_ =	sdelay $0x1  }
0x196: {  	v20 =	vmul.f32 v21, v17;
	v18 =	vadd.f32 v18, v19;
	_ =	sdelay $0x1  }
0x197: {  	v18 =	vadd.f32 v18, v20;
	_ =	sdelay $0x1  }
0x198: {  	[tilespmem:v16+s26+$0xFFFFFE00 ss:$0x1] =	vst.idx.msk $0xffff, v18  }
0x199: {  	v18 =	vld [tilespmem:s30+$0x7]  }
0x19a: {  	v19 =	vld [tilespmem:s30+$0x5]  }
0x19b: {  	v20 =	vld [tilespmem:s30+$0x3]  }
0x19c: {  	v21 =	vld [tilespmem:s30+$0x1]  }
0x19d: {  	v22 =	vld [tilespmem:s30+$0x4]  }
0x19e: {  	v23 =	vld [tilespmem:s30+$0x2]  }
0x19f: {  	v24 =	vld [tilespmem:s30+$0x6]  }
0x1a0: {  	v25 =	vld [tilespmem:s30+$0x0]  }
0x1a1: {  	v20 =	vmul.f32 v20, v1  }
0x1a2: {  	v21 =	vmul.f32 v21, v2;
	v22 =	vmul.f32 v22, v4  }
0x1a3: {  	v19 =	vmul.f32 v19, v9;
	v23 =	vmul.f32 v23, v8  }
0x1a4: {  	v26 =	vmul.f32 v18, v11;
	v24 =	vmul.f32 v24, v5;
	v18 =	vld [tilespmem:s30+$0xF]  }
0x1a5: {  	v19 =	vadd.f32 v19, v22;
	v25 =	vmul.f32 v25, v0;
	v27 =	vld [tilespmem:s30+$0xE];
	v23 =	vadd.f32 v20, v23  }
0x1a6: {  	v28 =	vld [tilespmem:s30+$0xD];
	v22 =	vadd.f32 v26, v24  }
0x1a7: {  	v26 =	vld [tilespmem:s30+$0xC];
	v21 =	vadd.f32 v21, v25  }
.Ltmp1:
0x1a8: {  	v20 =	vld [tilespmem:s30+$0xB];
	v19 =	vadd.f32 v22, v19;
	(pc) =	sbr.rel @p0 .LBB2_6-.Ltmp1, $4  }
0x1a9: {  	v22 =	vld [tilespmem:s30+$0xA];
	v29 =	vadd.f32 v23, v21  }
0x1aa: {  	v23 =	vld [tilespmem:s30+$0x9];
	v21 =	vmul.f32 v27, v13  }
0x1ab: {  	v24 =	vld [tilespmem:s30+$0x8];
	v25 =	vmul.f32 v28, v14;
	v19 =	vadd.f32 v19, v29  }
0x1ac: {  	v26 =	vmul.f32 v26, v12  }
0x1ad: {  	_ = 	snop  }
0x1ae: {  	v18 =	vmul.f32 v18, v15  }
0x1af: {  	v20 =	vmul.f32 v20, v10;
	v22 =	vmul.f32 v22, v7  }
0x1b0: {  	v23 =	vmul.f32 v23, v6;
	v24 =	vmul.f32 v24, v3  }
0x1b1: {  	v25 =	vadd.f32 v25, v26;
	v18 =	vadd.f32 v18, v21  }
0x1b2: {  	v20 =	vadd.f32 v20, v22;
	v42 =	vadd.f32 v23, v24  }
0x1b3: {  	v43 =	vld [tilespmem:s28+$0x10]  }
0x1b4: {  	v18 =	vadd.f32 v18, v25;
	v20 =	vadd.f32 v20, v42;
	_ =	sdelay $0x1  }
0x1b5: {  	v18 =	vadd.f32 v18, v20;
	_ =	sdelay $0x1  }
0x1b6: {  	v44 =	vmul.f32 v43, v17;
	v18 =	vadd.f32 v18, v19;
	_ =	sdelay $0x1  }
0x1b7: {  	v18 =	vadd.f32 v18, v44;
	_ =	sdelay $0x1  }
0x1b8: {  	[tilespmem:v16+s26+$0xFFFFFF00 ss:$0x1] =	vst.idx.msk $0xffff, v18  }
0x1b9: {  	v18 =	vld [tilespmem:s28+$0x11F]  }
0x1ba: {  	v45 =	vld [tilespmem:s28+$0x112]  }
0x1bb: {  	v46 =	vld [tilespmem:s28+$0x117]  }
0x1bc: {  	v47 =	vld [tilespmem:s28+$0x115]  }
0x1bd: {  	v48 =	vld [tilespmem:s28+$0x11B]  }
0x1be: {  	v49 =	vld [tilespmem:s28+$0x11E]  }
0x1bf: {  	v50 =	vld [tilespmem:s28+$0x11D]  }
0x1c0: {  	v51 =	vld [tilespmem:s28+$0x111]  }
0x1c1: {  	v52 =	vld [tilespmem:s28+$0x11C]  }
0x1c2: {  	v27 =	vld [tilespmem:s28+$0x114]  }
0x1c3: {  	v28 =	vld [tilespmem:s28+$0x116]  }
0x1c4: {  	v29 =	vld [tilespmem:s28+$0x113]  }
0x1c5: {  	v30 =	vld [tilespmem:s28+$0x119];
	v53 =	vmul.f32 v18, v15;
	v8 =	vmul.f32 v45, v8  }
0x1c6: {  	v54 =	vld [tilespmem:s28+$0x11A];
	v11 =	vmul.f32 v46, v11;
	v9 =	vmul.f32 v47, v9  }
0x1c7: {  	v55 =	vld [tilespmem:s28+$0x118];
	v13 =	vmul.f32 v49, v13;
	v14 =	vmul.f32 v50, v14  }
0x1c8: {  	v56 =	vld [tilespmem:s28+$0x110];
	v2 =	vmul.f32 v51, v2;
	v12 =	vmul.f32 v52, v12  }
0x1c9: {  	v57 =	vmul.f32 v48, v10;
	v4 =	vmul.f32 v27, v4  }
0x1ca: {  	v5 =	vmul.f32 v28, v5;
	v1 =	vmul.f32 v29, v1  }
0x1cb: {  	v58 =	vmul.f32 v30, v6;
	v59 =	vmul.f32 v54, v7  }
0x1cc: {  	v60 =	vmul.f32 v55, v3;
	v13 =	vadd.f32 v53, v13;
	v12 =	vadd.f32 v14, v12  }
0x1cd: {  	v0 =	vmul.f32 v56, v0;
	v4 =	vadd.f32 v9, v4;
	v5 =	vadd.f32 v11, v5  }
0x1ce: {  	v7 =	vadd.f32 v57, v59;
	v1 =	vadd.f32 v1, v8  }
0x1cf: {  	v3 =	vadd.f32 v58, v60;
	v0 =	vadd.f32 v2, v0  }
0x1d0: {  	v61 =	vld [tilespmem:s28+$0x120];
	v62 =	vadd.f32 v13, v12;
	v4 =	vadd.f32 v5, v4  }
0x1d1: {  	v3 =	vadd.f32 v7, v3;
	v0 =	vadd.f32 v1, v0;
	_ =	sdelay $0x1  }
0x1d2: {  	s21 =	sadd.s32 $0x1, s21;
	v63 =	vadd.f32 v62, v3;
	v0 =	vadd.f32 v4, v0  }
0x1d3: {  	p0 =	sne.s32 s21, $0x10  }
.Ltmp2:
0x1d4: {  	v2 =	vmul.f32 v61, v17;
	v0 =	vadd.f32 v63, v0;
	(pc) =	sbr.rel @p0 .LBB2_3-.Ltmp2, $4  }
0x1d5: {  	_ = 	snop  }
0x1d6: {  	v0 =	vadd.f32 v0, v2  }
0x1d7: {  	s22 =	sadd.s32 $0x10, s22  }
0x1d8: {  	s23 =	sadd.s32 $0x10, s23;
	s24 =	sadd.s32 $0x10, s24;
	s25 =	sadd.s32 $0x10, s25;
	[tilespmem:v16+s26+$0x0 ss:$0x1] =	vst.idx.msk $0xffff, v0  }
0x1d9: {  	s20 =	sadd.s32 s10, s20;
	s19 =	sadd.s32 $0x1, s19  }
0x1da: {  	s20 =	sshrl.u32 s20, $0x3;
	p0 =	sne.s32 s19, $0x4  }
.Ltmp3:
0x1db: {  	s20 =	sadd.s32 s6, s20;
	(pc) =	sbr.rel @p0 .LBB2_2-.Ltmp3, $4  }
0x1dc: {  	[hbm4b:s20+s12] =	stream.strided.scatter [tilespmem:s18], [sflag:$0x1], $0x4000, s17, s12, $0x38;
	[tilespmem:$0x10800] =	vst v63  }
0x1dd: {  	_ =	swait.ge [sflag:s7], $0x4000  }
0x1de: {  	[sflag:s7] =	ssyncset.done $0x0  }
0x1df: {  	[sflag:s7] =	ssyncadd.s32 $0xFFFFC000  }
0x1e0: {  	s3 =	sadd.s32 $0x1, s3  }
0x1e1: {  	p0 =	sne.s32 s3, s11  }
.Ltmp4:
0x1e2: {  	_ = 	snop;
	(pc) =	sbr.rel @p0 .LBB2_1-.Ltmp4, $1  }
0x1e3: {  	_ =	sdelay $0x3  }
0x1e4: {  	_ =	sfence.sel $0x180000  }
0x1e5: {  	[bflag:$0x0] =	sbarrier.arrive $0xFFFF  }
0x1e6: {  	p0 =	sne.s32 s1, $0x0;
	_ =	strace $0x9000004A  }
0x1e7: {  	s0 =	sadd.s32 @!p0 $0x100000, s0;
	[bflag:$0x2] =	sbarrier.arrive $0xFFFF  }
0x1e8: {  	[sflag:s0] =	ssyncadd.tile.s32 @!p0 $0x1;
	_ =	shalt  }
.Lfunc_end2:
_tile_overlayer_lowered:
.L_overlay_start_2:
0x1e9: {  	(tag) =	ssettag $0x2  }
0x1ea: {  	s0 =	rddreg [dreg:$0x0];
	s2 =	stileid.u32  }
0x1eb: {  	s1 =	rddreg [dreg:$0x1];
	p0 =	sne.s32 s2, $0x0  }
0x1ec: {  	s3 =	rddreg [dreg:$0x2];
	[bflag:$0x3] =	sbarrier.arrive $0xFFFF;
	s2 =	simm.s32 @!p0 $0x1C01  }
0x1ed: {  	[timem:s3], [sflag:s2] =	dma.local @!p0 [hbm:s0], s1  }
0x1ee: {  	s0 =	simm.s32 @!p0 $0x1  }
0x1ef: {  	_ =	swait.ge @!p0 [sflag:s0], s1  }
0x1f0: {  	s1 =	ssub.s32 @!p0 $0x0, s1;
	[sflag:s0] =	ssyncset.done @!p0 $0x0  }
0x1f1: {  	[sflag:s0] =	ssyncadd.s32 @!p0 s1  }
0x1f2: {  	[bflag:$0x3] =	sbarrier.arrive $0xFFFF  }
0x1f3: {  	_ =	shalt  }

// kernel: kernel.8.cloned.1.call-start
scs
__scs_entry_jumppad:
0x0: {  	(pc) =	sbr.rel $0x88, $3  }
0x1: {  	(tag) =	ssettag $0x0;
	lr =	simm.s32 $0x1  }
0x2: {  	[smem:$0x3F99] =	sst lr;
	_ =	strace $0xD0000000  }
0x3: {  	_ = 	snop  }
0x4: {  	_ = 	snop  }
0x5: {  	_ = 	snop  }
0x6: {  	_ = 	snop  }
0x7: {  	_ = 	snop  }
__scs_overlays_trampoline_lowered:
0x8: {  	[smem:$0x3FA8] =	sst s0  }
0x9: {  	[smem:$0x3FA9] =	sst s1  }
0xa: {  	[smem:$0x3FAA] =	sst s2  }
0xb: {  	[smem:$0x3FAB] =	sst s3  }
0xc: {  	[smem:$0x3FAC] =	sst s4  }
0xd: {  	[smem:$0x3FAD] =	sst s5  }
0xe: {  	[smem:$0x3FAE] =	sst s6  }
0xf: {  	[smem:$0x3FAF] =	sst s7  }
0x10: {  	[smem:$0x3FB0] =	sst s8  }
0x11: {  	[smem:$0x3FB1] =	sst s9;
	s0 =	simm.s32 @!p0 $0x0  }
0x12: {  	s1 =	sld [smem:$0x3F97];
	s0 =	simm.s32 @p0 $0x1  }
0x13: {  	[smem:$0x3FB2] =	sst s0;
	s0 =	simm.s32 @!p1 $0x0  }
0x14: {  	s2 =	sld [smem:$0x3F96];
	s0 =	simm.s32 @p1 $0x1  }
0x15: {  	[smem:$0x3FB3] =	sst s0;
	s0 =	simm.s32 @!p2 $0x0  }
0x16: {  	s3 =	sld [smem:$0x3FDB];
	s0 =	simm.s32 @p2 $0x1  }
0x17: {  	s4 =	simm.s32 $0x1BF5;
	[smem:$0x3FB5] =	sst s0  }
0x18: {  	s0 =	sld [smem:$0x3F98];
	_ =	swait.ge [sflag:s4], $0x0  }
0x19: {  	s7 =	sld [smem:$0x3F99]  }
0x1a: {  	s8 =	sadd.s32 $0xFFFFE003, lr  }
0x1b: {  	s9 =	sadd.s32 $0xFFFFFEF7, lr;
	s5 =	simm.s32 $0xFFFFFFFF;
	p2 =	slt.u32 s8, $0xFFFFF086  }
0x1c: {  	p1 =	slt.u32 s9, $0xF7A;
	s5 =	simm.s32 @!p2 $0x0  }
0x1d: {  	s5 =	simm.s32 @p1 $0x1;
	p0 =	seq.s32 s7, s2  }
0x1e: {  	s7 =	smul.u32 @!p0 $0xF7A, s2;
	p2 =	seq.s32 @!p0 s5, $0x0  }
0x1f: {  	s9 =	smul.u32 $0xF7A, s1;
	s8 =	simm.s32 @!p0 $0x1BF5;
	p2 =	por !p2, p0  }
0x20: {  	[sflag:s8] =	ssyncset.s32 @!p0 $0xFFFFF086;
	s6 =	sadd.s32 @!p0 s3, s7;
	s7 =	simm.s32 @!p0 $0x108  }
0x21: {  	s3 =	sadd.s32 s3, s9;
	s6 =	sadd.s32 @!p0 $0x88, s6;
	s7 =	simm.s32 @p2 $0x1082  }
0x22: {  	[simem:s7], [sflag:s8] =	dma.local @!p0 [hbm:s6], $0xF7A  }
0x23: {  	s9 =	sor.u32 $0xD0000000, s2;
	s6 =	simm.s32 $0x108;
	_ =	swait.ge @!p0 [sflag:s8], $0x0  }
0x24: {  	s3 =	sadd.s32 $0x88, s3;
	s6 =	simm.s32 @!p1 $0x1082;
	[sflag:s4] =	ssyncset.s32 $0xFFFFF086  }
0x25: {  	[simem:s6], [sflag:s4] =	dma.local [hbm:s3], $0xF7A  }
0x26: {  	[smem:$0x3F99] =	sst s1;
	(tag) =	ssettag s2;
	_ =	strace s9  }
0x27: {  	s1 =	sld [smem:$0x3FA9]  }
0x28: {  	s2 =	sld [smem:$0x3FAA]  }
0x29: {  	s4 =	sld [smem:$0x3FAC]  }
0x2a: {  	p0 =	seq.s32 s5, $0x0;
	s5 =	sld [smem:$0x3FAD]  }
0x2b: {  	s6 =	sld [smem:$0x3FAE]  }
0x2c: {  	s7 =	sld [smem:$0x3FAF]  }
0x2d: {  	s3 =	simm.s32 $0x108;
	s8 =	sld [smem:$0x3FB0]  }
0x2e: {  	s3 =	simm.s32 @!p0 $0x1082;
	s9 =	sld [smem:$0x3FB1]  }
0x2f: {  	lr =	sadd.s32 s0, s3;
	s0 =	sld [smem:$0x3FA8]  }
0x30: {  	s3 =	sld [smem:$0x3FAB]  }
0x31: {  	[smem:$0x3FB4] =	sst s10  }
0x32: {  	s10 =	sld [smem:$0x3FB2];
	_ =	sdelay $0x3  }
0x33: {  	p0 =	seq.s32 s10, $0x1;
	s10 =	sld [smem:$0x3FB4];
	_ =	sdelay $0x3  }
0x34: {  	[smem:$0x3FB4] =	sst s10  }
0x35: {  	s10 =	sld [smem:$0x3FB3];
	_ =	sdelay $0x3  }
0x36: {  	p1 =	seq.s32 s10, $0x1;
	s10 =	sld [smem:$0x3FB4];
	_ =	sdelay $0x3  }
0x37: {  	[smem:$0x3FB4] =	sst s10  }
0x38: {  	s10 =	sld [smem:$0x3FB5]  }
0x39: {  	_ = 	snop;
	(pc) =	sbr.ind lr, $3  }
0x3a: {  	_ = 	snop  }
0x3b: {  	_ = 	snop  }
0x3c: {  	p2 =	seq.s32 s10, $0x1;
	s10 =	sld [smem:$0x3FB4]  }
0x3d: {  	_ =	shalt  }
0x3e: {  	_ =	shalt  }
0x3f: {  	_ =	shalt  }
0x40: {  	_ =	shalt  }
0x41: {  	_ =	shalt  }
0x42: {  	_ =	shalt  }
0x43: {  	_ =	shalt  }
0x44: {  	_ =	shalt  }
0x45: {  	_ =	shalt  }
0x46: {  	_ =	shalt  }
0x47: {  	_ =	shalt  }
0x48: {  	_ =	shalt  }
0x49: {  	_ =	shalt  }
0x4a: {  	_ =	shalt  }
0x4b: {  	_ =	shalt  }
0x4c: {  	_ =	shalt  }
0x4d: {  	_ =	shalt  }
0x4e: {  	_ =	shalt  }
0x4f: {  	_ =	shalt  }
0x50: {  	_ =	shalt  }
0x51: {  	_ =	shalt  }
0x52: {  	_ =	shalt  }
0x53: {  	_ =	shalt  }
0x54: {  	_ =	shalt  }
0x55: {  	_ =	shalt  }
0x56: {  	_ =	shalt  }
0x57: {  	_ =	shalt  }
0x58: {  	_ =	shalt  }
0x59: {  	_ =	shalt  }
0x5a: {  	_ =	shalt  }
0x5b: {  	_ =	shalt  }
0x5c: {  	_ =	shalt  }
0x5d: {  	_ =	shalt  }
0x5e: {  	_ =	shalt  }
0x5f: {  	_ =	shalt  }
0x60: {  	_ =	shalt  }
0x61: {  	_ =	shalt  }
0x62: {  	_ =	shalt  }
0x63: {  	_ =	shalt  }
0x64: {  	_ =	shalt  }
0x65: {  	_ =	shalt  }
0x66: {  	_ =	shalt  }
0x67: {  	_ =	shalt  }
0x68: {  	_ =	shalt  }
0x69: {  	_ =	shalt  }
0x6a: {  	_ =	shalt  }
0x6b: {  	_ =	shalt  }
0x6c: {  	_ =	shalt  }
0x6d: {  	_ =	shalt  }
0x6e: {  	_ =	shalt  }
0x6f: {  	_ =	shalt  }
0x70: {  	_ =	shalt  }
0x71: {  	_ =	shalt  }
0x72: {  	_ =	shalt  }
0x73: {  	_ =	shalt  }
0x74: {  	_ =	shalt  }
0x75: {  	_ =	shalt  }
0x76: {  	_ =	shalt  }
0x77: {  	_ =	shalt  }
0x78: {  	_ =	shalt  }
0x79: {  	_ =	shalt  }
0x7a: {  	_ =	shalt  }
0x7b: {  	_ =	shalt  }
0x7c: {  	_ =	shalt  }
0x7d: {  	_ =	shalt  }
0x7e: {  	_ =	shalt  }
0x7f: {  	_ =	shalt  }
0x80: {  	_ =	shalt  }
0x81: {  	_ =	shalt  }
0x82: {  	_ =	shalt  }
0x83: {  	_ =	shalt  }
0x84: {  	_ =	shalt  }
0x85: {  	_ =	shalt  }
0x86: {  	_ =	shalt  }
0x87: {  	_ =	shalt  }
.Lfunc_end0:
.L_simem_size_0:
called_computation_lowered:
.L_overlay_start_0:
0x88: {  	s2 =	sld [smem:$0x3FD9]  }
0x89: {  	s3 =	sld [smem:$0x3FFE];
	_ =	sdelay $0x1  }
0x8a: {  	s1 =	srdreg.scid  }
0x8b: {  	s0 =	sand.u32 $0x1, s1  }
0x8c: {  	s16 =	sshll.u32 s0, $0xA;
	s2 =	sadd.s32 s3, s2  }
0x8d: {  	s2 =	sadd.s32 s2, s16  }
0x8e: {  	[smem:$0x3FC0] =	sst s2  }
0x8f: {  	_ = 	snop  }
0x90: {  	(tm) =	ssettm $0x1  }
0x91: {  	s17 =	sld [smem:$0x3FFB];
	_ =	sdelay $0x3  }
0x92: {  	_ =	strace s17  }
0x93: {  	s2 =	sld [smem:$0x3FFC];
	_ =	sdelay $0x3  }
0x94: {  	_ =	strace s2  }
0x95: {  	s2 =	sld [smem:$0x3FFD];
	_ =	sdelay $0x3  }
0x96: {  	_ =	strace s2  }
0x97: {  	_ =	strace $0x8FFFFFFF  }
0x98: {  	s18 =	sld [smem:$0x3FDB];
	_ =	sdelay $0x1  }
0x99: {  	s19 =	simm.s32 $_scs_section_size  }
0x9a: {  	s4 =	simm.s32 $_size__tile_overlayer_lowered;
	s5 =	simm.s32 $_tile_overlayer_lowered  }
0x9b: {  	s22 =	simm.s32 $0x1BFF;
	s21 =	sshll.u32 s5, $0x1;
	s2 =	sadd.s32 s19, s18  }
0x9c: {  	s6 =	simm.s32 $0x0;
	s20 =	sshll.u32 s4, $0x1;
	s4 =	sadd.s32 s21, s2  }
0x9d: {  	[timem:s6], [sflag:s22] =	dma.local [hbm:s4], s20  }
0x9e: {  	_ =	swait.ge [sflag:s22], s20  }
0x9f: {  	s3 =	ssub.s32 $0x0, s20;
	[sflag:s22] =	ssyncset.done $0x0  }
0xa0: {  	[sflag:s22] =	ssyncadd.s32 s3;
	_ =	sdelay $0x1  }
0xa1: {  	s23 =	simm.s32 $0x1B8B  }
0xa2: {  	_ =	swait.ge [sflag:s23], $0x1  }
0xa3: {  	[sflag:s23] =	ssyncset.done $0x0  }
0xa4: {  	s25 =	simm.s32 $0x1B8E;
	s24 =	sld [smem:$0x3FFE];
	[sflag:s23] =	ssyncadd.s32 $0xFFFFFFFF  }
0xa5: {  	s26 =	simm.s32 $execute0_lowered;
	[smem:$0x3FD2] =	sst s25  }
0xa6: {  	s4 =	sshll.u32 s26, $0x1;
	_ =	strace $0x80000046;
	[dreg:$0x1] =	wrdreg $0xFFFFFFFF  }
0xa7: {  	s28 =	simm.s32 $_size_execute0_lowered;
	s2 =	sadd.s32 s2, s4;
	[dreg:$0x0] =	wrdreg $0x0  }
0xa8: {  	s4 =	sshll.u32 s28, $0x1;
	[dreg:$0x2] =	wrdreg s2  }
0xa9: {  	[dreg:$0x3] =	wrdreg s4  }
0xaa: {  	[dreg:$0x4] =	wrdreg $0xC0  }
0xab: {  	_ =	task [dreg:s6], $0x5FFFF  }
0xac: {  	[dreg:$0x1] =	wrdreg $0xFFFFFFFF  }
0xad: {  	[dreg:$0x0] =	wrdreg $0x60  }
0xae: {  	[dreg:$0x2] =	wrdreg s24  }
0xaf: {  	[dreg:$0x3] =	wrdreg $0x9  }
0xb0: {  	_ =	task.clear_ibuf [dreg:s6], $0x4FFFF;
	_ =	strace $0x90000046  }
0xb1: {  	s29 =	simm.s32 $0x9;
	_ =	strace $0x80000048  }
0xb2: {  	_ =	swait.ge [sflag:s29], $0x1  }
0xb3: {  	[sflag:s29] =	ssyncadd.s32 $0xFFFFFFFF  }
0xb4: {  	_ =	strace $0x90000048  }
0xb5: {  	_ =	sfence  }
0xb6: {  	s30 =	sld [smem:$0x0];
	_ =	sdelay $0x2  }
0xb7: {  	s31 =	sshll.u32 s1, $0xD;
	s1 =	sshrl.u32 s1, $0x2  }
0xb8: {  	s3 =	sand.u32 $0x4000, s31;
	s1 =	sadd.s32 s1, s30  }
0xb9: {  	s0 =	sor.u32 s3, s0;
	s1 =	sshll.u32 s1, $0x11  }
0xba: {  	s0 =	sor.u32 s1, s0  }
0xbb: {  	s0 =	sadd.s32 $0x8F2B, s0  }
0xbc: {  	[sflag:s0] =	ssyncadd.remote.s32 $0x1  }
0xbd: {  	_ =	sfence.sel $0xFFFF  }
0xbe: {  	[dreg:$0x0] =	wrdreg $0xFFFFFFFF;
	(pc) =	sbr.abs _section_cstart, $3  }
0xbf: {  	[dreg:$0x1] =	wrdreg $0xFFFFFFFF  }
0xc0: {  	_ =	task.clear_ibuf [dreg:s6], $0x2FFFF;
	_ =	strace $0x9FFFFFFF  }
0xc1: {  	(tm) =	ssettm $0x7FFFFFFF  }
tec
execute0_lowered:
.L_overlay_start_1:
0x0: {  	(tag) =	ssettag $0x1  }
0x1: {  	s6 =	rddreg [dreg:$0x0]  }
0x2: {  	s0 =	rddreg [dreg:$0x1]  }
0x3: {  	s3 =	srdreg.scid;
	s2 =	simm.s32 $0x0;
	s1 =	stileid.u32  }
0x4: {  	s9 =	simm.s32 $0x1;
	s12 =	simm.s32 $0x100;
	s13 =	simm.s32 $0x880  }
0x5: {  	s14 =	simm.s32 $0x110;
	s15 =	simm.s32 $0x4000;
	s16 =	simm.s32 $0x8400  }
0x6: {  	s17 =	simm.s32 $0x800;
	s18 =	simm.s32 $0xC800;
	s8 =	sand.u32 $0x1, s3  }
0x7: {  	[smem:$0x7FF] =	sst s2;
	s4 =	sadd.s32 $0x47600, s6;
	s3 =	sor.u32 s8, s1  }
0x8: {  	s5 =	sadd.s32 $0xCF600, s6;
	p0 =	seq.s32 s8, $0x1;
	p1 =	seq.s32 s3, $0x0  }
0x9: {  	_ =	strace $0x80000047;
	s7 =	ssub.s32 $0x2, s8;
	p0 =	por !p1, !p0  }
0xa: {  	s8 =	sshll.u32 s8, $0xA;
	s3 =	sadd.s32 $0x8B600, s6;
	p0 =	por !p0, !p0  }
0xb: {  	s10 =	sshrl.u32 s7, $0x1;
	s6 =	sadd.s32 $0x113600, s6;
	s9 =	simm.s32 @!p0 $0x0  }
0xc: {  	s11 =	ssub.s32 s7, s10;
	s7 =	simm.s32 $0x1;
	s31 =	ssub.s32 s1, s9  }
0xd: {  	s11 =	smax.u32 s11, $0x1;
	s9 =	smul.u32 $0x22000, s31;
	s10 =	sshll.u32 s31, $0x11  }
.LBB2_1:
0xe: {  	s19 =	simm.s32 $0x0  }
.LBB2_2:
0xf: {  	s20 =	sshll.u32 s19, $0x8  }
0x10: {  	s20 =	sadd.s32 s8, s20  }
0x11: {  	s21 =	sor.u32 s20, s9  }
0x12: {  	s22 =	sshrl.u32 s21, $0x3  }
0x13: {  	s21 =	sadd.s32 s22, s3  }
0x14: {  	s23 =	sadd.s32 $0x8, s21;
	s21 =	simm.s32 $0x0  }
0x15: {  	[tilespmem:s21], [sflag:$0x1] =	stream.strided.gather [hbm4b:s23+s12], $0x4000, s13, s12, $0x38;
	[tilespmem:$0x10800] =	vst v63  }
0x16: {  	_ =	swait.ge [sflag:s7], $0x4000  }
0x17: {  	s22 =	sor.u32 $0x7, s22;
	[sflag:s7] =	ssyncset.done $0x0  }
0x18: {  	s31 =	sadd.s32 s4, s22;
	[sflag:s7] =	ssyncadd.s32 $0xFFFFC000  }
0x19: {  	[tilespmem:s15], [sflag:$0x1] =	stream.strided.gather [hbm4b:s31+s14], $0x4400, s13, s14, $0x38;
	[tilespmem:$0x10800] =	vst v63  }
0x1a: {  	_ =	swait.ge [sflag:s7], $0x4400  }
0x1b: {  	[sflag:s7] =	ssyncset.done $0x0  }
0x1c: {  	s22 =	sadd.s32 s5, s22;
	[sflag:s7] =	ssyncadd.s32 $0xFFFFBC00  }
0x1d: {  	[tilespmem:s16], [sflag:$0x1] =	stream.strided.gather [hbm4b:s22+s14], $0x4400, s13, s14, $0x38;
	[tilespmem:$0x10800] =	vst v63  }
0x1e: {  	_ =	swait.ge [sflag:s7], $0x4400  }
0x1f: {  	s24 =	simm.s32 $0xCB00;
	s25 =	simm.s32 $0x8620;
	[sflag:s7] =	ssyncset.done $0x0  }
0x20: {  	s23 =	simm.s32 $0x4220;
	s22 =	simm.s32 $0x300;
	[sflag:s7] =	ssyncadd.s32 $0xFFFFBC00  }
.LBB2_3:
0x21: {  	v2 =	vld [tilespmem:s23+$0x110]  }
0x22: {  	v3 =	vld [tilespmem:s23+$0x111]  }
0x23: {  	v4 =	vld [tilespmem:s23+$0x112]  }
0x24: {  	v5 =	vld [tilespmem:s23+$0x113]  }
0x25: {  	v6 =	vld [tilespmem:s23+$0x114]  }
0x26: {  	v7 =	vld [tilespmem:s23+$0x115]  }
0x27: {  	v8 =	vld [tilespmem:s23+$0x116]  }
0x28: {  	v9 =	vld [tilespmem:s23+$0x117]  }
0x29: {  	v10 =	vld [tilespmem:s23+$0x118]  }
0x2a: {  	v11 =	vld [tilespmem:s23+$0x119]  }
0x2b: {  	v12 =	vld [tilespmem:s23+$0x11A]  }
0x2c: {  	v13 =	vld [tilespmem:s23+$0x11B]  }
0x2d: {  	v14 =	vld [tilespmem:s23+$0x11C]  }
0x2e: {  	v21 =	vld [tilespmem:s23+$0x11D]  }
0x2f: {  	v22 =	vld [tilespmem:s23+$0x11E]  }
0x30: {  	v23 =	vld [tilespmem:s23+$0x0]  }
0x31: {  	v24 =	vld [tilespmem:s23+$0x1]  }
0x32: {  	v25 =	vld [tilespmem:s23+$0x2]  }
0x33: {  	v1 =	vmov s22;
	v26 =	vld [tilespmem:s23+$0x3]  }
0x34: {  	v27 =	vld [tilespmem:s23+$0x4]  }
0x35: {  	v28 =	vld [tilespmem:s23+$0x5]  }
0x36: {  	v29 =	vld [tilespmem:s23+$0x6]  }
0x37: {  	s26 =	simm.s32 $0x0;
	v30 =	vld [tilespmem:s23+$0x7]  }
0x38: {  	v0 =	vld.idx.msk [tilespmem:v1+s26+$0x0 ss:$0x1], $0xffff  }
0x39: {  	v31 =	vld [tilespmem:s23+$0x8]  }
0x3a: {  	v32 =	vld [tilespmem:s23+$0x9]  }
0x3b: {  	v33 =	vld [tilespmem:s23+$0xA]  }
0x3c: {  	v34 =	vld [tilespmem:s23+$0xB]  }
0x3d: {  	v39 =	vld [tilespmem:s23+$0xFFFFFDE4];
	v2 =	vmul.f32 v2, v0;
	v36 =	vmul.f32 v3, v0  }
0x3e: {  	v47 =	vld [tilespmem:s23+$0xFFFFFDE8];
	v37 =	vmul.f32 v5, v0;
	v38 =	vmul.f32 v6, v0  }
0x3f: {  	v16 =	vld.idx.msk [tilespmem:v1+s26+$0xFFFFFD00 ss:$0x1], $0xffff;
	v41 =	vmul.f32 v7, v0;
	v42 =	vmul.f32 v8, v0  }
0x40: {  	v3 =	vld.idx.msk [tilespmem:v1+s26+$0xFFFFFF00 ss:$0x1], $0xffff;
	v44 =	vmul.f32 v9, v0;
	v45 =	vmul.f32 v10, v0  }
0x41: {  	v35 =	vld [tilespmem:s23+$0xC];
	v18 =	vmul.f32 v11, v0;
	v19 =	vmul.f32 v12, v0  }
0x42: {  	v7 =	vld [tilespmem:s23+$0xFFFFFDE0];
	v17 =	vmul.f32 v13, v0;
	v20 =	vmul.f32 v14, v0  }
0x43: {  	v15 =	vld.idx.msk [tilespmem:v1+s26+$0xFFFFFE00 ss:$0x1], $0xffff;
	v5 =	vmul.f32 v21, v0;
	v9 =	vmul.f32 v22, v0  }
0x44: {  	v8 =	vld [tilespmem:s23+$0xFFFFFEF0];
	v57 =	vmul.f32 v39, v16;
	v60 =	vmul.f32 v47, v16  }
0x45: {  	v6 =	vld [tilespmem:s23+$0xD];
	v11 =	vmul.f32 v23, v3;
	v13 =	vmul.f32 v24, v3  }
0x46: {  	v12 =	vld [tilespmem:s23+$0xFFFFFEF1];
	v14 =	vmul.f32 v25, v3;
	v23 =	vmul.f32 v26, v3  }
0x47: {  	v22 =	vld [tilespmem:s23+$0xFFFFFEF2];
	v24 =	vmul.f32 v27, v3;
	v7 =	vmul.f32 v7, v16  }
0x48: {  	v10 =	vimm.f32 $0.0e+00;
	v25 =	vld [tilespmem:s23+$0xFFFFFDE1];
	v26 =	vmul.f32 v28, v3;
	v28 =	vmul.f32 v29, v3  }
0x49: {  	v27 =	vld [tilespmem:s23+$0xFFFFFDE2];
	v40 =	vmul.f32 v30, v3;
	v8 =	vmul.f32 v8, v15;
	v7 =	vadd.f32 v7, v10  }
0x4a: {  	v30 =	vld [tilespmem:s23+$0xFFFFFDE3];
	v43 =	vmul.f32 v31, v3;
	v31 =	vmul.f32 v32, v3  }
0x4b: {  	v56 =	vld [tilespmem:s23+$0xFFFFFEF4];
	v29 =	vmul.f32 v33, v3;
	v33 =	vmul.f32 v34, v3;
	v7 =	vadd.f32 v8, v7  }
0x4c: {  	v21 =	vmul.f32 v6, v3;
	v6 =	vmul.f32 v12, v15;
	v8 =	vld [tilespmem:s23+$0xFFFFFEF3]  }
0x4d: {  	v12 =	vmul.f32 v22, v15;
	v22 =	vld [tilespmem:s23+$0xFFFFFEF5];
	v7 =	vadd.f32 v11, v7;
	v11 =	vmul.f32 v25, v16  }
0x4e: {  	v32 =	vmul.f32 v35, v3;
	v25 =	vmul.f32 v27, v16;
	v27 =	vld [tilespmem:s23+$0xFFFFFEF6]  }
0x4f: {  	v58 =	vld [tilespmem:s23+$0xFFFFFDE5];
	v30 =	vmul.f32 v30, v16;
	v2 =	vadd.f32 v2, v7;
	v7 =	vadd.f32 v11, v10  }
0x50: {  	v46 =	vld [tilespmem:s23+$0xFFFFFDE7];
	v35 =	vadd.f32 v57, v10;
	v34 =	vmul.f32 v56, v15;
	v11 =	vadd.f32 v25, v10  }
0x51: {  	v30 =	vadd.f32 v30, v10;
	v25 =	vld [tilespmem:s23+$0xFFFFFDE6];
	v8 =	vmul.f32 v8, v15;
	v6 =	vadd.f32 v6, v7  }
0x52: {  	v59 =	vld [tilespmem:s23+$0xFFFFFEF8];
	v7 =	vadd.f32 v12, v11;
	v11 =	vmul.f32 v22, v15;
	v12 =	vadd.f32 v34, v35  }
0x53: {  	v62 =	vld [tilespmem:s23+$0xFFFFFDEA];
	v35 =	vadd.f32 v60, v10;
	v8 =	vadd.f32 v8, v30;
	v22 =	vmul.f32 v27, v15  }
0x54: {  	v27 =	vld [tilespmem:s23+$0xFFFFFEF7];
	v30 =	vmul.f32 v58, v16;
	v6 =	vadd.f32 v13, v6;
	v13 =	vadd.f32 v14, v7  }
0x55: {  	v4 =	vmul.f32 v4, v0;
	v14 =	vld [tilespmem:s23+$0xE];
	v12 =	vadd.f32 v24, v12;
	v8 =	vadd.f32 v23, v8  }
0x56: {  	v25 =	vmul.f32 v25, v16;
	v23 =	vld [tilespmem:s23+$0xFFFFFEF9];
	v61 =	vadd.f32 v30, v10;
	v7 =	vadd.f32 v36, v6  }
0x57: {  	v24 =	vmul.f32 v46, v16;
	v6 =	vadd.f32 v4, v13;
	v13 =	vld [tilespmem:s23+$0xFFFFFEFA];
	v4 =	vadd.f32 v38, v12  }
0x58: {  	v34 =	vmul.f32 v59, v15;
	v12 =	vld [tilespmem:s23+$0xFFFFFDE9];
	v25 =	vadd.f32 v25, v10;
	v11 =	vadd.f32 v11, v61  }
0x59: {  	v24 =	vadd.f32 v24, v10;
	v8 =	vadd.f32 v37, v8;
	v27 =	vmul.f32 v27, v15  }
0x5a: {  	v63 =	vld [tilespmem:s23+$0xFFFFFDEB];
	v30 =	vmul.f32 v14, v3;
	v14 =	vadd.f32 v22, v25;
	v11 =	vadd.f32 v26, v11  }
0x5b: {  	v22 =	vld [tilespmem:s23+$0xFFFFFDEC];
	v38 =	vmul.f32 v23, v15;
	v23 =	vadd.f32 v27, v24;
	v24 =	vadd.f32 v34, v35  }
0x5c: {  	v25 =	vld [tilespmem:s23+$0xFFFFFEFB];
	v27 =	vmul.f32 v62, v16;
	v39 =	vmul.f32 v13, v15;
	v13 =	vadd.f32 v28, v14  }
0x5d: {  	v26 =	vmul.f32 v12, v16;
	v14 =	vadd.f32 v41, v11;
	v23 =	vadd.f32 v40, v23  }
0x5e: {  	v24 =	vadd.f32 v43, v24;
	v40 =	vld [tilespmem:s23+$0xFFFFFEFC];
	v34 =	vadd.f32 v27, v10  }
0x5f: {  	v41 =	vld [tilespmem:s23+$0xFFFFFEFD];
	v43 =	vmul.f32 v63, v16;
	v12 =	vadd.f32 v42, v13;
	v36 =	vadd.f32 v26, v10  }
0x60: {  	v42 =	vld [tilespmem:s23+$0xFFFFFEFE];
	v26 =	vimm.f32 $0.0e+00;
	v13 =	vadd.f32 v44, v23;
	v11 =	vadd.f32 v45, v24  }
0x61: {  	v35 =	vld [tilespmem:s23+$0xFFFFFDED];
	v37 =	vmul.f32 v22, v16;
	v28 =	vmul.f32 v25, v15;
	v24 =	vimm.f32 $0.0e+00  }
0x62: {  	s28 =	simm.s32 $0x1000;
	s26 =	smov.u32 s23;
	v27 =	vld [tilespmem:s23+$0xFFFFFDEE];
	v25 =	vimm.f32 $0.0e+00;
	v23 =	vimm.f32 $0.0e+00;
	v22 =	vimm.f32 $0.0e+00  }
.LBB2_4:
0x63: {  	p0 =	sne.s32 s28, $0xF000;
	v10 =	vadd.f32 v43, v10;
	v26 =	vadd.f32 v37, v26;
	v37 =	vld [tilespmem:s26+$0xFFFFFDEF];
	v40 =	vmul.f32 v40, v15  }
0x64: {  	v43 =	vld [tilespmem:s26+$0xFFFFFDF0];
	v36 =	vadd.f32 v38, v36;
	v34 =	vadd.f32 v39, v34;
	v38 =	vmul.f32 v41, v15  }
0x65: {  	v10 =	vadd.f32 v28, v10;
	v26 =	vadd.f32 v40, v26;
	v39 =	vmul.f32 v42, v15;
	v40 =	vld [tilespmem:s26+$0xFFFFFEFF]  }
0x66: {  	v35 =	vmul.f32 v35, v16;
	v41 =	vld [tilespmem:s26+$0xFFFFFF00];
	v28 =	vadd.f32 v31, v36;
	v29 =	vadd.f32 v29, v34  }
0x67: {  	v31 =	vmul.f32 v27, v16;
	v10 =	vadd.f32 v33, v10;
	v26 =	vadd.f32 v32, v26;
	v32 =	vld [tilespmem:s26+$0xF]  }
0x68: {  	v33 =	vmul.f32 v37, v16;
	v34 =	vld [tilespmem:s26+$0x10];
	v27 =	vadd.f32 v18, v28;
	v28 =	vadd.f32 v19, v29  }
0x69: {  	v16 =	vmul.f32 v43, v16;
	v10 =	vadd.f32 v17, v10;
	v26 =	vadd.f32 v20, v26;
	v17 =	vld [tilespmem:s26+$0x11F]  }
0x6a: {  	v18 =	vadd.f32 v35, v24;
	v19 =	vadd.f32 v31, v25;
	v20 =	vmul.f32 v40, v15;
	v24 =	vld [tilespmem:s26+$0x120];
	s26 =	sadd.s32 $0x440, s26  }
0x6b: {  	v23 =	vadd.f32 v33, v23;
	v29 =	vld [tilespmem:s26+$0x110];
	v16 =	vadd.f32 v16, v22;
	v15 =	vmul.f32 v41, v15  }
0x6c: {  	v18 =	vadd.f32 v38, v18;
	v19 =	vadd.f32 v39, v19;
	v31 =	vld [tilespmem:s26+$0x111];
	v22 =	vmul.f32 v32, v3  }
0x6d: {  	v20 =	vadd.f32 v20, v23;
	v32 =	vld [tilespmem:s26+$0x112];
	v15 =	vadd.f32 v15, v16;
	v3 =	vmul.f32 v34, v3  }
0x6e: {  	v18 =	vadd.f32 v21, v18;
	v19 =	vadd.f32 v30, v19;
	v16 =	vld [tilespmem:s26+$0x113];
	v17 =	vmul.f32 v17, v0  }
0x6f: {  	v20 =	vadd.f32 v22, v20;
	v21 =	vld [tilespmem:s26+$0x114];
	v3 =	vadd.f32 v3, v15;
	v0 =	vmul.f32 v24, v0  }
0x70: {  	v24 =	vadd.f32 v5, v18;
	v25 =	vadd.f32 v9, v19;
	v15 =	vld [tilespmem:s26+$0x115]  }
0x71: {  	v23 =	vadd.f32 v17, v20;
	v5 =	vld [tilespmem:s26+$0x116];
	v22 =	vadd.f32 v0, v3  }
0x72: {  	v9 =	vld [tilespmem:s26+$0x117]  }
0x73: {  	v17 =	vld [tilespmem:s26+$0x118]  }
0x74: {  	v18 =	vld [tilespmem:s26+$0x119]  }
0x75: {  	v19 =	vld [tilespmem:s26+$0x11A]  }
0x76: {  	v20 =	vld [tilespmem:s26+$0x11B]  }
0x77: {  	v30 =	vld [tilespmem:s26+$0x11C]  }
0x78: {  	v33 =	vld [tilespmem:s26+$0x11D]  }
0x79: {  	v38 =	vld [tilespmem:s26+$0x11E]  }
0x7a: {  	v39 =	vld [tilespmem:s26+$0x0]  }
0x7b: {  	v40 =	vld [tilespmem:s26+$0x1]  }
0x7c: {  	v41 =	vld [tilespmem:s26+$0x2]  }
0x7d: {  	v42 =	vld [tilespmem:s26+$0x3]  }
0x7e: {  	v43 =	vld [tilespmem:s26+$0x4]  }
0x7f: {  	v44 =	vld [tilespmem:s26+$0x5]  }
0x80: {  	s29 =	sshra.s32 s28, $0x2;
	v45 =	vld [tilespmem:s26+$0x6]  }
0x81: {  	v0 =	vld.idx.msk [tilespmem:v1+s29+$0x0 ss:$0x1], $0xffff  }
0x82: {  	v46 =	vld [tilespmem:s26+$0x7]  }
0x83: {  	v47 =	vld [tilespmem:s26+$0x8]  }
0x84: {  	v48 =	vld [tilespmem:s26+$0x9]  }
0x85: {  	v49 =	vld [tilespmem:s26+$0xA]  }
0x86: {  	v50 =	vld [tilespmem:s26+$0xB]  }
0x87: {  	v52 =	vmul.f32 v29, v0;
	v53 =	vmul.f32 v31, v0;
	v51 =	vld [tilespmem:s26+$0xC]  }
0x88: {  	v54 =	vmul.f32 v32, v0;
	v55 =	vmul.f32 v16, v0;
	v3 =	vld.idx.msk [tilespmem:v1+s29+$0xFFFFFF00 ss:$0x1], $0xffff  }
0x89: {  	v57 =	vmul.f32 v21, v0;
	v35 =	vmul.f32 v15, v0;
	v56 =	vld [tilespmem:s26+$0xD]  }
0x8a: {  	v37 =	vmul.f32 v5, v0;
	v34 =	vmul.f32 v9, v0;
	v58 =	vld [tilespmem:s26+$0xE]  }
0x8b: {  	v36 =	vmul.f32 v17, v0;
	v18 =	vmul.f32 v18, v0;
	v16 =	vld.idx.msk [tilespmem:v1+s29+$0xFFFFFD00 ss:$0x1], $0xffff  }
0x8c: {  	v19 =	vmul.f32 v19, v0;
	v17 =	vmul.f32 v20, v0;
	v21 =	vld [tilespmem:s26+$0xFFFFFDE0]  }
0x8d: {  	v20 =	vmul.f32 v30, v0;
	v5 =	vmul.f32 v33, v0;
	v15 =	vld.idx.msk [tilespmem:v1+s29+$0xFFFFFE00 ss:$0x1], $0xffff  }
0x8e: {  	v9 =	vmul.f32 v38, v0;
	v39 =	vmul.f32 v39, v3;
	v29 =	vld [tilespmem:s26+$0xFFFFFEF0]  }
0x8f: {  	v40 =	vmul.f32 v40, v3;
	v41 =	vmul.f32 v41, v3;
	v38 =	vld [tilespmem:s26+$0xFFFFFEF1]  }
0x90: {  	v42 =	vmul.f32 v42, v3;
	v43 =	vmul.f32 v43, v3;
	v59 =	vld [tilespmem:s26+$0xFFFFFEF2]  }
0x91: {  	v44 =	vmul.f32 v44, v3;
	v21 =	vmul.f32 v21, v16;
	v60 =	vld [tilespmem:s26+$0xFFFFFDE1]  }
0x92: {  	v45 =	vmul.f32 v45, v3;
	v46 =	vmul.f32 v46, v3;
	v61 =	vld [tilespmem:s26+$0xFFFFFDE2]  }
0x93: {  	v47 =	vmul.f32 v47, v3;
	v2 =	vadd.f32 v21, v2;
	v62 =	vld [tilespmem:s26+$0xFFFFFDE3];
	v21 =	vmul.f32 v29, v15  }
0x94: {  	v31 =	vmul.f32 v48, v3;
	v29 =	vmul.f32 v49, v3;
	v63 =	vld [tilespmem:s26+$0xFFFFFDE4]  }
0x95: {  	v33 =	vmul.f32 v50, v3;
	v32 =	vmul.f32 v51, v3;
	v2 =	vadd.f32 v21, v2;
	v48 =	vld [tilespmem:s26+$0xFFFFFEF3]  }
0x96: {  	v30 =	vmul.f32 v58, v3;
	v21 =	vmul.f32 v56, v3;
	v49 =	vld [tilespmem:s26+$0xFFFFFEF4]  }
0x97: {  	v38 =	vmul.f32 v38, v15;
	v50 =	vmul.f32 v59, v15;
	v51 =	vld [tilespmem:s26+$0xFFFFFEF5];
	v2 =	vadd.f32 v39, v2  }
0x98: {  	v39 =	vmul.f32 v60, v16;
	v56 =	vmul.f32 v61, v16;
	v58 =	vld [tilespmem:s26+$0xFFFFFEF6]  }
0x99: {  	v59 =	vmul.f32 v62, v16;
	v60 =	vmul.f32 v63, v16;
	v61 =	vld [tilespmem:s26+$0xFFFFFDE5];
	v2 =	vadd.f32 v52, v2  }
0x9a: {  	v7 =	vadd.f32 v39, v7;
	v6 =	vadd.f32 v56, v6;
	v39 =	vld [tilespmem:s26+$0xFFFFFDE6];
	v48 =	vmul.f32 v48, v15  }
0x9b: {  	v8 =	vadd.f32 v59, v8;
	v4 =	vadd.f32 v60, v4;
	v52 =	vld [tilespmem:s26+$0xFFFFFDE7];
	v49 =	vmul.f32 v49, v15  }
0x9c: {  	v7 =	vadd.f32 v38, v7;
	v6 =	vadd.f32 v50, v6;
	v56 =	vld [tilespmem:s26+$0xFFFFFDE8];
	v38 =	vmul.f32 v51, v15  }
0x9d: {  	v8 =	vadd.f32 v48, v8;
	v4 =	vadd.f32 v49, v4;
	v48 =	vmul.f32 v58, v15;
	v49 =	vld [tilespmem:s26+$0xFFFFFEF7]  }
0x9e: {  	v7 =	vadd.f32 v40, v7;
	v6 =	vadd.f32 v41, v6;
	v50 =	vmul.f32 v61, v16;
	v51 =	vld [tilespmem:s26+$0xFFFFFEF8]  }
0x9f: {  	v8 =	vadd.f32 v42, v8;
	v39 =	vmul.f32 v39, v16;
	v40 =	vld [tilespmem:s26+$0xFFFFFEF9];
	v4 =	vadd.f32 v43, v4  }
0xa0: {  	v7 =	vadd.f32 v53, v7;
	v6 =	vadd.f32 v54, v6;
	v41 =	vmul.f32 v52, v16;
	v42 =	vld [tilespmem:s26+$0xFFFFFEFA]  }
0xa1: {  	v8 =	vadd.f32 v55, v8;
	v43 =	vmul.f32 v56, v16;
	v52 =	vld [tilespmem:s26+$0xFFFFFDE9];
	v4 =	vadd.f32 v57, v4  }
0xa2: {  	v14 =	vadd.f32 v50, v14;
	v12 =	vadd.f32 v39, v12;
	v50 =	vld [tilespmem:s26+$0xFFFFFDEA];
	v39 =	vmul.f32 v49, v15  }
0xa3: {  	v13 =	vadd.f32 v41, v13;
	v11 =	vadd.f32 v43, v11;
	v43 =	vld [tilespmem:s26+$0xFFFFFDEB];
	v41 =	vmul.f32 v51, v15  }
0xa4: {  	v14 =	vadd.f32 v38, v14;
	v12 =	vadd.f32 v48, v12;
	v49 =	vld [tilespmem:s26+$0xFFFFFDEC];
	v38 =	vmul.f32 v40, v15  }
0xa5: {  	v13 =	vadd.f32 v39, v13;
	v11 =	vadd.f32 v41, v11;
	v39 =	vmul.f32 v42, v15;
	v48 =	vld [tilespmem:s26+$0xFFFFFEFB]  }
.Ltmp0:
0xa6: {  	v14 =	vadd.f32 v44, v14;
	v12 =	vadd.f32 v45, v12;
	v51 =	vmul.f32 v52, v16;
	v40 =	vld [tilespmem:s26+$0xFFFFFEFC];
	(pc) =	sbr.rel @p0 .LBB2_4-.Ltmp0, $4  }
0xa7: {  	v13 =	vadd.f32 v46, v13;
	v44 =	vmul.f32 v50, v16;
	v41 =	vld [tilespmem:s26+$0xFFFFFEFD];
	v11 =	vadd.f32 v47, v11  }
0xa8: {  	v14 =	vadd.f32 v35, v14;
	v12 =	vadd.f32 v37, v12;
	v43 =	vmul.f32 v43, v16;
	v42 =	vld [tilespmem:s26+$0xFFFFFEFE]  }
0xa9: {  	v13 =	vadd.f32 v34, v13;
	v37 =	vmul.f32 v49, v16;
	v35 =	vld [tilespmem:s26+$0xFFFFFDED];
	v11 =	vadd.f32 v36, v11  }
0xaa: {  	s28 =	sadd.s32 $0x1000, s28;
	v36 =	vadd.f32 v51, v27;
	v34 =	vadd.f32 v44, v28;
	v27 =	vld [tilespmem:s26+$0xFFFFFDEE];
	v28 =	vmul.f32 v48, v15  }
0xab: {  	v1 =	vadd.f32 v43, v10;
	v10 =	vadd.f32 v37, v26;
	v26 =	vld [tilespmem:s26+$0xFFFFFDEF];
	v61 =	vmul.f32 v40, v15  }
0xac: {  	v62 =	vld [tilespmem:s26+$0xFFFFFDF0];
	v36 =	vadd.f32 v38, v36;
	v34 =	vadd.f32 v39, v34;
	v63 =	vmul.f32 v41, v15  }
0xad: {  	v1 =	vadd.f32 v28, v1;
	v10 =	vadd.f32 v61, v10;
	v41 =	vmul.f32 v42, v15;
	v42 =	vld [tilespmem:s26+$0xFFFFFEFF]  }
0xae: {  	v43 =	vld [tilespmem:s26+$0xFFFFFF00];
	v31 =	vadd.f32 v31, v36;
	v35 =	vmul.f32 v35, v16;
	v29 =	vadd.f32 v29, v34  }
0xaf: {  	v44 =	vld [tilespmem:s26+$0xF];
	v1 =	vadd.f32 v33, v1;
	v27 =	vmul.f32 v27, v16;
	v10 =	vadd.f32 v32, v10  }
0xb0: {  	v45 =	vld [tilespmem:s26+$0x10];
	v18 =	vadd.f32 v18, v31;
	v26 =	vmul.f32 v26, v16;
	v19 =	vadd.f32 v19, v29  }
0xb1: {  	v16 =	vmul.f32 v62, v16;
	v1 =	vadd.f32 v17, v1;
	v10 =	vadd.f32 v20, v10  }
0xb2: {  	v17 =	vld [tilespmem:s26+$0x11F];
	v20 =	vadd.f32 v35, v24;
	v24 =	vadd.f32 v27, v25;
	v25 =	vmul.f32 v42, v15  }
0xb3: {  	v23 =	vadd.f32 v26, v23;
	v26 =	vld [tilespmem:s26+$0x120];
	v16 =	vadd.f32 v16, v22;
	v15 =	vmul.f32 v43, v15  }
0xb4: {  	v20 =	vadd.f32 v63, v20;
	v22 =	vadd.f32 v41, v24;
	v24 =	vmul.f32 v44, v3  }
0xb5: {  	v3 =	vmul.f32 v45, v3;
	v23 =	vadd.f32 v25, v23;
	v15 =	vadd.f32 v15, v16  }
0xb6: {  	v16 =	vadd.f32 v21, v20;
	v20 =	vadd.f32 v30, v22;
	v22 =	vmax.f32 v11, v18  }
0xb7: {  	v17 =	vmul.f32 v17, v0;
	v21 =	vadd.f32 v24, v23;
	v3 =	vadd.f32 v3, v15  }
0xb8: {  	v23 =	vmax.f32 v19, v1;
	v5 =	vadd.f32 v5, v16;
	v0 =	vmul.f32 v26, v0  }
0xb9: {  	v9 =	vadd.f32 v9, v20;
	v16 =	vmax.f32 v2, v7;
	v15 =	vadd.f32 v17, v21  }
0xba: {  	v20 =	vmax.f32 v4, v14;
	v17 =	vmax.f32 v6, v8;
	v21 =	vmax.f32 v12, v13  }
0xbb: {  	v24 =	vmax.f32 v10, v5;
	v16 =	vmax.f32 v16, v17;
	v25 =	vmax.f32 v9, v15  }
0xbc: {  	v17 =	vmax.f32 v20, v21;
	v20 =	vmax.f32 v22, v23;
	v21 =	vmax.f32 v24, v25  }
0xbd: {  	v0 =	vadd.f32 v0, v3;
	v3 =	vmax.f32 v16, v17;
	v16 =	vmax.f32 v20, v21  }
0xbe: {  	v3 =	vmax.f32 v3, v16  }
0xbf: {  	v3 =	vmax.f32 v3, v0  }
0xc0: {  	v2 =	vsub.f32 v2, v3  }
0xc1: {  	v7 =	vsub.f32 v7, v3  }
0xc2: {  	v6 =	vsub.f32 v6, v3;
	v2 =	vmul.f32 $1.442695020e+00, v2  }
0xc3: {  	v8 =	vsub.f32 v8, v3;
	v7 =	vmul.f32 $1.442695020e+00, v7  }
0xc4: {  	v4 =	vsub.f32 v4, v3;
	(erf) = vpow2.f32 v2;
	v2 =	vmul.f32 $1.442695020e+00, v6  }
0xc5: {  	v6 =	vmul.f32 $1.442695020e+00, v8;
	(erf) = vpow2.f32 v7;
	v7 =	vsub.f32 v14, v3  }
0xc6: {  	(erf) = vpow2.f32 v2;
	v2 =	vmul.f32 $1.442695020e+00, v4;
	v4 =	vsub.f32 v12, v3  }
0xc7: {  	(erf) = vpow2.f32 v6;
	v6 =	vmul.f32 $1.442695020e+00, v7;
	v7 =	vsub.f32 v13, v3  }
0xc8: {  	(erf) = vpow2.f32 v2;
	v2 =	vmul.f32 $1.442695020e+00, v4;
	v4 =	vsub.f32 v11, v3  }
0xc9: {  	(erf) = vpow2.f32 v6;
	v6 =	vmul.f32 $1.442695020e+00, v7;
	v7 =	vsub.f32 v18, v3  }
0xca: {  	(erf) = vpow2.f32 v2;
	v2 =	vmul.f32 $1.442695020e+00, v4  }
0xcb: {  	v4 =	vsub.f32 v19, v3;
	(erf) = vpow2.f32 v6;
	v6 =	vmul.f32 $1.442695020e+00, v7  }
0xcc: {  	v1 =	vsub.f32 v1, v3  }
0xcd: {  	(erf) = vpow2.f32 v2;
	v2 =	vmul.f32 $1.442695020e+00, v4;
	v4 =	vsub.f32 v10, v3  }
0xce: {  	v5 =	vsub.f32 v5, v3;
	v1 =	vmul.f32 $1.442695020e+00, v1;
	v7 =	vpop (erf);
	(erf) = vpow2.f32 v6  }
0xcf: {  	v6 =	vpop (erf);
	(erf) = vpow2.f32 v2;
	v2 =	vmul.f32 $1.442695020e+00, v4;
	v4 =	vsub.f32 v9, v3  }
0xd0: {  	v8 =	vpop (erf);
	(erf) = vpow2.f32 v1;
	v1 =	vmul.f32 $1.442695020e+00, v5;
	v5 =	vsub.f32 v15, v3;
	_ =	sdelay $0x1  }
0xd1: {  	v9 =	vpop (erf);
	(erf) = vpow2.f32 v2;
	v2 =	vmul.f32 $1.442695020e+00, v4  }
0xd2: {  	v4 =	vpop (erf);
	(erf) = vpow2.f32 v1;
	v1 =	vmul.f32 $1.442695020e+00, v5  }
0xd3: {  	v5 =	vpop (erf);
	(erf) = vpow2.f32 v2  }
0xd4: {  	v10 =	vpop (erf);
	(erf) = vpow2.f32 v1  }
0xd5: {  	v11 =	vpop (erf)  }
0xd6: {  	v12 =	vpop (erf)  }
0xd7: {  	v13 =	vpop (erf)  }
0xd8: {  	v0 =	vsub.f32 v0, v3;
	v14 =	vpop (erf)  }
0xd9: {  	v15 =	vpop (erf)  }
0xda: {  	v0 =	vmul.f32 $1.442695020e+00, v0;
	v16 =	vpop (erf)  }
0xdb: {  	v2 =	vadd.f32 v9, v8;
	v1 =	vadd.f32 v6, v7;
	v17 =	vpop (erf)  }
0xdc: {  	v3 =	vadd.f32 v11, v10;
	(erf) = vpow2.f32 v0;
	v0 =	vadd.f32 v5, v4;
	v18 =	vpop (erf)  }
0xdd: {  	v20 =	vadd.f32 v13, v12;
	v21 =	vadd.f32 v15, v14;
	v19 =	vpop (erf)  }
0xde: {  	v22 =	vadd.f32 v17, v16;
	v23 =	vadd.f32 v19, v18  }
0xdf: {  	v1 =	vadd.f32 v2, v1;
	v0 =	vadd.f32 v3, v0  }
0xe0: {  	v2 =	vadd.f32 v21, v20;
	v3 =	vadd.f32 v23, v22;
	_ =	sdelay $0x1  }
0xe1: {  	v0 =	vadd.f32 v0, v1;
	v1 =	vadd.f32 v3, v2;
	_ =	sdelay $0x1  }
0xe2: {  	v0 =	vadd.f32 v1, v0  }
0xe3: {  	v20 =	vpop (erf)  }
0xe4: {  	v0 =	vadd.f32 v0, v20;
	_ =	sdelay $0x1  }
0xe5: {  	(erf) = vrcp.f32 v0;
	_ =	sdelay $0x5  }
0xe6: {  	v46 =	vld [tilespmem:s25+$0xFFFFFDEA]  }
0xe7: {  	v47 =	vld [tilespmem:s25+$0xFFFFFDE9]  }
0xe8: {  	v48 =	vld [tilespmem:s25+$0xFFFFFDE8]  }
0xe9: {  	v49 =	vld [tilespmem:s25+$0xFFFFFDE7];
	v25 =	vpop (erf)  }
0xea: {  	v50 =	vld [tilespmem:s25+$0xFFFFFDE6];
	v0 =	vmul.f32 v25, v7  }
0xeb: {  	v51 =	vld [tilespmem:s25+$0xFFFFFDE1];
	v2 =	vmul.f32 v25, v6;
	v8 =	vmul.f32 v25, v8  }
0xec: {  	v26 =	vld [tilespmem:s25+$0xFFFFFDEC];
	v1 =	vmul.f32 v25, v9;
	v4 =	vmul.f32 v25, v4  }
0xed: {  	v22 =	vld [tilespmem:s25+$0xFFFFFDEF];
	v9 =	vmul.f32 v25, v5;
	v5 =	vmul.f32 v25, v10  }
0xee: {  	v23 =	vld [tilespmem:s25+$0xFFFFFDEE];
	v11 =	vmul.f32 v25, v11;
	v3 =	vmul.f32 v25, v12  }
0xef: {  	v24 =	vld [tilespmem:s25+$0xFFFFFDED];
	v6 =	vmul.f32 v25, v13;
	v7 =	vmul.f32 v25, v14  }
0xf0: {  	v27 =	vld [tilespmem:s25+$0xFFFFFDEB];
	v10 =	vmul.f32 v25, v15;
	v15 =	vmul.f32 v25, v19  }
0xf1: {  	v21 =	vld [tilespmem:s25+$0xFFFFFDE0];
	v13 =	vmul.f32 v25, v18;
	v12 =	vmul.f32 v25, v16  }
0xf2: {  	v18 =	vld [tilespmem:s25+$0xFFFFFDE5];
	v14 =	vmul.f32 v25, v17;
	v17 =	vmul.f32 v22, v15  }
0xf3: {  	v16 =	vld [tilespmem:s25+$0xFFFFFDE4];
	v19 =	vmul.f32 v23, v13;
	v23 =	vmul.f32 v26, v12  }
0xf4: {  	v22 =	vld [tilespmem:s25+$0xFFFFFDE3];
	v24 =	vmul.f32 v24, v14;
	v28 =	vmul.f32 v46, v7  }
0xf5: {  	v26 =	vld [tilespmem:s25+$0xFFFFFDE2];
	v27 =	vmul.f32 v27, v10;
	v29 =	vmul.f32 v47, v6  }
0xf6: {  	v30 =	vmul.f32 v48, v3;
	v21 =	vmul.f32 v21, v0  }
0xf7: {  	v52 =	vmul.f32 v51, v2;
	v53 =	vmul.f32 v50, v5  }
0xf8: {  	v17 =	vadd.f32 v17, v19;
	v19 =	vadd.f32 v24, v23;
	v23 =	vmul.f32 v49, v11  }
0xf9: {  	v24 =	vadd.f32 v27, v28;
	v16 =	vmul.f32 v16, v4;
	v18 =	vmul.f32 v18, v9  }
0xfa: {  	v27 =	vadd.f32 v29, v30;
	v26 =	vmul.f32 v26, v8;
	v22 =	vmul.f32 v22, v1  }
0xfb: {  	v21 =	vadd.f32 v52, v21;
	v16 =	vadd.f32 v18, v16  }
0xfc: {  	v18 =	vadd.f32 v22, v26;
	v22 =	vadd.f32 v23, v53  }
0xfd: {  	v19 =	vadd.f32 v17, v19;
	v23 =	vadd.f32 v24, v27;
	v24 =	vld [tilespmem:s25+$0xFFFFFDF0]  }
0xfe: {  	v18 =	vadd.f32 v18, v21;
	v16 =	vadd.f32 v22, v16;
	_ =	sdelay $0x1  }
0xff: {  	v17 =	vmul.f32 v25, v20;
	v19 =	vadd.f32 v19, v23;
	v18 =	vadd.f32 v16, v18  }
0x100: {  	v16 =	vmov s24  }
0x101: {  	v20 =	vmul.f32 v24, v17;
	v18 =	vadd.f32 v19, v18;
	_ =	sdelay $0x1  }
0x102: {  	v18 =	vadd.f32 v18, v20  }
0x103: {  	s26 =	simm.s32 $0x0  }
0x104: {  	[tilespmem:v16+s26+$0xFFFFFD00 ss:$0x1] =	vst.idx.msk $0xffff, v18  }
0x105: {  	v18 =	vld [tilespmem:s25+$0xFFFFFEFF]  }
0x106: {  	v19 =	vld [tilespmem:s25+$0xFFFFFEF5]  }
0x107: {  	v20 =	vld [tilespmem:s25+$0xFFFFFEFB]  }
0x108: {  	v21 =	vld [tilespmem:s25+$0xFFFFFEF7]  }
0x109: {  	v22 =	vld [tilespmem:s25+$0xFFFFFEF2]  }
0x10a: {  	v23 =	vld [tilespmem:s25+$0xFFFFFEF6]  }
0x10b: {  	v24 =	vld [tilespmem:s25+$0xFFFFFEF4]  }
0x10c: {  	v25 =	vld [tilespmem:s25+$0xFFFFFEFA]  }
0x10d: {  	v26 =	vld [tilespmem:s25+$0xFFFFFEF3]  }
0x10e: {  	v27 =	vld [tilespmem:s25+$0xFFFFFEFC]  }
0x10f: {  	v54 =	vld [tilespmem:s25+$0xFFFFFEF1]  }
0x110: {  	v55 =	vld [tilespmem:s25+$0xFFFFFEFE]  }
0x111: {  	v56 =	vld [tilespmem:s25+$0xFFFFFEF8];
	v18 =	vmul.f32 v18, v15  }
0x112: {  	v57 =	vld [tilespmem:s25+$0xFFFFFEF9];
	v19 =	vmul.f32 v19, v9;
	v24 =	vmul.f32 v24, v4  }
0x113: {  	v58 =	vld [tilespmem:s25+$0xFFFFFEFD];
	v25 =	vmul.f32 v25, v7;
	v23 =	vmul.f32 v23, v5  }
0x114: {  	v59 =	vld [tilespmem:s25+$0xFFFFFEF0];
	v21 =	vmul.f32 v21, v11;
	v26 =	vmul.f32 v26, v1  }
0x115: {  	v20 =	vmul.f32 v20, v10;
	v22 =	vmul.f32 v22, v8  }
0x116: {  	v27 =	vmul.f32 v27, v12;
	v30 =	vmul.f32 v56, v3  }
0x117: {  	v60 =	vmul.f32 v57, v6;
	v19 =	vadd.f32 v19, v24;
	v24 =	vmul.f32 v55, v13  }
0x118: {  	v61 =	vmul.f32 v58, v14;
	v21 =	vadd.f32 v21, v23;
	v23 =	vmul.f32 v54, v2  }
0x119: {  	v29 =	vadd.f32 v60, v30;
	v18 =	vadd.f32 v18, v24;
	v24 =	vmul.f32 v59, v0  }
0x11a: {  	v20 =	vadd.f32 v20, v25;
	v22 =	vadd.f32 v26, v22  }
0x11b: {  	v25 =	vadd.f32 v61, v27;
	v23 =	vadd.f32 v23, v24  }
0x11c: {  	v19 =	vadd.f32 v21, v19;
	v21 =	vld [tilespmem:s25+$0xFFFFFF00];
	v20 =	vadd.f32 v20, v29  }
0x11d: {  	v18 =	vadd.f32 v18, v25;
	v22 =	vadd.f32 v22, v23;
	_ =	sdelay $0x1  }
0x11e: {  	v18 =	vadd.f32 v18, v20;
	v19 =	vadd.f32 v19, v22;
	_ =	sdelay $0x1  }
0x11f: {  	v20 =	vmul.f32 v21, v17;
	v18 =	vadd.f32 v18, v19;
	_ =	sdelay $0x1  }
0x120: {  	v18 =	vadd.f32 v18, v20;
	_ =	sdelay $0x1  }
0x121: {  	[tilespmem:v16+s26+$0xFFFFFE00 ss:$0x1] =	vst.idx.msk $0xffff, v18  }
0x122: {  	v18 =	vld [tilespmem:s25+$0x7]  }
0x123: {  	v19 =	vld [tilespmem:s25+$0x5]  }
0x124: {  	v20 =	vld [tilespmem:s25+$0x3]  }
0x125: {  	v21 =	vld [tilespmem:s25+$0x1]  }
0x126: {  	v22 =	vld [tilespmem:s25+$0x4]  }
0x127: {  	v23 =	vld [tilespmem:s25+$0x2]  }
0x128: {  	v24 =	vld [tilespmem:s25+$0x6]  }
0x129: {  	v25 =	vld [tilespmem:s25+$0x0];
	_ =	sdelay $0x1  }
0x12a: {  	v20 =	vmul.f32 v20, v1;
	v21 =	vmul.f32 v21, v2  }
0x12b: {  	v22 =	vmul.f32 v22, v4;
	v23 =	vmul.f32 v23, v8  }
0x12c: {  	v26 =	vld [tilespmem:s25+$0xE];
	v19 =	vmul.f32 v19, v9;
	v24 =	vmul.f32 v24, v5  }
0x12d: {  	v62 =	vld [tilespmem:s25+$0xD];
	v27 =	vmul.f32 v18, v11;
	v25 =	vmul.f32 v25, v0  }
0x12e: {  	v63 =	vld [tilespmem:s25+$0xC];
	v23 =	vadd.f32 v20, v23;
	v19 =	vadd.f32 v19, v22  }
0x12f: {  	v18 =	vld [tilespmem:s25+$0xF];
	v22 =	vadd.f32 v27, v24;
	v21 =	vadd.f32 v21, v25  }
0x130: {  	v20 =	vld [tilespmem:s25+$0xB]  }
0x131: {  	v19 =	vadd.f32 v22, v19;
	v22 =	vld [tilespmem:s25+$0xA];
	v27 =	vadd.f32 v23, v21  }
0x132: {  	v25 =	vmul.f32 v62, v14;
	v23 =	vld [tilespmem:s25+$0x9]  }
0x133: {  	s29 =	simm.s32 $0x1000;
	s30 =	smov.u32 s25;
	s28 =	smov.u32 s25;
	v24 =	vld [tilespmem:s25+$0x8];
	v21 =	vmul.f32 v26, v13;
	v26 =	vmul.f32 v63, v12;
	v19 =	vadd.f32 v19, v27  }
.LBB2_6:
0x134: {  	p0 =	sne.s32 s29, $0xF000  }
0x135: {  	s30 =	sadd.s32 $0x440, s30;
	s31 =	smov.u32 s29;
	s29 =	sadd.s32 $0x1000, s29  }
0x136: {  	v22 =	vmul.f32 v22, v7;
	v25 =	vadd.f32 v25, v26  }
0x137: {  	v18 =	vmul.f32 v18, v15;
	v23 =	vmul.f32 v23, v6  }
0x138: {  	v20 =	vmul.f32 v20, v10;
	v24 =	vmul.f32 v24, v3  }
0x139: {  	v18 =	vadd.f32 v18, v21  }
0x13a: {  	v20 =	vadd.f32 v20, v22;
	v21 =	vadd.f32 v23, v24  }
0x13b: {  	v22 =	vld [tilespmem:s28+$0x10]  }
0x13c: {  	v18 =	vadd.f32 v18, v25;
	v20 =	vadd.f32 v20, v21;
	_ =	sdelay $0x1  }
0x13d: {  	v18 =	vadd.f32 v18, v20;
	_ =	sdelay $0x1  }
0x13e: {  	v20 =	vmul.f32 v22, v17;
	v18 =	vadd.f32 v18, v19;
	_ =	sdelay $0x1  }
0x13f: {  	v18 =	vadd.f32 v18, v20;
	_ =	sdelay $0x1  }
0x140: {  	[tilespmem:v16+s26+$0xFFFFFF00 ss:$0x1] =	vst.idx.msk $0xffff, v18  }
0x141: {  	v18 =	vld [tilespmem:s28+$0x11F]  }
0x142: {  	v19 =	vld [tilespmem:s28+$0x112]  }
0x143: {  	v20 =	vld [tilespmem:s28+$0x117]  }
0x144: {  	v21 =	vld [tilespmem:s28+$0x115]  }
0x145: {  	v22 =	vld [tilespmem:s28+$0x11B]  }
0x146: {  	v23 =	vld [tilespmem:s28+$0x11E];
	v18 =	vmul.f32 v18, v15  }
0x147: {  	v19 =	vmul.f32 v19, v8;
	v24 =	vld [tilespmem:s28+$0x11D]  }
0x148: {  	v25 =	vld [tilespmem:s28+$0x111]  }
0x149: {  	v20 =	vmul.f32 v20, v11;
	v26 =	vld [tilespmem:s28+$0x11C]  }
0x14a: {  	v21 =	vmul.f32 v21, v9;
	v27 =	vld [tilespmem:s28+$0x114]  }
0x14b: {  	v28 =	vld [tilespmem:s28+$0x116];
	v23 =	vmul.f32 v23, v13  }
0x14c: {  	v29 =	vld [tilespmem:s28+$0x113]  }
0x14d: {  	v24 =	vmul.f32 v24, v14;
	v30 =	vld [tilespmem:s28+$0x119];
	v18 =	vadd.f32 v18, v23  }
0x14e: {  	v23 =	vmul.f32 v25, v2;
	v25 =	vld [tilespmem:s28+$0x11A]  }
0x14f: {  	v22 =	vmul.f32 v22, v10;
	v31 =	vld [tilespmem:s28+$0x118]  }
0x150: {  	v26 =	vmul.f32 v26, v12;
	v32 =	vld [tilespmem:s28+$0x110]  }
0x151: {  	v27 =	vmul.f32 v27, v4;
	v28 =	vmul.f32 v28, v5;
	v33 =	vld [tilespmem:s28+$0x120];
	s28 =	smov.u32 s30  }
0x152: {  	v24 =	vadd.f32 v24, v26;
	v29 =	vmul.f32 v29, v1  }
0x153: {  	v21 =	vadd.f32 v21, v27;
	v26 =	vmul.f32 v30, v6;
	v25 =	vmul.f32 v25, v7  }
0x154: {  	v27 =	vmul.f32 v31, v3  }
0x155: {  	v20 =	vadd.f32 v20, v28;
	v30 =	vmul.f32 v32, v0;
	v22 =	vadd.f32 v22, v25  }
0x156: {  	v19 =	vadd.f32 v29, v19;
	v25 =	vadd.f32 v26, v27  }
0x157: {  	v18 =	vadd.f32 v18, v24;
	v23 =	vadd.f32 v23, v30  }
0x158: {  	v20 =	vadd.f32 v20, v21;
	v21 =	vadd.f32 v22, v25  }
0x159: {  	v19 =	vadd.f32 v19, v23  }
0x15a: {  	v18 =	vadd.f32 v18, v21  }
0x15b: {  	v19 =	vadd.f32 v20, v19;
	_ =	sdelay $0x1  }
0x15c: {  	v20 =	vmul.f32 v33, v17;
	v18 =	vadd.f32 v18, v19;
	_ =	sdelay $0x1  }
0x15d: {  	v18 =	vadd.f32 v18, v20;
	_ =	sdelay $0x1  }
0x15e: {  	[tilespmem:v16+s26+$0x0 ss:$0x1] =	vst.idx.msk $0xffff, v18  }
0x15f: {  	v18 =	vld [tilespmem:s30+$0xFFFFFDE0]  }
0x160: {  	v19 =	vld [tilespmem:s30+$0xFFFFFDEF]  }
0x161: {  	v20 =	vld [tilespmem:s30+$0xFFFFFDEE]  }
0x162: {  	v21 =	vld [tilespmem:s30+$0xFFFFFDED]  }
0x163: {  	v22 =	vld [tilespmem:s30+$0xFFFFFDEC]  }
0x164: {  	v23 =	vld [tilespmem:s30+$0xFFFFFDEB]  }
0x165: {  	v24 =	vld [tilespmem:s30+$0xFFFFFDEA];
	v19 =	vmul.f32 v19, v15  }
0x166: {  	v25 =	vld [tilespmem:s30+$0xFFFFFDE9];
	v20 =	vmul.f32 v20, v13  }
0x167: {  	v26 =	vld [tilespmem:s30+$0xFFFFFDE8]  }
0x168: {  	v21 =	vmul.f32 v21, v14;
	v27 =	vld [tilespmem:s30+$0xFFFFFDE7];
	v22 =	vmul.f32 v22, v12;
	v19 =	vadd.f32 v19, v20  }
0x169: {  	v20 =	vld [tilespmem:s30+$0xFFFFFDE6]  }
0x16a: {  	v23 =	vmul.f32 v23, v10;
	v28 =	vld [tilespmem:s30+$0xFFFFFDE5];
	v24 =	vmul.f32 v24, v7;
	v21 =	vadd.f32 v21, v22  }
0x16b: {  	v22 =	vld [tilespmem:s30+$0xFFFFFDE4];
	v25 =	vmul.f32 v25, v6  }
0x16c: {  	v29 =	vld [tilespmem:s30+$0xFFFFFDE3];
	v26 =	vmul.f32 v26, v3;
	v23 =	vadd.f32 v23, v24;
	v19 =	vadd.f32 v19, v21  }
0x16d: {  	v21 =	vld [tilespmem:s30+$0xFFFFFDE2]  }
0x16e: {  	v24 =	vld [tilespmem:s30+$0xFFFFFDE1];
	v25 =	vadd.f32 v25, v26;
	_ =	sdelay $0x1  }
0x16f: {  	v26 =	vmul.f32 v28, v9;
	v22 =	vmul.f32 v22, v4;
	v23 =	vadd.f32 v23, v25  }
0x170: {  	v18 =	vmul.f32 v18, v0;
	v25 =	vmul.f32 v27, v11  }
0x171: {  	v27 =	vmul.f32 v29, v1;
	v21 =	vmul.f32 v21, v8;
	v22 =	vadd.f32 v26, v22  }
0x172: {  	v20 =	vmul.f32 v20, v5;
	v19 =	vadd.f32 v19, v23;
	v24 =	vmul.f32 v24, v2  }
0x173: {  	v21 =	vadd.f32 v27, v21  }
0x174: {  	v20 =	vadd.f32 v25, v20;
	v18 =	vadd.f32 v24, v18  }
0x175: {  	v23 =	vld [tilespmem:s30+$0xFFFFFDF0]  }
0x176: {  	v20 =	vadd.f32 v20, v22;
	v18 =	vadd.f32 v21, v18;
	_ =	sdelay $0x1  }
0x177: {  	v18 =	vadd.f32 v20, v18;
	_ =	sdelay $0x1  }
0x178: {  	v20 =	vmul.f32 v23, v17;
	v18 =	vadd.f32 v19, v18;
	_ =	sdelay $0x1  }
0x179: {  	v18 =	vadd.f32 v18, v20  }
0x17a: {  	s26 =	sshra.s32 s31, $0x2  }
0x17b: {  	[tilespmem:v16+s26+$0xFFFFFD00 ss:$0x1] =	vst.idx.msk $0xffff, v18  }
0x17c: {  	v18 =	vld [tilespmem:s30+$0xFFFFFEFF]  }
0x17d: {  	v19 =	vld [tilespmem:s30+$0xFFFFFEF5]  }
0x17e: {  	v20 =	vld [tilespmem:s30+$0xFFFFFEFB]  }
0x17f: {  	v21 =	vld [tilespmem:s30+$0xFFFFFEF7]  }
0x180: {  	v22 =	vld [tilespmem:s30+$0xFFFFFEF2]  }
0x181: {  	v23 =	vld [tilespmem:s30+$0xFFFFFEF6];
	v18 =	vmul.f32 v18, v15  }
0x182: {  	v24 =	vld [tilespmem:s30+$0xFFFFFEF4]  }
0x183: {  	v19 =	vmul.f32 v19, v9;
	v25 =	vld [tilespmem:s30+$0xFFFFFEFA]  }
0x184: {  	v26 =	vld [tilespmem:s30+$0xFFFFFEF3]  }
0x185: {  	v27 =	vld [tilespmem:s30+$0xFFFFFEFC]  }
0x186: {  	v28 =	vld [tilespmem:s30+$0xFFFFFEF1]  }
0x187: {  	v24 =	vmul.f32 v24, v4;
	v29 =	vld [tilespmem:s30+$0xFFFFFEFE]  }
0x188: {  	v30 =	vld [tilespmem:s30+$0xFFFFFEF8];
	v25 =	vmul.f32 v25, v7  }
0x189: {  	v31 =	vld [tilespmem:s30+$0xFFFFFEF9];
	v19 =	vadd.f32 v19, v24  }
0x18a: {  	v21 =	vmul.f32 v21, v11;
	v23 =	vmul.f32 v23, v5;
	v24 =	vld [tilespmem:s30+$0xFFFFFEFD]  }
0x18b: {  	v20 =	vmul.f32 v20, v10;
	v26 =	vmul.f32 v26, v1;
	v32 =	vld [tilespmem:s30+$0xFFFFFEF0]  }
0x18c: {  	v22 =	vmul.f32 v22, v8;
	v21 =	vadd.f32 v21, v23;
	v27 =	vmul.f32 v27, v12  }
0x18d: {  	v29 =	vmul.f32 v29, v13;
	v23 =	vmul.f32 v30, v3  }
0x18e: {  	v28 =	vmul.f32 v28, v2;
	v30 =	vmul.f32 v31, v6  }
0x18f: {  	v18 =	vadd.f32 v18, v29;
	v24 =	vmul.f32 v24, v14  }
0x190: {  	v20 =	vadd.f32 v20, v25;
	v29 =	vmul.f32 v32, v0;
	v23 =	vadd.f32 v30, v23  }
0x191: {  	v22 =	vadd.f32 v26, v22;
	v24 =	vadd.f32 v24, v27  }
0x192: {  	v19 =	vadd.f32 v21, v19;
	v25 =	vadd.f32 v28, v29  }
0x193: {  	v20 =	vadd.f32 v20, v23;
	v21 =	vld [tilespmem:s30+$0xFFFFFF00];
	v18 =	vadd.f32 v18, v24  }
0x194: {  	v22 =	vadd.f32 v22, v25  }
0x195: {  	v18 =	vadd.f32 v18, v20  }
0x196: {  	v19 =	vadd.f32 v19, v22;
	_ =	sdelay $0x1  }
0x197: {  	v20 =	vmul.f32 v21, v17;
	v18 =	vadd.f32 v18, v19;
	_ =	sdelay $0x1  }
0x198: {  	v18 =	vadd.f32 v18, v20;
	_ =	sdelay $0x1  }
0x199: {  	[tilespmem:v16+s26+$0xFFFFFE00 ss:$0x1] =	vst.idx.msk $0xffff, v18  }
0x19a: {  	v18 =	vld [tilespmem:s30+$0x7]  }
0x19b: {  	v19 =	vld [tilespmem:s30+$0x5]  }
0x19c: {  	v20 =	vld [tilespmem:s30+$0x3]  }
0x19d: {  	v21 =	vld [tilespmem:s30+$0x1]  }
0x19e: {  	v22 =	vld [tilespmem:s30+$0x4]  }
0x19f: {  	v23 =	vld [tilespmem:s30+$0x2]  }
0x1a0: {  	v24 =	vld [tilespmem:s30+$0x6]  }
0x1a1: {  	v25 =	vld [tilespmem:s30+$0x0]  }
0x1a2: {  	v20 =	vmul.f32 v20, v1  }
0x1a3: {  	v21 =	vmul.f32 v21, v2;
	v22 =	vmul.f32 v22, v4  }
0x1a4: {  	v19 =	vmul.f32 v19, v9;
	v23 =	vmul.f32 v23, v8  }
0x1a5: {  	v26 =	vmul.f32 v18, v11;
	v24 =	vmul.f32 v24, v5;
	v18 =	vld [tilespmem:s30+$0xF]  }
0x1a6: {  	v19 =	vadd.f32 v19, v22;
	v25 =	vmul.f32 v25, v0;
	v27 =	vld [tilespmem:s30+$0xE];
	v23 =	vadd.f32 v20, v23  }
0x1a7: {  	v28 =	vld [tilespmem:s30+$0xD];
	v22 =	vadd.f32 v26, v24  }
0x1a8: {  	v26 =	vld [tilespmem:s30+$0xC];
	v21 =	vadd.f32 v21, v25  }
.Ltmp1:
0x1a9: {  	v20 =	vld [tilespmem:s30+$0xB];
	v19 =	vadd.f32 v22, v19;
	(pc) =	sbr.rel @p0 .LBB2_6-.Ltmp1, $4  }
0x1aa: {  	v22 =	vld [tilespmem:s30+$0xA];
	v29 =	vadd.f32 v23, v21  }
0x1ab: {  	v23 =	vld [tilespmem:s30+$0x9];
	v21 =	vmul.f32 v27, v13  }
0x1ac: {  	v24 =	vld [tilespmem:s30+$0x8];
	v25 =	vmul.f32 v28, v14;
	v19 =	vadd.f32 v19, v29  }
0x1ad: {  	v26 =	vmul.f32 v26, v12  }
0x1ae: {  	_ = 	snop  }
0x1af: {  	v18 =	vmul.f32 v18, v15  }
0x1b0: {  	v20 =	vmul.f32 v20, v10;
	v22 =	vmul.f32 v22, v7  }
0x1b1: {  	v23 =	vmul.f32 v23, v6;
	v24 =	vmul.f32 v24, v3  }
0x1b2: {  	v25 =	vadd.f32 v25, v26;
	v18 =	vadd.f32 v18, v21  }
0x1b3: {  	v20 =	vadd.f32 v20, v22;
	v42 =	vadd.f32 v23, v24  }
0x1b4: {  	v43 =	vld [tilespmem:s28+$0x10]  }
0x1b5: {  	v18 =	vadd.f32 v18, v25;
	v20 =	vadd.f32 v20, v42;
	_ =	sdelay $0x1  }
0x1b6: {  	v18 =	vadd.f32 v18, v20;
	_ =	sdelay $0x1  }
0x1b7: {  	v44 =	vmul.f32 v43, v17;
	v18 =	vadd.f32 v18, v19;
	_ =	sdelay $0x1  }
0x1b8: {  	v18 =	vadd.f32 v18, v44;
	_ =	sdelay $0x1  }
0x1b9: {  	[tilespmem:v16+s26+$0xFFFFFF00 ss:$0x1] =	vst.idx.msk $0xffff, v18  }
0x1ba: {  	v18 =	vld [tilespmem:s28+$0x11F]  }
0x1bb: {  	v45 =	vld [tilespmem:s28+$0x112]  }
0x1bc: {  	v46 =	vld [tilespmem:s28+$0x117]  }
0x1bd: {  	v47 =	vld [tilespmem:s28+$0x115]  }
0x1be: {  	v48 =	vld [tilespmem:s28+$0x11B]  }
0x1bf: {  	v49 =	vld [tilespmem:s28+$0x11E]  }
0x1c0: {  	v50 =	vld [tilespmem:s28+$0x11D]  }
0x1c1: {  	v51 =	vld [tilespmem:s28+$0x111]  }
0x1c2: {  	v52 =	vld [tilespmem:s28+$0x11C]  }
0x1c3: {  	v27 =	vld [tilespmem:s28+$0x114]  }
0x1c4: {  	v28 =	vld [tilespmem:s28+$0x116]  }
0x1c5: {  	v29 =	vld [tilespmem:s28+$0x113]  }
0x1c6: {  	v30 =	vld [tilespmem:s28+$0x119];
	v53 =	vmul.f32 v18, v15;
	v8 =	vmul.f32 v45, v8  }
0x1c7: {  	v54 =	vld [tilespmem:s28+$0x11A];
	v11 =	vmul.f32 v46, v11;
	v9 =	vmul.f32 v47, v9  }
0x1c8: {  	v55 =	vld [tilespmem:s28+$0x118];
	v13 =	vmul.f32 v49, v13;
	v14 =	vmul.f32 v50, v14  }
0x1c9: {  	v56 =	vld [tilespmem:s28+$0x110];
	v2 =	vmul.f32 v51, v2;
	v12 =	vmul.f32 v52, v12  }
0x1ca: {  	v57 =	vmul.f32 v48, v10;
	v4 =	vmul.f32 v27, v4  }
0x1cb: {  	v5 =	vmul.f32 v28, v5;
	v1 =	vmul.f32 v29, v1  }
0x1cc: {  	v58 =	vmul.f32 v30, v6;
	v59 =	vmul.f32 v54, v7  }
0x1cd: {  	v60 =	vmul.f32 v55, v3;
	v13 =	vadd.f32 v53, v13;
	v12 =	vadd.f32 v14, v12  }
0x1ce: {  	v0 =	vmul.f32 v56, v0;
	v4 =	vadd.f32 v9, v4;
	v5 =	vadd.f32 v11, v5  }
0x1cf: {  	v7 =	vadd.f32 v57, v59;
	v1 =	vadd.f32 v1, v8  }
0x1d0: {  	v3 =	vadd.f32 v58, v60;
	v0 =	vadd.f32 v2, v0  }
0x1d1: {  	v61 =	vld [tilespmem:s28+$0x120];
	v62 =	vadd.f32 v13, v12;
	v4 =	vadd.f32 v5, v4  }
0x1d2: {  	v3 =	vadd.f32 v7, v3;
	v0 =	vadd.f32 v1, v0;
	_ =	sdelay $0x1  }
0x1d3: {  	s21 =	sadd.s32 $0x1, s21;
	v63 =	vadd.f32 v62, v3;
	v0 =	vadd.f32 v4, v0  }
0x1d4: {  	p0 =	sne.s32 s21, $0x10  }
.Ltmp2:
0x1d5: {  	v2 =	vmul.f32 v61, v17;
	v0 =	vadd.f32 v63, v0;
	(pc) =	sbr.rel @p0 .LBB2_3-.Ltmp2, $4  }
0x1d6: {  	_ = 	snop  }
0x1d7: {  	v0 =	vadd.f32 v0, v2  }
0x1d8: {  	s22 =	sadd.s32 $0x10, s22  }
0x1d9: {  	s23 =	sadd.s32 $0x10, s23;
	s24 =	sadd.s32 $0x10, s24;
	s25 =	sadd.s32 $0x10, s25;
	[tilespmem:v16+s26+$0x0 ss:$0x1] =	vst.idx.msk $0xffff, v0  }
0x1da: {  	s20 =	sadd.s32 s10, s20;
	s19 =	sadd.s32 $0x1, s19  }
0x1db: {  	s20 =	sshrl.u32 s20, $0x3;
	p0 =	sne.s32 s19, $0x4  }
.Ltmp3:
0x1dc: {  	s20 =	sadd.s32 s6, s20;
	(pc) =	sbr.rel @p0 .LBB2_2-.Ltmp3, $4  }
0x1dd: {  	[hbm4b:s20+s12] =	stream.strided.scatter [tilespmem:s18], [sflag:$0x1], $0x4000, s17, s12, $0x38;
	[tilespmem:$0x10800] =	vst v63  }
0x1de: {  	_ =	swait.ge [sflag:s7], $0x4000  }
0x1df: {  	[sflag:s7] =	ssyncset.done $0x0  }
0x1e0: {  	[sflag:s7] =	ssyncadd.s32 $0xFFFFC000  }
0x1e1: {  	s2 =	sadd.s32 $0x1, s2  }
0x1e2: {  	p0 =	sne.s32 s2, s11  }
.Ltmp4:
0x1e3: {  	_ = 	snop;
	(pc) =	sbr.rel @p0 .LBB2_1-.Ltmp4, $1  }
0x1e4: {  	_ =	sdelay $0x3  }
0x1e5: {  	_ =	sfence.sel $0x180000  }
0x1e6: {  	[bflag:$0x0] =	sbarrier.arrive $0xFFFF  }
0x1e7: {  	p0 =	sne.s32 s1, $0x0;
	_ =	strace $0x90000047  }
0x1e8: {  	s0 =	sadd.s32 @!p0 $0x100000, s0;
	[bflag:$0x2] =	sbarrier.arrive $0xFFFF  }
0x1e9: {  	[sflag:s0] =	ssyncadd.tile.s32 @!p0 $0x1;
	_ =	shalt  }
.Lfunc_end2:
_tile_overlayer_lowered:
.L_overlay_start_2:
0x1ea: {  	(tag) =	ssettag $0x2  }
0x1eb: {  	s0 =	rddreg [dreg:$0x0];
	s2 =	stileid.u32  }
0x1ec: {  	s1 =	rddreg [dreg:$0x1];
	p0 =	sne.s32 s2, $0x0  }
0x1ed: {  	s3 =	rddreg [dreg:$0x2];
	[bflag:$0x3] =	sbarrier.arrive $0xFFFF;
	s2 =	simm.s32 @!p0 $0x1C01  }
0x1ee: {  	[timem:s3], [sflag:s2] =	dma.local @!p0 [hbm:s0], s1  }
0x1ef: {  	s0 =	simm.s32 @!p0 $0x1  }
0x1f0: {  	_ =	swait.ge @!p0 [sflag:s0], s1  }
0x1f1: {  	s1 =	ssub.s32 @!p0 $0x0, s1;
	[sflag:s0] =	ssyncset.done @!p0 $0x0  }
0x1f2: {  	[sflag:s0] =	ssyncadd.s32 @!p0 s1  }
0x1f3: {  	[bflag:$0x3] =	sbarrier.arrive $0xFFFF  }
0x1f4: {  	_ =	shalt  }

</sc_bundles>
